<compile_context>
chip_gen: v7x
topology: tpu7x:2x2x1
jax: 0.10.2.dev20260603
libtpu: 0.0.44.dev20260713+nightly
codegen_flags: <defaults>
</compile_context>

<pallas_src>
import functools

import jax
import jax.numpy as jnp
import numpy as np
from jax import lax
from jax.experimental import pallas as pl
from jax.experimental.pallas import tpu as pltpu
from jax.experimental.pallas import tpu_sc as plsc

_N_OUT = 1024
_N_SAMPLE = [16, 32, 128]
_RADIUS = [0.1, 0.2, 0.4]

_NC, _NS, _L = 2, 16, 16
_NW = _NC * _NS


def _fps(xyz, K):
    B, N, _ = xyz.shape
    idx_out = jnp.zeros((B, K), dtype=jnp.int32)
    dists = jnp.full((B, N), 1e10, dtype=jnp.float32)
    farthest = jnp.zeros((B,), dtype=jnp.int32)

    def body(i, carry):
        idx_out, dists, farthest = carry
        idx_out = idx_out.at[:, i].set(farthest)
        cen = jnp.take_along_axis(xyz, farthest[:, None, None], axis=1)
        d = jnp.sum((xyz - cen) ** 2, axis=-1)
        dists = jnp.minimum(dists, d)
        farthest = jnp.argmax(dists, axis=-1).astype(jnp.int32)
        return (idx_out, dists, farthest)

    idx_out, _, _ = lax.fori_loop(0, K, body, (idx_out, dists, farthest))
    return idx_out


def _fps_body(xp_ref, yp_ref, zp_ref, cxo_ref, cyo_ref, czo_ref, *, K):
    xp = xp_ref[...]
    yp = yp_ref[...]
    zp = zp_ref[...]
    B, N = xp.shape
    iota_n = lax.broadcasted_iota(jnp.int32, (B, N), 1)
    eye = (lax.broadcasted_iota(jnp.int32, (B, B), 0)
           == lax.broadcasted_iota(jnp.int32, (B, B), 1))

    def body(i, carry):
        far, dists = carry
        onehot = iota_n == far
        cx = jnp.sum(jnp.where(onehot, xp, 0.0), axis=1, keepdims=True)
        cy = jnp.sum(jnp.where(onehot, yp, 0.0), axis=1, keepdims=True)
        cz = jnp.sum(jnp.where(onehot, zp, 0.0), axis=1, keepdims=True)
        cxo_ref[pl.ds(i, 1), :] = jnp.sum(
            jnp.where(eye, cx, 0.0), axis=0, keepdims=True)
        cyo_ref[pl.ds(i, 1), :] = jnp.sum(
            jnp.where(eye, cy, 0.0), axis=0, keepdims=True)
        czo_ref[pl.ds(i, 1), :] = jnp.sum(
            jnp.where(eye, cz, 0.0), axis=0, keepdims=True)
        dx = xp - cx
        dy = yp - cy
        dz = zp - cz
        d = dx * dx + dy * dy + dz * dz
        dists = jnp.minimum(dists, d)
        far = jnp.argmax(dists, axis=1, keepdims=True).astype(jnp.int32)
        return (far, dists)

    far0 = jnp.zeros((B, 1), jnp.int32)
    d0 = jnp.full((B, N), 1e10, jnp.float32)
    lax.fori_loop(0, K, body, (far0, d0))


def _fps_pallas(xyzT, K):
    B, _, N = xyzT.shape
    outs = pl.pallas_call(
        functools.partial(_fps_body, K=K),
        in_specs=[pl.BlockSpec((B, N), lambda: (0, 0))] * 3,
        out_specs=[pl.BlockSpec((K, B), lambda: (0, 0))] * 3,
        out_shape=[jax.ShapeDtypeStruct((K, B), jnp.float32)] * 3,
    )(xyzT[:, 0], xyzT[:, 1], xyzT[:, 2])
    return jnp.stack([o.T for o in outs], axis=-1)


_K1, _K2, _K3 = _N_SAMPLE
_R1SQ = np.float32(_RADIUS[0] * _RADIUS[0])
_R2SQ = np.float32(_RADIUS[1] * _RADIUS[1])
_R3SQ = np.float32(_RADIUS[2] * _RADIUS[2])


def _bq_body(cx_hbm, cy_hbm, cz_hbm, xp_hbm, yp_hbm, zp_hbm, x8_hbm,
             g1_hbm, g2_hbm, g3_hbm, cnt1_hbm, cnt2_hbm, cnt3_hbm,
             xv, yv, zv, x8v, cenx, ceny, cenz, o1, o2, o3,
             s1, s2, s3, c1s, c2s, c3s):
    B, N = xp_hbm.shape
    rows_per_w = (B * _N_OUT) // _NW
    groups = rows_per_w // _L
    wid = lax.axis_index("s") * _NC + lax.axis_index("c")
    b = wid // (_NW // B)
    row0 = wid * rows_per_w

    pltpu.sync_copy(xp_hbm.at[b], xv)
    pltpu.sync_copy(yp_hbm.at[b], yv)
    pltpu.sync_copy(zp_hbm.at[b], zv)
    pltpu.sync_copy(x8_hbm.at[pl.ds(b * N * 8, N * 8)], x8v)
    pltpu.sync_copy(cx_hbm.at[pl.ds(row0, rows_per_w)], cenx)
    pltpu.sync_copy(cy_hbm.at[pl.ds(row0, rows_per_w)], ceny)
    pltpu.sync_copy(cz_hbm.at[pl.ds(row0, rows_per_w)], cenz)

    zi = jnp.zeros((_L,), jnp.int32)
    for kk in range(_K1):
        o1[pl.ds(kk * _L, _L)] = zi
    for kk in range(_K2):
        o2[pl.ds(kk * _L, _L)] = zi
    for kk in range(_K3):
        o3[pl.ds(kk * _L, _L)] = zi

    lane = lax.iota(jnp.int32, _L)
    zeros16 = jnp.zeros((_L,), jnp.int32)

    def group_body(g, _):
        cxv = cenx[pl.ds(g * _L, _L)]
        cyv = ceny[pl.ds(g * _L, _L)]
        czv = cenz[pl.ds(g * _L, _L)]

        def point_body(n, carry):
            c1, c2, c3 = carry
            nv = jnp.full((_L,), n, dtype=jnp.int32)
            dx = cxv - plsc.load_gather(xv, [nv])
            dy = cyv - plsc.load_gather(yv, [nv])
            dz = czv - plsc.load_gather(zv, [nv])
            d2 = dx * dx + dy * dy + dz * dz
            sel1 = (d2 <= _R1SQ) & (c1 < _K1)
            sel2 = (d2 <= _R2SQ) & (c2 < _K2)
            sel3 = (d2 <= _R3SQ) & (c3 < _K3)
            plsc.store_scatter(
                o1, [lane * _K1 + jnp.minimum(c1, _K1 - 1)], nv, mask=sel1)
            plsc.store_scatter(
                o2, [lane * _K2 + jnp.minimum(c2, _K2 - 1)], nv, mask=sel2)
            plsc.store_scatter(
                o3, [lane * _K3 + jnp.minimum(c3, _K3 - 1)], nv, mask=sel3)
            return (c1 + sel1.astype(jnp.int32),
                    c2 + sel2.astype(jnp.int32),
                    c3 + sel3.astype(jnp.int32))

        z = jnp.zeros((_L,), jnp.int32)
        c1, c2, c3 = lax.fori_loop(0, N, point_body, (z, z, z))

        plsc.store_scatter(o1, [lane * _K1], zeros16, mask=(c1 == 0))
        plsc.store_scatter(o2, [lane * _K2], zeros16, mask=(c2 == 0))
        plsc.store_scatter(o3, [lane * _K3], zeros16, mask=(c3 == 0))

        def fill_row(r, _):
            for o, st, K in ((o1, s1, _K1), (o2, s2, _K2), (o3, s3, _K3)):
                for c in range(K // _L):
                    slots = o[pl.ds(r * K + c * _L, _L)]
                    a8 = slots * 8
                    wbase = (r * K + c * _L) * 8
                    for f in range(8):
                        vals = plsc.load_gather(x8v, [a8 + f])
                        plsc.store_scatter(st, [wbase + lane * 8 + f], vals)
            return 0

        lax.fori_loop(0, _L, fill_row, 0)

        c1s[pl.ds(0, _L)] = c1
        c2s[pl.ds(0, _L)] = c2
        c3s[pl.ds(0, _L)] = c3
        rbase = row0 + g * _L
        pltpu.sync_copy(s1, g1_hbm.at[pl.ds(rbase * _K1 * 8, _L * _K1 * 8)])
        pltpu.sync_copy(s2, g2_hbm.at[pl.ds(rbase * _K2 * 8, _L * _K2 * 8)])
        pltpu.sync_copy(s3, g3_hbm.at[pl.ds(rbase * _K3 * 8, _L * _K3 * 8)])
        pltpu.sync_copy(c1s, cnt1_hbm.at[pl.ds(rbase, _L)])
        pltpu.sync_copy(c2s, cnt2_hbm.at[pl.ds(rbase, _L)])
        pltpu.sync_copy(c3s, cnt3_hbm.at[pl.ds(rbase, _L)])
        return 0

    lax.fori_loop(0, groups, group_body, 0)


def _ball_query_sc(centroid, xyzT, x8flat):
    B, S, _ = centroid.shape
    N = xyzT.shape[2]
    BS = B * S
    cflat = centroid.reshape(BS, 3)
    mesh = plsc.VectorSubcoreMesh(core_axis_name="c", subcore_axis_name="s")
    out = pl.kernel(
        _bq_body,
        out_type=[
            jax.ShapeDtypeStruct((BS * _K1 * 8,), jnp.float32),
            jax.ShapeDtypeStruct((BS * _K2 * 8,), jnp.float32),
            jax.ShapeDtypeStruct((BS * _K3 * 8,), jnp.float32),
            jax.ShapeDtypeStruct((BS,), jnp.int32),
            jax.ShapeDtypeStruct((BS,), jnp.int32),
            jax.ShapeDtypeStruct((BS,), jnp.int32),
        ],
        mesh=mesh,
        compiler_params=pltpu.CompilerParams(needs_layout_passes=False),
        scratch_types=[
            pltpu.VMEM((N,), jnp.float32),
            pltpu.VMEM((N,), jnp.float32),
            pltpu.VMEM((N,), jnp.float32),
            pltpu.VMEM((N * 8,), jnp.float32),
            pltpu.VMEM((BS // _NW,), jnp.float32),
            pltpu.VMEM((BS // _NW,), jnp.float32),
            pltpu.VMEM((BS // _NW,), jnp.float32),
            pltpu.VMEM((_L * _K1,), jnp.int32),
            pltpu.VMEM((_L * _K2,), jnp.int32),
            pltpu.VMEM((_L * _K3,), jnp.int32),
            pltpu.VMEM((_L * _K1 * 8,), jnp.float32),
            pltpu.VMEM((_L * _K2 * 8,), jnp.float32),
            pltpu.VMEM((_L * _K3 * 8,), jnp.float32),
            pltpu.VMEM((_L,), jnp.int32),
            pltpu.VMEM((_L,), jnp.int32),
            pltpu.VMEM((_L,), jnp.int32),
        ],
    )(cflat[:, 0], cflat[:, 1], cflat[:, 2],
      xyzT[:, 0], xyzT[:, 1], xyzT[:, 2], x8flat)
    g1, g2, g3, cnt1, cnt2, cnt3 = out
    return (g1, g2, g3,
            cnt1.reshape(B, S), cnt2.reshape(B, S), cnt3.reshape(B, S))


def _mlp_pool_body(g_ref, c_ref, cnt_ref, w1_ref, b1_ref, w2_ref, b2_ref,
                   w3_ref, b3_ref, out_ref, h1d_ref, *, S_t, K, H1, H3):
    K16 = K // _L
    M8 = S_t * K16
    gw = g_ref[...].reshape(M8, 128)
    z1 = jax.lax.dot_general(gw, w1_ref[...], (((1,), (0,)), ((), ())),
                             preferred_element_type=jnp.float32)
    cc = jax.lax.dot_general(c_ref[0], w1_ref[0:8, 0:H1],
                             (((1,), (0,)), ((), ())),
                             preferred_element_type=jnp.float32)
    bias1 = b1_ref[...][None, :] - cc
    bias1w = jnp.concatenate([bias1] * _L, axis=1)
    h1 = z1.reshape(S_t, K16, _L * H1) + bias1w[:, None, :]
    h1 = jnp.maximum(h1.reshape(M8, _L * H1), 0.0)
    for j in range(_L):
        h1d_ref[pl.ds(j * M8, M8), :] = h1[:, j * H1:(j + 1) * H1]
    h2 = jax.lax.dot_general(h1d_ref[...], w2_ref[...],
                             (((1,), (0,)), ((), ())),
                             preferred_element_type=jnp.float32)
    h2 = jnp.maximum(h2 + b2_ref[...][None, :], 0.0)
    h3 = jax.lax.dot_general(h2, w3_ref[...], (((1,), (0,)), ((), ())),
                             preferred_element_type=jnp.float32)
    h3 = jnp.maximum(h3 + b3_ref[...][None, :], 0.0)
    rowi = lax.broadcasted_iota(jnp.int32, (M8, 1), 0)
    chunk16 = (rowi % K16) * _L
    cntv = jnp.maximum(cnt_ref[0], 1.0)
    acc = None
    for j in range(_L):
        flag = jnp.where((chunk16 + j).astype(jnp.float32) < cntv, 1.0, 0.0)
        part = h3[j * M8:(j + 1) * M8, :] * flag
        acc = part if acc is None else jnp.maximum(acc, part)
    out_ref[0] = jnp.max(acc.reshape(S_t, K16, H3), axis=1)


def _mlp_pool(gflat, centroid_pad, cntrep, scale_params, K):
    B, S = centroid_pad.shape[0], centroid_pad.shape[1]
    (W1, b1), (W2, b2), (W3, b3) = scale_params
    W1p = jnp.pad(W1, ((0, 8 - W1.shape[0]), (0, 0)))
    h1, h2, h3 = W1.shape[1], W2.shape[1], W3.shape[1]
    W1bd = jnp.kron(jnp.eye(_L, dtype=jnp.float32), W1p)
    S_t = max(2048 // K, 8)
    K16 = K // _L
    grid = (B, S // S_t)
    out = pl.pallas_call(
        functools.partial(_mlp_pool_body, S_t=S_t, K=K, H1=h1, H3=h3),
        grid=grid,
        in_specs=[
            pl.BlockSpec((S_t * K * 8,), lambda b, s: (b * (S // S_t) + s,)),
            pl.BlockSpec((1, S_t, 8), lambda b, s: (b, s, 0)),
            pl.BlockSpec((1, S_t * K16, 1), lambda b, s: (b, s, 0)),
            pl.BlockSpec((128, _L * h1), lambda b, s: (0, 0)),
            pl.BlockSpec((h1,), lambda b, s: (0,)),
            pl.BlockSpec((h1, h2), lambda b, s: (0, 0)),
            pl.BlockSpec((h2,), lambda b, s: (0,)),
            pl.BlockSpec((h2, h3), lambda b, s: (0, 0)),
            pl.BlockSpec((h3,), lambda b, s: (0,)),
        ],
        out_specs=pl.BlockSpec((1, S_t, h3), lambda b, s: (b, s, 0)),
        out_shape=jax.ShapeDtypeStruct((B, S, h3), jnp.float32),
        scratch_shapes=[pltpu.VMEM((S_t * K, h1), jnp.float32)],
    )(gflat, centroid_pad, cntrep, W1bd, b1, W2, b2, W3, b3)
    return out


def kernel(x, params):
    B, N, C = x.shape
    xyz = x[:, :, :3]
    xyzT = xyz.transpose(0, 2, 1)
    centroid = _fps_pallas(lax.stop_gradient(xyzT), _N_OUT)
    centroid_pad = jnp.pad(centroid, ((0, 0), (0, 0), (0, 5)))
    x8flat = jnp.pad(x, ((0, 0), (0, 0), (0, 2))).reshape(B * N * 8)
    g1, g2, g3, cnt1, cnt2, cnt3 = _ball_query_sc(
        lax.stop_gradient(centroid), lax.stop_gradient(xyzT), x8flat)
    results = []
    for g, cnt, n_sample, scale_params in zip(
            (g1, g2, g3), (cnt1, cnt2, cnt3), _N_SAMPLE, params):
        cntrep = jnp.repeat(cnt.astype(jnp.float32), n_sample // _L,
                            axis=1)[:, :, None]
        results.append(
            _mlp_pool(g, centroid_pad, cntrep, scale_params, n_sample))
    return jnp.concatenate([centroid] + results, axis=2)

# --- scband reference (transcript-rebuilt; emitter-appended) ---
"""Pipeline reference for scband-set-abstraction-msg-48326972014678 (READ-ONLY COPY).

The authoritative reference and input builder live on the scoring server;
editing this copy changes nothing except your own understanding.
"""

import jax
import jax.numpy as jnp
import numpy as np
from jax import lax

N_OUT = 1024
N_SAMPLE = [16, 32, 128]
RADIUS = [0.1, 0.2, 0.4]
MLP_LAYERS = [[6, 32, 32, 64], [6, 64, 64, 128], [6, 64, 96, 128]]


def setup_inputs(seed: int = 0) -> dict:
    key = jax.random.key(seed)
    kx, kw = jax.random.split(key)
    x = jax.random.uniform(kx, (8, 4096, 6), dtype=jnp.float32)
    params = []
    for layers in MLP_LAYERS:
        scale = []
        for l in range(len(layers) - 1):
            kw, k1 = jax.random.split(kw)
            W = jax.random.normal(k1, (layers[l], layers[l + 1]), dtype=jnp.float32) * (1.0 / np.sqrt(layers[l]))
            b = jnp.zeros((layers[l + 1],), dtype=jnp.float32)
            scale.append((W, b))
        params.append(scale)
    return {"x": x, "params": params}


def fps(xyz, K):
    # farthest point sampling (deterministic start at index 0)
    B, N, _ = xyz.shape
    idx_out = jnp.zeros((B, K), dtype=jnp.int32)
    dists = jnp.full((B, N), 1e10, dtype=jnp.float32)
    farthest = jnp.zeros((B,), dtype=jnp.int32)

    def body(i, carry):
        idx_out, dists, farthest = carry
        idx_out = idx_out.at[:, i].set(farthest)
        cen = jnp.take_along_axis(xyz, farthest[:, None, None], axis=1)  # [B,1,3]
        d = jnp.sum((xyz - cen) ** 2, axis=-1)  # [B,N]
        dists = jnp.minimum(dists, d)
        farthest = jnp.argmax(dists, axis=-1).astype(jnp.int32)
        return (idx_out, dists, farthest)

    idx_out, _, _ = lax.fori_loop(0, K, body, (idx_out, dists, farthest))
    return idx_out


def ball_query(centroid, xyz, K, radius):
    # first-K-in-index-order points within radius, padded with first valid index
    B, S, _ = centroid.shape
    N = xyz.shape[1]
    d2 = jnp.sum((centroid[:, :, None, :] - xyz[:, None, :, :]) ** 2, axis=-1)  # [B,S,N]
    in_ball = d2 <= radius * radius
    ar = jnp.arange(N, dtype=jnp.int32)
    cand = jnp.where(in_ball, ar[None, None, :], N)
    cand = jnp.sort(cand, axis=-1)[:, :, :K]
    first = cand[:, :, :1]
    first = jnp.where(first == N, 0, first)
    idx = jnp.where(cand == N, first, cand)
    return idx


def reference(x, params):
    B, N, C = x.shape
    xyz = x[:, :, :3]
    fps_idx = fps(lax.stop_gradient(xyz), N_OUT)  # [B,S] int32
    bidx = jnp.arange(B)[:, None]
    centroid = xyz[bidx, fps_idx]  # [B,S,3]
    results = []
    for n_sample, radius, scale_params in zip(N_SAMPLE, RADIUS, params):
        idx = ball_query(lax.stop_gradient(centroid), lax.stop_gradient(xyz), n_sample, radius)  # [B,S,K]
        grouped = x[jnp.arange(B)[:, None, None], idx]  # [B,S,K,C] gather
        rel = grouped[..., :3] - centroid[:, :, None, :]
        grouped = jnp.concatenate([rel, grouped[..., 3:]], axis=-1)
        h = grouped.reshape(B, N_OUT * n_sample, C)
        for (W, b) in scale_params:
            h = jnp.maximum(h @ W + b, 0.0)
        h = h.reshape(B, N_OUT, n_sample, -1)
        h = jnp.max(h, axis=2)  # [B,S,C_out]
        results.append(h)
    return jnp.concatenate([centroid] + results, axis=2)

if __name__ == "__main__":
    import jax
    _d = setup_inputs()
    print(jax.jit(kernel)(*tuple(_d.values())))

</pallas_src>

<mosaic_0001>
#map = affine_map<(d0, d1) -> (0)>
#map1 = affine_map<(d0, d1) -> (0, 0)>
module attributes {stable_mosaic.version = 14 : i64} {
  func.func @_bq_body(%arg0: i32, %arg1: i32, %arg2: memref<8192xf32, #tpu.memory_space<hbm>>, %arg3: memref<8192xf32, #tpu.memory_space<hbm>>, %arg4: memref<8192xf32, #tpu.memory_space<hbm>>, %arg5: memref<8x4096xf32, #tpu.memory_space<hbm>>, %arg6: memref<8x4096xf32, #tpu.memory_space<hbm>>, %arg7: memref<8x4096xf32, #tpu.memory_space<hbm>>, %arg8: memref<262144xf32, #tpu.memory_space<hbm>>, %arg9: memref<1048576xf32, #tpu.memory_space<hbm>>, %arg10: memref<2097152xf32, #tpu.memory_space<hbm>>, %arg11: memref<8388608xf32, #tpu.memory_space<hbm>>, %arg12: memref<8192xi32, #tpu.memory_space<hbm>>, %arg13: memref<8192xi32, #tpu.memory_space<hbm>>, %arg14: memref<8192xi32, #tpu.memory_space<hbm>>, %arg15: memref<4096xf32, #tpu.memory_space<vmem>>, %arg16: memref<4096xf32, #tpu.memory_space<vmem>>, %arg17: memref<4096xf32, #tpu.memory_space<vmem>>, %arg18: memref<32768xf32, #tpu.memory_space<vmem>>, %arg19: memref<256xf32, #tpu.memory_space<vmem>>, %arg20: memref<256xf32, #tpu.memory_space<vmem>>, %arg21: memref<256xf32, #tpu.memory_space<vmem>>, %arg22: memref<256xi32, #tpu.memory_space<vmem>>, %arg23: memref<512xi32, #tpu.memory_space<vmem>>, %arg24: memref<2048xi32, #tpu.memory_space<vmem>>, %arg25: memref<2048xf32, #tpu.memory_space<vmem>>, %arg26: memref<4096xf32, #tpu.memory_space<vmem>>, %arg27: memref<16384xf32, #tpu.memory_space<vmem>>, %arg28: memref<16xi32, #tpu.memory_space<vmem>>, %arg29: memref<16xi32, #tpu.memory_space<vmem>>, %arg30: memref<16xi32, #tpu.memory_space<vmem>>) attributes {dimension_semantics = [#tpu.dimension_semantics<core_parallel>, #tpu.dimension_semantics<subcore_parallel>], iteration_bounds = array<i64: 2, 16>, scalar_prefetch = 0 : i64, scratch_operands = 16 : i64, tpu.core_type = #tpu.core_type<sc_vector_subcore>, window_params = [{transform_indices = #map}, {transform_indices = #map}, {transform_indices = #map}, {transform_indices = #map1}, {transform_indices = #map1}, {transform_indices = #map1}, {transform_indices = #map}, {transform_indices = #map}, {transform_indices = #map}, {transform_indices = #map}, {transform_indices = #map}, {transform_indices = #map}, {transform_indices = #map}]} {
    %mul3A = arith.constant 2 : i32
    %mul3A_0 = arith.muli %arg1, %mul3A : i32
    %add3A = arith.addi %mul3A_0, %arg0 : i32
    %jit3A = arith.constant 4 : i32
    %div3A = arith.divsi %add3A, %jit3A : i32
    %sign3A = arith.constant 0 : i32
    %sign3A_1 = arith.cmpi sgt, %add3A, %sign3A : i32
    %sign3A_2 = arith.extui %sign3A_1 : i1 to i32
    %sign3A_3 = arith.constant 0 : i32
    %sign3A_4 = arith.cmpi slt, %add3A, %sign3A_3 : i32
    %sign3A_5 = arith.extui %sign3A_4 : i1 to i32
    %sign3A_6 = arith.subi %sign3A_2, %sign3A_5 : i32
    %sign3A_7 = arith.constant 0 : i32
    %sign3A_8 = arith.cmpi sgt, %jit3A, %sign3A_7 : i32
    %sign3A_9 = arith.extui %sign3A_8 : i1 to i32
    %sign3A_10 = arith.constant 0 : i32
    %sign3A_11 = arith.cmpi slt, %jit3A, %sign3A_10 : i32
    %sign3A_12 = arith.extui %sign3A_11 : i1 to i32
    %sign3A_13 = arith.subi %sign3A_9, %sign3A_12 : i32
    %ne3A = arith.cmpi ne, %sign3A_6, %sign3A_13 : i32
    %rem3A = arith.remsi %add3A, %jit3A : i32
    %ne3A_14 = arith.constant 0 : i32
    %ne3A_15 = arith.cmpi ne, %rem3A, %ne3A_14 : i32
    %and3A = arith.andi %ne3A, %ne3A_15 : i1
    %sub3A = arith.constant 1 : i32
    %sub3A_16 = arith.subi %div3A, %sub3A : i32
    %select_n3A = arith.select %and3A, %sub3A_16, %div3A : i32
    %mul3A_17 = arith.constant 256 : i32
    %mul3A_18 = arith.muli %add3A, %mul3A_17 : i32
    "tpu.region"() ({
      %run_scoped3A = tpu.sem_alloc : memref<!tpu.dma_semaphore, #tpu.memory_space<semaphore_mem>>
      %dma_start3A = arith.constant 0 : i32
      %dma_start3A_383 = tpu.memref_slice %arg5[%select_n3A, %dma_start3A] : memref<8x4096xf32, #tpu.memory_space<hbm>> -> memref<1x4096xf32, #tpu.memory_space<hbm>>
      %dma_start3A_384 = tpu.memref_squeeze %dma_start3A_383 : memref<1x4096xf32, #tpu.memory_space<hbm>> -> memref<4096xf32, #tpu.memory_space<hbm>>
      %dma_start3A_385 = arith.constant 0 : i32
      %dma_start3A_386 = tpu.memref_slice %arg5[%select_n3A, %dma_start3A_385] : memref<8x4096xf32, #tpu.memory_space<hbm>> -> memref<1x4096xf32, #tpu.memory_space<hbm>>
      %dma_start3A_387 = tpu.memref_squeeze %dma_start3A_386 : memref<1x4096xf32, #tpu.memory_space<hbm>> -> memref<4096xf32, #tpu.memory_space<hbm>>
      tpu.enqueue_dma source(%dma_start3A_387 : memref<4096xf32, #tpu.memory_space<hbm>>) target(%arg15 : memref<4096xf32, #tpu.memory_space<vmem>>) target_semaphore(%run_scoped3A : memref<!tpu.dma_semaphore, #tpu.memory_space<semaphore_mem>>)
      %dma_wait3A = arith.constant 0 : i32
      %dma_wait3A_388 = tpu.memref_slice %arg5[%select_n3A, %dma_wait3A] : memref<8x4096xf32, #tpu.memory_space<hbm>> -> memref<1x4096xf32, #tpu.memory_space<hbm>>
      %dma_wait3A_389 = tpu.memref_squeeze %dma_wait3A_388 : memref<1x4096xf32, #tpu.memory_space<hbm>> -> memref<4096xf32, #tpu.memory_space<hbm>>
      %dma_wait3A_390 = arith.constant 0 : i32
      %dma_wait3A_391 = tpu.memref_slice %arg5[%select_n3A, %dma_wait3A_390] : memref<8x4096xf32, #tpu.memory_space<hbm>> -> memref<1x4096xf32, #tpu.memory_space<hbm>>
      %dma_wait3A_392 = tpu.memref_squeeze %dma_wait3A_391 : memref<1x4096xf32, #tpu.memory_space<hbm>> -> memref<4096xf32, #tpu.memory_space<hbm>>
      tpu.wait_dma2 semaphore(%run_scoped3A : memref<!tpu.dma_semaphore, #tpu.memory_space<semaphore_mem>>) src(%dma_wait3A_392 : memref<4096xf32, #tpu.memory_space<hbm>>) dst(%arg15 : memref<4096xf32, #tpu.memory_space<vmem>>)
      tpu.yield
    }) : () -> ()
    "tpu.region"() ({
      %run_scoped3A = tpu.sem_alloc : memref<!tpu.dma_semaphore, #tpu.memory_space<semaphore_mem>>
      %dma_start3A = arith.constant 0 : i32
      %dma_start3A_383 = tpu.memref_slice %arg6[%select_n3A, %dma_start3A] : memref<8x4096xf32, #tpu.memory_space<hbm>> -> memref<1x4096xf32, #tpu.memory_space<hbm>>
      %dma_start3A_384 = tpu.memref_squeeze %dma_start3A_383 : memref<1x4096xf32, #tpu.memory_space<hbm>> -> memref<4096xf32, #tpu.memory_space<hbm>>
      %dma_start3A_385 = arith.constant 0 : i32
      %dma_start3A_386 = tpu.memref_slice %arg6[%select_n3A, %dma_start3A_385] : memref<8x4096xf32, #tpu.memory_space<hbm>> -> memref<1x4096xf32, #tpu.memory_space<hbm>>
      %dma_start3A_387 = tpu.memref_squeeze %dma_start3A_386 : memref<1x4096xf32, #tpu.memory_space<hbm>> -> memref<4096xf32, #tpu.memory_space<hbm>>
      tpu.enqueue_dma source(%dma_start3A_387 : memref<4096xf32, #tpu.memory_space<hbm>>) target(%arg16 : memref<4096xf32, #tpu.memory_space<vmem>>) target_semaphore(%run_scoped3A : memref<!tpu.dma_semaphore, #tpu.memory_space<semaphore_mem>>)
      %dma_wait3A = arith.constant 0 : i32
      %dma_wait3A_388 = tpu.memref_slice %arg6[%select_n3A, %dma_wait3A] : memref<8x4096xf32, #tpu.memory_space<hbm>> -> memref<1x4096xf32, #tpu.memory_space<hbm>>
      %dma_wait3A_389 = tpu.memref_squeeze %dma_wait3A_388 : memref<1x4096xf32, #tpu.memory_space<hbm>> -> memref<4096xf32, #tpu.memory_space<hbm>>
      %dma_wait3A_390 = arith.constant 0 : i32
      %dma_wait3A_391 = tpu.memref_slice %arg6[%select_n3A, %dma_wait3A_390] : memref<8x4096xf32, #tpu.memory_space<hbm>> -> memref<1x4096xf32, #tpu.memory_space<hbm>>
      %dma_wait3A_392 = tpu.memref_squeeze %dma_wait3A_391 : memref<1x4096xf32, #tpu.memory_space<hbm>> -> memref<4096xf32, #tpu.memory_space<hbm>>
      tpu.wait_dma2 semaphore(%run_scoped3A : memref<!tpu.dma_semaphore, #tpu.memory_space<semaphore_mem>>) src(%dma_wait3A_392 : memref<4096xf32, #tpu.memory_space<hbm>>) dst(%arg16 : memref<4096xf32, #tpu.memory_space<vmem>>)
      tpu.yield
    }) : () -> ()
    "tpu.region"() ({
      %run_scoped3A = tpu.sem_alloc : memref<!tpu.dma_semaphore, #tpu.memory_space<semaphore_mem>>
      %dma_start3A = arith.constant 0 : i32
      %dma_start3A_383 = tpu.memref_slice %arg7[%select_n3A, %dma_start3A] : memref<8x4096xf32, #tpu.memory_space<hbm>> -> memref<1x4096xf32, #tpu.memory_space<hbm>>
      %dma_start3A_384 = tpu.memref_squeeze %dma_start3A_383 : memref<1x4096xf32, #tpu.memory_space<hbm>> -> memref<4096xf32, #tpu.memory_space<hbm>>
      %dma_start3A_385 = arith.constant 0 : i32
      %dma_start3A_386 = tpu.memref_slice %arg7[%select_n3A, %dma_start3A_385] : memref<8x4096xf32, #tpu.memory_space<hbm>> -> memref<1x4096xf32, #tpu.memory_space<hbm>>
      %dma_start3A_387 = tpu.memref_squeeze %dma_start3A_386 : memref<1x4096xf32, #tpu.memory_space<hbm>> -> memref<4096xf32, #tpu.memory_space<hbm>>
      tpu.enqueue_dma source(%dma_start3A_387 : memref<4096xf32, #tpu.memory_space<hbm>>) target(%arg17 : memref<4096xf32, #tpu.memory_space<vmem>>) target_semaphore(%run_scoped3A : memref<!tpu.dma_semaphore, #tpu.memory_space<semaphore_mem>>)
      %dma_wait3A = arith.constant 0 : i32
      %dma_wait3A_388 = tpu.memref_slice %arg7[%select_n3A, %dma_wait3A] : memref<8x4096xf32, #tpu.memory_space<hbm>> -> memref<1x4096xf32, #tpu.memory_space<hbm>>
      %dma_wait3A_389 = tpu.memref_squeeze %dma_wait3A_388 : memref<1x4096xf32, #tpu.memory_space<hbm>> -> memref<4096xf32, #tpu.memory_space<hbm>>
      %dma_wait3A_390 = arith.constant 0 : i32
      %dma_wait3A_391 = tpu.memref_slice %arg7[%select_n3A, %dma_wait3A_390] : memref<8x4096xf32, #tpu.memory_space<hbm>> -> memref<1x4096xf32, #tpu.memory_space<hbm>>
      %dma_wait3A_392 = tpu.memref_squeeze %dma_wait3A_391 : memref<1x4096xf32, #tpu.memory_space<hbm>> -> memref<4096xf32, #tpu.memory_space<hbm>>
      tpu.wait_dma2 semaphore(%run_scoped3A : memref<!tpu.dma_semaphore, #tpu.memory_space<semaphore_mem>>) src(%dma_wait3A_392 : memref<4096xf32, #tpu.memory_space<hbm>>) dst(%arg17 : memref<4096xf32, #tpu.memory_space<vmem>>)
      tpu.yield
    }) : () -> ()
    %mul3A_19 = arith.constant 4096 : i32
    %mul3A_20 = arith.muli %select_n3A, %mul3A_19 : i32
    %mul3A_21 = arith.constant 8 : i32
    %mul3A_22 = arith.muli %mul3A_20, %mul3A_21 : i32
    "tpu.region"() ({
      %run_scoped3A = tpu.sem_alloc : memref<!tpu.dma_semaphore, #tpu.memory_space<semaphore_mem>>
      %dma_start3A = tpu.memref_slice %arg8[%mul3A_22] : memref<262144xf32, #tpu.memory_space<hbm>> -> memref<32768xf32, #tpu.memory_space<hbm>>
      %dma_start3A_383 = tpu.memref_slice %arg8[%mul3A_22] : memref<262144xf32, #tpu.memory_space<hbm>> -> memref<32768xf32, #tpu.memory_space<hbm>>
      tpu.enqueue_dma source(%dma_start3A_383 : memref<32768xf32, #tpu.memory_space<hbm>>) target(%arg18 : memref<32768xf32, #tpu.memory_space<vmem>>) target_semaphore(%run_scoped3A : memref<!tpu.dma_semaphore, #tpu.memory_space<semaphore_mem>>)
      %dma_wait3A = tpu.memref_slice %arg8[%mul3A_22] : memref<262144xf32, #tpu.memory_space<hbm>> -> memref<32768xf32, #tpu.memory_space<hbm>>
      %dma_wait3A_384 = tpu.memref_slice %arg8[%mul3A_22] : memref<262144xf32, #tpu.memory_space<hbm>> -> memref<32768xf32, #tpu.memory_space<hbm>>
      tpu.wait_dma2 semaphore(%run_scoped3A : memref<!tpu.dma_semaphore, #tpu.memory_space<semaphore_mem>>) src(%dma_wait3A_384 : memref<32768xf32, #tpu.memory_space<hbm>>) dst(%arg18 : memref<32768xf32, #tpu.memory_space<vmem>>)
      tpu.yield
    }) : () -> ()
    "tpu.region"() ({
      %run_scoped3A = tpu.sem_alloc : memref<!tpu.dma_semaphore, #tpu.memory_space<semaphore_mem>>
      %dma_start3A = tpu.memref_slice %arg2[%mul3A_18] : memref<8192xf32, #tpu.memory_space<hbm>> -> memref<256xf32, #tpu.memory_space<hbm>>
      %dma_start3A_383 = tpu.memref_slice %arg2[%mul3A_18] : memref<8192xf32, #tpu.memory_space<hbm>> -> memref<256xf32, #tpu.memory_space<hbm>>
      tpu.enqueue_dma source(%dma_start3A_383 : memref<256xf32, #tpu.memory_space<hbm>>) target(%arg19 : memref<256xf32, #tpu.memory_space<vmem>>) target_semaphore(%run_scoped3A : memref<!tpu.dma_semaphore, #tpu.memory_space<semaphore_mem>>)
      %dma_wait3A = tpu.memref_slice %arg2[%mul3A_18] : memref<8192xf32, #tpu.memory_space<hbm>> -> memref<256xf32, #tpu.memory_space<hbm>>
      %dma_wait3A_384 = tpu.memref_slice %arg2[%mul3A_18] : memref<8192xf32, #tpu.memory_space<hbm>> -> memref<256xf32, #tpu.memory_space<hbm>>
      tpu.wait_dma2 semaphore(%run_scoped3A : memref<!tpu.dma_semaphore, #tpu.memory_space<semaphore_mem>>) src(%dma_wait3A_384 : memref<256xf32, #tpu.memory_space<hbm>>) dst(%arg19 : memref<256xf32, #tpu.memory_space<vmem>>)
      tpu.yield
    }) : () -> ()
    "tpu.region"() ({
      %run_scoped3A = tpu.sem_alloc : memref<!tpu.dma_semaphore, #tpu.memory_space<semaphore_mem>>
      %dma_start3A = tpu.memref_slice %arg3[%mul3A_18] : memref<8192xf32, #tpu.memory_space<hbm>> -> memref<256xf32, #tpu.memory_space<hbm>>
      %dma_start3A_383 = tpu.memref_slice %arg3[%mul3A_18] : memref<8192xf32, #tpu.memory_space<hbm>> -> memref<256xf32, #tpu.memory_space<hbm>>
      tpu.enqueue_dma source(%dma_start3A_383 : memref<256xf32, #tpu.memory_space<hbm>>) target(%arg20 : memref<256xf32, #tpu.memory_space<vmem>>) target_semaphore(%run_scoped3A : memref<!tpu.dma_semaphore, #tpu.memory_space<semaphore_mem>>)
      %dma_wait3A = tpu.memref_slice %arg3[%mul3A_18] : memref<8192xf32, #tpu.memory_space<hbm>> -> memref<256xf32, #tpu.memory_space<hbm>>
      %dma_wait3A_384 = tpu.memref_slice %arg3[%mul3A_18] : memref<8192xf32, #tpu.memory_space<hbm>> -> memref<256xf32, #tpu.memory_space<hbm>>
      tpu.wait_dma2 semaphore(%run_scoped3A : memref<!tpu.dma_semaphore, #tpu.memory_space<semaphore_mem>>) src(%dma_wait3A_384 : memref<256xf32, #tpu.memory_space<hbm>>) dst(%arg20 : memref<256xf32, #tpu.memory_space<vmem>>)
      tpu.yield
    }) : () -> ()
    "tpu.region"() ({
      %run_scoped3A = tpu.sem_alloc : memref<!tpu.dma_semaphore, #tpu.memory_space<semaphore_mem>>
      %dma_start3A = tpu.memref_slice %arg4[%mul3A_18] : memref<8192xf32, #tpu.memory_space<hbm>> -> memref<256xf32, #tpu.memory_space<hbm>>
      %dma_start3A_383 = tpu.memref_slice %arg4[%mul3A_18] : memref<8192xf32, #tpu.memory_space<hbm>> -> memref<256xf32, #tpu.memory_space<hbm>>
      tpu.enqueue_dma source(%dma_start3A_383 : memref<256xf32, #tpu.memory_space<hbm>>) target(%arg21 : memref<256xf32, #tpu.memory_space<vmem>>) target_semaphore(%run_scoped3A : memref<!tpu.dma_semaphore, #tpu.memory_space<semaphore_mem>>)
      %dma_wait3A = tpu.memref_slice %arg4[%mul3A_18] : memref<8192xf32, #tpu.memory_space<hbm>> -> memref<256xf32, #tpu.memory_space<hbm>>
      %dma_wait3A_384 = tpu.memref_slice %arg4[%mul3A_18] : memref<8192xf32, #tpu.memory_space<hbm>> -> memref<256xf32, #tpu.memory_space<hbm>>
      tpu.wait_dma2 semaphore(%run_scoped3A : memref<!tpu.dma_semaphore, #tpu.memory_space<semaphore_mem>>) src(%dma_wait3A_384 : memref<256xf32, #tpu.memory_space<hbm>>) dst(%arg21 : memref<256xf32, #tpu.memory_space<vmem>>)
      tpu.yield
    }) : () -> ()
    %broadcast_in_dim3A = arith.constant 0 : i32
    %broadcast_in_dim3A_23 = vector.broadcast %broadcast_in_dim3A : i32 to vector<16xi32>
    %swap3A = arith.constant 0 : index
    %swap3A_24 = tpu.vector_load %arg22[%swap3A] {strides = array<i32>} : memref<256xi32, #tpu.memory_space<vmem>>, vector<16xi32>,
    tpu.vector_store %arg22[%swap3A], %broadcast_in_dim3A_23 {strides = array<i32>} : memref<256xi32, #tpu.memory_space<vmem>>, vector<16xi32>,
    %swap3A_25 = arith.constant 16 : index
    %swap3A_26 = tpu.vector_load %arg22[%swap3A_25] {strides = array<i32>} : memref<256xi32, #tpu.memory_space<vmem>>, vector<16xi32>,
    tpu.vector_store %arg22[%swap3A_25], %broadcast_in_dim3A_23 {strides = array<i32>} : memref<256xi32, #tpu.memory_space<vmem>>, vector<16xi32>,
    %swap3A_27 = arith.constant 32 : index
    %swap3A_28 = tpu.vector_load %arg22[%swap3A_27] {strides = array<i32>} : memref<256xi32, #tpu.memory_space<vmem>>, vector<16xi32>,
    tpu.vector_store %arg22[%swap3A_27], %broadcast_in_dim3A_23 {strides = array<i32>} : memref<256xi32, #tpu.memory_space<vmem>>, vector<16xi32>,
    %swap3A_29 = arith.constant 48 : index
    %swap3A_30 = tpu.vector_load %arg22[%swap3A_29] {strides = array<i32>} : memref<256xi32, #tpu.memory_space<vmem>>, vector<16xi32>,
    tpu.vector_store %arg22[%swap3A_29], %broadcast_in_dim3A_23 {strides = array<i32>} : memref<256xi32, #tpu.memory_space<vmem>>, vector<16xi32>,
    %swap3A_31 = arith.constant 64 : index
    %swap3A_32 = tpu.vector_load %arg22[%swap3A_31] {strides = array<i32>} : memref<256xi32, #tpu.memory_space<vmem>>, vector<16xi32>,
    tpu.vector_store %arg22[%swap3A_31], %broadcast_in_dim3A_23 {strides = array<i32>} : memref<256xi32, #tpu.memory_space<vmem>>, vector<16xi32>,
    %swap3A_33 = arith.constant 80 : index
    %swap3A_34 = tpu.vector_load %arg22[%swap3A_33] {strides = array<i32>} : memref<256xi32, #tpu.memory_space<vmem>>, vector<16xi32>,
    tpu.vector_store %arg22[%swap3A_33], %broadcast_in_dim3A_23 {strides = array<i32>} : memref<256xi32, #tpu.memory_space<vmem>>, vector<16xi32>,
    %swap3A_35 = arith.constant 96 : index
    %swap3A_36 = tpu.vector_load %arg22[%swap3A_35] {strides = array<i32>} : memref<256xi32, #tpu.memory_space<vmem>>, vector<16xi32>,
    tpu.vector_store %arg22[%swap3A_35], %broadcast_in_dim3A_23 {strides = array<i32>} : memref<256xi32, #tpu.memory_space<vmem>>, vector<16xi32>,
    %swap3A_37 = arith.constant 112 : index
    %swap3A_38 = tpu.vector_load %arg22[%swap3A_37] {strides = array<i32>} : memref<256xi32, #tpu.memory_space<vmem>>, vector<16xi32>,
    tpu.vector_store %arg22[%swap3A_37], %broadcast_in_dim3A_23 {strides = array<i32>} : memref<256xi32, #tpu.memory_space<vmem>>, vector<16xi32>,
    %swap3A_39 = arith.constant 128 : index
    %swap3A_40 = tpu.vector_load %arg22[%swap3A_39] {strides = array<i32>} : memref<256xi32, #tpu.memory_space<vmem>>, vector<16xi32>,
    tpu.vector_store %arg22[%swap3A_39], %broadcast_in_dim3A_23 {strides = array<i32>} : memref<256xi32, #tpu.memory_space<vmem>>, vector<16xi32>,
    %swap3A_41 = arith.constant 144 : index
    %swap3A_42 = tpu.vector_load %arg22[%swap3A_41] {strides = array<i32>} : memref<256xi32, #tpu.memory_space<vmem>>, vector<16xi32>,
    tpu.vector_store %arg22[%swap3A_41], %broadcast_in_dim3A_23 {strides = array<i32>} : memref<256xi32, #tpu.memory_space<vmem>>, vector<16xi32>,
    %swap3A_43 = arith.constant 160 : index
    %swap3A_44 = tpu.vector_load %arg22[%swap3A_43] {strides = array<i32>} : memref<256xi32, #tpu.memory_space<vmem>>, vector<16xi32>,
    tpu.vector_store %arg22[%swap3A_43], %broadcast_in_dim3A_23 {strides = array<i32>} : memref<256xi32, #tpu.memory_space<vmem>>, vector<16xi32>,
    %swap3A_45 = arith.constant 176 : index
    %swap3A_46 = tpu.vector_load %arg22[%swap3A_45] {strides = array<i32>} : memref<256xi32, #tpu.memory_space<vmem>>, vector<16xi32>,
    tpu.vector_store %arg22[%swap3A_45], %broadcast_in_dim3A_23 {strides = array<i32>} : memref<256xi32, #tpu.memory_space<vmem>>, vector<16xi32>,
    %swap3A_47 = arith.constant 192 : index
    %swap3A_48 = tpu.vector_load %arg22[%swap3A_47] {strides = array<i32>} : memref<256xi32, #tpu.memory_space<vmem>>, vector<16xi32>,
    tpu.vector_store %arg22[%swap3A_47], %broadcast_in_dim3A_23 {strides = array<i32>} : memref<256xi32, #tpu.memory_space<vmem>>, vector<16xi32>,
    %swap3A_49 = arith.constant 208 : index
    %swap3A_50 = tpu.vector_load %arg22[%swap3A_49] {strides = array<i32>} : memref<256xi32, #tpu.memory_space<vmem>>, vector<16xi32>,
    tpu.vector_store %arg22[%swap3A_49], %broadcast_in_dim3A_23 {strides = array<i32>} : memref<256xi32, #tpu.memory_space<vmem>>, vector<16xi32>,
    %swap3A_51 = arith.constant 224 : index
    %swap3A_52 = tpu.vector_load %arg22[%swap3A_51] {strides = array<i32>} : memref<256xi32, #tpu.memory_space<vmem>>, vector<16xi32>,
    tpu.vector_store %arg22[%swap3A_51], %broadcast_in_dim3A_23 {strides = array<i32>} : memref<256xi32, #tpu.memory_space<vmem>>, vector<16xi32>,
    %swap3A_53 = arith.constant 240 : index
    %swap3A_54 = tpu.vector_load %arg22[%swap3A_53] {strides = array<i32>} : memref<256xi32, #tpu.memory_space<vmem>>, vector<16xi32>,
    tpu.vector_store %arg22[%swap3A_53], %broadcast_in_dim3A_23 {strides = array<i32>} : memref<256xi32, #tpu.memory_space<vmem>>, vector<16xi32>,
    %swap3A_55 = arith.constant 0 : index
    %swap3A_56 = tpu.vector_load %arg23[%swap3A_55] {strides = array<i32>} : memref<512xi32, #tpu.memory_space<vmem>>, vector<16xi32>,
    tpu.vector_store %arg23[%swap3A_55], %broadcast_in_dim3A_23 {strides = array<i32>} : memref<512xi32, #tpu.memory_space<vmem>>, vector<16xi32>,
    %swap3A_57 = arith.constant 16 : index
    %swap3A_58 = tpu.vector_load %arg23[%swap3A_57] {strides = array<i32>} : memref<512xi32, #tpu.memory_space<vmem>>, vector<16xi32>,
    tpu.vector_store %arg23[%swap3A_57], %broadcast_in_dim3A_23 {strides = array<i32>} : memref<512xi32, #tpu.memory_space<vmem>>, vector<16xi32>,
    %swap3A_59 = arith.constant 32 : index
    %swap3A_60 = tpu.vector_load %arg23[%swap3A_59] {strides = array<i32>} : memref<512xi32, #tpu.memory_space<vmem>>, vector<16xi32>,
    tpu.vector_store %arg23[%swap3A_59], %broadcast_in_dim3A_23 {strides = array<i32>} : memref<512xi32, #tpu.memory_space<vmem>>, vector<16xi32>,
    %swap3A_61 = arith.constant 48 : index
    %swap3A_62 = tpu.vector_load %arg23[%swap3A_61] {strides = array<i32>} : memref<512xi32, #tpu.memory_space<vmem>>, vector<16xi32>,
    tpu.vector_store %arg23[%swap3A_61], %broadcast_in_dim3A_23 {strides = array<i32>} : memref<512xi32, #tpu.memory_space<vmem>>, vector<16xi32>,
    %swap3A_63 = arith.constant 64 : index
    %swap3A_64 = tpu.vector_load %arg23[%swap3A_63] {strides = array<i32>} : memref<512xi32, #tpu.memory_space<vmem>>, vector<16xi32>,
    tpu.vector_store %arg23[%swap3A_63], %broadcast_in_dim3A_23 {strides = array<i32>} : memref<512xi32, #tpu.memory_space<vmem>>, vector<16xi32>,
    %swap3A_65 = arith.constant 80 : index
    %swap3A_66 = tpu.vector_load %arg23[%swap3A_65] {strides = array<i32>} : memref<512xi32, #tpu.memory_space<vmem>>, vector<16xi32>,
    tpu.vector_store %arg23[%swap3A_65], %broadcast_in_dim3A_23 {strides = array<i32>} : memref<512xi32, #tpu.memory_space<vmem>>, vector<16xi32>,
    %swap3A_67 = arith.constant 96 : index
    %swap3A_68 = tpu.vector_load %arg23[%swap3A_67] {strides = array<i32>} : memref<512xi32, #tpu.memory_space<vmem>>, vector<16xi32>,
    tpu.vector_store %arg23[%swap3A_67], %broadcast_in_dim3A_23 {strides = array<i32>} : memref<512xi32, #tpu.memory_space<vmem>>, vector<16xi32>,
    %swap3A_69 = arith.constant 112 : index
    %swap3A_70 = tpu.vector_load %arg23[%swap3A_69] {strides = array<i32>} : memref<512xi32, #tpu.memory_space<vmem>>, vector<16xi32>,
    tpu.vector_store %arg23[%swap3A_69], %broadcast_in_dim3A_23 {strides = array<i32>} : memref<512xi32, #tpu.memory_space<vmem>>, vector<16xi32>,
    %swap3A_71 = arith.constant 128 : index
    %swap3A_72 = tpu.vector_load %arg23[%swap3A_71] {strides = array<i32>} : memref<512xi32, #tpu.memory_space<vmem>>, vector<16xi32>,
    tpu.vector_store %arg23[%swap3A_71], %broadcast_in_dim3A_23 {strides = array<i32>} : memref<512xi32, #tpu.memory_space<vmem>>, vector<16xi32>,
    %swap3A_73 = arith.constant 144 : index
    %swap3A_74 = tpu.vector_load %arg23[%swap3A_73] {strides = array<i32>} : memref<512xi32, #tpu.memory_space<vmem>>, vector<16xi32>,
    tpu.vector_store %arg23[%swap3A_73], %broadcast_in_dim3A_23 {strides = array<i32>} : memref<512xi32, #tpu.memory_space<vmem>>, vector<16xi32>,
    %swap3A_75 = arith.constant 160 : index
    %swap3A_76 = tpu.vector_load %arg23[%swap3A_75] {strides = array<i32>} : memref<512xi32, #tpu.memory_space<vmem>>, vector<16xi32>,
    tpu.vector_store %arg23[%swap3A_75], %broadcast_in_dim3A_23 {strides = array<i32>} : memref<512xi32, #tpu.memory_space<vmem>>, vector<16xi32>,
    %swap3A_77 = arith.constant 176 : index
    %swap3A_78 = tpu.vector_load %arg23[%swap3A_77] {strides = array<i32>} : memref<512xi32, #tpu.memory_space<vmem>>, vector<16xi32>,
    tpu.vector_store %arg23[%swap3A_77], %broadcast_in_dim3A_23 {strides = array<i32>} : memref<512xi32, #tpu.memory_space<vmem>>, vector<16xi32>,
    %swap3A_79 = arith.constant 192 : index
    %swap3A_80 = tpu.vector_load %arg23[%swap3A_79] {strides = array<i32>} : memref<512xi32, #tpu.memory_space<vmem>>, vector<16xi32>,
    tpu.vector_store %arg23[%swap3A_79], %broadcast_in_dim3A_23 {strides = array<i32>} : memref<512xi32, #tpu.memory_space<vmem>>, vector<16xi32>,
    %swap3A_81 = arith.constant 208 : index
    %swap3A_82 = tpu.vector_load %arg23[%swap3A_81] {strides = array<i32>} : memref<512xi32, #tpu.memory_space<vmem>>, vector<16xi32>,
    tpu.vector_store %arg23[%swap3A_81], %broadcast_in_dim3A_23 {strides = array<i32>} : memref<512xi32, #tpu.memory_space<vmem>>, vector<16xi32>,
    %swap3A_83 = arith.constant 224 : index
    %swap3A_84 = tpu.vector_load %arg23[%swap3A_83] {strides = array<i32>} : memref<512xi32, #tpu.memory_space<vmem>>, vector<16xi32>,
    tpu.vector_store %arg23[%swap3A_83], %broadcast_in_dim3A_23 {strides = array<i32>} : memref<512xi32, #tpu.memory_space<vmem>>, vector<16xi32>,
    %swap3A_85 = arith.constant 240 : index
    %swap3A_86 = tpu.vector_load %arg23[%swap3A_85] {strides = array<i32>} : memref<512xi32, #tpu.memory_space<vmem>>, vector<16xi32>,
    tpu.vector_store %arg23[%swap3A_85], %broadcast_in_dim3A_23 {strides = array<i32>} : memref<512xi32, #tpu.memory_space<vmem>>, vector<16xi32>,
    %swap3A_87 = arith.constant 256 : index
    %swap3A_88 = tpu.vector_load %arg23[%swap3A_87] {strides = array<i32>} : memref<512xi32, #tpu.memory_space<vmem>>, vector<16xi32>,
    tpu.vector_store %arg23[%swap3A_87], %broadcast_in_dim3A_23 {strides = array<i32>} : memref<512xi32, #tpu.memory_space<vmem>>, vector<16xi32>,
    %swap3A_89 = arith.constant 272 : index
    %swap3A_90 = tpu.vector_load %arg23[%swap3A_89] {strides = array<i32>} : memref<512xi32, #tpu.memory_space<vmem>>, vector<16xi32>,
    tpu.vector_store %arg23[%swap3A_89], %broadcast_in_dim3A_23 {strides = array<i32>} : memref<512xi32, #tpu.memory_space<vmem>>, vector<16xi32>,
    %swap3A_91 = arith.constant 288 : index
    %swap3A_92 = tpu.vector_load %arg23[%swap3A_91] {strides = array<i32>} : memref<512xi32, #tpu.memory_space<vmem>>, vector<16xi32>,
    tpu.vector_store %arg23[%swap3A_91], %broadcast_in_dim3A_23 {strides = array<i32>} : memref<512xi32, #tpu.memory_space<vmem>>, vector<16xi32>,
    %swap3A_93 = arith.constant 304 : index
    %swap3A_94 = tpu.vector_load %arg23[%swap3A_93] {strides = array<i32>} : memref<512xi32, #tpu.memory_space<vmem>>, vector<16xi32>,
    tpu.vector_store %arg23[%swap3A_93], %broadcast_in_dim3A_23 {strides = array<i32>} : memref<512xi32, #tpu.memory_space<vmem>>, vector<16xi32>,
    %swap3A_95 = arith.constant 320 : index
    %swap3A_96 = tpu.vector_load %arg23[%swap3A_95] {strides = array<i32>} : memref<512xi32, #tpu.memory_space<vmem>>, vector<16xi32>,
    tpu.vector_store %arg23[%swap3A_95], %broadcast_in_dim3A_23 {strides = array<i32>} : memref<512xi32, #tpu.memory_space<vmem>>, vector<16xi32>,
    %swap3A_97 = arith.constant 336 : index
    %swap3A_98 = tpu.vector_load %arg23[%swap3A_97] {strides = array<i32>} : memref<512xi32, #tpu.memory_space<vmem>>, vector<16xi32>,
    tpu.vector_store %arg23[%swap3A_97], %broadcast_in_dim3A_23 {strides = array<i32>} : memref<512xi32, #tpu.memory_space<vmem>>, vector<16xi32>,
    %swap3A_99 = arith.constant 352 : index
    %swap3A_100 = tpu.vector_load %arg23[%swap3A_99] {strides = array<i32>} : memref<512xi32, #tpu.memory_space<vmem>>, vector<16xi32>,
    tpu.vector_store %arg23[%swap3A_99], %broadcast_in_dim3A_23 {strides = array<i32>} : memref<512xi32, #tpu.memory_space<vmem>>, vector<16xi32>,
    %swap3A_101 = arith.constant 368 : index
    %swap3A_102 = tpu.vector_load %arg23[%swap3A_101] {strides = array<i32>} : memref<512xi32, #tpu.memory_space<vmem>>, vector<16xi32>,
    tpu.vector_store %arg23[%swap3A_101], %broadcast_in_dim3A_23 {strides = array<i32>} : memref<512xi32, #tpu.memory_space<vmem>>, vector<16xi32>,
    %swap3A_103 = arith.constant 384 : index
    %swap3A_104 = tpu.vector_load %arg23[%swap3A_103] {strides = array<i32>} : memref<512xi32, #tpu.memory_space<vmem>>, vector<16xi32>,
    tpu.vector_store %arg23[%swap3A_103], %broadcast_in_dim3A_23 {strides = array<i32>} : memref<512xi32, #tpu.memory_space<vmem>>, vector<16xi32>,
    %swap3A_105 = arith.constant 400 : index
    %swap3A_106 = tpu.vector_load %arg23[%swap3A_105] {strides = array<i32>} : memref<512xi32, #tpu.memory_space<vmem>>, vector<16xi32>,
    tpu.vector_store %arg23[%swap3A_105], %broadcast_in_dim3A_23 {strides = array<i32>} : memref<512xi32, #tpu.memory_space<vmem>>, vector<16xi32>,
    %swap3A_107 = arith.constant 416 : index
    %swap3A_108 = tpu.vector_load %arg23[%swap3A_107] {strides = array<i32>} : memref<512xi32, #tpu.memory_space<vmem>>, vector<16xi32>,
    tpu.vector_store %arg23[%swap3A_107], %broadcast_in_dim3A_23 {strides = array<i32>} : memref<512xi32, #tpu.memory_space<vmem>>, vector<16xi32>,
    %swap3A_109 = arith.constant 432 : index
    %swap3A_110 = tpu.vector_load %arg23[%swap3A_109] {strides = array<i32>} : memref<512xi32, #tpu.memory_space<vmem>>, vector<16xi32>,
    tpu.vector_store %arg23[%swap3A_109], %broadcast_in_dim3A_23 {strides = array<i32>} : memref<512xi32, #tpu.memory_space<vmem>>, vector<16xi32>,
    %swap3A_111 = arith.constant 448 : index
    %swap3A_112 = tpu.vector_load %arg23[%swap3A_111] {strides = array<i32>} : memref<512xi32, #tpu.memory_space<vmem>>, vector<16xi32>,
    tpu.vector_store %arg23[%swap3A_111], %broadcast_in_dim3A_23 {strides = array<i32>} : memref<512xi32, #tpu.memory_space<vmem>>, vector<16xi32>,
    %swap3A_113 = arith.constant 464 : index
    %swap3A_114 = tpu.vector_load %arg23[%swap3A_113] {strides = array<i32>} : memref<512xi32, #tpu.memory_space<vmem>>, vector<16xi32>,
    tpu.vector_store %arg23[%swap3A_113], %broadcast_in_dim3A_23 {strides = array<i32>} : memref<512xi32, #tpu.memory_space<vmem>>, vector<16xi32>,
    %swap3A_115 = arith.constant 480 : index
    %swap3A_116 = tpu.vector_load %arg23[%swap3A_115] {strides = array<i32>} : memref<512xi32, #tpu.memory_space<vmem>>, vector<16xi32>,
    tpu.vector_store %arg23[%swap3A_115], %broadcast_in_dim3A_23 {strides = array<i32>} : memref<512xi32, #tpu.memory_space<vmem>>, vector<16xi32>,
    %swap3A_117 = arith.constant 496 : index
    %swap3A_118 = tpu.vector_load %arg23[%swap3A_117] {strides = array<i32>} : memref<512xi32, #tpu.memory_space<vmem>>, vector<16xi32>,
    tpu.vector_store %arg23[%swap3A_117], %broadcast_in_dim3A_23 {strides = array<i32>} : memref<512xi32, #tpu.memory_space<vmem>>, vector<16xi32>,
    %swap3A_119 = arith.constant 0 : index
    %swap3A_120 = tpu.vector_load %arg24[%swap3A_119] {strides = array<i32>} : memref<2048xi32, #tpu.memory_space<vmem>>, vector<16xi32>,
    tpu.vector_store %arg24[%swap3A_119], %broadcast_in_dim3A_23 {strides = array<i32>} : memref<2048xi32, #tpu.memory_space<vmem>>, vector<16xi32>,
    %swap3A_121 = arith.constant 16 : index
    %swap3A_122 = tpu.vector_load %arg24[%swap3A_121] {strides = array<i32>} : memref<2048xi32, #tpu.memory_space<vmem>>, vector<16xi32>,
    tpu.vector_store %arg24[%swap3A_121], %broadcast_in_dim3A_23 {strides = array<i32>} : memref<2048xi32, #tpu.memory_space<vmem>>, vector<16xi32>,
    %swap3A_123 = arith.constant 32 : index
    %swap3A_124 = tpu.vector_load %arg24[%swap3A_123] {strides = array<i32>} : memref<2048xi32, #tpu.memory_space<vmem>>, vector<16xi32>,
    tpu.vector_store %arg24[%swap3A_123], %broadcast_in_dim3A_23 {strides = array<i32>} : memref<2048xi32, #tpu.memory_space<vmem>>, vector<16xi32>,
    %swap3A_125 = arith.constant 48 : index
    %swap3A_126 = tpu.vector_load %arg24[%swap3A_125] {strides = array<i32>} : memref<2048xi32, #tpu.memory_space<vmem>>, vector<16xi32>,
    tpu.vector_store %arg24[%swap3A_125], %broadcast_in_dim3A_23 {strides = array<i32>} : memref<2048xi32, #tpu.memory_space<vmem>>, vector<16xi32>,
    %swap3A_127 = arith.constant 64 : index
    %swap3A_128 = tpu.vector_load %arg24[%swap3A_127] {strides = array<i32>} : memref<2048xi32, #tpu.memory_space<vmem>>, vector<16xi32>,
    tpu.vector_store %arg24[%swap3A_127], %broadcast_in_dim3A_23 {strides = array<i32>} : memref<2048xi32, #tpu.memory_space<vmem>>, vector<16xi32>,
    %swap3A_129 = arith.constant 80 : index
    %swap3A_130 = tpu.vector_load %arg24[%swap3A_129] {strides = array<i32>} : memref<2048xi32, #tpu.memory_space<vmem>>, vector<16xi32>,
    tpu.vector_store %arg24[%swap3A_129], %broadcast_in_dim3A_23 {strides = array<i32>} : memref<2048xi32, #tpu.memory_space<vmem>>, vector<16xi32>,
    %swap3A_131 = arith.constant 96 : index
    %swap3A_132 = tpu.vector_load %arg24[%swap3A_131] {strides = array<i32>} : memref<2048xi32, #tpu.memory_space<vmem>>, vector<16xi32>,
    tpu.vector_store %arg24[%swap3A_131], %broadcast_in_dim3A_23 {strides = array<i32>} : memref<2048xi32, #tpu.memory_space<vmem>>, vector<16xi32>,
    %swap3A_133 = arith.constant 112 : index
    %swap3A_134 = tpu.vector_load %arg24[%swap3A_133] {strides = array<i32>} : memref<2048xi32, #tpu.memory_space<vmem>>, vector<16xi32>,
    tpu.vector_store %arg24[%swap3A_133], %broadcast_in_dim3A_23 {strides = array<i32>} : memref<2048xi32, #tpu.memory_space<vmem>>, vector<16xi32>,
    %swap3A_135 = arith.constant 128 : index
    %swap3A_136 = tpu.vector_load %arg24[%swap3A_135] {strides = array<i32>} : memref<2048xi32, #tpu.memory_space<vmem>>, vector<16xi32>,
    tpu.vector_store %arg24[%swap3A_135], %broadcast_in_dim3A_23 {strides = array<i32>} : memref<2048xi32, #tpu.memory_space<vmem>>, vector<16xi32>,
    %swap3A_137 = arith.constant 144 : index
    %swap3A_138 = tpu.vector_load %arg24[%swap3A_137] {strides = array<i32>} : memref<2048xi32, #tpu.memory_space<vmem>>, vector<16xi32>,
    tpu.vector_store %arg24[%swap3A_137], %broadcast_in_dim3A_23 {strides = array<i32>} : memref<2048xi32, #tpu.memory_space<vmem>>, vector<16xi32>,
    %swap3A_139 = arith.constant 160 : index
    %swap3A_140 = tpu.vector_load %arg24[%swap3A_139] {strides = array<i32>} : memref<2048xi32, #tpu.memory_space<vmem>>, vector<16xi32>,
    tpu.vector_store %arg24[%swap3A_139], %broadcast_in_dim3A_23 {strides = array<i32>} : memref<2048xi32, #tpu.memory_space<vmem>>, vector<16xi32>,
    %swap3A_141 = arith.constant 176 : index
    %swap3A_142 = tpu.vector_load %arg24[%swap3A_141] {strides = array<i32>} : memref<2048xi32, #tpu.memory_space<vmem>>, vector<16xi32>,
    tpu.vector_store %arg24[%swap3A_141], %broadcast_in_dim3A_23 {strides = array<i32>} : memref<2048xi32, #tpu.memory_space<vmem>>, vector<16xi32>,
    %swap3A_143 = arith.constant 192 : index
    %swap3A_144 = tpu.vector_load %arg24[%swap3A_143] {strides = array<i32>} : memref<2048xi32, #tpu.memory_space<vmem>>, vector<16xi32>,
    tpu.vector_store %arg24[%swap3A_143], %broadcast_in_dim3A_23 {strides = array<i32>} : memref<2048xi32, #tpu.memory_space<vmem>>, vector<16xi32>,
    %swap3A_145 = arith.constant 208 : index
    %swap3A_146 = tpu.vector_load %arg24[%swap3A_145] {strides = array<i32>} : memref<2048xi32, #tpu.memory_space<vmem>>, vector<16xi32>,
    tpu.vector_store %arg24[%swap3A_145], %broadcast_in_dim3A_23 {strides = array<i32>} : memref<2048xi32, #tpu.memory_space<vmem>>, vector<16xi32>,
    %swap3A_147 = arith.constant 224 : index
    %swap3A_148 = tpu.vector_load %arg24[%swap3A_147] {strides = array<i32>} : memref<2048xi32, #tpu.memory_space<vmem>>, vector<16xi32>,
    tpu.vector_store %arg24[%swap3A_147], %broadcast_in_dim3A_23 {strides = array<i32>} : memref<2048xi32, #tpu.memory_space<vmem>>, vector<16xi32>,
    %swap3A_149 = arith.constant 240 : index
    %swap3A_150 = tpu.vector_load %arg24[%swap3A_149] {strides = array<i32>} : memref<2048xi32, #tpu.memory_space<vmem>>, vector<16xi32>,
    tpu.vector_store %arg24[%swap3A_149], %broadcast_in_dim3A_23 {strides = array<i32>} : memref<2048xi32, #tpu.memory_space<vmem>>, vector<16xi32>,
    %swap3A_151 = arith.constant 256 : index
    %swap3A_152 = tpu.vector_load %arg24[%swap3A_151] {strides = array<i32>} : memref<2048xi32, #tpu.memory_space<vmem>>, vector<16xi32>,
    tpu.vector_store %arg24[%swap3A_151], %broadcast_in_dim3A_23 {strides = array<i32>} : memref<2048xi32, #tpu.memory_space<vmem>>, vector<16xi32>,
    %swap3A_153 = arith.constant 272 : index
    %swap3A_154 = tpu.vector_load %arg24[%swap3A_153] {strides = array<i32>} : memref<2048xi32, #tpu.memory_space<vmem>>, vector<16xi32>,
    tpu.vector_store %arg24[%swap3A_153], %broadcast_in_dim3A_23 {strides = array<i32>} : memref<2048xi32, #tpu.memory_space<vmem>>, vector<16xi32>,
    %swap3A_155 = arith.constant 288 : index
    %swap3A_156 = tpu.vector_load %arg24[%swap3A_155] {strides = array<i32>} : memref<2048xi32, #tpu.memory_space<vmem>>, vector<16xi32>,
    tpu.vector_store %arg24[%swap3A_155], %broadcast_in_dim3A_23 {strides = array<i32>} : memref<2048xi32, #tpu.memory_space<vmem>>, vector<16xi32>,
    %swap3A_157 = arith.constant 304 : index
    %swap3A_158 = tpu.vector_load %arg24[%swap3A_157] {strides = array<i32>} : memref<2048xi32, #tpu.memory_space<vmem>>, vector<16xi32>,
    tpu.vector_store %arg24[%swap3A_157], %broadcast_in_dim3A_23 {strides = array<i32>} : memref<2048xi32, #tpu.memory_space<vmem>>, vector<16xi32>,
    %swap3A_159 = arith.constant 320 : index
    %swap3A_160 = tpu.vector_load %arg24[%swap3A_159] {strides = array<i32>} : memref<2048xi32, #tpu.memory_space<vmem>>, vector<16xi32>,
    tpu.vector_store %arg24[%swap3A_159], %broadcast_in_dim3A_23 {strides = array<i32>} : memref<2048xi32, #tpu.memory_space<vmem>>, vector<16xi32>,
    %swap3A_161 = arith.constant 336 : index
    %swap3A_162 = tpu.vector_load %arg24[%swap3A_161] {strides = array<i32>} : memref<2048xi32, #tpu.memory_space<vmem>>, vector<16xi32>,
    tpu.vector_store %arg24[%swap3A_161], %broadcast_in_dim3A_23 {strides = array<i32>} : memref<2048xi32, #tpu.memory_space<vmem>>, vector<16xi32>,
    %swap3A_163 = arith.constant 352 : index
    %swap3A_164 = tpu.vector_load %arg24[%swap3A_163] {strides = array<i32>} : memref<2048xi32, #tpu.memory_space<vmem>>, vector<16xi32>,
    tpu.vector_store %arg24[%swap3A_163], %broadcast_in_dim3A_23 {strides = array<i32>} : memref<2048xi32, #tpu.memory_space<vmem>>, vector<16xi32>,
    %swap3A_165 = arith.constant 368 : index
    %swap3A_166 = tpu.vector_load %arg24[%swap3A_165] {strides = array<i32>} : memref<2048xi32, #tpu.memory_space<vmem>>, vector<16xi32>,
    tpu.vector_store %arg24[%swap3A_165], %broadcast_in_dim3A_23 {strides = array<i32>} : memref<2048xi32, #tpu.memory_space<vmem>>, vector<16xi32>,
    %swap3A_167 = arith.constant 384 : index
    %swap3A_168 = tpu.vector_load %arg24[%swap3A_167] {strides = array<i32>} : memref<2048xi32, #tpu.memory_space<vmem>>, vector<16xi32>,
    tpu.vector_store %arg24[%swap3A_167], %broadcast_in_dim3A_23 {strides = array<i32>} : memref<2048xi32, #tpu.memory_space<vmem>>, vector<16xi32>,
    %swap3A_169 = arith.constant 400 : index
    %swap3A_170 = tpu.vector_load %arg24[%swap3A_169] {strides = array<i32>} : memref<2048xi32, #tpu.memory_space<vmem>>, vector<16xi32>,
    tpu.vector_store %arg24[%swap3A_169], %broadcast_in_dim3A_23 {strides = array<i32>} : memref<2048xi32, #tpu.memory_space<vmem>>, vector<16xi32>,
    %swap3A_171 = arith.constant 416 : index
    %swap3A_172 = tpu.vector_load %arg24[%swap3A_171] {strides = array<i32>} : memref<2048xi32, #tpu.memory_space<vmem>>, vector<16xi32>,
    tpu.vector_store %arg24[%swap3A_171], %broadcast_in_dim3A_23 {strides = array<i32>} : memref<2048xi32, #tpu.memory_space<vmem>>, vector<16xi32>,
    %swap3A_173 = arith.constant 432 : index
    %swap3A_174 = tpu.vector_load %arg24[%swap3A_173] {strides = array<i32>} : memref<2048xi32, #tpu.memory_space<vmem>>, vector<16xi32>,
    tpu.vector_store %arg24[%swap3A_173], %broadcast_in_dim3A_23 {strides = array<i32>} : memref<2048xi32, #tpu.memory_space<vmem>>, vector<16xi32>,
    %swap3A_175 = arith.constant 448 : index
    %swap3A_176 = tpu.vector_load %arg24[%swap3A_175] {strides = array<i32>} : memref<2048xi32, #tpu.memory_space<vmem>>, vector<16xi32>,
    tpu.vector_store %arg24[%swap3A_175], %broadcast_in_dim3A_23 {strides = array<i32>} : memref<2048xi32, #tpu.memory_space<vmem>>, vector<16xi32>,
    %swap3A_177 = arith.constant 464 : index
    %swap3A_178 = tpu.vector_load %arg24[%swap3A_177] {strides = array<i32>} : memref<2048xi32, #tpu.memory_space<vmem>>, vector<16xi32>,
    tpu.vector_store %arg24[%swap3A_177], %broadcast_in_dim3A_23 {strides = array<i32>} : memref<2048xi32, #tpu.memory_space<vmem>>, vector<16xi32>,
    %swap3A_179 = arith.constant 480 : index
    %swap3A_180 = tpu.vector_load %arg24[%swap3A_179] {strides = array<i32>} : memref<2048xi32, #tpu.memory_space<vmem>>, vector<16xi32>,
    tpu.vector_store %arg24[%swap3A_179], %broadcast_in_dim3A_23 {strides = array<i32>} : memref<2048xi32, #tpu.memory_space<vmem>>, vector<16xi32>,
    %swap3A_181 = arith.constant 496 : index
    %swap3A_182 = tpu.vector_load %arg24[%swap3A_181] {strides = array<i32>} : memref<2048xi32, #tpu.memory_space<vmem>>, vector<16xi32>,
    tpu.vector_store %arg24[%swap3A_181], %broadcast_in_dim3A_23 {strides = array<i32>} : memref<2048xi32, #tpu.memory_space<vmem>>, vector<16xi32>,
    %swap3A_183 = arith.constant 512 : index
    %swap3A_184 = tpu.vector_load %arg24[%swap3A_183] {strides = array<i32>} : memref<2048xi32, #tpu.memory_space<vmem>>, vector<16xi32>,
    tpu.vector_store %arg24[%swap3A_183], %broadcast_in_dim3A_23 {strides = array<i32>} : memref<2048xi32, #tpu.memory_space<vmem>>, vector<16xi32>,
    %swap3A_185 = arith.constant 528 : index
    %swap3A_186 = tpu.vector_load %arg24[%swap3A_185] {strides = array<i32>} : memref<2048xi32, #tpu.memory_space<vmem>>, vector<16xi32>,
    tpu.vector_store %arg24[%swap3A_185], %broadcast_in_dim3A_23 {strides = array<i32>} : memref<2048xi32, #tpu.memory_space<vmem>>, vector<16xi32>,
    %swap3A_187 = arith.constant 544 : index
    %swap3A_188 = tpu.vector_load %arg24[%swap3A_187] {strides = array<i32>} : memref<2048xi32, #tpu.memory_space<vmem>>, vector<16xi32>,
    tpu.vector_store %arg24[%swap3A_187], %broadcast_in_dim3A_23 {strides = array<i32>} : memref<2048xi32, #tpu.memory_space<vmem>>, vector<16xi32>,
    %swap3A_189 = arith.constant 560 : index
    %swap3A_190 = tpu.vector_load %arg24[%swap3A_189] {strides = array<i32>} : memref<2048xi32, #tpu.memory_space<vmem>>, vector<16xi32>,
    tpu.vector_store %arg24[%swap3A_189], %broadcast_in_dim3A_23 {strides = array<i32>} : memref<2048xi32, #tpu.memory_space<vmem>>, vector<16xi32>,
    %swap3A_191 = arith.constant 576 : index
    %swap3A_192 = tpu.vector_load %arg24[%swap3A_191] {strides = array<i32>} : memref<2048xi32, #tpu.memory_space<vmem>>, vector<16xi32>,
    tpu.vector_store %arg24[%swap3A_191], %broadcast_in_dim3A_23 {strides = array<i32>} : memref<2048xi32, #tpu.memory_space<vmem>>, vector<16xi32>,
    %swap3A_193 = arith.constant 592 : index
    %swap3A_194 = tpu.vector_load %arg24[%swap3A_193] {strides = array<i32>} : memref<2048xi32, #tpu.memory_space<vmem>>, vector<16xi32>,
    tpu.vector_store %arg24[%swap3A_193], %broadcast_in_dim3A_23 {strides = array<i32>} : memref<2048xi32, #tpu.memory_space<vmem>>, vector<16xi32>,
    %swap3A_195 = arith.constant 608 : index
    %swap3A_196 = tpu.vector_load %arg24[%swap3A_195] {strides = array<i32>} : memref<2048xi32, #tpu.memory_space<vmem>>, vector<16xi32>,
    tpu.vector_store %arg24[%swap3A_195], %broadcast_in_dim3A_23 {strides = array<i32>} : memref<2048xi32, #tpu.memory_space<vmem>>, vector<16xi32>,
    %swap3A_197 = arith.constant 624 : index
    %swap3A_198 = tpu.vector_load %arg24[%swap3A_197] {strides = array<i32>} : memref<2048xi32, #tpu.memory_space<vmem>>, vector<16xi32>,
    tpu.vector_store %arg24[%swap3A_197], %broadcast_in_dim3A_23 {strides = array<i32>} : memref<2048xi32, #tpu.memory_space<vmem>>, vector<16xi32>,
    %swap3A_199 = arith.constant 640 : index
    %swap3A_200 = tpu.vector_load %arg24[%swap3A_199] {strides = array<i32>} : memref<2048xi32, #tpu.memory_space<vmem>>, vector<16xi32>,
    tpu.vector_store %arg24[%swap3A_199], %broadcast_in_dim3A_23 {strides = array<i32>} : memref<2048xi32, #tpu.memory_space<vmem>>, vector<16xi32>,
    %swap3A_201 = arith.constant 656 : index
    %swap3A_202 = tpu.vector_load %arg24[%swap3A_201] {strides = array<i32>} : memref<2048xi32, #tpu.memory_space<vmem>>, vector<16xi32>,
    tpu.vector_store %arg24[%swap3A_201], %broadcast_in_dim3A_23 {strides = array<i32>} : memref<2048xi32, #tpu.memory_space<vmem>>, vector<16xi32>,
    %swap3A_203 = arith.constant 672 : index
    %swap3A_204 = tpu.vector_load %arg24[%swap3A_203] {strides = array<i32>} : memref<2048xi32, #tpu.memory_space<vmem>>, vector<16xi32>,
    tpu.vector_store %arg24[%swap3A_203], %broadcast_in_dim3A_23 {strides = array<i32>} : memref<2048xi32, #tpu.memory_space<vmem>>, vector<16xi32>,
    %swap3A_205 = arith.constant 688 : index
    %swap3A_206 = tpu.vector_load %arg24[%swap3A_205] {strides = array<i32>} : memref<2048xi32, #tpu.memory_space<vmem>>, vector<16xi32>,
    tpu.vector_store %arg24[%swap3A_205], %broadcast_in_dim3A_23 {strides = array<i32>} : memref<2048xi32, #tpu.memory_space<vmem>>, vector<16xi32>,
    %swap3A_207 = arith.constant 704 : index
    %swap3A_208 = tpu.vector_load %arg24[%swap3A_207] {strides = array<i32>} : memref<2048xi32, #tpu.memory_space<vmem>>, vector<16xi32>,
    tpu.vector_store %arg24[%swap3A_207], %broadcast_in_dim3A_23 {strides = array<i32>} : memref<2048xi32, #tpu.memory_space<vmem>>, vector<16xi32>,
    %swap3A_209 = arith.constant 720 : index
    %swap3A_210 = tpu.vector_load %arg24[%swap3A_209] {strides = array<i32>} : memref<2048xi32, #tpu.memory_space<vmem>>, vector<16xi32>,
    tpu.vector_store %arg24[%swap3A_209], %broadcast_in_dim3A_23 {strides = array<i32>} : memref<2048xi32, #tpu.memory_space<vmem>>, vector<16xi32>,
    %swap3A_211 = arith.constant 736 : index
    %swap3A_212 = tpu.vector_load %arg24[%swap3A_211] {strides = array<i32>} : memref<2048xi32, #tpu.memory_space<vmem>>, vector<16xi32>,
    tpu.vector_store %arg24[%swap3A_211], %broadcast_in_dim3A_23 {strides = array<i32>} : memref<2048xi32, #tpu.memory_space<vmem>>, vector<16xi32>,
    %swap3A_213 = arith.constant 752 : index
    %swap3A_214 = tpu.vector_load %arg24[%swap3A_213] {strides = array<i32>} : memref<2048xi32, #tpu.memory_space<vmem>>, vector<16xi32>,
    tpu.vector_store %arg24[%swap3A_213], %broadcast_in_dim3A_23 {strides = array<i32>} : memref<2048xi32, #tpu.memory_space<vmem>>, vector<16xi32>,
    %swap3A_215 = arith.constant 768 : index
    %swap3A_216 = tpu.vector_load %arg24[%swap3A_215] {strides = array<i32>} : memref<2048xi32, #tpu.memory_space<vmem>>, vector<16xi32>,
    tpu.vector_store %arg24[%swap3A_215], %broadcast_in_dim3A_23 {strides = array<i32>} : memref<2048xi32, #tpu.memory_space<vmem>>, vector<16xi32>,
    %swap3A_217 = arith.constant 784 : index
    %swap3A_218 = tpu.vector_load %arg24[%swap3A_217] {strides = array<i32>} : memref<2048xi32, #tpu.memory_space<vmem>>, vector<16xi32>,
    tpu.vector_store %arg24[%swap3A_217], %broadcast_in_dim3A_23 {strides = array<i32>} : memref<2048xi32, #tpu.memory_space<vmem>>, vector<16xi32>,
    %swap3A_219 = arith.constant 800 : index
    %swap3A_220 = tpu.vector_load %arg24[%swap3A_219] {strides = array<i32>} : memref<2048xi32, #tpu.memory_space<vmem>>, vector<16xi32>,
    tpu.vector_store %arg24[%swap3A_219], %broadcast_in_dim3A_23 {strides = array<i32>} : memref<2048xi32, #tpu.memory_space<vmem>>, vector<16xi32>,
    %swap3A_221 = arith.constant 816 : index
    %swap3A_222 = tpu.vector_load %arg24[%swap3A_221] {strides = array<i32>} : memref<2048xi32, #tpu.memory_space<vmem>>, vector<16xi32>,
    tpu.vector_store %arg24[%swap3A_221], %broadcast_in_dim3A_23 {strides = array<i32>} : memref<2048xi32, #tpu.memory_space<vmem>>, vector<16xi32>,
    %swap3A_223 = arith.constant 832 : index
    %swap3A_224 = tpu.vector_load %arg24[%swap3A_223] {strides = array<i32>} : memref<2048xi32, #tpu.memory_space<vmem>>, vector<16xi32>,
    tpu.vector_store %arg24[%swap3A_223], %broadcast_in_dim3A_23 {strides = array<i32>} : memref<2048xi32, #tpu.memory_space<vmem>>, vector<16xi32>,
    %swap3A_225 = arith.constant 848 : index
    %swap3A_226 = tpu.vector_load %arg24[%swap3A_225] {strides = array<i32>} : memref<2048xi32, #tpu.memory_space<vmem>>, vector<16xi32>,
    tpu.vector_store %arg24[%swap3A_225], %broadcast_in_dim3A_23 {strides = array<i32>} : memref<2048xi32, #tpu.memory_space<vmem>>, vector<16xi32>,
    %swap3A_227 = arith.constant 864 : index
    %swap3A_228 = tpu.vector_load %arg24[%swap3A_227] {strides = array<i32>} : memref<2048xi32, #tpu.memory_space<vmem>>, vector<16xi32>,
    tpu.vector_store %arg24[%swap3A_227], %broadcast_in_dim3A_23 {strides = array<i32>} : memref<2048xi32, #tpu.memory_space<vmem>>, vector<16xi32>,
    %swap3A_229 = arith.constant 880 : index
    %swap3A_230 = tpu.vector_load %arg24[%swap3A_229] {strides = array<i32>} : memref<2048xi32, #tpu.memory_space<vmem>>, vector<16xi32>,
    tpu.vector_store %arg24[%swap3A_229], %broadcast_in_dim3A_23 {strides = array<i32>} : memref<2048xi32, #tpu.memory_space<vmem>>, vector<16xi32>,
    %swap3A_231 = arith.constant 896 : index
    %swap3A_232 = tpu.vector_load %arg24[%swap3A_231] {strides = array<i32>} : memref<2048xi32, #tpu.memory_space<vmem>>, vector<16xi32>,
    tpu.vector_store %arg24[%swap3A_231], %broadcast_in_dim3A_23 {strides = array<i32>} : memref<2048xi32, #tpu.memory_space<vmem>>, vector<16xi32>,
    %swap3A_233 = arith.constant 912 : index
    %swap3A_234 = tpu.vector_load %arg24[%swap3A_233] {strides = array<i32>} : memref<2048xi32, #tpu.memory_space<vmem>>, vector<16xi32>,
    tpu.vector_store %arg24[%swap3A_233], %broadcast_in_dim3A_23 {strides = array<i32>} : memref<2048xi32, #tpu.memory_space<vmem>>, vector<16xi32>,
    %swap3A_235 = arith.constant 928 : index
    %swap3A_236 = tpu.vector_load %arg24[%swap3A_235] {strides = array<i32>} : memref<2048xi32, #tpu.memory_space<vmem>>, vector<16xi32>,
    tpu.vector_store %arg24[%swap3A_235], %broadcast_in_dim3A_23 {strides = array<i32>} : memref<2048xi32, #tpu.memory_space<vmem>>, vector<16xi32>,
    %swap3A_237 = arith.constant 944 : index
    %swap3A_238 = tpu.vector_load %arg24[%swap3A_237] {strides = array<i32>} : memref<2048xi32, #tpu.memory_space<vmem>>, vector<16xi32>,
    tpu.vector_store %arg24[%swap3A_237], %broadcast_in_dim3A_23 {strides = array<i32>} : memref<2048xi32, #tpu.memory_space<vmem>>, vector<16xi32>,
    %swap3A_239 = arith.constant 960 : index
    %swap3A_240 = tpu.vector_load %arg24[%swap3A_239] {strides = array<i32>} : memref<2048xi32, #tpu.memory_space<vmem>>, vector<16xi32>,
    tpu.vector_store %arg24[%swap3A_239], %broadcast_in_dim3A_23 {strides = array<i32>} : memref<2048xi32, #tpu.memory_space<vmem>>, vector<16xi32>,
    %swap3A_241 = arith.constant 976 : index
    %swap3A_242 = tpu.vector_load %arg24[%swap3A_241] {strides = array<i32>} : memref<2048xi32, #tpu.memory_space<vmem>>, vector<16xi32>,
    tpu.vector_store %arg24[%swap3A_241], %broadcast_in_dim3A_23 {strides = array<i32>} : memref<2048xi32, #tpu.memory_space<vmem>>, vector<16xi32>,
    %swap3A_243 = arith.constant 992 : index
    %swap3A_244 = tpu.vector_load %arg24[%swap3A_243] {strides = array<i32>} : memref<2048xi32, #tpu.memory_space<vmem>>, vector<16xi32>,
    tpu.vector_store %arg24[%swap3A_243], %broadcast_in_dim3A_23 {strides = array<i32>} : memref<2048xi32, #tpu.memory_space<vmem>>, vector<16xi32>,
    %swap3A_245 = arith.constant 1008 : index
    %swap3A_246 = tpu.vector_load %arg24[%swap3A_245] {strides = array<i32>} : memref<2048xi32, #tpu.memory_space<vmem>>, vector<16xi32>,
    tpu.vector_store %arg24[%swap3A_245], %broadcast_in_dim3A_23 {strides = array<i32>} : memref<2048xi32, #tpu.memory_space<vmem>>, vector<16xi32>,
    %swap3A_247 = arith.constant 1024 : index
    %swap3A_248 = tpu.vector_load %arg24[%swap3A_247] {strides = array<i32>} : memref<2048xi32, #tpu.memory_space<vmem>>, vector<16xi32>,
    tpu.vector_store %arg24[%swap3A_247], %broadcast_in_dim3A_23 {strides = array<i32>} : memref<2048xi32, #tpu.memory_space<vmem>>, vector<16xi32>,
    %swap3A_249 = arith.constant 1040 : index
    %swap3A_250 = tpu.vector_load %arg24[%swap3A_249] {strides = array<i32>} : memref<2048xi32, #tpu.memory_space<vmem>>, vector<16xi32>,
    tpu.vector_store %arg24[%swap3A_249], %broadcast_in_dim3A_23 {strides = array<i32>} : memref<2048xi32, #tpu.memory_space<vmem>>, vector<16xi32>,
    %swap3A_251 = arith.constant 1056 : index
    %swap3A_252 = tpu.vector_load %arg24[%swap3A_251] {strides = array<i32>} : memref<2048xi32, #tpu.memory_space<vmem>>, vector<16xi32>,
    tpu.vector_store %arg24[%swap3A_251], %broadcast_in_dim3A_23 {strides = array<i32>} : memref<2048xi32, #tpu.memory_space<vmem>>, vector<16xi32>,
    %swap3A_253 = arith.constant 1072 : index
    %swap3A_254 = tpu.vector_load %arg24[%swap3A_253] {strides = array<i32>} : memref<2048xi32, #tpu.memory_space<vmem>>, vector<16xi32>,
    tpu.vector_store %arg24[%swap3A_253], %broadcast_in_dim3A_23 {strides = array<i32>} : memref<2048xi32, #tpu.memory_space<vmem>>, vector<16xi32>,
    %swap3A_255 = arith.constant 1088 : index
    %swap3A_256 = tpu.vector_load %arg24[%swap3A_255] {strides = array<i32>} : memref<2048xi32, #tpu.memory_space<vmem>>, vector<16xi32>,
    tpu.vector_store %arg24[%swap3A_255], %broadcast_in_dim3A_23 {strides = array<i32>} : memref<2048xi32, #tpu.memory_space<vmem>>, vector<16xi32>,
    %swap3A_257 = arith.constant 1104 : index
    %swap3A_258 = tpu.vector_load %arg24[%swap3A_257] {strides = array<i32>} : memref<2048xi32, #tpu.memory_space<vmem>>, vector<16xi32>,
    tpu.vector_store %arg24[%swap3A_257], %broadcast_in_dim3A_23 {strides = array<i32>} : memref<2048xi32, #tpu.memory_space<vmem>>, vector<16xi32>,
    %swap3A_259 = arith.constant 1120 : index
    %swap3A_260 = tpu.vector_load %arg24[%swap3A_259] {strides = array<i32>} : memref<2048xi32, #tpu.memory_space<vmem>>, vector<16xi32>,
    tpu.vector_store %arg24[%swap3A_259], %broadcast_in_dim3A_23 {strides = array<i32>} : memref<2048xi32, #tpu.memory_space<vmem>>, vector<16xi32>,
    %swap3A_261 = arith.constant 1136 : index
    %swap3A_262 = tpu.vector_load %arg24[%swap3A_261] {strides = array<i32>} : memref<2048xi32, #tpu.memory_space<vmem>>, vector<16xi32>,
    tpu.vector_store %arg24[%swap3A_261], %broadcast_in_dim3A_23 {strides = array<i32>} : memref<2048xi32, #tpu.memory_space<vmem>>, vector<16xi32>,
    %swap3A_263 = arith.constant 1152 : index
    %swap3A_264 = tpu.vector_load %arg24[%swap3A_263] {strides = array<i32>} : memref<2048xi32, #tpu.memory_space<vmem>>, vector<16xi32>,
    tpu.vector_store %arg24[%swap3A_263], %broadcast_in_dim3A_23 {strides = array<i32>} : memref<2048xi32, #tpu.memory_space<vmem>>, vector<16xi32>,
    %swap3A_265 = arith.constant 1168 : index
    %swap3A_266 = tpu.vector_load %arg24[%swap3A_265] {strides = array<i32>} : memref<2048xi32, #tpu.memory_space<vmem>>, vector<16xi32>,
    tpu.vector_store %arg24[%swap3A_265], %broadcast_in_dim3A_23 {strides = array<i32>} : memref<2048xi32, #tpu.memory_space<vmem>>, vector<16xi32>,
    %swap3A_267 = arith.constant 1184 : index
    %swap3A_268 = tpu.vector_load %arg24[%swap3A_267] {strides = array<i32>} : memref<2048xi32, #tpu.memory_space<vmem>>, vector<16xi32>,
    tpu.vector_store %arg24[%swap3A_267], %broadcast_in_dim3A_23 {strides = array<i32>} : memref<2048xi32, #tpu.memory_space<vmem>>, vector<16xi32>,
    %swap3A_269 = arith.constant 1200 : index
    %swap3A_270 = tpu.vector_load %arg24[%swap3A_269] {strides = array<i32>} : memref<2048xi32, #tpu.memory_space<vmem>>, vector<16xi32>,
    tpu.vector_store %arg24[%swap3A_269], %broadcast_in_dim3A_23 {strides = array<i32>} : memref<2048xi32, #tpu.memory_space<vmem>>, vector<16xi32>,
    %swap3A_271 = arith.constant 1216 : index
    %swap3A_272 = tpu.vector_load %arg24[%swap3A_271] {strides = array<i32>} : memref<2048xi32, #tpu.memory_space<vmem>>, vector<16xi32>,
    tpu.vector_store %arg24[%swap3A_271], %broadcast_in_dim3A_23 {strides = array<i32>} : memref<2048xi32, #tpu.memory_space<vmem>>, vector<16xi32>,
    %swap3A_273 = arith.constant 1232 : index
    %swap3A_274 = tpu.vector_load %arg24[%swap3A_273] {strides = array<i32>} : memref<2048xi32, #tpu.memory_space<vmem>>, vector<16xi32>,
    tpu.vector_store %arg24[%swap3A_273], %broadcast_in_dim3A_23 {strides = array<i32>} : memref<2048xi32, #tpu.memory_space<vmem>>, vector<16xi32>,
    %swap3A_275 = arith.constant 1248 : index
    %swap3A_276 = tpu.vector_load %arg24[%swap3A_275] {strides = array<i32>} : memref<2048xi32, #tpu.memory_space<vmem>>, vector<16xi32>,
    tpu.vector_store %arg24[%swap3A_275], %broadcast_in_dim3A_23 {strides = array<i32>} : memref<2048xi32, #tpu.memory_space<vmem>>, vector<16xi32>,
    %swap3A_277 = arith.constant 1264 : index
    %swap3A_278 = tpu.vector_load %arg24[%swap3A_277] {strides = array<i32>} : memref<2048xi32, #tpu.memory_space<vmem>>, vector<16xi32>,
    tpu.vector_store %arg24[%swap3A_277], %broadcast_in_dim3A_23 {strides = array<i32>} : memref<2048xi32, #tpu.memory_space<vmem>>, vector<16xi32>,
    %swap3A_279 = arith.constant 1280 : index
    %swap3A_280 = tpu.vector_load %arg24[%swap3A_279] {strides = array<i32>} : memref<2048xi32, #tpu.memory_space<vmem>>, vector<16xi32>,
    tpu.vector_store %arg24[%swap3A_279], %broadcast_in_dim3A_23 {strides = array<i32>} : memref<2048xi32, #tpu.memory_space<vmem>>, vector<16xi32>,
    %swap3A_281 = arith.constant 1296 : index
    %swap3A_282 = tpu.vector_load %arg24[%swap3A_281] {strides = array<i32>} : memref<2048xi32, #tpu.memory_space<vmem>>, vector<16xi32>,
    tpu.vector_store %arg24[%swap3A_281], %broadcast_in_dim3A_23 {strides = array<i32>} : memref<2048xi32, #tpu.memory_space<vmem>>, vector<16xi32>,
    %swap3A_283 = arith.constant 1312 : index
    %swap3A_284 = tpu.vector_load %arg24[%swap3A_283] {strides = array<i32>} : memref<2048xi32, #tpu.memory_space<vmem>>, vector<16xi32>,
    tpu.vector_store %arg24[%swap3A_283], %broadcast_in_dim3A_23 {strides = array<i32>} : memref<2048xi32, #tpu.memory_space<vmem>>, vector<16xi32>,
    %swap3A_285 = arith.constant 1328 : index
    %swap3A_286 = tpu.vector_load %arg24[%swap3A_285] {strides = array<i32>} : memref<2048xi32, #tpu.memory_space<vmem>>, vector<16xi32>,
    tpu.vector_store %arg24[%swap3A_285], %broadcast_in_dim3A_23 {strides = array<i32>} : memref<2048xi32, #tpu.memory_space<vmem>>, vector<16xi32>,
    %swap3A_287 = arith.constant 1344 : index
    %swap3A_288 = tpu.vector_load %arg24[%swap3A_287] {strides = array<i32>} : memref<2048xi32, #tpu.memory_space<vmem>>, vector<16xi32>,
    tpu.vector_store %arg24[%swap3A_287], %broadcast_in_dim3A_23 {strides = array<i32>} : memref<2048xi32, #tpu.memory_space<vmem>>, vector<16xi32>,
    %swap3A_289 = arith.constant 1360 : index
    %swap3A_290 = tpu.vector_load %arg24[%swap3A_289] {strides = array<i32>} : memref<2048xi32, #tpu.memory_space<vmem>>, vector<16xi32>,
    tpu.vector_store %arg24[%swap3A_289], %broadcast_in_dim3A_23 {strides = array<i32>} : memref<2048xi32, #tpu.memory_space<vmem>>, vector<16xi32>,
    %swap3A_291 = arith.constant 1376 : index
    %swap3A_292 = tpu.vector_load %arg24[%swap3A_291] {strides = array<i32>} : memref<2048xi32, #tpu.memory_space<vmem>>, vector<16xi32>,
    tpu.vector_store %arg24[%swap3A_291], %broadcast_in_dim3A_23 {strides = array<i32>} : memref<2048xi32, #tpu.memory_space<vmem>>, vector<16xi32>,
    %swap3A_293 = arith.constant 1392 : index
    %swap3A_294 = tpu.vector_load %arg24[%swap3A_293] {strides = array<i32>} : memref<2048xi32, #tpu.memory_space<vmem>>, vector<16xi32>,
    tpu.vector_store %arg24[%swap3A_293], %broadcast_in_dim3A_23 {strides = array<i32>} : memref<2048xi32, #tpu.memory_space<vmem>>, vector<16xi32>,
    %swap3A_295 = arith.constant 1408 : index
    %swap3A_296 = tpu.vector_load %arg24[%swap3A_295] {strides = array<i32>} : memref<2048xi32, #tpu.memory_space<vmem>>, vector<16xi32>,
    tpu.vector_store %arg24[%swap3A_295], %broadcast_in_dim3A_23 {strides = array<i32>} : memref<2048xi32, #tpu.memory_space<vmem>>, vector<16xi32>,
    %swap3A_297 = arith.constant 1424 : index
    %swap3A_298 = tpu.vector_load %arg24[%swap3A_297] {strides = array<i32>} : memref<2048xi32, #tpu.memory_space<vmem>>, vector<16xi32>,
    tpu.vector_store %arg24[%swap3A_297], %broadcast_in_dim3A_23 {strides = array<i32>} : memref<2048xi32, #tpu.memory_space<vmem>>, vector<16xi32>,
    %swap3A_299 = arith.constant 1440 : index
    %swap3A_300 = tpu.vector_load %arg24[%swap3A_299] {strides = array<i32>} : memref<2048xi32, #tpu.memory_space<vmem>>, vector<16xi32>,
    tpu.vector_store %arg24[%swap3A_299], %broadcast_in_dim3A_23 {strides = array<i32>} : memref<2048xi32, #tpu.memory_space<vmem>>, vector<16xi32>,
    %swap3A_301 = arith.constant 1456 : index
    %swap3A_302 = tpu.vector_load %arg24[%swap3A_301] {strides = array<i32>} : memref<2048xi32, #tpu.memory_space<vmem>>, vector<16xi32>,
    tpu.vector_store %arg24[%swap3A_301], %broadcast_in_dim3A_23 {strides = array<i32>} : memref<2048xi32, #tpu.memory_space<vmem>>, vector<16xi32>,
    %swap3A_303 = arith.constant 1472 : index
    %swap3A_304 = tpu.vector_load %arg24[%swap3A_303] {strides = array<i32>} : memref<2048xi32, #tpu.memory_space<vmem>>, vector<16xi32>,
    tpu.vector_store %arg24[%swap3A_303], %broadcast_in_dim3A_23 {strides = array<i32>} : memref<2048xi32, #tpu.memory_space<vmem>>, vector<16xi32>,
    %swap3A_305 = arith.constant 1488 : index
    %swap3A_306 = tpu.vector_load %arg24[%swap3A_305] {strides = array<i32>} : memref<2048xi32, #tpu.memory_space<vmem>>, vector<16xi32>,
    tpu.vector_store %arg24[%swap3A_305], %broadcast_in_dim3A_23 {strides = array<i32>} : memref<2048xi32, #tpu.memory_space<vmem>>, vector<16xi32>,
    %swap3A_307 = arith.constant 1504 : index
    %swap3A_308 = tpu.vector_load %arg24[%swap3A_307] {strides = array<i32>} : memref<2048xi32, #tpu.memory_space<vmem>>, vector<16xi32>,
    tpu.vector_store %arg24[%swap3A_307], %broadcast_in_dim3A_23 {strides = array<i32>} : memref<2048xi32, #tpu.memory_space<vmem>>, vector<16xi32>,
    %swap3A_309 = arith.constant 1520 : index
    %swap3A_310 = tpu.vector_load %arg24[%swap3A_309] {strides = array<i32>} : memref<2048xi32, #tpu.memory_space<vmem>>, vector<16xi32>,
    tpu.vector_store %arg24[%swap3A_309], %broadcast_in_dim3A_23 {strides = array<i32>} : memref<2048xi32, #tpu.memory_space<vmem>>, vector<16xi32>,
    %swap3A_311 = arith.constant 1536 : index
    %swap3A_312 = tpu.vector_load %arg24[%swap3A_311] {strides = array<i32>} : memref<2048xi32, #tpu.memory_space<vmem>>, vector<16xi32>,
    tpu.vector_store %arg24[%swap3A_311], %broadcast_in_dim3A_23 {strides = array<i32>} : memref<2048xi32, #tpu.memory_space<vmem>>, vector<16xi32>,
    %swap3A_313 = arith.constant 1552 : index
    %swap3A_314 = tpu.vector_load %arg24[%swap3A_313] {strides = array<i32>} : memref<2048xi32, #tpu.memory_space<vmem>>, vector<16xi32>,
    tpu.vector_store %arg24[%swap3A_313], %broadcast_in_dim3A_23 {strides = array<i32>} : memref<2048xi32, #tpu.memory_space<vmem>>, vector<16xi32>,
    %swap3A_315 = arith.constant 1568 : index
    %swap3A_316 = tpu.vector_load %arg24[%swap3A_315] {strides = array<i32>} : memref<2048xi32, #tpu.memory_space<vmem>>, vector<16xi32>,
    tpu.vector_store %arg24[%swap3A_315], %broadcast_in_dim3A_23 {strides = array<i32>} : memref<2048xi32, #tpu.memory_space<vmem>>, vector<16xi32>,
    %swap3A_317 = arith.constant 1584 : index
    %swap3A_318 = tpu.vector_load %arg24[%swap3A_317] {strides = array<i32>} : memref<2048xi32, #tpu.memory_space<vmem>>, vector<16xi32>,
    tpu.vector_store %arg24[%swap3A_317], %broadcast_in_dim3A_23 {strides = array<i32>} : memref<2048xi32, #tpu.memory_space<vmem>>, vector<16xi32>,
    %swap3A_319 = arith.constant 1600 : index
    %swap3A_320 = tpu.vector_load %arg24[%swap3A_319] {strides = array<i32>} : memref<2048xi32, #tpu.memory_space<vmem>>, vector<16xi32>,
    tpu.vector_store %arg24[%swap3A_319], %broadcast_in_dim3A_23 {strides = array<i32>} : memref<2048xi32, #tpu.memory_space<vmem>>, vector<16xi32>,
    %swap3A_321 = arith.constant 1616 : index
    %swap3A_322 = tpu.vector_load %arg24[%swap3A_321] {strides = array<i32>} : memref<2048xi32, #tpu.memory_space<vmem>>, vector<16xi32>,
    tpu.vector_store %arg24[%swap3A_321], %broadcast_in_dim3A_23 {strides = array<i32>} : memref<2048xi32, #tpu.memory_space<vmem>>, vector<16xi32>,
    %swap3A_323 = arith.constant 1632 : index
    %swap3A_324 = tpu.vector_load %arg24[%swap3A_323] {strides = array<i32>} : memref<2048xi32, #tpu.memory_space<vmem>>, vector<16xi32>,
    tpu.vector_store %arg24[%swap3A_323], %broadcast_in_dim3A_23 {strides = array<i32>} : memref<2048xi32, #tpu.memory_space<vmem>>, vector<16xi32>,
    %swap3A_325 = arith.constant 1648 : index
    %swap3A_326 = tpu.vector_load %arg24[%swap3A_325] {strides = array<i32>} : memref<2048xi32, #tpu.memory_space<vmem>>, vector<16xi32>,
    tpu.vector_store %arg24[%swap3A_325], %broadcast_in_dim3A_23 {strides = array<i32>} : memref<2048xi32, #tpu.memory_space<vmem>>, vector<16xi32>,
    %swap3A_327 = arith.constant 1664 : index
    %swap3A_328 = tpu.vector_load %arg24[%swap3A_327] {strides = array<i32>} : memref<2048xi32, #tpu.memory_space<vmem>>, vector<16xi32>,
    tpu.vector_store %arg24[%swap3A_327], %broadcast_in_dim3A_23 {strides = array<i32>} : memref<2048xi32, #tpu.memory_space<vmem>>, vector<16xi32>,
    %swap3A_329 = arith.constant 1680 : index
    %swap3A_330 = tpu.vector_load %arg24[%swap3A_329] {strides = array<i32>} : memref<2048xi32, #tpu.memory_space<vmem>>, vector<16xi32>,
    tpu.vector_store %arg24[%swap3A_329], %broadcast_in_dim3A_23 {strides = array<i32>} : memref<2048xi32, #tpu.memory_space<vmem>>, vector<16xi32>,
    %swap3A_331 = arith.constant 1696 : index
    %swap3A_332 = tpu.vector_load %arg24[%swap3A_331] {strides = array<i32>} : memref<2048xi32, #tpu.memory_space<vmem>>, vector<16xi32>,
    tpu.vector_store %arg24[%swap3A_331], %broadcast_in_dim3A_23 {strides = array<i32>} : memref<2048xi32, #tpu.memory_space<vmem>>, vector<16xi32>,
    %swap3A_333 = arith.constant 1712 : index
    %swap3A_334 = tpu.vector_load %arg24[%swap3A_333] {strides = array<i32>} : memref<2048xi32, #tpu.memory_space<vmem>>, vector<16xi32>,
    tpu.vector_store %arg24[%swap3A_333], %broadcast_in_dim3A_23 {strides = array<i32>} : memref<2048xi32, #tpu.memory_space<vmem>>, vector<16xi32>,
    %swap3A_335 = arith.constant 1728 : index
    %swap3A_336 = tpu.vector_load %arg24[%swap3A_335] {strides = array<i32>} : memref<2048xi32, #tpu.memory_space<vmem>>, vector<16xi32>,
    tpu.vector_store %arg24[%swap3A_335], %broadcast_in_dim3A_23 {strides = array<i32>} : memref<2048xi32, #tpu.memory_space<vmem>>, vector<16xi32>,
    %swap3A_337 = arith.constant 1744 : index
    %swap3A_338 = tpu.vector_load %arg24[%swap3A_337] {strides = array<i32>} : memref<2048xi32, #tpu.memory_space<vmem>>, vector<16xi32>,
    tpu.vector_store %arg24[%swap3A_337], %broadcast_in_dim3A_23 {strides = array<i32>} : memref<2048xi32, #tpu.memory_space<vmem>>, vector<16xi32>,
    %swap3A_339 = arith.constant 1760 : index
    %swap3A_340 = tpu.vector_load %arg24[%swap3A_339] {strides = array<i32>} : memref<2048xi32, #tpu.memory_space<vmem>>, vector<16xi32>,
    tpu.vector_store %arg24[%swap3A_339], %broadcast_in_dim3A_23 {strides = array<i32>} : memref<2048xi32, #tpu.memory_space<vmem>>, vector<16xi32>,
    %swap3A_341 = arith.constant 1776 : index
    %swap3A_342 = tpu.vector_load %arg24[%swap3A_341] {strides = array<i32>} : memref<2048xi32, #tpu.memory_space<vmem>>, vector<16xi32>,
    tpu.vector_store %arg24[%swap3A_341], %broadcast_in_dim3A_23 {strides = array<i32>} : memref<2048xi32, #tpu.memory_space<vmem>>, vector<16xi32>,
    %swap3A_343 = arith.constant 1792 : index
    %swap3A_344 = tpu.vector_load %arg24[%swap3A_343] {strides = array<i32>} : memref<2048xi32, #tpu.memory_space<vmem>>, vector<16xi32>,
    tpu.vector_store %arg24[%swap3A_343], %broadcast_in_dim3A_23 {strides = array<i32>} : memref<2048xi32, #tpu.memory_space<vmem>>, vector<16xi32>,
    %swap3A_345 = arith.constant 1808 : index
    %swap3A_346 = tpu.vector_load %arg24[%swap3A_345] {strides = array<i32>} : memref<2048xi32, #tpu.memory_space<vmem>>, vector<16xi32>,
    tpu.vector_store %arg24[%swap3A_345], %broadcast_in_dim3A_23 {strides = array<i32>} : memref<2048xi32, #tpu.memory_space<vmem>>, vector<16xi32>,
    %swap3A_347 = arith.constant 1824 : index
    %swap3A_348 = tpu.vector_load %arg24[%swap3A_347] {strides = array<i32>} : memref<2048xi32, #tpu.memory_space<vmem>>, vector<16xi32>,
    tpu.vector_store %arg24[%swap3A_347], %broadcast_in_dim3A_23 {strides = array<i32>} : memref<2048xi32, #tpu.memory_space<vmem>>, vector<16xi32>,
    %swap3A_349 = arith.constant 1840 : index
    %swap3A_350 = tpu.vector_load %arg24[%swap3A_349] {strides = array<i32>} : memref<2048xi32, #tpu.memory_space<vmem>>, vector<16xi32>,
    tpu.vector_store %arg24[%swap3A_349], %broadcast_in_dim3A_23 {strides = array<i32>} : memref<2048xi32, #tpu.memory_space<vmem>>, vector<16xi32>,
    %swap3A_351 = arith.constant 1856 : index
    %swap3A_352 = tpu.vector_load %arg24[%swap3A_351] {strides = array<i32>} : memref<2048xi32, #tpu.memory_space<vmem>>, vector<16xi32>,
    tpu.vector_store %arg24[%swap3A_351], %broadcast_in_dim3A_23 {strides = array<i32>} : memref<2048xi32, #tpu.memory_space<vmem>>, vector<16xi32>,
    %swap3A_353 = arith.constant 1872 : index
    %swap3A_354 = tpu.vector_load %arg24[%swap3A_353] {strides = array<i32>} : memref<2048xi32, #tpu.memory_space<vmem>>, vector<16xi32>,
    tpu.vector_store %arg24[%swap3A_353], %broadcast_in_dim3A_23 {strides = array<i32>} : memref<2048xi32, #tpu.memory_space<vmem>>, vector<16xi32>,
    %swap3A_355 = arith.constant 1888 : index
    %swap3A_356 = tpu.vector_load %arg24[%swap3A_355] {strides = array<i32>} : memref<2048xi32, #tpu.memory_space<vmem>>, vector<16xi32>,
    tpu.vector_store %arg24[%swap3A_355], %broadcast_in_dim3A_23 {strides = array<i32>} : memref<2048xi32, #tpu.memory_space<vmem>>, vector<16xi32>,
    %swap3A_357 = arith.constant 1904 : index
    %swap3A_358 = tpu.vector_load %arg24[%swap3A_357] {strides = array<i32>} : memref<2048xi32, #tpu.memory_space<vmem>>, vector<16xi32>,
    tpu.vector_store %arg24[%swap3A_357], %broadcast_in_dim3A_23 {strides = array<i32>} : memref<2048xi32, #tpu.memory_space<vmem>>, vector<16xi32>,
    %swap3A_359 = arith.constant 1920 : index
    %swap3A_360 = tpu.vector_load %arg24[%swap3A_359] {strides = array<i32>} : memref<2048xi32, #tpu.memory_space<vmem>>, vector<16xi32>,
    tpu.vector_store %arg24[%swap3A_359], %broadcast_in_dim3A_23 {strides = array<i32>} : memref<2048xi32, #tpu.memory_space<vmem>>, vector<16xi32>,
    %swap3A_361 = arith.constant 1936 : index
    %swap3A_362 = tpu.vector_load %arg24[%swap3A_361] {strides = array<i32>} : memref<2048xi32, #tpu.memory_space<vmem>>, vector<16xi32>,
    tpu.vector_store %arg24[%swap3A_361], %broadcast_in_dim3A_23 {strides = array<i32>} : memref<2048xi32, #tpu.memory_space<vmem>>, vector<16xi32>,
    %swap3A_363 = arith.constant 1952 : index
    %swap3A_364 = tpu.vector_load %arg24[%swap3A_363] {strides = array<i32>} : memref<2048xi32, #tpu.memory_space<vmem>>, vector<16xi32>,
    tpu.vector_store %arg24[%swap3A_363], %broadcast_in_dim3A_23 {strides = array<i32>} : memref<2048xi32, #tpu.memory_space<vmem>>, vector<16xi32>,
    %swap3A_365 = arith.constant 1968 : index
    %swap3A_366 = tpu.vector_load %arg24[%swap3A_365] {strides = array<i32>} : memref<2048xi32, #tpu.memory_space<vmem>>, vector<16xi32>,
    tpu.vector_store %arg24[%swap3A_365], %broadcast_in_dim3A_23 {strides = array<i32>} : memref<2048xi32, #tpu.memory_space<vmem>>, vector<16xi32>,
    %swap3A_367 = arith.constant 1984 : index
    %swap3A_368 = tpu.vector_load %arg24[%swap3A_367] {strides = array<i32>} : memref<2048xi32, #tpu.memory_space<vmem>>, vector<16xi32>,
    tpu.vector_store %arg24[%swap3A_367], %broadcast_in_dim3A_23 {strides = array<i32>} : memref<2048xi32, #tpu.memory_space<vmem>>, vector<16xi32>,
    %swap3A_369 = arith.constant 2000 : index
    %swap3A_370 = tpu.vector_load %arg24[%swap3A_369] {strides = array<i32>} : memref<2048xi32, #tpu.memory_space<vmem>>, vector<16xi32>,
    tpu.vector_store %arg24[%swap3A_369], %broadcast_in_dim3A_23 {strides = array<i32>} : memref<2048xi32, #tpu.memory_space<vmem>>, vector<16xi32>,
    %swap3A_371 = arith.constant 2016 : index
    %swap3A_372 = tpu.vector_load %arg24[%swap3A_371] {strides = array<i32>} : memref<2048xi32, #tpu.memory_space<vmem>>, vector<16xi32>,
    tpu.vector_store %arg24[%swap3A_371], %broadcast_in_dim3A_23 {strides = array<i32>} : memref<2048xi32, #tpu.memory_space<vmem>>, vector<16xi32>,
    %swap3A_373 = arith.constant 2032 : index
    %swap3A_374 = tpu.vector_load %arg24[%swap3A_373] {strides = array<i32>} : memref<2048xi32, #tpu.memory_space<vmem>>, vector<16xi32>,
    tpu.vector_store %arg24[%swap3A_373], %broadcast_in_dim3A_23 {strides = array<i32>} : memref<2048xi32, #tpu.memory_space<vmem>>, vector<16xi32>,
    %iota3A = tpu.iota {dimensions = array<i32: 0>} : vector<16xi32>
    %broadcast_in_dim3A_375 = arith.constant 0 : i32
    %broadcast_in_dim3A_376 = vector.broadcast %broadcast_in_dim3A_375 : i32 to vector<16xi32>
    %scan3A = arith.constant 0 : i32
    %scan3A_377 = arith.constant 0 : i32
    %scan3A_378 = arith.constant 16 : i32
    %scan3A_379 = arith.addi %scan3A_377, %scan3A_378 : i32
    %scan3A_380 = arith.constant 1 : i32
    %scan3A_381 = scf.for %scan3A_383 = %scan3A_377 to %scan3A_379 step %scan3A_380 iter_args(%scan3A_384 = %scan3A) -> (i32)  : i32 {
      %mul3A_385 = arith.constant 16 : i32
      %mul3A_386 = arith.muli %scan3A_383, %mul3A_385 : i32
      %get3A = arith.index_cast %mul3A_386 : i32 to index
      %get3A_387 = tpu.vector_load %arg19[%get3A] {strides = array<i32>} : memref<256xf32, #tpu.memory_space<vmem>>, vector<16xf32>,
      %mul3A_388 = arith.constant 16 : i32
      %mul3A_389 = arith.muli %scan3A_383, %mul3A_388 : i32
      %get3A_390 = arith.index_cast %mul3A_389 : i32 to index
      %get3A_391 = tpu.vector_load %arg20[%get3A_390] {strides = array<i32>} : memref<256xf32, #tpu.memory_space<vmem>>, vector<16xf32>,
      %mul3A_392 = arith.constant 16 : i32
      %mul3A_393 = arith.muli %scan3A_383, %mul3A_392 : i32
      %get3A_394 = arith.index_cast %mul3A_393 : i32 to index
      %get3A_395 = tpu.vector_load %arg21[%get3A_394] {strides = array<i32>} : memref<256xf32, #tpu.memory_space<vmem>>, vector<16xf32>,
      %broadcast_in_dim3A_396 = arith.constant 0 : i32
      %broadcast_in_dim3A_397 = vector.broadcast %broadcast_in_dim3A_396 : i32 to vector<16xi32>
      %scan3A_398 = arith.constant 0 : i32
      %scan3A_399 = arith.constant 4096 : i32
      %scan3A_400 = arith.addi %scan3A_398, %scan3A_399 : i32
      %scan3A_401 = arith.constant 1 : i32
      %scan3A_402:3 = scf.for %scan3A_450 = %scan3A_398 to %scan3A_400 step %scan3A_401 iter_args(%scan3A_451 = %broadcast_in_dim3A_397, %scan3A_452 = %broadcast_in_dim3A_397, %scan3A_453 = %broadcast_in_dim3A_397) -> (vector<16xi32>, vector<16xi32>, vector<16xi32>)  : i32 {
        %broadcast_in_dim3A_454 = vector.broadcast %scan3A_450 : i32 to vector<16xi32>
        %gather3A = tpu.vector_load_idx %arg15[%broadcast_in_dim3A_454] : memref<4096xf32, #tpu.memory_space<vmem>>[vector<16xi32>], vector<16xf32>,
        %sub3A_455 = arith.subf %get3A_387, %gather3A : vector<16xf32>
        %gather3A_456 = tpu.vector_load_idx %arg16[%broadcast_in_dim3A_454] : memref<4096xf32, #tpu.memory_space<vmem>>[vector<16xi32>], vector<16xf32>,
        %sub3A_457 = arith.subf %get3A_391, %gather3A_456 : vector<16xf32>
        %gather3A_458 = tpu.vector_load_idx %arg17[%broadcast_in_dim3A_454] : memref<4096xf32, #tpu.memory_space<vmem>>[vector<16xi32>], vector<16xf32>,
        %sub3A_459 = arith.subf %get3A_395, %gather3A_458 : vector<16xf32>
        %mul3A_460 = arith.mulf %sub3A_455, %sub3A_455 : vector<16xf32>
        %mul3A_461 = arith.mulf %sub3A_457, %sub3A_457 : vector<16xf32>
        %add3A_462 = arith.addf %mul3A_460, %mul3A_461 : vector<16xf32>
        %mul3A_463 = arith.mulf %sub3A_459, %sub3A_459 : vector<16xf32>
        %add3A_464 = arith.addf %add3A_462, %mul3A_463 : vector<16xf32>
        %le3A = arith.constant 0.00999999977 : f32
        %le3A_465 = vector.broadcast %le3A : f32 to vector<16xf32>
        %le3A_466 = arith.cmpf ole, %add3A_464, %le3A_465 : vector<16xf32>
        %lt3A = arith.constant 16 : i32
        %lt3A_467 = vector.broadcast %lt3A : i32 to vector<16xi32>
        %lt3A_468 = arith.cmpi slt, %scan3A_451, %lt3A_467 : vector<16xi32>
        %and3A_469 = arith.andi %le3A_466, %lt3A_468 : vector<16xi1>
        %le3A_470 = arith.constant 4.000000e-02 : f32
        %le3A_471 = vector.broadcast %le3A_470 : f32 to vector<16xf32>
        %le3A_472 = arith.cmpf ole, %add3A_464, %le3A_471 : vector<16xf32>
        %lt3A_473 = arith.constant 32 : i32
        %lt3A_474 = vector.broadcast %lt3A_473 : i32 to vector<16xi32>
        %lt3A_475 = arith.cmpi slt, %scan3A_452, %lt3A_474 : vector<16xi32>
        %and3A_476 = arith.andi %le3A_472, %lt3A_475 : vector<16xi1>
        %le3A_477 = arith.constant 1.600000e-01 : f32
        %le3A_478 = vector.broadcast %le3A_477 : f32 to vector<16xf32>
        %le3A_479 = arith.cmpf ole, %add3A_464, %le3A_478 : vector<16xf32>
        %lt3A_480 = arith.constant 128 : i32
        %lt3A_481 = vector.broadcast %lt3A_480 : i32 to vector<16xi32>
        %lt3A_482 = arith.cmpi slt, %scan3A_453, %lt3A_481 : vector<16xi32>
        %and3A_483 = arith.andi %le3A_479, %lt3A_482 : vector<16xi1>
        %mul3A_484 = arith.constant 16 : i32
        %mul3A_485 = vector.broadcast %mul3A_484 : i32 to vector<16xi32>
        %mul3A_486 = arith.muli %iota3A, %mul3A_485 : vector<16xi32>
        %min3A = arith.constant 15 : i32
        %min3A_487 = vector.broadcast %min3A : i32 to vector<16xi32>
        %min3A_488 = arith.minsi %scan3A_451, %min3A_487 : vector<16xi32>
        %add3A_489 = arith.addi %mul3A_486, %min3A_488 : vector<16xi32>
        tpu.vector_store_idx %arg22[%add3A_489], %broadcast_in_dim3A_454 masked %and3A_469 : memref<256xi32, #tpu.memory_space<vmem>>[vector<16xi32>], vector<16xi32>, vector<16xi1>
        %mul3A_490 = arith.constant 32 : i32
        %mul3A_491 = vector.broadcast %mul3A_490 : i32 to vector<16xi32>
        %mul3A_492 = arith.muli %iota3A, %mul3A_491 : vector<16xi32>
        %min3A_493 = arith.constant 31 : i32
        %min3A_494 = vector.broadcast %min3A_493 : i32 to vector<16xi32>
        %min3A_495 = arith.minsi %scan3A_452, %min3A_494 : vector<16xi32>
        %add3A_496 = arith.addi %mul3A_492, %min3A_495 : vector<16xi32>
        tpu.vector_store_idx %arg23[%add3A_496], %broadcast_in_dim3A_454 masked %and3A_476 : memref<512xi32, #tpu.memory_space<vmem>>[vector<16xi32>], vector<16xi32>, vector<16xi1>
        %mul3A_497 = arith.constant 128 : i32
        %mul3A_498 = vector.broadcast %mul3A_497 : i32 to vector<16xi32>
        %mul3A_499 = arith.muli %iota3A, %mul3A_498 : vector<16xi32>
        %min3A_500 = arith.constant 127 : i32
        %min3A_501 = vector.broadcast %min3A_500 : i32 to vector<16xi32>
        %min3A_502 = arith.minsi %scan3A_453, %min3A_501 : vector<16xi32>
        %add3A_503 = arith.addi %mul3A_499, %min3A_502 : vector<16xi32>
        tpu.vector_store_idx %arg24[%add3A_503], %broadcast_in_dim3A_454 masked %and3A_483 : memref<2048xi32, #tpu.memory_space<vmem>>[vector<16xi32>], vector<16xi32>, vector<16xi1>
        %convert_element_type3A = arith.extui %and3A_469 : vector<16xi1> to vector<16xi32>
        %add3A_504 = arith.addi %scan3A_451, %convert_element_type3A : vector<16xi32>
        %convert_element_type3A_505 = arith.extui %and3A_476 : vector<16xi1> to vector<16xi32>
        %add3A_506 = arith.addi %scan3A_452, %convert_element_type3A_505 : vector<16xi32>
        %convert_element_type3A_507 = arith.extui %and3A_483 : vector<16xi1> to vector<16xi32>
        %add3A_508 = arith.addi %scan3A_453, %convert_element_type3A_507 : vector<16xi32>
        scf.yield %add3A_504, %add3A_506, %add3A_508 : vector<16xi32>, vector<16xi32>, vector<16xi32>
      }
      %scan3A_403 = arith.constant 4096 : i32
      %mul3A_404 = arith.constant 16 : i32
      %mul3A_405 = vector.broadcast %mul3A_404 : i32 to vector<16xi32>
      %mul3A_406 = arith.muli %iota3A, %mul3A_405 : vector<16xi32>
      %eq3A = arith.constant 0 : i32
      %eq3A_407 = vector.broadcast %eq3A : i32 to vector<16xi32>
      %eq3A_408 = arith.cmpi eq, %scan3A_402#0, %eq3A_407 : vector<16xi32>
      tpu.vector_store_idx %arg22[%mul3A_406], %broadcast_in_dim3A_376 masked %eq3A_408 : memref<256xi32, #tpu.memory_space<vmem>>[vector<16xi32>], vector<16xi32>, vector<16xi1>
      %mul3A_409 = arith.constant 32 : i32
      %mul3A_410 = vector.broadcast %mul3A_409 : i32 to vector<16xi32>
      %mul3A_411 = arith.muli %iota3A, %mul3A_410 : vector<16xi32>
      %eq3A_412 = arith.constant 0 : i32
      %eq3A_413 = vector.broadcast %eq3A_412 : i32 to vector<16xi32>
      %eq3A_414 = arith.cmpi eq, %scan3A_402#1, %eq3A_413 : vector<16xi32>
      tpu.vector_store_idx %arg23[%mul3A_411], %broadcast_in_dim3A_376 masked %eq3A_414 : memref<512xi32, #tpu.memory_space<vmem>>[vector<16xi32>], vector<16xi32>, vector<16xi1>
      %mul3A_415 = arith.constant 128 : i32
      %mul3A_416 = vector.broadcast %mul3A_415 : i32 to vector<16xi32>
      %mul3A_417 = arith.muli %iota3A, %mul3A_416 : vector<16xi32>
      %eq3A_418 = arith.constant 0 : i32
      %eq3A_419 = vector.broadcast %eq3A_418 : i32 to vector<16xi32>
      %eq3A_420 = arith.cmpi eq, %scan3A_402#2, %eq3A_419 : vector<16xi32>
      tpu.vector_store_idx %arg24[%mul3A_417], %broadcast_in_dim3A_376 masked %eq3A_420 : memref<2048xi32, #tpu.memory_space<vmem>>[vector<16xi32>], vector<16xi32>, vector<16xi1>
      %scan3A_421 = arith.constant 0 : i32
      %scan3A_422 = arith.constant 0 : i32
      %scan3A_423 = arith.constant 16 : i32
      %scan3A_424 = arith.addi %scan3A_422, %scan3A_423 : i32
      %scan3A_425 = arith.constant 1 : i32
      %scan3A_426 = scf.for %scan3A_450 = %scan3A_422 to %scan3A_424 step %scan3A_425 iter_args(%scan3A_451 = %scan3A_421) -> (i32)  : i32 {
        %mul3A_452 = arith.constant 16 : i32
        %mul3A_453 = arith.muli %scan3A_450, %mul3A_452 : i32
        %add3A_454 = arith.constant 0 : i32
        %add3A_455 = arith.addi %mul3A_453, %add3A_454 : i32
        %get3A_456 = arith.index_cast %add3A_455 : i32 to index
        %get3A_457 = tpu.vector_load %arg22[%get3A_456] {strides = array<i32>} : memref<256xi32, #tpu.memory_space<vmem>>, vector<16xi32>,
        %mul3A_458 = arith.constant 8 : i32
        %mul3A_459 = vector.broadcast %mul3A_458 : i32 to vector<16xi32>
        %mul3A_460 = arith.muli %get3A_457, %mul3A_459 : vector<16xi32>
        %mul3A_461 = arith.constant 16 : i32
        %mul3A_462 = arith.muli %scan3A_450, %mul3A_461 : i32
        %add3A_463 = arith.constant 0 : i32
        %add3A_464 = arith.addi %mul3A_462, %add3A_463 : i32
        %mul3A_465 = arith.constant 8 : i32
        %mul3A_466 = arith.muli %add3A_464, %mul3A_465 : i32
        %add3A_467 = arith.constant 0 : i32
        %add3A_468 = vector.broadcast %add3A_467 : i32 to vector<16xi32>
        %add3A_469 = arith.addi %mul3A_460, %add3A_468 : vector<16xi32>
        %gather3A = tpu.vector_load_idx %arg18[%add3A_469] : memref<32768xf32, #tpu.memory_space<vmem>>[vector<16xi32>], vector<16xf32>,
        %mul3A_470 = arith.constant 8 : i32
        %mul3A_471 = vector.broadcast %mul3A_470 : i32 to vector<16xi32>
        %mul3A_472 = arith.muli %iota3A, %mul3A_471 : vector<16xi32>
        %add3A_473 = vector.broadcast %mul3A_466 : i32 to vector<16xi32>
        %add3A_474 = arith.addi %add3A_473, %mul3A_472 : vector<16xi32>
        %add3A_475 = arith.constant 0 : i32
        %add3A_476 = vector.broadcast %add3A_475 : i32 to vector<16xi32>
        %add3A_477 = arith.addi %add3A_474, %add3A_476 : vector<16xi32>
        tpu.vector_store_idx %arg25[%add3A_477], %gather3A : memref<2048xf32, #tpu.memory_space<vmem>>[vector<16xi32>], vector<16xf32>,
        %add3A_478 = arith.constant 1 : i32
        %add3A_479 = vector.broadcast %add3A_478 : i32 to vector<16xi32>
        %add3A_480 = arith.addi %mul3A_460, %add3A_479 : vector<16xi32>
        %gather3A_481 = tpu.vector_load_idx %arg18[%add3A_480] : memref<32768xf32, #tpu.memory_space<vmem>>[vector<16xi32>], vector<16xf32>,
        %mul3A_482 = arith.constant 8 : i32
        %mul3A_483 = vector.broadcast %mul3A_482 : i32 to vector<16xi32>
        %mul3A_484 = arith.muli %iota3A, %mul3A_483 : vector<16xi32>
        %add3A_485 = vector.broadcast %mul3A_466 : i32 to vector<16xi32>
        %add3A_486 = arith.addi %add3A_485, %mul3A_484 : vector<16xi32>
        %add3A_487 = arith.constant 1 : i32
        %add3A_488 = vector.broadcast %add3A_487 : i32 to vector<16xi32>
        %add3A_489 = arith.addi %add3A_486, %add3A_488 : vector<16xi32>
        tpu.vector_store_idx %arg25[%add3A_489], %gather3A_481 : memref<2048xf32, #tpu.memory_space<vmem>>[vector<16xi32>], vector<16xf32>,
        %add3A_490 = arith.constant 2 : i32
        %add3A_491 = vector.broadcast %add3A_490 : i32 to vector<16xi32>
        %add3A_492 = arith.addi %mul3A_460, %add3A_491 : vector<16xi32>
        %gather3A_493 = tpu.vector_load_idx %arg18[%add3A_492] : memref<32768xf32, #tpu.memory_space<vmem>>[vector<16xi32>], vector<16xf32>,
        %mul3A_494 = arith.constant 8 : i32
        %mul3A_495 = vector.broadcast %mul3A_494 : i32 to vector<16xi32>
        %mul3A_496 = arith.muli %iota3A, %mul3A_495 : vector<16xi32>
        %add3A_497 = vector.broadcast %mul3A_466 : i32 to vector<16xi32>
        %add3A_498 = arith.addi %add3A_497, %mul3A_496 : vector<16xi32>
        %add3A_499 = arith.constant 2 : i32
        %add3A_500 = vector.broadcast %add3A_499 : i32 to vector<16xi32>
        %add3A_501 = arith.addi %add3A_498, %add3A_500 : vector<16xi32>
        tpu.vector_store_idx %arg25[%add3A_501], %gather3A_493 : memref<2048xf32, #tpu.memory_space<vmem>>[vector<16xi32>], vector<16xf32>,
        %add3A_502 = arith.constant 3 : i32
        %add3A_503 = vector.broadcast %add3A_502 : i32 to vector<16xi32>
        %add3A_504 = arith.addi %mul3A_460, %add3A_503 : vector<16xi32>
        %gather3A_505 = tpu.vector_load_idx %arg18[%add3A_504] : memref<32768xf32, #tpu.memory_space<vmem>>[vector<16xi32>], vector<16xf32>,
        %mul3A_506 = arith.constant 8 : i32
        %mul3A_507 = vector.broadcast %mul3A_506 : i32 to vector<16xi32>
        %mul3A_508 = arith.muli %iota3A, %mul3A_507 : vector<16xi32>
        %add3A_509 = vector.broadcast %mul3A_466 : i32 to vector<16xi32>
        %add3A_510 = arith.addi %add3A_509, %mul3A_508 : vector<16xi32>
        %add3A_511 = arith.constant 3 : i32
        %add3A_512 = vector.broadcast %add3A_511 : i32 to vector<16xi32>
        %add3A_513 = arith.addi %add3A_510, %add3A_512 : vector<16xi32>
        tpu.vector_store_idx %arg25[%add3A_513], %gather3A_505 : memref<2048xf32, #tpu.memory_space<vmem>>[vector<16xi32>], vector<16xf32>,
        %add3A_514 = arith.constant 4 : i32
        %add3A_515 = vector.broadcast %add3A_514 : i32 to vector<16xi32>
        %add3A_516 = arith.addi %mul3A_460, %add3A_515 : vector<16xi32>
        %gather3A_517 = tpu.vector_load_idx %arg18[%add3A_516] : memref<32768xf32, #tpu.memory_space<vmem>>[vector<16xi32>], vector<16xf32>,
        %mul3A_518 = arith.constant 8 : i32
        %mul3A_519 = vector.broadcast %mul3A_518 : i32 to vector<16xi32>
        %mul3A_520 = arith.muli %iota3A, %mul3A_519 : vector<16xi32>
        %add3A_521 = vector.broadcast %mul3A_466 : i32 to vector<16xi32>
        %add3A_522 = arith.addi %add3A_521, %mul3A_520 : vector<16xi32>
        %add3A_523 = arith.constant 4 : i32
        %add3A_524 = vector.broadcast %add3A_523 : i32 to vector<16xi32>
        %add3A_525 = arith.addi %add3A_522, %add3A_524 : vector<16xi32>
        tpu.vector_store_idx %arg25[%add3A_525], %gather3A_517 : memref<2048xf32, #tpu.memory_space<vmem>>[vector<16xi32>], vector<16xf32>,
        %add3A_526 = arith.constant 5 : i32
        %add3A_527 = vector.broadcast %add3A_526 : i32 to vector<16xi32>
        %add3A_528 = arith.addi %mul3A_460, %add3A_527 : vector<16xi32>
        %gather3A_529 = tpu.vector_load_idx %arg18[%add3A_528] : memref<32768xf32, #tpu.memory_space<vmem>>[vector<16xi32>], vector<16xf32>,
        %mul3A_530 = arith.constant 8 : i32
        %mul3A_531 = vector.broadcast %mul3A_530 : i32 to vector<16xi32>
        %mul3A_532 = arith.muli %iota3A, %mul3A_531 : vector<16xi32>
        %add3A_533 = vector.broadcast %mul3A_466 : i32 to vector<16xi32>
        %add3A_534 = arith.addi %add3A_533, %mul3A_532 : vector<16xi32>
        %add3A_535 = arith.constant 5 : i32
        %add3A_536 = vector.broadcast %add3A_535 : i32 to vector<16xi32>
        %add3A_537 = arith.addi %add3A_534, %add3A_536 : vector<16xi32>
        tpu.vector_store_idx %arg25[%add3A_537], %gather3A_529 : memref<2048xf32, #tpu.memory_space<vmem>>[vector<16xi32>], vector<16xf32>,
        %add3A_538 = arith.constant 6 : i32
        %add3A_539 = vector.broadcast %add3A_538 : i32 to vector<16xi32>
        %add3A_540 = arith.addi %mul3A_460, %add3A_539 : vector<16xi32>
        %gather3A_541 = tpu.vector_load_idx %arg18[%add3A_540] : memref<32768xf32, #tpu.memory_space<vmem>>[vector<16xi32>], vector<16xf32>,
        %mul3A_542 = arith.constant 8 : i32
        %mul3A_543 = vector.broadcast %mul3A_542 : i32 to vector<16xi32>
        %mul3A_544 = arith.muli %iota3A, %mul3A_543 : vector<16xi32>
        %add3A_545 = vector.broadcast %mul3A_466 : i32 to vector<16xi32>
        %add3A_546 = arith.addi %add3A_545, %mul3A_544 : vector<16xi32>
        %add3A_547 = arith.constant 6 : i32
        %add3A_548 = vector.broadcast %add3A_547 : i32 to vector<16xi32>
        %add3A_549 = arith.addi %add3A_546, %add3A_548 : vector<16xi32>
        tpu.vector_store_idx %arg25[%add3A_549], %gather3A_541 : memref<2048xf32, #tpu.memory_space<vmem>>[vector<16xi32>], vector<16xf32>,
        %add3A_550 = arith.constant 7 : i32
        %add3A_551 = vector.broadcast %add3A_550 : i32 to vector<16xi32>
        %add3A_552 = arith.addi %mul3A_460, %add3A_551 : vector<16xi32>
        %gather3A_553 = tpu.vector_load_idx %arg18[%add3A_552] : memref<32768xf32, #tpu.memory_space<vmem>>[vector<16xi32>], vector<16xf32>,
        %mul3A_554 = arith.constant 8 : i32
        %mul3A_555 = vector.broadcast %mul3A_554 : i32 to vector<16xi32>
        %mul3A_556 = arith.muli %iota3A, %mul3A_555 : vector<16xi32>
        %add3A_557 = vector.broadcast %mul3A_466 : i32 to vector<16xi32>
        %add3A_558 = arith.addi %add3A_557, %mul3A_556 : vector<16xi32>
        %add3A_559 = arith.constant 7 : i32
        %add3A_560 = vector.broadcast %add3A_559 : i32 to vector<16xi32>
        %add3A_561 = arith.addi %add3A_558, %add3A_560 : vector<16xi32>
        tpu.vector_store_idx %arg25[%add3A_561], %gather3A_553 : memref<2048xf32, #tpu.memory_space<vmem>>[vector<16xi32>], vector<16xf32>,
        %mul3A_562 = arith.constant 32 : i32
        %mul3A_563 = arith.muli %scan3A_450, %mul3A_562 : i32
        %add3A_564 = arith.constant 0 : i32
        %add3A_565 = arith.addi %mul3A_563, %add3A_564 : i32
        %get3A_566 = arith.index_cast %add3A_565 : i32 to index
        %get3A_567 = tpu.vector_load %arg23[%get3A_566] {strides = array<i32>} : memref<512xi32, #tpu.memory_space<vmem>>, vector<16xi32>,
        %mul3A_568 = arith.constant 8 : i32
        %mul3A_569 = vector.broadcast %mul3A_568 : i32 to vector<16xi32>
        %mul3A_570 = arith.muli %get3A_567, %mul3A_569 : vector<16xi32>
        %mul3A_571 = arith.constant 32 : i32
        %mul3A_572 = arith.muli %scan3A_450, %mul3A_571 : i32
        %add3A_573 = arith.constant 0 : i32
        %add3A_574 = arith.addi %mul3A_572, %add3A_573 : i32
        %mul3A_575 = arith.constant 8 : i32
        %mul3A_576 = arith.muli %add3A_574, %mul3A_575 : i32
        %add3A_577 = arith.constant 0 : i32
        %add3A_578 = vector.broadcast %add3A_577 : i32 to vector<16xi32>
        %add3A_579 = arith.addi %mul3A_570, %add3A_578 : vector<16xi32>
        %gather3A_580 = tpu.vector_load_idx %arg18[%add3A_579] : memref<32768xf32, #tpu.memory_space<vmem>>[vector<16xi32>], vector<16xf32>,
        %mul3A_581 = arith.constant 8 : i32
        %mul3A_582 = vector.broadcast %mul3A_581 : i32 to vector<16xi32>
        %mul3A_583 = arith.muli %iota3A, %mul3A_582 : vector<16xi32>
        %add3A_584 = vector.broadcast %mul3A_576 : i32 to vector<16xi32>
        %add3A_585 = arith.addi %add3A_584, %mul3A_583 : vector<16xi32>
        %add3A_586 = arith.constant 0 : i32
        %add3A_587 = vector.broadcast %add3A_586 : i32 to vector<16xi32>
        %add3A_588 = arith.addi %add3A_585, %add3A_587 : vector<16xi32>
        tpu.vector_store_idx %arg26[%add3A_588], %gather3A_580 : memref<4096xf32, #tpu.memory_space<vmem>>[vector<16xi32>], vector<16xf32>,
        %add3A_589 = arith.constant 1 : i32
        %add3A_590 = vector.broadcast %add3A_589 : i32 to vector<16xi32>
        %add3A_591 = arith.addi %mul3A_570, %add3A_590 : vector<16xi32>
        %gather3A_592 = tpu.vector_load_idx %arg18[%add3A_591] : memref<32768xf32, #tpu.memory_space<vmem>>[vector<16xi32>], vector<16xf32>,
        %mul3A_593 = arith.constant 8 : i32
        %mul3A_594 = vector.broadcast %mul3A_593 : i32 to vector<16xi32>
        %mul3A_595 = arith.muli %iota3A, %mul3A_594 : vector<16xi32>
        %add3A_596 = vector.broadcast %mul3A_576 : i32 to vector<16xi32>
        %add3A_597 = arith.addi %add3A_596, %mul3A_595 : vector<16xi32>
        %add3A_598 = arith.constant 1 : i32
        %add3A_599 = vector.broadcast %add3A_598 : i32 to vector<16xi32>
        %add3A_600 = arith.addi %add3A_597, %add3A_599 : vector<16xi32>
        tpu.vector_store_idx %arg26[%add3A_600], %gather3A_592 : memref<4096xf32, #tpu.memory_space<vmem>>[vector<16xi32>], vector<16xf32>,
        %add3A_601 = arith.constant 2 : i32
        %add3A_602 = vector.broadcast %add3A_601 : i32 to vector<16xi32>
        %add3A_603 = arith.addi %mul3A_570, %add3A_602 : vector<16xi32>
        %gather3A_604 = tpu.vector_load_idx %arg18[%add3A_603] : memref<32768xf32, #tpu.memory_space<vmem>>[vector<16xi32>], vector<16xf32>,
        %mul3A_605 = arith.constant 8 : i32
        %mul3A_606 = vector.broadcast %mul3A_605 : i32 to vector<16xi32>
        %mul3A_607 = arith.muli %iota3A, %mul3A_606 : vector<16xi32>
        %add3A_608 = vector.broadcast %mul3A_576 : i32 to vector<16xi32>
        %add3A_609 = arith.addi %add3A_608, %mul3A_607 : vector<16xi32>
        %add3A_610 = arith.constant 2 : i32
        %add3A_611 = vector.broadcast %add3A_610 : i32 to vector<16xi32>
        %add3A_612 = arith.addi %add3A_609, %add3A_611 : vector<16xi32>
        tpu.vector_store_idx %arg26[%add3A_612], %gather3A_604 : memref<4096xf32, #tpu.memory_space<vmem>>[vector<16xi32>], vector<16xf32>,
        %add3A_613 = arith.constant 3 : i32
        %add3A_614 = vector.broadcast %add3A_613 : i32 to vector<16xi32>
        %add3A_615 = arith.addi %mul3A_570, %add3A_614 : vector<16xi32>
        %gather3A_616 = tpu.vector_load_idx %arg18[%add3A_615] : memref<32768xf32, #tpu.memory_space<vmem>>[vector<16xi32>], vector<16xf32>,
        %mul3A_617 = arith.constant 8 : i32
        %mul3A_618 = vector.broadcast %mul3A_617 : i32 to vector<16xi32>
        %mul3A_619 = arith.muli %iota3A, %mul3A_618 : vector<16xi32>
        %add3A_620 = vector.broadcast %mul3A_576 : i32 to vector<16xi32>
        %add3A_621 = arith.addi %add3A_620, %mul3A_619 : vector<16xi32>
        %add3A_622 = arith.constant 3 : i32
        %add3A_623 = vector.broadcast %add3A_622 : i32 to vector<16xi32>
        %add3A_624 = arith.addi %add3A_621, %add3A_623 : vector<16xi32>
        tpu.vector_store_idx %arg26[%add3A_624], %gather3A_616 : memref<4096xf32, #tpu.memory_space<vmem>>[vector<16xi32>], vector<16xf32>,
        %add3A_625 = arith.constant 4 : i32
        %add3A_626 = vector.broadcast %add3A_625 : i32 to vector<16xi32>
        %add3A_627 = arith.addi %mul3A_570, %add3A_626 : vector<16xi32>
        %gather3A_628 = tpu.vector_load_idx %arg18[%add3A_627] : memref<32768xf32, #tpu.memory_space<vmem>>[vector<16xi32>], vector<16xf32>,
        %mul3A_629 = arith.constant 8 : i32
        %mul3A_630 = vector.broadcast %mul3A_629 : i32 to vector<16xi32>
        %mul3A_631 = arith.muli %iota3A, %mul3A_630 : vector<16xi32>
        %add3A_632 = vector.broadcast %mul3A_576 : i32 to vector<16xi32>
        %add3A_633 = arith.addi %add3A_632, %mul3A_631 : vector<16xi32>
        %add3A_634 = arith.constant 4 : i32
        %add3A_635 = vector.broadcast %add3A_634 : i32 to vector<16xi32>
        %add3A_636 = arith.addi %add3A_633, %add3A_635 : vector<16xi32>
        tpu.vector_store_idx %arg26[%add3A_636], %gather3A_628 : memref<4096xf32, #tpu.memory_space<vmem>>[vector<16xi32>], vector<16xf32>,
        %add3A_637 = arith.constant 5 : i32
        %add3A_638 = vector.broadcast %add3A_637 : i32 to vector<16xi32>
        %add3A_639 = arith.addi %mul3A_570, %add3A_638 : vector<16xi32>
        %gather3A_640 = tpu.vector_load_idx %arg18[%add3A_639] : memref<32768xf32, #tpu.memory_space<vmem>>[vector<16xi32>], vector<16xf32>,
        %mul3A_641 = arith.constant 8 : i32
        %mul3A_642 = vector.broadcast %mul3A_641 : i32 to vector<16xi32>
        %mul3A_643 = arith.muli %iota3A, %mul3A_642 : vector<16xi32>
        %add3A_644 = vector.broadcast %mul3A_576 : i32 to vector<16xi32>
        %add3A_645 = arith.addi %add3A_644, %mul3A_643 : vector<16xi32>
        %add3A_646 = arith.constant 5 : i32
        %add3A_647 = vector.broadcast %add3A_646 : i32 to vector<16xi32>
        %add3A_648 = arith.addi %add3A_645, %add3A_647 : vector<16xi32>
        tpu.vector_store_idx %arg26[%add3A_648], %gather3A_640 : memref<4096xf32, #tpu.memory_space<vmem>>[vector<16xi32>], vector<16xf32>,
        %add3A_649 = arith.constant 6 : i32
        %add3A_650 = vector.broadcast %add3A_649 : i32 to vector<16xi32>
        %add3A_651 = arith.addi %mul3A_570, %add3A_650 : vector<16xi32>
        %gather3A_652 = tpu.vector_load_idx %arg18[%add3A_651] : memref<32768xf32, #tpu.memory_space<vmem>>[vector<16xi32>], vector<16xf32>,
        %mul3A_653 = arith.constant 8 : i32
        %mul3A_654 = vector.broadcast %mul3A_653 : i32 to vector<16xi32>
        %mul3A_655 = arith.muli %iota3A, %mul3A_654 : vector<16xi32>
        %add3A_656 = vector.broadcast %mul3A_576 : i32 to vector<16xi32>
        %add3A_657 = arith.addi %add3A_656, %mul3A_655 : vector<16xi32>
        %add3A_658 = arith.constant 6 : i32
        %add3A_659 = vector.broadcast %add3A_658 : i32 to vector<16xi32>
        %add3A_660 = arith.addi %add3A_657, %add3A_659 : vector<16xi32>
        tpu.vector_store_idx %arg26[%add3A_660], %gather3A_652 : memref<4096xf32, #tpu.memory_space<vmem>>[vector<16xi32>], vector<16xf32>,
        %add3A_661 = arith.constant 7 : i32
        %add3A_662 = vector.broadcast %add3A_661 : i32 to vector<16xi32>
        %add3A_663 = arith.addi %mul3A_570, %add3A_662 : vector<16xi32>
        %gather3A_664 = tpu.vector_load_idx %arg18[%add3A_663] : memref<32768xf32, #tpu.memory_space<vmem>>[vector<16xi32>], vector<16xf32>,
        %mul3A_665 = arith.constant 8 : i32
        %mul3A_666 = vector.broadcast %mul3A_665 : i32 to vector<16xi32>
        %mul3A_667 = arith.muli %iota3A, %mul3A_666 : vector<16xi32>
        %add3A_668 = vector.broadcast %mul3A_576 : i32 to vector<16xi32>
        %add3A_669 = arith.addi %add3A_668, %mul3A_667 : vector<16xi32>
        %add3A_670 = arith.constant 7 : i32
        %add3A_671 = vector.broadcast %add3A_670 : i32 to vector<16xi32>
        %add3A_672 = arith.addi %add3A_669, %add3A_671 : vector<16xi32>
        tpu.vector_store_idx %arg26[%add3A_672], %gather3A_664 : memref<4096xf32, #tpu.memory_space<vmem>>[vector<16xi32>], vector<16xf32>,
        %mul3A_673 = arith.constant 32 : i32
        %mul3A_674 = arith.muli %scan3A_450, %mul3A_673 : i32
        %add3A_675 = arith.constant 16 : i32
        %add3A_676 = arith.addi %mul3A_674, %add3A_675 : i32
        %get3A_677 = arith.index_cast %add3A_676 : i32 to index
        %get3A_678 = tpu.vector_load %arg23[%get3A_677] {strides = array<i32>} : memref<512xi32, #tpu.memory_space<vmem>>, vector<16xi32>,
        %mul3A_679 = arith.constant 8 : i32
        %mul3A_680 = vector.broadcast %mul3A_679 : i32 to vector<16xi32>
        %mul3A_681 = arith.muli %get3A_678, %mul3A_680 : vector<16xi32>
        %mul3A_682 = arith.constant 32 : i32
        %mul3A_683 = arith.muli %scan3A_450, %mul3A_682 : i32
        %add3A_684 = arith.constant 16 : i32
        %add3A_685 = arith.addi %mul3A_683, %add3A_684 : i32
        %mul3A_686 = arith.constant 8 : i32
        %mul3A_687 = arith.muli %add3A_685, %mul3A_686 : i32
        %add3A_688 = arith.constant 0 : i32
        %add3A_689 = vector.broadcast %add3A_688 : i32 to vector<16xi32>
        %add3A_690 = arith.addi %mul3A_681, %add3A_689 : vector<16xi32>
        %gather3A_691 = tpu.vector_load_idx %arg18[%add3A_690] : memref<32768xf32, #tpu.memory_space<vmem>>[vector<16xi32>], vector<16xf32>,
        %mul3A_692 = arith.constant 8 : i32
        %mul3A_693 = vector.broadcast %mul3A_692 : i32 to vector<16xi32>
        %mul3A_694 = arith.muli %iota3A, %mul3A_693 : vector<16xi32>
        %add3A_695 = vector.broadcast %mul3A_687 : i32 to vector<16xi32>
        %add3A_696 = arith.addi %add3A_695, %mul3A_694 : vector<16xi32>
        %add3A_697 = arith.constant 0 : i32
        %add3A_698 = vector.broadcast %add3A_697 : i32 to vector<16xi32>
        %add3A_699 = arith.addi %add3A_696, %add3A_698 : vector<16xi32>
        tpu.vector_store_idx %arg26[%add3A_699], %gather3A_691 : memref<4096xf32, #tpu.memory_space<vmem>>[vector<16xi32>], vector<16xf32>,
        %add3A_700 = arith.constant 1 : i32
        %add3A_701 = vector.broadcast %add3A_700 : i32 to vector<16xi32>
        %add3A_702 = arith.addi %mul3A_681, %add3A_701 : vector<16xi32>
        %gather3A_703 = tpu.vector_load_idx %arg18[%add3A_702] : memref<32768xf32, #tpu.memory_space<vmem>>[vector<16xi32>], vector<16xf32>,
        %mul3A_704 = arith.constant 8 : i32
        %mul3A_705 = vector.broadcast %mul3A_704 : i32 to vector<16xi32>
        %mul3A_706 = arith.muli %iota3A, %mul3A_705 : vector<16xi32>
        %add3A_707 = vector.broadcast %mul3A_687 : i32 to vector<16xi32>
        %add3A_708 = arith.addi %add3A_707, %mul3A_706 : vector<16xi32>
        %add3A_709 = arith.constant 1 : i32
        %add3A_710 = vector.broadcast %add3A_709 : i32 to vector<16xi32>
        %add3A_711 = arith.addi %add3A_708, %add3A_710 : vector<16xi32>
        tpu.vector_store_idx %arg26[%add3A_711], %gather3A_703 : memref<4096xf32, #tpu.memory_space<vmem>>[vector<16xi32>], vector<16xf32>,
        %add3A_712 = arith.constant 2 : i32
        %add3A_713 = vector.broadcast %add3A_712 : i32 to vector<16xi32>
        %add3A_714 = arith.addi %mul3A_681, %add3A_713 : vector<16xi32>
        %gather3A_715 = tpu.vector_load_idx %arg18[%add3A_714] : memref<32768xf32, #tpu.memory_space<vmem>>[vector<16xi32>], vector<16xf32>,
        %mul3A_716 = arith.constant 8 : i32
        %mul3A_717 = vector.broadcast %mul3A_716 : i32 to vector<16xi32>
        %mul3A_718 = arith.muli %iota3A, %mul3A_717 : vector<16xi32>
        %add3A_719 = vector.broadcast %mul3A_687 : i32 to vector<16xi32>
        %add3A_720 = arith.addi %add3A_719, %mul3A_718 : vector<16xi32>
        %add3A_721 = arith.constant 2 : i32
        %add3A_722 = vector.broadcast %add3A_721 : i32 to vector<16xi32>
        %add3A_723 = arith.addi %add3A_720, %add3A_722 : vector<16xi32>
        tpu.vector_store_idx %arg26[%add3A_723], %gather3A_715 : memref<4096xf32, #tpu.memory_space<vmem>>[vector<16xi32>], vector<16xf32>,
        %add3A_724 = arith.constant 3 : i32
        %add3A_725 = vector.broadcast %add3A_724 : i32 to vector<16xi32>
        %add3A_726 = arith.addi %mul3A_681, %add3A_725 : vector<16xi32>
        %gather3A_727 = tpu.vector_load_idx %arg18[%add3A_726] : memref<32768xf32, #tpu.memory_space<vmem>>[vector<16xi32>], vector<16xf32>,
        %mul3A_728 = arith.constant 8 : i32
        %mul3A_729 = vector.broadcast %mul3A_728 : i32 to vector<16xi32>
        %mul3A_730 = arith.muli %iota3A, %mul3A_729 : vector<16xi32>
        %add3A_731 = vector.broadcast %mul3A_687 : i32 to vector<16xi32>
        %add3A_732 = arith.addi %add3A_731, %mul3A_730 : vector<16xi32>
        %add3A_733 = arith.constant 3 : i32
        %add3A_734 = vector.broadcast %add3A_733 : i32 to vector<16xi32>
        %add3A_735 = arith.addi %add3A_732, %add3A_734 : vector<16xi32>
        tpu.vector_store_idx %arg26[%add3A_735], %gather3A_727 : memref<4096xf32, #tpu.memory_space<vmem>>[vector<16xi32>], vector<16xf32>,
        %add3A_736 = arith.constant 4 : i32
        %add3A_737 = vector.broadcast %add3A_736 : i32 to vector<16xi32>
        %add3A_738 = arith.addi %mul3A_681, %add3A_737 : vector<16xi32>
        %gather3A_739 = tpu.vector_load_idx %arg18[%add3A_738] : memref<32768xf32, #tpu.memory_space<vmem>>[vector<16xi32>], vector<16xf32>,
        %mul3A_740 = arith.constant 8 : i32
        %mul3A_741 = vector.broadcast %mul3A_740 : i32 to vector<16xi32>
        %mul3A_742 = arith.muli %iota3A, %mul3A_741 : vector<16xi32>
        %add3A_743 = vector.broadcast %mul3A_687 : i32 to vector<16xi32>
        %add3A_744 = arith.addi %add3A_743, %mul3A_742 : vector<16xi32>
        %add3A_745 = arith.constant 4 : i32
        %add3A_746 = vector.broadcast %add3A_745 : i32 to vector<16xi32>
        %add3A_747 = arith.addi %add3A_744, %add3A_746 : vector<16xi32>
        tpu.vector_store_idx %arg26[%add3A_747], %gather3A_739 : memref<4096xf32, #tpu.memory_space<vmem>>[vector<16xi32>], vector<16xf32>,
        %add3A_748 = arith.constant 5 : i32
        %add3A_749 = vector.broadcast %add3A_748 : i32 to vector<16xi32>
        %add3A_750 = arith.addi %mul3A_681, %add3A_749 : vector<16xi32>
        %gather3A_751 = tpu.vector_load_idx %arg18[%add3A_750] : memref<32768xf32, #tpu.memory_space<vmem>>[vector<16xi32>], vector<16xf32>,
        %mul3A_752 = arith.constant 8 : i32
        %mul3A_753 = vector.broadcast %mul3A_752 : i32 to vector<16xi32>
        %mul3A_754 = arith.muli %iota3A, %mul3A_753 : vector<16xi32>
        %add3A_755 = vector.broadcast %mul3A_687 : i32 to vector<16xi32>
        %add3A_756 = arith.addi %add3A_755, %mul3A_754 : vector<16xi32>
        %add3A_757 = arith.constant 5 : i32
        %add3A_758 = vector.broadcast %add3A_757 : i32 to vector<16xi32>
        %add3A_759 = arith.addi %add3A_756, %add3A_758 : vector<16xi32>
        tpu.vector_store_idx %arg26[%add3A_759], %gather3A_751 : memref<4096xf32, #tpu.memory_space<vmem>>[vector<16xi32>], vector<16xf32>,
        %add3A_760 = arith.constant 6 : i32
        %add3A_761 = vector.broadcast %add3A_760 : i32 to vector<16xi32>
        %add3A_762 = arith.addi %mul3A_681, %add3A_761 : vector<16xi32>
        %gather3A_763 = tpu.vector_load_idx %arg18[%add3A_762] : memref<32768xf32, #tpu.memory_space<vmem>>[vector<16xi32>], vector<16xf32>,
        %mul3A_764 = arith.constant 8 : i32
        %mul3A_765 = vector.broadcast %mul3A_764 : i32 to vector<16xi32>
        %mul3A_766 = arith.muli %iota3A, %mul3A_765 : vector<16xi32>
        %add3A_767 = vector.broadcast %mul3A_687 : i32 to vector<16xi32>
        %add3A_768 = arith.addi %add3A_767, %mul3A_766 : vector<16xi32>
        %add3A_769 = arith.constant 6 : i32
        %add3A_770 = vector.broadcast %add3A_769 : i32 to vector<16xi32>
        %add3A_771 = arith.addi %add3A_768, %add3A_770 : vector<16xi32>
        tpu.vector_store_idx %arg26[%add3A_771], %gather3A_763 : memref<4096xf32, #tpu.memory_space<vmem>>[vector<16xi32>], vector<16xf32>,
        %add3A_772 = arith.constant 7 : i32
        %add3A_773 = vector.broadcast %add3A_772 : i32 to vector<16xi32>
        %add3A_774 = arith.addi %mul3A_681, %add3A_773 : vector<16xi32>
        %gather3A_775 = tpu.vector_load_idx %arg18[%add3A_774] : memref<32768xf32, #tpu.memory_space<vmem>>[vector<16xi32>], vector<16xf32>,
        %mul3A_776 = arith.constant 8 : i32
        %mul3A_777 = vector.broadcast %mul3A_776 : i32 to vector<16xi32>
        %mul3A_778 = arith.muli %iota3A, %mul3A_777 : vector<16xi32>
        %add3A_779 = vector.broadcast %mul3A_687 : i32 to vector<16xi32>
        %add3A_780 = arith.addi %add3A_779, %mul3A_778 : vector<16xi32>
        %add3A_781 = arith.constant 7 : i32
        %add3A_782 = vector.broadcast %add3A_781 : i32 to vector<16xi32>
        %add3A_783 = arith.addi %add3A_780, %add3A_782 : vector<16xi32>
        tpu.vector_store_idx %arg26[%add3A_783], %gather3A_775 : memref<4096xf32, #tpu.memory_space<vmem>>[vector<16xi32>], vector<16xf32>,
        %mul3A_784 = arith.constant 128 : i32
        %mul3A_785 = arith.muli %scan3A_450, %mul3A_784 : i32
        %add3A_786 = arith.constant 0 : i32
        %add3A_787 = arith.addi %mul3A_785, %add3A_786 : i32
        %get3A_788 = arith.index_cast %add3A_787 : i32 to index
        %get3A_789 = tpu.vector_load %arg24[%get3A_788] {strides = array<i32>} : memref<2048xi32, #tpu.memory_space<vmem>>, vector<16xi32>,
        %mul3A_790 = arith.constant 8 : i32
        %mul3A_791 = vector.broadcast %mul3A_790 : i32 to vector<16xi32>
        %mul3A_792 = arith.muli %get3A_789, %mul3A_791 : vector<16xi32>
        %mul3A_793 = arith.constant 128 : i32
        %mul3A_794 = arith.muli %scan3A_450, %mul3A_793 : i32
        %add3A_795 = arith.constant 0 : i32
        %add3A_796 = arith.addi %mul3A_794, %add3A_795 : i32
        %mul3A_797 = arith.constant 8 : i32
        %mul3A_798 = arith.muli %add3A_796, %mul3A_797 : i32
        %add3A_799 = arith.constant 0 : i32
        %add3A_800 = vector.broadcast %add3A_799 : i32 to vector<16xi32>
        %add3A_801 = arith.addi %mul3A_792, %add3A_800 : vector<16xi32>
        %gather3A_802 = tpu.vector_load_idx %arg18[%add3A_801] : memref<32768xf32, #tpu.memory_space<vmem>>[vector<16xi32>], vector<16xf32>,
        %mul3A_803 = arith.constant 8 : i32
        %mul3A_804 = vector.broadcast %mul3A_803 : i32 to vector<16xi32>
        %mul3A_805 = arith.muli %iota3A, %mul3A_804 : vector<16xi32>
        %add3A_806 = vector.broadcast %mul3A_798 : i32 to vector<16xi32>
        %add3A_807 = arith.addi %add3A_806, %mul3A_805 : vector<16xi32>
        %add3A_808 = arith.constant 0 : i32
        %add3A_809 = vector.broadcast %add3A_808 : i32 to vector<16xi32>
        %add3A_810 = arith.addi %add3A_807, %add3A_809 : vector<16xi32>
        tpu.vector_store_idx %arg27[%add3A_810], %gather3A_802 : memref<16384xf32, #tpu.memory_space<vmem>>[vector<16xi32>], vector<16xf32>,
        %add3A_811 = arith.constant 1 : i32
        %add3A_812 = vector.broadcast %add3A_811 : i32 to vector<16xi32>
        %add3A_813 = arith.addi %mul3A_792, %add3A_812 : vector<16xi32>
        %gather3A_814 = tpu.vector_load_idx %arg18[%add3A_813] : memref<32768xf32, #tpu.memory_space<vmem>>[vector<16xi32>], vector<16xf32>,
        %mul3A_815 = arith.constant 8 : i32
        %mul3A_816 = vector.broadcast %mul3A_815 : i32 to vector<16xi32>
        %mul3A_817 = arith.muli %iota3A, %mul3A_816 : vector<16xi32>
        %add3A_818 = vector.broadcast %mul3A_798 : i32 to vector<16xi32>
        %add3A_819 = arith.addi %add3A_818, %mul3A_817 : vector<16xi32>
        %add3A_820 = arith.constant 1 : i32
        %add3A_821 = vector.broadcast %add3A_820 : i32 to vector<16xi32>
        %add3A_822 = arith.addi %add3A_819, %add3A_821 : vector<16xi32>
        tpu.vector_store_idx %arg27[%add3A_822], %gather3A_814 : memref<16384xf32, #tpu.memory_space<vmem>>[vector<16xi32>], vector<16xf32>,
        %add3A_823 = arith.constant 2 : i32
        %add3A_824 = vector.broadcast %add3A_823 : i32 to vector<16xi32>
        %add3A_825 = arith.addi %mul3A_792, %add3A_824 : vector<16xi32>
        %gather3A_826 = tpu.vector_load_idx %arg18[%add3A_825] : memref<32768xf32, #tpu.memory_space<vmem>>[vector<16xi32>], vector<16xf32>,
        %mul3A_827 = arith.constant 8 : i32
        %mul3A_828 = vector.broadcast %mul3A_827 : i32 to vector<16xi32>
        %mul3A_829 = arith.muli %iota3A, %mul3A_828 : vector<16xi32>
        %add3A_830 = vector.broadcast %mul3A_798 : i32 to vector<16xi32>
        %add3A_831 = arith.addi %add3A_830, %mul3A_829 : vector<16xi32>
        %add3A_832 = arith.constant 2 : i32
        %add3A_833 = vector.broadcast %add3A_832 : i32 to vector<16xi32>
        %add3A_834 = arith.addi %add3A_831, %add3A_833 : vector<16xi32>
        tpu.vector_store_idx %arg27[%add3A_834], %gather3A_826 : memref<16384xf32, #tpu.memory_space<vmem>>[vector<16xi32>], vector<16xf32>,
        %add3A_835 = arith.constant 3 : i32
        %add3A_836 = vector.broadcast %add3A_835 : i32 to vector<16xi32>
        %add3A_837 = arith.addi %mul3A_792, %add3A_836 : vector<16xi32>
        %gather3A_838 = tpu.vector_load_idx %arg18[%add3A_837] : memref<32768xf32, #tpu.memory_space<vmem>>[vector<16xi32>], vector<16xf32>,
        %mul3A_839 = arith.constant 8 : i32
        %mul3A_840 = vector.broadcast %mul3A_839 : i32 to vector<16xi32>
        %mul3A_841 = arith.muli %iota3A, %mul3A_840 : vector<16xi32>
        %add3A_842 = vector.broadcast %mul3A_798 : i32 to vector<16xi32>
        %add3A_843 = arith.addi %add3A_842, %mul3A_841 : vector<16xi32>
        %add3A_844 = arith.constant 3 : i32
        %add3A_845 = vector.broadcast %add3A_844 : i32 to vector<16xi32>
        %add3A_846 = arith.addi %add3A_843, %add3A_845 : vector<16xi32>
        tpu.vector_store_idx %arg27[%add3A_846], %gather3A_838 : memref<16384xf32, #tpu.memory_space<vmem>>[vector<16xi32>], vector<16xf32>,
        %add3A_847 = arith.constant 4 : i32
        %add3A_848 = vector.broadcast %add3A_847 : i32 to vector<16xi32>
        %add3A_849 = arith.addi %mul3A_792, %add3A_848 : vector<16xi32>
        %gather3A_850 = tpu.vector_load_idx %arg18[%add3A_849] : memref<32768xf32, #tpu.memory_space<vmem>>[vector<16xi32>], vector<16xf32>,
        %mul3A_851 = arith.constant 8 : i32
        %mul3A_852 = vector.broadcast %mul3A_851 : i32 to vector<16xi32>
        %mul3A_853 = arith.muli %iota3A, %mul3A_852 : vector<16xi32>
        %add3A_854 = vector.broadcast %mul3A_798 : i32 to vector<16xi32>
        %add3A_855 = arith.addi %add3A_854, %mul3A_853 : vector<16xi32>
        %add3A_856 = arith.constant 4 : i32
        %add3A_857 = vector.broadcast %add3A_856 : i32 to vector<16xi32>
        %add3A_858 = arith.addi %add3A_855, %add3A_857 : vector<16xi32>
        tpu.vector_store_idx %arg27[%add3A_858], %gather3A_850 : memref<16384xf32, #tpu.memory_space<vmem>>[vector<16xi32>], vector<16xf32>,
        %add3A_859 = arith.constant 5 : i32
        %add3A_860 = vector.broadcast %add3A_859 : i32 to vector<16xi32>
        %add3A_861 = arith.addi %mul3A_792, %add3A_860 : vector<16xi32>
        %gather3A_862 = tpu.vector_load_idx %arg18[%add3A_861] : memref<32768xf32, #tpu.memory_space<vmem>>[vector<16xi32>], vector<16xf32>,
        %mul3A_863 = arith.constant 8 : i32
        %mul3A_864 = vector.broadcast %mul3A_863 : i32 to vector<16xi32>
        %mul3A_865 = arith.muli %iota3A, %mul3A_864 : vector<16xi32>
        %add3A_866 = vector.broadcast %mul3A_798 : i32 to vector<16xi32>
        %add3A_867 = arith.addi %add3A_866, %mul3A_865 : vector<16xi32>
        %add3A_868 = arith.constant 5 : i32
        %add3A_869 = vector.broadcast %add3A_868 : i32 to vector<16xi32>
        %add3A_870 = arith.addi %add3A_867, %add3A_869 : vector<16xi32>
        tpu.vector_store_idx %arg27[%add3A_870], %gather3A_862 : memref<16384xf32, #tpu.memory_space<vmem>>[vector<16xi32>], vector<16xf32>,
        %add3A_871 = arith.constant 6 : i32
        %add3A_872 = vector.broadcast %add3A_871 : i32 to vector<16xi32>
        %add3A_873 = arith.addi %mul3A_792, %add3A_872 : vector<16xi32>
        %gather3A_874 = tpu.vector_load_idx %arg18[%add3A_873] : memref<32768xf32, #tpu.memory_space<vmem>>[vector<16xi32>], vector<16xf32>,
        %mul3A_875 = arith.constant 8 : i32
        %mul3A_876 = vector.broadcast %mul3A_875 : i32 to vector<16xi32>
        %mul3A_877 = arith.muli %iota3A, %mul3A_876 : vector<16xi32>
        %add3A_878 = vector.broadcast %mul3A_798 : i32 to vector<16xi32>
        %add3A_879 = arith.addi %add3A_878, %mul3A_877 : vector<16xi32>
        %add3A_880 = arith.constant 6 : i32
        %add3A_881 = vector.broadcast %add3A_880 : i32 to vector<16xi32>
        %add3A_882 = arith.addi %add3A_879, %add3A_881 : vector<16xi32>
        tpu.vector_store_idx %arg27[%add3A_882], %gather3A_874 : memref<16384xf32, #tpu.memory_space<vmem>>[vector<16xi32>], vector<16xf32>,
        %add3A_883 = arith.constant 7 : i32
        %add3A_884 = vector.broadcast %add3A_883 : i32 to vector<16xi32>
        %add3A_885 = arith.addi %mul3A_792, %add3A_884 : vector<16xi32>
        %gather3A_886 = tpu.vector_load_idx %arg18[%add3A_885] : memref<32768xf32, #tpu.memory_space<vmem>>[vector<16xi32>], vector<16xf32>,
        %mul3A_887 = arith.constant 8 : i32
        %mul3A_888 = vector.broadcast %mul3A_887 : i32 to vector<16xi32>
        %mul3A_889 = arith.muli %iota3A, %mul3A_888 : vector<16xi32>
        %add3A_890 = vector.broadcast %mul3A_798 : i32 to vector<16xi32>
        %add3A_891 = arith.addi %add3A_890, %mul3A_889 : vector<16xi32>
        %add3A_892 = arith.constant 7 : i32
        %add3A_893 = vector.broadcast %add3A_892 : i32 to vector<16xi32>
        %add3A_894 = arith.addi %add3A_891, %add3A_893 : vector<16xi32>
        tpu.vector_store_idx %arg27[%add3A_894], %gather3A_886 : memref<16384xf32, #tpu.memory_space<vmem>>[vector<16xi32>], vector<16xf32>,
        %mul3A_895 = arith.constant 128 : i32
        %mul3A_896 = arith.muli %scan3A_450, %mul3A_895 : i32
        %add3A_897 = arith.constant 16 : i32
        %add3A_898 = arith.addi %mul3A_896, %add3A_897 : i32
        %get3A_899 = arith.index_cast %add3A_898 : i32 to index
        %get3A_900 = tpu.vector_load %arg24[%get3A_899] {strides = array<i32>} : memref<2048xi32, #tpu.memory_space<vmem>>, vector<16xi32>,
        %mul3A_901 = arith.constant 8 : i32
        %mul3A_902 = vector.broadcast %mul3A_901 : i32 to vector<16xi32>
        %mul3A_903 = arith.muli %get3A_900, %mul3A_902 : vector<16xi32>
        %mul3A_904 = arith.constant 128 : i32
        %mul3A_905 = arith.muli %scan3A_450, %mul3A_904 : i32
        %add3A_906 = arith.constant 16 : i32
        %add3A_907 = arith.addi %mul3A_905, %add3A_906 : i32
        %mul3A_908 = arith.constant 8 : i32
        %mul3A_909 = arith.muli %add3A_907, %mul3A_908 : i32
        %add3A_910 = arith.constant 0 : i32
        %add3A_911 = vector.broadcast %add3A_910 : i32 to vector<16xi32>
        %add3A_912 = arith.addi %mul3A_903, %add3A_911 : vector<16xi32>
        %gather3A_913 = tpu.vector_load_idx %arg18[%add3A_912] : memref<32768xf32, #tpu.memory_space<vmem>>[vector<16xi32>], vector<16xf32>,
        %mul3A_914 = arith.constant 8 : i32
        %mul3A_915 = vector.broadcast %mul3A_914 : i32 to vector<16xi32>
        %mul3A_916 = arith.muli %iota3A, %mul3A_915 : vector<16xi32>
        %add3A_917 = vector.broadcast %mul3A_909 : i32 to vector<16xi32>
        %add3A_918 = arith.addi %add3A_917, %mul3A_916 : vector<16xi32>
        %add3A_919 = arith.constant 0 : i32
        %add3A_920 = vector.broadcast %add3A_919 : i32 to vector<16xi32>
        %add3A_921 = arith.addi %add3A_918, %add3A_920 : vector<16xi32>
        tpu.vector_store_idx %arg27[%add3A_921], %gather3A_913 : memref<16384xf32, #tpu.memory_space<vmem>>[vector<16xi32>], vector<16xf32>,
        %add3A_922 = arith.constant 1 : i32
        %add3A_923 = vector.broadcast %add3A_922 : i32 to vector<16xi32>
        %add3A_924 = arith.addi %mul3A_903, %add3A_923 : vector<16xi32>
        %gather3A_925 = tpu.vector_load_idx %arg18[%add3A_924] : memref<32768xf32, #tpu.memory_space<vmem>>[vector<16xi32>], vector<16xf32>,
        %mul3A_926 = arith.constant 8 : i32
        %mul3A_927 = vector.broadcast %mul3A_926 : i32 to vector<16xi32>
        %mul3A_928 = arith.muli %iota3A, %mul3A_927 : vector<16xi32>
        %add3A_929 = vector.broadcast %mul3A_909 : i32 to vector<16xi32>
        %add3A_930 = arith.addi %add3A_929, %mul3A_928 : vector<16xi32>
        %add3A_931 = arith.constant 1 : i32
        %add3A_932 = vector.broadcast %add3A_931 : i32 to vector<16xi32>
        %add3A_933 = arith.addi %add3A_930, %add3A_932 : vector<16xi32>
        tpu.vector_store_idx %arg27[%add3A_933], %gather3A_925 : memref<16384xf32, #tpu.memory_space<vmem>>[vector<16xi32>], vector<16xf32>,
        %add3A_934 = arith.constant 2 : i32
        %add3A_935 = vector.broadcast %add3A_934 : i32 to vector<16xi32>
        %add3A_936 = arith.addi %mul3A_903, %add3A_935 : vector<16xi32>
        %gather3A_937 = tpu.vector_load_idx %arg18[%add3A_936] : memref<32768xf32, #tpu.memory_space<vmem>>[vector<16xi32>], vector<16xf32>,
        %mul3A_938 = arith.constant 8 : i32
        %mul3A_939 = vector.broadcast %mul3A_938 : i32 to vector<16xi32>
        %mul3A_940 = arith.muli %iota3A, %mul3A_939 : vector<16xi32>
        %add3A_941 = vector.broadcast %mul3A_909 : i32 to vector<16xi32>
        %add3A_942 = arith.addi %add3A_941, %mul3A_940 : vector<16xi32>
        %add3A_943 = arith.constant 2 : i32
        %add3A_944 = vector.broadcast %add3A_943 : i32 to vector<16xi32>
        %add3A_945 = arith.addi %add3A_942, %add3A_944 : vector<16xi32>
        tpu.vector_store_idx %arg27[%add3A_945], %gather3A_937 : memref<16384xf32, #tpu.memory_space<vmem>>[vector<16xi32>], vector<16xf32>,
        %add3A_946 = arith.constant 3 : i32
        %add3A_947 = vector.broadcast %add3A_946 : i32 to vector<16xi32>
        %add3A_948 = arith.addi %mul3A_903, %add3A_947 : vector<16xi32>
        %gather3A_949 = tpu.vector_load_idx %arg18[%add3A_948] : memref<32768xf32, #tpu.memory_space<vmem>>[vector<16xi32>], vector<16xf32>,
        %mul3A_950 = arith.constant 8 : i32
        %mul3A_951 = vector.broadcast %mul3A_950 : i32 to vector<16xi32>
        %mul3A_952 = arith.muli %iota3A, %mul3A_951 : vector<16xi32>
        %add3A_953 = vector.broadcast %mul3A_909 : i32 to vector<16xi32>
        %add3A_954 = arith.addi %add3A_953, %mul3A_952 : vector<16xi32>
        %add3A_955 = arith.constant 3 : i32
        %add3A_956 = vector.broadcast %add3A_955 : i32 to vector<16xi32>
        %add3A_957 = arith.addi %add3A_954, %add3A_956 : vector<16xi32>
        tpu.vector_store_idx %arg27[%add3A_957], %gather3A_949 : memref<16384xf32, #tpu.memory_space<vmem>>[vector<16xi32>], vector<16xf32>,
        %add3A_958 = arith.constant 4 : i32
        %add3A_959 = vector.broadcast %add3A_958 : i32 to vector<16xi32>
        %add3A_960 = arith.addi %mul3A_903, %add3A_959 : vector<16xi32>
        %gather3A_961 = tpu.vector_load_idx %arg18[%add3A_960] : memref<32768xf32, #tpu.memory_space<vmem>>[vector<16xi32>], vector<16xf32>,
        %mul3A_962 = arith.constant 8 : i32
        %mul3A_963 = vector.broadcast %mul3A_962 : i32 to vector<16xi32>
        %mul3A_964 = arith.muli %iota3A, %mul3A_963 : vector<16xi32>
        %add3A_965 = vector.broadcast %mul3A_909 : i32 to vector<16xi32>
        %add3A_966 = arith.addi %add3A_965, %mul3A_964 : vector<16xi32>
        %add3A_967 = arith.constant 4 : i32
        %add3A_968 = vector.broadcast %add3A_967 : i32 to vector<16xi32>
        %add3A_969 = arith.addi %add3A_966, %add3A_968 : vector<16xi32>
        tpu.vector_store_idx %arg27[%add3A_969], %gather3A_961 : memref<16384xf32, #tpu.memory_space<vmem>>[vector<16xi32>], vector<16xf32>,
        %add3A_970 = arith.constant 5 : i32
        %add3A_971 = vector.broadcast %add3A_970 : i32 to vector<16xi32>
        %add3A_972 = arith.addi %mul3A_903, %add3A_971 : vector<16xi32>
        %gather3A_973 = tpu.vector_load_idx %arg18[%add3A_972] : memref<32768xf32, #tpu.memory_space<vmem>>[vector<16xi32>], vector<16xf32>,
        %mul3A_974 = arith.constant 8 : i32
        %mul3A_975 = vector.broadcast %mul3A_974 : i32 to vector<16xi32>
        %mul3A_976 = arith.muli %iota3A, %mul3A_975 : vector<16xi32>
        %add3A_977 = vector.broadcast %mul3A_909 : i32 to vector<16xi32>
        %add3A_978 = arith.addi %add3A_977, %mul3A_976 : vector<16xi32>
        %add3A_979 = arith.constant 5 : i32
        %add3A_980 = vector.broadcast %add3A_979 : i32 to vector<16xi32>
        %add3A_981 = arith.addi %add3A_978, %add3A_980 : vector<16xi32>
        tpu.vector_store_idx %arg27[%add3A_981], %gather3A_973 : memref<16384xf32, #tpu.memory_space<vmem>>[vector<16xi32>], vector<16xf32>,
        %add3A_982 = arith.constant 6 : i32
        %add3A_983 = vector.broadcast %add3A_982 : i32 to vector<16xi32>
        %add3A_984 = arith.addi %mul3A_903, %add3A_983 : vector<16xi32>
        %gather3A_985 = tpu.vector_load_idx %arg18[%add3A_984] : memref<32768xf32, #tpu.memory_space<vmem>>[vector<16xi32>], vector<16xf32>,
        %mul3A_986 = arith.constant 8 : i32
        %mul3A_987 = vector.broadcast %mul3A_986 : i32 to vector<16xi32>
        %mul3A_988 = arith.muli %iota3A, %mul3A_987 : vector<16xi32>
        %add3A_989 = vector.broadcast %mul3A_909 : i32 to vector<16xi32>
        %add3A_990 = arith.addi %add3A_989, %mul3A_988 : vector<16xi32>
        %add3A_991 = arith.constant 6 : i32
        %add3A_992 = vector.broadcast %add3A_991 : i32 to vector<16xi32>
        %add3A_993 = arith.addi %add3A_990, %add3A_992 : vector<16xi32>
        tpu.vector_store_idx %arg27[%add3A_993], %gather3A_985 : memref<16384xf32, #tpu.memory_space<vmem>>[vector<16xi32>], vector<16xf32>,
        %add3A_994 = arith.constant 7 : i32
        %add3A_995 = vector.broadcast %add3A_994 : i32 to vector<16xi32>
        %add3A_996 = arith.addi %mul3A_903, %add3A_995 : vector<16xi32>
        %gather3A_997 = tpu.vector_load_idx %arg18[%add3A_996] : memref<32768xf32, #tpu.memory_space<vmem>>[vector<16xi32>], vector<16xf32>,
        %mul3A_998 = arith.constant 8 : i32
        %mul3A_999 = vector.broadcast %mul3A_998 : i32 to vector<16xi32>
        %mul3A_1000 = arith.muli %iota3A, %mul3A_999 : vector<16xi32>
        %add3A_1001 = vector.broadcast %mul3A_909 : i32 to vector<16xi32>
        %add3A_1002 = arith.addi %add3A_1001, %mul3A_1000 : vector<16xi32>
        %add3A_1003 = arith.constant 7 : i32
        %add3A_1004 = vector.broadcast %add3A_1003 : i32 to vector<16xi32>
        %add3A_1005 = arith.addi %add3A_1002, %add3A_1004 : vector<16xi32>
        tpu.vector_store_idx %arg27[%add3A_1005], %gather3A_997 : memref<16384xf32, #tpu.memory_space<vmem>>[vector<16xi32>], vector<16xf32>,
        %mul3A_1006 = arith.constant 128 : i32
        %mul3A_1007 = arith.muli %scan3A_450, %mul3A_1006 : i32
        %add3A_1008 = arith.constant 32 : i32
        %add3A_1009 = arith.addi %mul3A_1007, %add3A_1008 : i32
        %get3A_1010 = arith.index_cast %add3A_1009 : i32 to index
        %get3A_1011 = tpu.vector_load %arg24[%get3A_1010] {strides = array<i32>} : memref<2048xi32, #tpu.memory_space<vmem>>, vector<16xi32>,
        %mul3A_1012 = arith.constant 8 : i32
        %mul3A_1013 = vector.broadcast %mul3A_1012 : i32 to vector<16xi32>
        %mul3A_1014 = arith.muli %get3A_1011, %mul3A_1013 : vector<16xi32>
        %mul3A_1015 = arith.constant 128 : i32
        %mul3A_1016 = arith.muli %scan3A_450, %mul3A_1015 : i32
        %add3A_1017 = arith.constant 32 : i32
        %add3A_1018 = arith.addi %mul3A_1016, %add3A_1017 : i32
        %mul3A_1019 = arith.constant 8 : i32
        %mul3A_1020 = arith.muli %add3A_1018, %mul3A_1019 : i32
        %add3A_1021 = arith.constant 0 : i32
        %add3A_1022 = vector.broadcast %add3A_1021 : i32 to vector<16xi32>
        %add3A_1023 = arith.addi %mul3A_1014, %add3A_1022 : vector<16xi32>
        %gather3A_1024 = tpu.vector_load_idx %arg18[%add3A_1023] : memref<32768xf32, #tpu.memory_space<vmem>>[vector<16xi32>], vector<16xf32>,
        %mul3A_1025 = arith.constant 8 : i32
        %mul3A_1026 = vector.broadcast %mul3A_1025 : i32 to vector<16xi32>
        %mul3A_1027 = arith.muli %iota3A, %mul3A_1026 : vector<16xi32>
        %add3A_1028 = vector.broadcast %mul3A_1020 : i32 to vector<16xi32>
        %add3A_1029 = arith.addi %add3A_1028, %mul3A_1027 : vector<16xi32>
        %add3A_1030 = arith.constant 0 : i32
        %add3A_1031 = vector.broadcast %add3A_1030 : i32 to vector<16xi32>
        %add3A_1032 = arith.addi %add3A_1029, %add3A_1031 : vector<16xi32>
        tpu.vector_store_idx %arg27[%add3A_1032], %gather3A_1024 : memref<16384xf32, #tpu.memory_space<vmem>>[vector<16xi32>], vector<16xf32>,
        %add3A_1033 = arith.constant 1 : i32
        %add3A_1034 = vector.broadcast %add3A_1033 : i32 to vector<16xi32>
        %add3A_1035 = arith.addi %mul3A_1014, %add3A_1034 : vector<16xi32>
        %gather3A_1036 = tpu.vector_load_idx %arg18[%add3A_1035] : memref<32768xf32, #tpu.memory_space<vmem>>[vector<16xi32>], vector<16xf32>,
        %mul3A_1037 = arith.constant 8 : i32
        %mul3A_1038 = vector.broadcast %mul3A_1037 : i32 to vector<16xi32>
        %mul3A_1039 = arith.muli %iota3A, %mul3A_1038 : vector<16xi32>
        %add3A_1040 = vector.broadcast %mul3A_1020 : i32 to vector<16xi32>
        %add3A_1041 = arith.addi %add3A_1040, %mul3A_1039 : vector<16xi32>
        %add3A_1042 = arith.constant 1 : i32
        %add3A_1043 = vector.broadcast %add3A_1042 : i32 to vector<16xi32>
        %add3A_1044 = arith.addi %add3A_1041, %add3A_1043 : vector<16xi32>
        tpu.vector_store_idx %arg27[%add3A_1044], %gather3A_1036 : memref<16384xf32, #tpu.memory_space<vmem>>[vector<16xi32>], vector<16xf32>,
        %add3A_1045 = arith.constant 2 : i32
        %add3A_1046 = vector.broadcast %add3A_1045 : i32 to vector<16xi32>
        %add3A_1047 = arith.addi %mul3A_1014, %add3A_1046 : vector<16xi32>
        %gather3A_1048 = tpu.vector_load_idx %arg18[%add3A_1047] : memref<32768xf32, #tpu.memory_space<vmem>>[vector<16xi32>], vector<16xf32>,
        %mul3A_1049 = arith.constant 8 : i32
        %mul3A_1050 = vector.broadcast %mul3A_1049 : i32 to vector<16xi32>
        %mul3A_1051 = arith.muli %iota3A, %mul3A_1050 : vector<16xi32>
        %add3A_1052 = vector.broadcast %mul3A_1020 : i32 to vector<16xi32>
        %add3A_1053 = arith.addi %add3A_1052, %mul3A_1051 : vector<16xi32>
        %add3A_1054 = arith.constant 2 : i32
        %add3A_1055 = vector.broadcast %add3A_1054 : i32 to vector<16xi32>
        %add3A_1056 = arith.addi %add3A_1053, %add3A_1055 : vector<16xi32>
        tpu.vector_store_idx %arg27[%add3A_1056], %gather3A_1048 : memref<16384xf32, #tpu.memory_space<vmem>>[vector<16xi32>], vector<16xf32>,
        %add3A_1057 = arith.constant 3 : i32
        %add3A_1058 = vector.broadcast %add3A_1057 : i32 to vector<16xi32>
        %add3A_1059 = arith.addi %mul3A_1014, %add3A_1058 : vector<16xi32>
        %gather3A_1060 = tpu.vector_load_idx %arg18[%add3A_1059] : memref<32768xf32, #tpu.memory_space<vmem>>[vector<16xi32>], vector<16xf32>,
        %mul3A_1061 = arith.constant 8 : i32
        %mul3A_1062 = vector.broadcast %mul3A_1061 : i32 to vector<16xi32>
        %mul3A_1063 = arith.muli %iota3A, %mul3A_1062 : vector<16xi32>
        %add3A_1064 = vector.broadcast %mul3A_1020 : i32 to vector<16xi32>
        %add3A_1065 = arith.addi %add3A_1064, %mul3A_1063 : vector<16xi32>
        %add3A_1066 = arith.constant 3 : i32
        %add3A_1067 = vector.broadcast %add3A_1066 : i32 to vector<16xi32>
        %add3A_1068 = arith.addi %add3A_1065, %add3A_1067 : vector<16xi32>
        tpu.vector_store_idx %arg27[%add3A_1068], %gather3A_1060 : memref<16384xf32, #tpu.memory_space<vmem>>[vector<16xi32>], vector<16xf32>,
        %add3A_1069 = arith.constant 4 : i32
        %add3A_1070 = vector.broadcast %add3A_1069 : i32 to vector<16xi32>
        %add3A_1071 = arith.addi %mul3A_1014, %add3A_1070 : vector<16xi32>
        %gather3A_1072 = tpu.vector_load_idx %arg18[%add3A_1071] : memref<32768xf32, #tpu.memory_space<vmem>>[vector<16xi32>], vector<16xf32>,
        %mul3A_1073 = arith.constant 8 : i32
        %mul3A_1074 = vector.broadcast %mul3A_1073 : i32 to vector<16xi32>
        %mul3A_1075 = arith.muli %iota3A, %mul3A_1074 : vector<16xi32>
        %add3A_1076 = vector.broadcast %mul3A_1020 : i32 to vector<16xi32>
        %add3A_1077 = arith.addi %add3A_1076, %mul3A_1075 : vector<16xi32>
        %add3A_1078 = arith.constant 4 : i32
        %add3A_1079 = vector.broadcast %add3A_1078 : i32 to vector<16xi32>
        %add3A_1080 = arith.addi %add3A_1077, %add3A_1079 : vector<16xi32>
        tpu.vector_store_idx %arg27[%add3A_1080], %gather3A_1072 : memref<16384xf32, #tpu.memory_space<vmem>>[vector<16xi32>], vector<16xf32>,
        %add3A_1081 = arith.constant 5 : i32
        %add3A_1082 = vector.broadcast %add3A_1081 : i32 to vector<16xi32>
        %add3A_1083 = arith.addi %mul3A_1014, %add3A_1082 : vector<16xi32>
        %gather3A_1084 = tpu.vector_load_idx %arg18[%add3A_1083] : memref<32768xf32, #tpu.memory_space<vmem>>[vector<16xi32>], vector<16xf32>,
        %mul3A_1085 = arith.constant 8 : i32
        %mul3A_1086 = vector.broadcast %mul3A_1085 : i32 to vector<16xi32>
        %mul3A_1087 = arith.muli %iota3A, %mul3A_1086 : vector<16xi32>
        %add3A_1088 = vector.broadcast %mul3A_1020 : i32 to vector<16xi32>
        %add3A_1089 = arith.addi %add3A_1088, %mul3A_1087 : vector<16xi32>
        %add3A_1090 = arith.constant 5 : i32
        %add3A_1091 = vector.broadcast %add3A_1090 : i32 to vector<16xi32>
        %add3A_1092 = arith.addi %add3A_1089, %add3A_1091 : vector<16xi32>
        tpu.vector_store_idx %arg27[%add3A_1092], %gather3A_1084 : memref<16384xf32, #tpu.memory_space<vmem>>[vector<16xi32>], vector<16xf32>,
        %add3A_1093 = arith.constant 6 : i32
        %add3A_1094 = vector.broadcast %add3A_1093 : i32 to vector<16xi32>
        %add3A_1095 = arith.addi %mul3A_1014, %add3A_1094 : vector<16xi32>
        %gather3A_1096 = tpu.vector_load_idx %arg18[%add3A_1095] : memref<32768xf32, #tpu.memory_space<vmem>>[vector<16xi32>], vector<16xf32>,
        %mul3A_1097 = arith.constant 8 : i32
        %mul3A_1098 = vector.broadcast %mul3A_1097 : i32 to vector<16xi32>
        %mul3A_1099 = arith.muli %iota3A, %mul3A_1098 : vector<16xi32>
        %add3A_1100 = vector.broadcast %mul3A_1020 : i32 to vector<16xi32>
        %add3A_1101 = arith.addi %add3A_1100, %mul3A_1099 : vector<16xi32>
        %add3A_1102 = arith.constant 6 : i32
        %add3A_1103 = vector.broadcast %add3A_1102 : i32 to vector<16xi32>
        %add3A_1104 = arith.addi %add3A_1101, %add3A_1103 : vector<16xi32>
        tpu.vector_store_idx %arg27[%add3A_1104], %gather3A_1096 : memref<16384xf32, #tpu.memory_space<vmem>>[vector<16xi32>], vector<16xf32>,
        %add3A_1105 = arith.constant 7 : i32
        %add3A_1106 = vector.broadcast %add3A_1105 : i32 to vector<16xi32>
        %add3A_1107 = arith.addi %mul3A_1014, %add3A_1106 : vector<16xi32>
        %gather3A_1108 = tpu.vector_load_idx %arg18[%add3A_1107] : memref<32768xf32, #tpu.memory_space<vmem>>[vector<16xi32>], vector<16xf32>,
        %mul3A_1109 = arith.constant 8 : i32
        %mul3A_1110 = vector.broadcast %mul3A_1109 : i32 to vector<16xi32>
        %mul3A_1111 = arith.muli %iota3A, %mul3A_1110 : vector<16xi32>
        %add3A_1112 = vector.broadcast %mul3A_1020 : i32 to vector<16xi32>
        %add3A_1113 = arith.addi %add3A_1112, %mul3A_1111 : vector<16xi32>
        %add3A_1114 = arith.constant 7 : i32
        %add3A_1115 = vector.broadcast %add3A_1114 : i32 to vector<16xi32>
        %add3A_1116 = arith.addi %add3A_1113, %add3A_1115 : vector<16xi32>
        tpu.vector_store_idx %arg27[%add3A_1116], %gather3A_1108 : memref<16384xf32, #tpu.memory_space<vmem>>[vector<16xi32>], vector<16xf32>,
        %mul3A_1117 = arith.constant 128 : i32
        %mul3A_1118 = arith.muli %scan3A_450, %mul3A_1117 : i32
        %add3A_1119 = arith.constant 48 : i32
        %add3A_1120 = arith.addi %mul3A_1118, %add3A_1119 : i32
        %get3A_1121 = arith.index_cast %add3A_1120 : i32 to index
        %get3A_1122 = tpu.vector_load %arg24[%get3A_1121] {strides = array<i32>} : memref<2048xi32, #tpu.memory_space<vmem>>, vector<16xi32>,
        %mul3A_1123 = arith.constant 8 : i32
        %mul3A_1124 = vector.broadcast %mul3A_1123 : i32 to vector<16xi32>
        %mul3A_1125 = arith.muli %get3A_1122, %mul3A_1124 : vector<16xi32>
        %mul3A_1126 = arith.constant 128 : i32
        %mul3A_1127 = arith.muli %scan3A_450, %mul3A_1126 : i32
        %add3A_1128 = arith.constant 48 : i32
        %add3A_1129 = arith.addi %mul3A_1127, %add3A_1128 : i32
        %mul3A_1130 = arith.constant 8 : i32
        %mul3A_1131 = arith.muli %add3A_1129, %mul3A_1130 : i32
        %add3A_1132 = arith.constant 0 : i32
        %add3A_1133 = vector.broadcast %add3A_1132 : i32 to vector<16xi32>
        %add3A_1134 = arith.addi %mul3A_1125, %add3A_1133 : vector<16xi32>
        %gather3A_1135 = tpu.vector_load_idx %arg18[%add3A_1134] : memref<32768xf32, #tpu.memory_space<vmem>>[vector<16xi32>], vector<16xf32>,
        %mul3A_1136 = arith.constant 8 : i32
        %mul3A_1137 = vector.broadcast %mul3A_1136 : i32 to vector<16xi32>
        %mul3A_1138 = arith.muli %iota3A, %mul3A_1137 : vector<16xi32>
        %add3A_1139 = vector.broadcast %mul3A_1131 : i32 to vector<16xi32>
        %add3A_1140 = arith.addi %add3A_1139, %mul3A_1138 : vector<16xi32>
        %add3A_1141 = arith.constant 0 : i32
        %add3A_1142 = vector.broadcast %add3A_1141 : i32 to vector<16xi32>
        %add3A_1143 = arith.addi %add3A_1140, %add3A_1142 : vector<16xi32>
        tpu.vector_store_idx %arg27[%add3A_1143], %gather3A_1135 : memref<16384xf32, #tpu.memory_space<vmem>>[vector<16xi32>], vector<16xf32>,
        %add3A_1144 = arith.constant 1 : i32
        %add3A_1145 = vector.broadcast %add3A_1144 : i32 to vector<16xi32>
        %add3A_1146 = arith.addi %mul3A_1125, %add3A_1145 : vector<16xi32>
        %gather3A_1147 = tpu.vector_load_idx %arg18[%add3A_1146] : memref<32768xf32, #tpu.memory_space<vmem>>[vector<16xi32>], vector<16xf32>,
        %mul3A_1148 = arith.constant 8 : i32
        %mul3A_1149 = vector.broadcast %mul3A_1148 : i32 to vector<16xi32>
        %mul3A_1150 = arith.muli %iota3A, %mul3A_1149 : vector<16xi32>
        %add3A_1151 = vector.broadcast %mul3A_1131 : i32 to vector<16xi32>
        %add3A_1152 = arith.addi %add3A_1151, %mul3A_1150 : vector<16xi32>
        %add3A_1153 = arith.constant 1 : i32
        %add3A_1154 = vector.broadcast %add3A_1153 : i32 to vector<16xi32>
        %add3A_1155 = arith.addi %add3A_1152, %add3A_1154 : vector<16xi32>
        tpu.vector_store_idx %arg27[%add3A_1155], %gather3A_1147 : memref<16384xf32, #tpu.memory_space<vmem>>[vector<16xi32>], vector<16xf32>,
        %add3A_1156 = arith.constant 2 : i32
        %add3A_1157 = vector.broadcast %add3A_1156 : i32 to vector<16xi32>
        %add3A_1158 = arith.addi %mul3A_1125, %add3A_1157 : vector<16xi32>
        %gather3A_1159 = tpu.vector_load_idx %arg18[%add3A_1158] : memref<32768xf32, #tpu.memory_space<vmem>>[vector<16xi32>], vector<16xf32>,
        %mul3A_1160 = arith.constant 8 : i32
        %mul3A_1161 = vector.broadcast %mul3A_1160 : i32 to vector<16xi32>
        %mul3A_1162 = arith.muli %iota3A, %mul3A_1161 : vector<16xi32>
        %add3A_1163 = vector.broadcast %mul3A_1131 : i32 to vector<16xi32>
        %add3A_1164 = arith.addi %add3A_1163, %mul3A_1162 : vector<16xi32>
        %add3A_1165 = arith.constant 2 : i32
        %add3A_1166 = vector.broadcast %add3A_1165 : i32 to vector<16xi32>
        %add3A_1167 = arith.addi %add3A_1164, %add3A_1166 : vector<16xi32>
        tpu.vector_store_idx %arg27[%add3A_1167], %gather3A_1159 : memref<16384xf32, #tpu.memory_space<vmem>>[vector<16xi32>], vector<16xf32>,
        %add3A_1168 = arith.constant 3 : i32
        %add3A_1169 = vector.broadcast %add3A_1168 : i32 to vector<16xi32>
        %add3A_1170 = arith.addi %mul3A_1125, %add3A_1169 : vector<16xi32>
        %gather3A_1171 = tpu.vector_load_idx %arg18[%add3A_1170] : memref<32768xf32, #tpu.memory_space<vmem>>[vector<16xi32>], vector<16xf32>,
        %mul3A_1172 = arith.constant 8 : i32
        %mul3A_1173 = vector.broadcast %mul3A_1172 : i32 to vector<16xi32>
        %mul3A_1174 = arith.muli %iota3A, %mul3A_1173 : vector<16xi32>
        %add3A_1175 = vector.broadcast %mul3A_1131 : i32 to vector<16xi32>
        %add3A_1176 = arith.addi %add3A_1175, %mul3A_1174 : vector<16xi32>
        %add3A_1177 = arith.constant 3 : i32
        %add3A_1178 = vector.broadcast %add3A_1177 : i32 to vector<16xi32>
        %add3A_1179 = arith.addi %add3A_1176, %add3A_1178 : vector<16xi32>
        tpu.vector_store_idx %arg27[%add3A_1179], %gather3A_1171 : memref<16384xf32, #tpu.memory_space<vmem>>[vector<16xi32>], vector<16xf32>,
        %add3A_1180 = arith.constant 4 : i32
        %add3A_1181 = vector.broadcast %add3A_1180 : i32 to vector<16xi32>
        %add3A_1182 = arith.addi %mul3A_1125, %add3A_1181 : vector<16xi32>
        %gather3A_1183 = tpu.vector_load_idx %arg18[%add3A_1182] : memref<32768xf32, #tpu.memory_space<vmem>>[vector<16xi32>], vector<16xf32>,
        %mul3A_1184 = arith.constant 8 : i32
        %mul3A_1185 = vector.broadcast %mul3A_1184 : i32 to vector<16xi32>
        %mul3A_1186 = arith.muli %iota3A, %mul3A_1185 : vector<16xi32>
        %add3A_1187 = vector.broadcast %mul3A_1131 : i32 to vector<16xi32>
        %add3A_1188 = arith.addi %add3A_1187, %mul3A_1186 : vector<16xi32>
        %add3A_1189 = arith.constant 4 : i32
        %add3A_1190 = vector.broadcast %add3A_1189 : i32 to vector<16xi32>
        %add3A_1191 = arith.addi %add3A_1188, %add3A_1190 : vector<16xi32>
        tpu.vector_store_idx %arg27[%add3A_1191], %gather3A_1183 : memref<16384xf32, #tpu.memory_space<vmem>>[vector<16xi32>], vector<16xf32>,
        %add3A_1192 = arith.constant 5 : i32
        %add3A_1193 = vector.broadcast %add3A_1192 : i32 to vector<16xi32>
        %add3A_1194 = arith.addi %mul3A_1125, %add3A_1193 : vector<16xi32>
        %gather3A_1195 = tpu.vector_load_idx %arg18[%add3A_1194] : memref<32768xf32, #tpu.memory_space<vmem>>[vector<16xi32>], vector<16xf32>,
        %mul3A_1196 = arith.constant 8 : i32
        %mul3A_1197 = vector.broadcast %mul3A_1196 : i32 to vector<16xi32>
        %mul3A_1198 = arith.muli %iota3A, %mul3A_1197 : vector<16xi32>
        %add3A_1199 = vector.broadcast %mul3A_1131 : i32 to vector<16xi32>
        %add3A_1200 = arith.addi %add3A_1199, %mul3A_1198 : vector<16xi32>
        %add3A_1201 = arith.constant 5 : i32
        %add3A_1202 = vector.broadcast %add3A_1201 : i32 to vector<16xi32>
        %add3A_1203 = arith.addi %add3A_1200, %add3A_1202 : vector<16xi32>
        tpu.vector_store_idx %arg27[%add3A_1203], %gather3A_1195 : memref<16384xf32, #tpu.memory_space<vmem>>[vector<16xi32>], vector<16xf32>,
        %add3A_1204 = arith.constant 6 : i32
        %add3A_1205 = vector.broadcast %add3A_1204 : i32 to vector<16xi32>
        %add3A_1206 = arith.addi %mul3A_1125, %add3A_1205 : vector<16xi32>
        %gather3A_1207 = tpu.vector_load_idx %arg18[%add3A_1206] : memref<32768xf32, #tpu.memory_space<vmem>>[vector<16xi32>], vector<16xf32>,
        %mul3A_1208 = arith.constant 8 : i32
        %mul3A_1209 = vector.broadcast %mul3A_1208 : i32 to vector<16xi32>
        %mul3A_1210 = arith.muli %iota3A, %mul3A_1209 : vector<16xi32>
        %add3A_1211 = vector.broadcast %mul3A_1131 : i32 to vector<16xi32>
        %add3A_1212 = arith.addi %add3A_1211, %mul3A_1210 : vector<16xi32>
        %add3A_1213 = arith.constant 6 : i32
        %add3A_1214 = vector.broadcast %add3A_1213 : i32 to vector<16xi32>
        %add3A_1215 = arith.addi %add3A_1212, %add3A_1214 : vector<16xi32>
        tpu.vector_store_idx %arg27[%add3A_1215], %gather3A_1207 : memref<16384xf32, #tpu.memory_space<vmem>>[vector<16xi32>], vector<16xf32>,
        %add3A_1216 = arith.constant 7 : i32
        %add3A_1217 = vector.broadcast %add3A_1216 : i32 to vector<16xi32>
        %add3A_1218 = arith.addi %mul3A_1125, %add3A_1217 : vector<16xi32>
        %gather3A_1219 = tpu.vector_load_idx %arg18[%add3A_1218] : memref<32768xf32, #tpu.memory_space<vmem>>[vector<16xi32>], vector<16xf32>,
        %mul3A_1220 = arith.constant 8 : i32
        %mul3A_1221 = vector.broadcast %mul3A_1220 : i32 to vector<16xi32>
        %mul3A_1222 = arith.muli %iota3A, %mul3A_1221 : vector<16xi32>
        %add3A_1223 = vector.broadcast %mul3A_1131 : i32 to vector<16xi32>
        %add3A_1224 = arith.addi %add3A_1223, %mul3A_1222 : vector<16xi32>
        %add3A_1225 = arith.constant 7 : i32
        %add3A_1226 = vector.broadcast %add3A_1225 : i32 to vector<16xi32>
        %add3A_1227 = arith.addi %add3A_1224, %add3A_1226 : vector<16xi32>
        tpu.vector_store_idx %arg27[%add3A_1227], %gather3A_1219 : memref<16384xf32, #tpu.memory_space<vmem>>[vector<16xi32>], vector<16xf32>,
        %mul3A_1228 = arith.constant 128 : i32
        %mul3A_1229 = arith.muli %scan3A_450, %mul3A_1228 : i32
        %add3A_1230 = arith.constant 64 : i32
        %add3A_1231 = arith.addi %mul3A_1229, %add3A_1230 : i32
        %get3A_1232 = arith.index_cast %add3A_1231 : i32 to index
        %get3A_1233 = tpu.vector_load %arg24[%get3A_1232] {strides = array<i32>} : memref<2048xi32, #tpu.memory_space<vmem>>, vector<16xi32>,
        %mul3A_1234 = arith.constant 8 : i32
        %mul3A_1235 = vector.broadcast %mul3A_1234 : i32 to vector<16xi32>
        %mul3A_1236 = arith.muli %get3A_1233, %mul3A_1235 : vector<16xi32>
        %mul3A_1237 = arith.constant 128 : i32
        %mul3A_1238 = arith.muli %scan3A_450, %mul3A_1237 : i32
        %add3A_1239 = arith.constant 64 : i32
        %add3A_1240 = arith.addi %mul3A_1238, %add3A_1239 : i32
        %mul3A_1241 = arith.constant 8 : i32
        %mul3A_1242 = arith.muli %add3A_1240, %mul3A_1241 : i32
        %add3A_1243 = arith.constant 0 : i32
        %add3A_1244 = vector.broadcast %add3A_1243 : i32 to vector<16xi32>
        %add3A_1245 = arith.addi %mul3A_1236, %add3A_1244 : vector<16xi32>
        %gather3A_1246 = tpu.vector_load_idx %arg18[%add3A_1245] : memref<32768xf32, #tpu.memory_space<vmem>>[vector<16xi32>], vector<16xf32>,
        %mul3A_1247 = arith.constant 8 : i32
        %mul3A_1248 = vector.broadcast %mul3A_1247 : i32 to vector<16xi32>
        %mul3A_1249 = arith.muli %iota3A, %mul3A_1248 : vector<16xi32>
        %add3A_1250 = vector.broadcast %mul3A_1242 : i32 to vector<16xi32>
        %add3A_1251 = arith.addi %add3A_1250, %mul3A_1249 : vector<16xi32>
        %add3A_1252 = arith.constant 0 : i32
        %add3A_1253 = vector.broadcast %add3A_1252 : i32 to vector<16xi32>
        %add3A_1254 = arith.addi %add3A_1251, %add3A_1253 : vector<16xi32>
        tpu.vector_store_idx %arg27[%add3A_1254], %gather3A_1246 : memref<16384xf32, #tpu.memory_space<vmem>>[vector<16xi32>], vector<16xf32>,
        %add3A_1255 = arith.constant 1 : i32
        %add3A_1256 = vector.broadcast %add3A_1255 : i32 to vector<16xi32>
        %add3A_1257 = arith.addi %mul3A_1236, %add3A_1256 : vector<16xi32>
        %gather3A_1258 = tpu.vector_load_idx %arg18[%add3A_1257] : memref<32768xf32, #tpu.memory_space<vmem>>[vector<16xi32>], vector<16xf32>,
        %mul3A_1259 = arith.constant 8 : i32
        %mul3A_1260 = vector.broadcast %mul3A_1259 : i32 to vector<16xi32>
        %mul3A_1261 = arith.muli %iota3A, %mul3A_1260 : vector<16xi32>
        %add3A_1262 = vector.broadcast %mul3A_1242 : i32 to vector<16xi32>
        %add3A_1263 = arith.addi %add3A_1262, %mul3A_1261 : vector<16xi32>
        %add3A_1264 = arith.constant 1 : i32
        %add3A_1265 = vector.broadcast %add3A_1264 : i32 to vector<16xi32>
        %add3A_1266 = arith.addi %add3A_1263, %add3A_1265 : vector<16xi32>
        tpu.vector_store_idx %arg27[%add3A_1266], %gather3A_1258 : memref<16384xf32, #tpu.memory_space<vmem>>[vector<16xi32>], vector<16xf32>,
        %add3A_1267 = arith.constant 2 : i32
        %add3A_1268 = vector.broadcast %add3A_1267 : i32 to vector<16xi32>
        %add3A_1269 = arith.addi %mul3A_1236, %add3A_1268 : vector<16xi32>
        %gather3A_1270 = tpu.vector_load_idx %arg18[%add3A_1269] : memref<32768xf32, #tpu.memory_space<vmem>>[vector<16xi32>], vector<16xf32>,
        %mul3A_1271 = arith.constant 8 : i32
        %mul3A_1272 = vector.broadcast %mul3A_1271 : i32 to vector<16xi32>
        %mul3A_1273 = arith.muli %iota3A, %mul3A_1272 : vector<16xi32>
        %add3A_1274 = vector.broadcast %mul3A_1242 : i32 to vector<16xi32>
        %add3A_1275 = arith.addi %add3A_1274, %mul3A_1273 : vector<16xi32>
        %add3A_1276 = arith.constant 2 : i32
        %add3A_1277 = vector.broadcast %add3A_1276 : i32 to vector<16xi32>
        %add3A_1278 = arith.addi %add3A_1275, %add3A_1277 : vector<16xi32>
        tpu.vector_store_idx %arg27[%add3A_1278], %gather3A_1270 : memref<16384xf32, #tpu.memory_space<vmem>>[vector<16xi32>], vector<16xf32>,
        %add3A_1279 = arith.constant 3 : i32
        %add3A_1280 = vector.broadcast %add3A_1279 : i32 to vector<16xi32>
        %add3A_1281 = arith.addi %mul3A_1236, %add3A_1280 : vector<16xi32>
        %gather3A_1282 = tpu.vector_load_idx %arg18[%add3A_1281] : memref<32768xf32, #tpu.memory_space<vmem>>[vector<16xi32>], vector<16xf32>,
        %mul3A_1283 = arith.constant 8 : i32
        %mul3A_1284 = vector.broadcast %mul3A_1283 : i32 to vector<16xi32>
        %mul3A_1285 = arith.muli %iota3A, %mul3A_1284 : vector<16xi32>
        %add3A_1286 = vector.broadcast %mul3A_1242 : i32 to vector<16xi32>
        %add3A_1287 = arith.addi %add3A_1286, %mul3A_1285 : vector<16xi32>
        %add3A_1288 = arith.constant 3 : i32
        %add3A_1289 = vector.broadcast %add3A_1288 : i32 to vector<16xi32>
        %add3A_1290 = arith.addi %add3A_1287, %add3A_1289 : vector<16xi32>
        tpu.vector_store_idx %arg27[%add3A_1290], %gather3A_1282 : memref<16384xf32, #tpu.memory_space<vmem>>[vector<16xi32>], vector<16xf32>,
        %add3A_1291 = arith.constant 4 : i32
        %add3A_1292 = vector.broadcast %add3A_1291 : i32 to vector<16xi32>
        %add3A_1293 = arith.addi %mul3A_1236, %add3A_1292 : vector<16xi32>
        %gather3A_1294 = tpu.vector_load_idx %arg18[%add3A_1293] : memref<32768xf32, #tpu.memory_space<vmem>>[vector<16xi32>], vector<16xf32>,
        %mul3A_1295 = arith.constant 8 : i32
        %mul3A_1296 = vector.broadcast %mul3A_1295 : i32 to vector<16xi32>
        %mul3A_1297 = arith.muli %iota3A, %mul3A_1296 : vector<16xi32>
        %add3A_1298 = vector.broadcast %mul3A_1242 : i32 to vector<16xi32>
        %add3A_1299 = arith.addi %add3A_1298, %mul3A_1297 : vector<16xi32>
        %add3A_1300 = arith.constant 4 : i32
        %add3A_1301 = vector.broadcast %add3A_1300 : i32 to vector<16xi32>
        %add3A_1302 = arith.addi %add3A_1299, %add3A_1301 : vector<16xi32>
        tpu.vector_store_idx %arg27[%add3A_1302], %gather3A_1294 : memref<16384xf32, #tpu.memory_space<vmem>>[vector<16xi32>], vector<16xf32>,
        %add3A_1303 = arith.constant 5 : i32
        %add3A_1304 = vector.broadcast %add3A_1303 : i32 to vector<16xi32>
        %add3A_1305 = arith.addi %mul3A_1236, %add3A_1304 : vector<16xi32>
        %gather3A_1306 = tpu.vector_load_idx %arg18[%add3A_1305] : memref<32768xf32, #tpu.memory_space<vmem>>[vector<16xi32>], vector<16xf32>,
        %mul3A_1307 = arith.constant 8 : i32
        %mul3A_1308 = vector.broadcast %mul3A_1307 : i32 to vector<16xi32>
        %mul3A_1309 = arith.muli %iota3A, %mul3A_1308 : vector<16xi32>
        %add3A_1310 = vector.broadcast %mul3A_1242 : i32 to vector<16xi32>
        %add3A_1311 = arith.addi %add3A_1310, %mul3A_1309 : vector<16xi32>
        %add3A_1312 = arith.constant 5 : i32
        %add3A_1313 = vector.broadcast %add3A_1312 : i32 to vector<16xi32>
        %add3A_1314 = arith.addi %add3A_1311, %add3A_1313 : vector<16xi32>
        tpu.vector_store_idx %arg27[%add3A_1314], %gather3A_1306 : memref<16384xf32, #tpu.memory_space<vmem>>[vector<16xi32>], vector<16xf32>,
        %add3A_1315 = arith.constant 6 : i32
        %add3A_1316 = vector.broadcast %add3A_1315 : i32 to vector<16xi32>
        %add3A_1317 = arith.addi %mul3A_1236, %add3A_1316 : vector<16xi32>
        %gather3A_1318 = tpu.vector_load_idx %arg18[%add3A_1317] : memref<32768xf32, #tpu.memory_space<vmem>>[vector<16xi32>], vector<16xf32>,
        %mul3A_1319 = arith.constant 8 : i32
        %mul3A_1320 = vector.broadcast %mul3A_1319 : i32 to vector<16xi32>
        %mul3A_1321 = arith.muli %iota3A, %mul3A_1320 : vector<16xi32>
        %add3A_1322 = vector.broadcast %mul3A_1242 : i32 to vector<16xi32>
        %add3A_1323 = arith.addi %add3A_1322, %mul3A_1321 : vector<16xi32>
        %add3A_1324 = arith.constant 6 : i32
        %add3A_1325 = vector.broadcast %add3A_1324 : i32 to vector<16xi32>
        %add3A_1326 = arith.addi %add3A_1323, %add3A_1325 : vector<16xi32>
        tpu.vector_store_idx %arg27[%add3A_1326], %gather3A_1318 : memref<16384xf32, #tpu.memory_space<vmem>>[vector<16xi32>], vector<16xf32>,
        %add3A_1327 = arith.constant 7 : i32
        %add3A_1328 = vector.broadcast %add3A_1327 : i32 to vector<16xi32>
        %add3A_1329 = arith.addi %mul3A_1236, %add3A_1328 : vector<16xi32>
        %gather3A_1330 = tpu.vector_load_idx %arg18[%add3A_1329] : memref<32768xf32, #tpu.memory_space<vmem>>[vector<16xi32>], vector<16xf32>,
        %mul3A_1331 = arith.constant 8 : i32
        %mul3A_1332 = vector.broadcast %mul3A_1331 : i32 to vector<16xi32>
        %mul3A_1333 = arith.muli %iota3A, %mul3A_1332 : vector<16xi32>
        %add3A_1334 = vector.broadcast %mul3A_1242 : i32 to vector<16xi32>
        %add3A_1335 = arith.addi %add3A_1334, %mul3A_1333 : vector<16xi32>
        %add3A_1336 = arith.constant 7 : i32
        %add3A_1337 = vector.broadcast %add3A_1336 : i32 to vector<16xi32>
        %add3A_1338 = arith.addi %add3A_1335, %add3A_1337 : vector<16xi32>
        tpu.vector_store_idx %arg27[%add3A_1338], %gather3A_1330 : memref<16384xf32, #tpu.memory_space<vmem>>[vector<16xi32>], vector<16xf32>,
        %mul3A_1339 = arith.constant 128 : i32
        %mul3A_1340 = arith.muli %scan3A_450, %mul3A_1339 : i32
        %add3A_1341 = arith.constant 80 : i32
        %add3A_1342 = arith.addi %mul3A_1340, %add3A_1341 : i32
        %get3A_1343 = arith.index_cast %add3A_1342 : i32 to index
        %get3A_1344 = tpu.vector_load %arg24[%get3A_1343] {strides = array<i32>} : memref<2048xi32, #tpu.memory_space<vmem>>, vector<16xi32>,
        %mul3A_1345 = arith.constant 8 : i32
        %mul3A_1346 = vector.broadcast %mul3A_1345 : i32 to vector<16xi32>
        %mul3A_1347 = arith.muli %get3A_1344, %mul3A_1346 : vector<16xi32>
        %mul3A_1348 = arith.constant 128 : i32
        %mul3A_1349 = arith.muli %scan3A_450, %mul3A_1348 : i32
        %add3A_1350 = arith.constant 80 : i32
        %add3A_1351 = arith.addi %mul3A_1349, %add3A_1350 : i32
        %mul3A_1352 = arith.constant 8 : i32
        %mul3A_1353 = arith.muli %add3A_1351, %mul3A_1352 : i32
        %add3A_1354 = arith.constant 0 : i32
        %add3A_1355 = vector.broadcast %add3A_1354 : i32 to vector<16xi32>
        %add3A_1356 = arith.addi %mul3A_1347, %add3A_1355 : vector<16xi32>
        %gather3A_1357 = tpu.vector_load_idx %arg18[%add3A_1356] : memref<32768xf32, #tpu.memory_space<vmem>>[vector<16xi32>], vector<16xf32>,
        %mul3A_1358 = arith.constant 8 : i32
        %mul3A_1359 = vector.broadcast %mul3A_1358 : i32 to vector<16xi32>
        %mul3A_1360 = arith.muli %iota3A, %mul3A_1359 : vector<16xi32>
        %add3A_1361 = vector.broadcast %mul3A_1353 : i32 to vector<16xi32>
        %add3A_1362 = arith.addi %add3A_1361, %mul3A_1360 : vector<16xi32>
        %add3A_1363 = arith.constant 0 : i32
        %add3A_1364 = vector.broadcast %add3A_1363 : i32 to vector<16xi32>
        %add3A_1365 = arith.addi %add3A_1362, %add3A_1364 : vector<16xi32>
        tpu.vector_store_idx %arg27[%add3A_1365], %gather3A_1357 : memref<16384xf32, #tpu.memory_space<vmem>>[vector<16xi32>], vector<16xf32>,
        %add3A_1366 = arith.constant 1 : i32
        %add3A_1367 = vector.broadcast %add3A_1366 : i32 to vector<16xi32>
        %add3A_1368 = arith.addi %mul3A_1347, %add3A_1367 : vector<16xi32>
        %gather3A_1369 = tpu.vector_load_idx %arg18[%add3A_1368] : memref<32768xf32, #tpu.memory_space<vmem>>[vector<16xi32>], vector<16xf32>,
        %mul3A_1370 = arith.constant 8 : i32
        %mul3A_1371 = vector.broadcast %mul3A_1370 : i32 to vector<16xi32>
        %mul3A_1372 = arith.muli %iota3A, %mul3A_1371 : vector<16xi32>
        %add3A_1373 = vector.broadcast %mul3A_1353 : i32 to vector<16xi32>
        %add3A_1374 = arith.addi %add3A_1373, %mul3A_1372 : vector<16xi32>
        %add3A_1375 = arith.constant 1 : i32
        %add3A_1376 = vector.broadcast %add3A_1375 : i32 to vector<16xi32>
        %add3A_1377 = arith.addi %add3A_1374, %add3A_1376 : vector<16xi32>
        tpu.vector_store_idx %arg27[%add3A_1377], %gather3A_1369 : memref<16384xf32, #tpu.memory_space<vmem>>[vector<16xi32>], vector<16xf32>,
        %add3A_1378 = arith.constant 2 : i32
        %add3A_1379 = vector.broadcast %add3A_1378 : i32 to vector<16xi32>
        %add3A_1380 = arith.addi %mul3A_1347, %add3A_1379 : vector<16xi32>
        %gather3A_1381 = tpu.vector_load_idx %arg18[%add3A_1380] : memref<32768xf32, #tpu.memory_space<vmem>>[vector<16xi32>], vector<16xf32>,
        %mul3A_1382 = arith.constant 8 : i32
        %mul3A_1383 = vector.broadcast %mul3A_1382 : i32 to vector<16xi32>
        %mul3A_1384 = arith.muli %iota3A, %mul3A_1383 : vector<16xi32>
        %add3A_1385 = vector.broadcast %mul3A_1353 : i32 to vector<16xi32>
        %add3A_1386 = arith.addi %add3A_1385, %mul3A_1384 : vector<16xi32>
        %add3A_1387 = arith.constant 2 : i32
        %add3A_1388 = vector.broadcast %add3A_1387 : i32 to vector<16xi32>
        %add3A_1389 = arith.addi %add3A_1386, %add3A_1388 : vector<16xi32>
        tpu.vector_store_idx %arg27[%add3A_1389], %gather3A_1381 : memref<16384xf32, #tpu.memory_space<vmem>>[vector<16xi32>], vector<16xf32>,
        %add3A_1390 = arith.constant 3 : i32
        %add3A_1391 = vector.broadcast %add3A_1390 : i32 to vector<16xi32>
        %add3A_1392 = arith.addi %mul3A_1347, %add3A_1391 : vector<16xi32>
        %gather3A_1393 = tpu.vector_load_idx %arg18[%add3A_1392] : memref<32768xf32, #tpu.memory_space<vmem>>[vector<16xi32>], vector<16xf32>,
        %mul3A_1394 = arith.constant 8 : i32
        %mul3A_1395 = vector.broadcast %mul3A_1394 : i32 to vector<16xi32>
        %mul3A_1396 = arith.muli %iota3A, %mul3A_1395 : vector<16xi32>
        %add3A_1397 = vector.broadcast %mul3A_1353 : i32 to vector<16xi32>
        %add3A_1398 = arith.addi %add3A_1397, %mul3A_1396 : vector<16xi32>
        %add3A_1399 = arith.constant 3 : i32
        %add3A_1400 = vector.broadcast %add3A_1399 : i32 to vector<16xi32>
        %add3A_1401 = arith.addi %add3A_1398, %add3A_1400 : vector<16xi32>
        tpu.vector_store_idx %arg27[%add3A_1401], %gather3A_1393 : memref<16384xf32, #tpu.memory_space<vmem>>[vector<16xi32>], vector<16xf32>,
        %add3A_1402 = arith.constant 4 : i32
        %add3A_1403 = vector.broadcast %add3A_1402 : i32 to vector<16xi32>
        %add3A_1404 = arith.addi %mul3A_1347, %add3A_1403 : vector<16xi32>
        %gather3A_1405 = tpu.vector_load_idx %arg18[%add3A_1404] : memref<32768xf32, #tpu.memory_space<vmem>>[vector<16xi32>], vector<16xf32>,
        %mul3A_1406 = arith.constant 8 : i32
        %mul3A_1407 = vector.broadcast %mul3A_1406 : i32 to vector<16xi32>
        %mul3A_1408 = arith.muli %iota3A, %mul3A_1407 : vector<16xi32>
        %add3A_1409 = vector.broadcast %mul3A_1353 : i32 to vector<16xi32>
        %add3A_1410 = arith.addi %add3A_1409, %mul3A_1408 : vector<16xi32>
        %add3A_1411 = arith.constant 4 : i32
        %add3A_1412 = vector.broadcast %add3A_1411 : i32 to vector<16xi32>
        %add3A_1413 = arith.addi %add3A_1410, %add3A_1412 : vector<16xi32>
        tpu.vector_store_idx %arg27[%add3A_1413], %gather3A_1405 : memref<16384xf32, #tpu.memory_space<vmem>>[vector<16xi32>], vector<16xf32>,
        %add3A_1414 = arith.constant 5 : i32
        %add3A_1415 = vector.broadcast %add3A_1414 : i32 to vector<16xi32>
        %add3A_1416 = arith.addi %mul3A_1347, %add3A_1415 : vector<16xi32>
        %gather3A_1417 = tpu.vector_load_idx %arg18[%add3A_1416] : memref<32768xf32, #tpu.memory_space<vmem>>[vector<16xi32>], vector<16xf32>,
        %mul3A_1418 = arith.constant 8 : i32
        %mul3A_1419 = vector.broadcast %mul3A_1418 : i32 to vector<16xi32>
        %mul3A_1420 = arith.muli %iota3A, %mul3A_1419 : vector<16xi32>
        %add3A_1421 = vector.broadcast %mul3A_1353 : i32 to vector<16xi32>
        %add3A_1422 = arith.addi %add3A_1421, %mul3A_1420 : vector<16xi32>
        %add3A_1423 = arith.constant 5 : i32
        %add3A_1424 = vector.broadcast %add3A_1423 : i32 to vector<16xi32>
        %add3A_1425 = arith.addi %add3A_1422, %add3A_1424 : vector<16xi32>
        tpu.vector_store_idx %arg27[%add3A_1425], %gather3A_1417 : memref<16384xf32, #tpu.memory_space<vmem>>[vector<16xi32>], vector<16xf32>,
        %add3A_1426 = arith.constant 6 : i32
        %add3A_1427 = vector.broadcast %add3A_1426 : i32 to vector<16xi32>
        %add3A_1428 = arith.addi %mul3A_1347, %add3A_1427 : vector<16xi32>
        %gather3A_1429 = tpu.vector_load_idx %arg18[%add3A_1428] : memref<32768xf32, #tpu.memory_space<vmem>>[vector<16xi32>], vector<16xf32>,
        %mul3A_1430 = arith.constant 8 : i32
        %mul3A_1431 = vector.broadcast %mul3A_1430 : i32 to vector<16xi32>
        %mul3A_1432 = arith.muli %iota3A, %mul3A_1431 : vector<16xi32>
        %add3A_1433 = vector.broadcast %mul3A_1353 : i32 to vector<16xi32>
        %add3A_1434 = arith.addi %add3A_1433, %mul3A_1432 : vector<16xi32>
        %add3A_1435 = arith.constant 6 : i32
        %add3A_1436 = vector.broadcast %add3A_1435 : i32 to vector<16xi32>
        %add3A_1437 = arith.addi %add3A_1434, %add3A_1436 : vector<16xi32>
        tpu.vector_store_idx %arg27[%add3A_1437], %gather3A_1429 : memref<16384xf32, #tpu.memory_space<vmem>>[vector<16xi32>], vector<16xf32>,
        %add3A_1438 = arith.constant 7 : i32
        %add3A_1439 = vector.broadcast %add3A_1438 : i32 to vector<16xi32>
        %add3A_1440 = arith.addi %mul3A_1347, %add3A_1439 : vector<16xi32>
        %gather3A_1441 = tpu.vector_load_idx %arg18[%add3A_1440] : memref<32768xf32, #tpu.memory_space<vmem>>[vector<16xi32>], vector<16xf32>,
        %mul3A_1442 = arith.constant 8 : i32
        %mul3A_1443 = vector.broadcast %mul3A_1442 : i32 to vector<16xi32>
        %mul3A_1444 = arith.muli %iota3A, %mul3A_1443 : vector<16xi32>
        %add3A_1445 = vector.broadcast %mul3A_1353 : i32 to vector<16xi32>
        %add3A_1446 = arith.addi %add3A_1445, %mul3A_1444 : vector<16xi32>
        %add3A_1447 = arith.constant 7 : i32
        %add3A_1448 = vector.broadcast %add3A_1447 : i32 to vector<16xi32>
        %add3A_1449 = arith.addi %add3A_1446, %add3A_1448 : vector<16xi32>
        tpu.vector_store_idx %arg27[%add3A_1449], %gather3A_1441 : memref<16384xf32, #tpu.memory_space<vmem>>[vector<16xi32>], vector<16xf32>,
        %mul3A_1450 = arith.constant 128 : i32
        %mul3A_1451 = arith.muli %scan3A_450, %mul3A_1450 : i32
        %add3A_1452 = arith.constant 96 : i32
        %add3A_1453 = arith.addi %mul3A_1451, %add3A_1452 : i32
        %get3A_1454 = arith.index_cast %add3A_1453 : i32 to index
        %get3A_1455 = tpu.vector_load %arg24[%get3A_1454] {strides = array<i32>} : memref<2048xi32, #tpu.memory_space<vmem>>, vector<16xi32>,
        %mul3A_1456 = arith.constant 8 : i32
        %mul3A_1457 = vector.broadcast %mul3A_1456 : i32 to vector<16xi32>
        %mul3A_1458 = arith.muli %get3A_1455, %mul3A_1457 : vector<16xi32>
        %mul3A_1459 = arith.constant 128 : i32
        %mul3A_1460 = arith.muli %scan3A_450, %mul3A_1459 : i32
        %add3A_1461 = arith.constant 96 : i32
        %add3A_1462 = arith.addi %mul3A_1460, %add3A_1461 : i32
        %mul3A_1463 = arith.constant 8 : i32
        %mul3A_1464 = arith.muli %add3A_1462, %mul3A_1463 : i32
        %add3A_1465 = arith.constant 0 : i32
        %add3A_1466 = vector.broadcast %add3A_1465 : i32 to vector<16xi32>
        %add3A_1467 = arith.addi %mul3A_1458, %add3A_1466 : vector<16xi32>
        %gather3A_1468 = tpu.vector_load_idx %arg18[%add3A_1467] : memref<32768xf32, #tpu.memory_space<vmem>>[vector<16xi32>], vector<16xf32>,
        %mul3A_1469 = arith.constant 8 : i32
        %mul3A_1470 = vector.broadcast %mul3A_1469 : i32 to vector<16xi32>
        %mul3A_1471 = arith.muli %iota3A, %mul3A_1470 : vector<16xi32>
        %add3A_1472 = vector.broadcast %mul3A_1464 : i32 to vector<16xi32>
        %add3A_1473 = arith.addi %add3A_1472, %mul3A_1471 : vector<16xi32>
        %add3A_1474 = arith.constant 0 : i32
        %add3A_1475 = vector.broadcast %add3A_1474 : i32 to vector<16xi32>
        %add3A_1476 = arith.addi %add3A_1473, %add3A_1475 : vector<16xi32>
        tpu.vector_store_idx %arg27[%add3A_1476], %gather3A_1468 : memref<16384xf32, #tpu.memory_space<vmem>>[vector<16xi32>], vector<16xf32>,
        %add3A_1477 = arith.constant 1 : i32
        %add3A_1478 = vector.broadcast %add3A_1477 : i32 to vector<16xi32>
        %add3A_1479 = arith.addi %mul3A_1458, %add3A_1478 : vector<16xi32>
        %gather3A_1480 = tpu.vector_load_idx %arg18[%add3A_1479] : memref<32768xf32, #tpu.memory_space<vmem>>[vector<16xi32>], vector<16xf32>,
        %mul3A_1481 = arith.constant 8 : i32
        %mul3A_1482 = vector.broadcast %mul3A_1481 : i32 to vector<16xi32>
        %mul3A_1483 = arith.muli %iota3A, %mul3A_1482 : vector<16xi32>
        %add3A_1484 = vector.broadcast %mul3A_1464 : i32 to vector<16xi32>
        %add3A_1485 = arith.addi %add3A_1484, %mul3A_1483 : vector<16xi32>
        %add3A_1486 = arith.constant 1 : i32
        %add3A_1487 = vector.broadcast %add3A_1486 : i32 to vector<16xi32>
        %add3A_1488 = arith.addi %add3A_1485, %add3A_1487 : vector<16xi32>
        tpu.vector_store_idx %arg27[%add3A_1488], %gather3A_1480 : memref<16384xf32, #tpu.memory_space<vmem>>[vector<16xi32>], vector<16xf32>,
        %add3A_1489 = arith.constant 2 : i32
        %add3A_1490 = vector.broadcast %add3A_1489 : i32 to vector<16xi32>
        %add3A_1491 = arith.addi %mul3A_1458, %add3A_1490 : vector<16xi32>
        %gather3A_1492 = tpu.vector_load_idx %arg18[%add3A_1491] : memref<32768xf32, #tpu.memory_space<vmem>>[vector<16xi32>], vector<16xf32>,
        %mul3A_1493 = arith.constant 8 : i32
        %mul3A_1494 = vector.broadcast %mul3A_1493 : i32 to vector<16xi32>
        %mul3A_1495 = arith.muli %iota3A, %mul3A_1494 : vector<16xi32>
        %add3A_1496 = vector.broadcast %mul3A_1464 : i32 to vector<16xi32>
        %add3A_1497 = arith.addi %add3A_1496, %mul3A_1495 : vector<16xi32>
        %add3A_1498 = arith.constant 2 : i32
        %add3A_1499 = vector.broadcast %add3A_1498 : i32 to vector<16xi32>
        %add3A_1500 = arith.addi %add3A_1497, %add3A_1499 : vector<16xi32>
        tpu.vector_store_idx %arg27[%add3A_1500], %gather3A_1492 : memref<16384xf32, #tpu.memory_space<vmem>>[vector<16xi32>], vector<16xf32>,
        %add3A_1501 = arith.constant 3 : i32
        %add3A_1502 = vector.broadcast %add3A_1501 : i32 to vector<16xi32>
        %add3A_1503 = arith.addi %mul3A_1458, %add3A_1502 : vector<16xi32>
        %gather3A_1504 = tpu.vector_load_idx %arg18[%add3A_1503] : memref<32768xf32, #tpu.memory_space<vmem>>[vector<16xi32>], vector<16xf32>,
        %mul3A_1505 = arith.constant 8 : i32
        %mul3A_1506 = vector.broadcast %mul3A_1505 : i32 to vector<16xi32>
        %mul3A_1507 = arith.muli %iota3A, %mul3A_1506 : vector<16xi32>
        %add3A_1508 = vector.broadcast %mul3A_1464 : i32 to vector<16xi32>
        %add3A_1509 = arith.addi %add3A_1508, %mul3A_1507 : vector<16xi32>
        %add3A_1510 = arith.constant 3 : i32
        %add3A_1511 = vector.broadcast %add3A_1510 : i32 to vector<16xi32>
        %add3A_1512 = arith.addi %add3A_1509, %add3A_1511 : vector<16xi32>
        tpu.vector_store_idx %arg27[%add3A_1512], %gather3A_1504 : memref<16384xf32, #tpu.memory_space<vmem>>[vector<16xi32>], vector<16xf32>,
        %add3A_1513 = arith.constant 4 : i32
        %add3A_1514 = vector.broadcast %add3A_1513 : i32 to vector<16xi32>
        %add3A_1515 = arith.addi %mul3A_1458, %add3A_1514 : vector<16xi32>
        %gather3A_1516 = tpu.vector_load_idx %arg18[%add3A_1515] : memref<32768xf32, #tpu.memory_space<vmem>>[vector<16xi32>], vector<16xf32>,
        %mul3A_1517 = arith.constant 8 : i32
        %mul3A_1518 = vector.broadcast %mul3A_1517 : i32 to vector<16xi32>
        %mul3A_1519 = arith.muli %iota3A, %mul3A_1518 : vector<16xi32>
        %add3A_1520 = vector.broadcast %mul3A_1464 : i32 to vector<16xi32>
        %add3A_1521 = arith.addi %add3A_1520, %mul3A_1519 : vector<16xi32>
        %add3A_1522 = arith.constant 4 : i32
        %add3A_1523 = vector.broadcast %add3A_1522 : i32 to vector<16xi32>
        %add3A_1524 = arith.addi %add3A_1521, %add3A_1523 : vector<16xi32>
        tpu.vector_store_idx %arg27[%add3A_1524], %gather3A_1516 : memref<16384xf32, #tpu.memory_space<vmem>>[vector<16xi32>], vector<16xf32>,
        %add3A_1525 = arith.constant 5 : i32
        %add3A_1526 = vector.broadcast %add3A_1525 : i32 to vector<16xi32>
        %add3A_1527 = arith.addi %mul3A_1458, %add3A_1526 : vector<16xi32>
        %gather3A_1528 = tpu.vector_load_idx %arg18[%add3A_1527] : memref<32768xf32, #tpu.memory_space<vmem>>[vector<16xi32>], vector<16xf32>,
        %mul3A_1529 = arith.constant 8 : i32
        %mul3A_1530 = vector.broadcast %mul3A_1529 : i32 to vector<16xi32>
        %mul3A_1531 = arith.muli %iota3A, %mul3A_1530 : vector<16xi32>
        %add3A_1532 = vector.broadcast %mul3A_1464 : i32 to vector<16xi32>
        %add3A_1533 = arith.addi %add3A_1532, %mul3A_1531 : vector<16xi32>
        %add3A_1534 = arith.constant 5 : i32
        %add3A_1535 = vector.broadcast %add3A_1534 : i32 to vector<16xi32>
        %add3A_1536 = arith.addi %add3A_1533, %add3A_1535 : vector<16xi32>
        tpu.vector_store_idx %arg27[%add3A_1536], %gather3A_1528 : memref<16384xf32, #tpu.memory_space<vmem>>[vector<16xi32>], vector<16xf32>,
        %add3A_1537 = arith.constant 6 : i32
        %add3A_1538 = vector.broadcast %add3A_1537 : i32 to vector<16xi32>
        %add3A_1539 = arith.addi %mul3A_1458, %add3A_1538 : vector<16xi32>
        %gather3A_1540 = tpu.vector_load_idx %arg18[%add3A_1539] : memref<32768xf32, #tpu.memory_space<vmem>>[vector<16xi32>], vector<16xf32>,
        %mul3A_1541 = arith.constant 8 : i32
        %mul3A_1542 = vector.broadcast %mul3A_1541 : i32 to vector<16xi32>
        %mul3A_1543 = arith.muli %iota3A, %mul3A_1542 : vector<16xi32>
        %add3A_1544 = vector.broadcast %mul3A_1464 : i32 to vector<16xi32>
        %add3A_1545 = arith.addi %add3A_1544, %mul3A_1543 : vector<16xi32>
        %add3A_1546 = arith.constant 6 : i32
        %add3A_1547 = vector.broadcast %add3A_1546 : i32 to vector<16xi32>
        %add3A_1548 = arith.addi %add3A_1545, %add3A_1547 : vector<16xi32>
        tpu.vector_store_idx %arg27[%add3A_1548], %gather3A_1540 : memref<16384xf32, #tpu.memory_space<vmem>>[vector<16xi32>], vector<16xf32>,
        %add3A_1549 = arith.constant 7 : i32
        %add3A_1550 = vector.broadcast %add3A_1549 : i32 to vector<16xi32>
        %add3A_1551 = arith.addi %mul3A_1458, %add3A_1550 : vector<16xi32>
        %gather3A_1552 = tpu.vector_load_idx %arg18[%add3A_1551] : memref<32768xf32, #tpu.memory_space<vmem>>[vector<16xi32>], vector<16xf32>,
        %mul3A_1553 = arith.constant 8 : i32
        %mul3A_1554 = vector.broadcast %mul3A_1553 : i32 to vector<16xi32>
        %mul3A_1555 = arith.muli %iota3A, %mul3A_1554 : vector<16xi32>
        %add3A_1556 = vector.broadcast %mul3A_1464 : i32 to vector<16xi32>
        %add3A_1557 = arith.addi %add3A_1556, %mul3A_1555 : vector<16xi32>
        %add3A_1558 = arith.constant 7 : i32
        %add3A_1559 = vector.broadcast %add3A_1558 : i32 to vector<16xi32>
        %add3A_1560 = arith.addi %add3A_1557, %add3A_1559 : vector<16xi32>
        tpu.vector_store_idx %arg27[%add3A_1560], %gather3A_1552 : memref<16384xf32, #tpu.memory_space<vmem>>[vector<16xi32>], vector<16xf32>,
        %mul3A_1561 = arith.constant 128 : i32
        %mul3A_1562 = arith.muli %scan3A_450, %mul3A_1561 : i32
        %add3A_1563 = arith.constant 112 : i32
        %add3A_1564 = arith.addi %mul3A_1562, %add3A_1563 : i32
        %get3A_1565 = arith.index_cast %add3A_1564 : i32 to index
        %get3A_1566 = tpu.vector_load %arg24[%get3A_1565] {strides = array<i32>} : memref<2048xi32, #tpu.memory_space<vmem>>, vector<16xi32>,
        %mul3A_1567 = arith.constant 8 : i32
        %mul3A_1568 = vector.broadcast %mul3A_1567 : i32 to vector<16xi32>
        %mul3A_1569 = arith.muli %get3A_1566, %mul3A_1568 : vector<16xi32>
        %mul3A_1570 = arith.constant 128 : i32
        %mul3A_1571 = arith.muli %scan3A_450, %mul3A_1570 : i32
        %add3A_1572 = arith.constant 112 : i32
        %add3A_1573 = arith.addi %mul3A_1571, %add3A_1572 : i32
        %mul3A_1574 = arith.constant 8 : i32
        %mul3A_1575 = arith.muli %add3A_1573, %mul3A_1574 : i32
        %add3A_1576 = arith.constant 0 : i32
        %add3A_1577 = vector.broadcast %add3A_1576 : i32 to vector<16xi32>
        %add3A_1578 = arith.addi %mul3A_1569, %add3A_1577 : vector<16xi32>
        %gather3A_1579 = tpu.vector_load_idx %arg18[%add3A_1578] : memref<32768xf32, #tpu.memory_space<vmem>>[vector<16xi32>], vector<16xf32>,
        %mul3A_1580 = arith.constant 8 : i32
        %mul3A_1581 = vector.broadcast %mul3A_1580 : i32 to vector<16xi32>
        %mul3A_1582 = arith.muli %iota3A, %mul3A_1581 : vector<16xi32>
        %add3A_1583 = vector.broadcast %mul3A_1575 : i32 to vector<16xi32>
        %add3A_1584 = arith.addi %add3A_1583, %mul3A_1582 : vector<16xi32>
        %add3A_1585 = arith.constant 0 : i32
        %add3A_1586 = vector.broadcast %add3A_1585 : i32 to vector<16xi32>
        %add3A_1587 = arith.addi %add3A_1584, %add3A_1586 : vector<16xi32>
        tpu.vector_store_idx %arg27[%add3A_1587], %gather3A_1579 : memref<16384xf32, #tpu.memory_space<vmem>>[vector<16xi32>], vector<16xf32>,
        %add3A_1588 = arith.constant 1 : i32
        %add3A_1589 = vector.broadcast %add3A_1588 : i32 to vector<16xi32>
        %add3A_1590 = arith.addi %mul3A_1569, %add3A_1589 : vector<16xi32>
        %gather3A_1591 = tpu.vector_load_idx %arg18[%add3A_1590] : memref<32768xf32, #tpu.memory_space<vmem>>[vector<16xi32>], vector<16xf32>,
        %mul3A_1592 = arith.constant 8 : i32
        %mul3A_1593 = vector.broadcast %mul3A_1592 : i32 to vector<16xi32>
        %mul3A_1594 = arith.muli %iota3A, %mul3A_1593 : vector<16xi32>
        %add3A_1595 = vector.broadcast %mul3A_1575 : i32 to vector<16xi32>
        %add3A_1596 = arith.addi %add3A_1595, %mul3A_1594 : vector<16xi32>
        %add3A_1597 = arith.constant 1 : i32
        %add3A_1598 = vector.broadcast %add3A_1597 : i32 to vector<16xi32>
        %add3A_1599 = arith.addi %add3A_1596, %add3A_1598 : vector<16xi32>
        tpu.vector_store_idx %arg27[%add3A_1599], %gather3A_1591 : memref<16384xf32, #tpu.memory_space<vmem>>[vector<16xi32>], vector<16xf32>,
        %add3A_1600 = arith.constant 2 : i32
        %add3A_1601 = vector.broadcast %add3A_1600 : i32 to vector<16xi32>
        %add3A_1602 = arith.addi %mul3A_1569, %add3A_1601 : vector<16xi32>
        %gather3A_1603 = tpu.vector_load_idx %arg18[%add3A_1602] : memref<32768xf32, #tpu.memory_space<vmem>>[vector<16xi32>], vector<16xf32>,
        %mul3A_1604 = arith.constant 8 : i32
        %mul3A_1605 = vector.broadcast %mul3A_1604 : i32 to vector<16xi32>
        %mul3A_1606 = arith.muli %iota3A, %mul3A_1605 : vector<16xi32>
        %add3A_1607 = vector.broadcast %mul3A_1575 : i32 to vector<16xi32>
        %add3A_1608 = arith.addi %add3A_1607, %mul3A_1606 : vector<16xi32>
        %add3A_1609 = arith.constant 2 : i32
        %add3A_1610 = vector.broadcast %add3A_1609 : i32 to vector<16xi32>
        %add3A_1611 = arith.addi %add3A_1608, %add3A_1610 : vector<16xi32>
        tpu.vector_store_idx %arg27[%add3A_1611], %gather3A_1603 : memref<16384xf32, #tpu.memory_space<vmem>>[vector<16xi32>], vector<16xf32>,
        %add3A_1612 = arith.constant 3 : i32
        %add3A_1613 = vector.broadcast %add3A_1612 : i32 to vector<16xi32>
        %add3A_1614 = arith.addi %mul3A_1569, %add3A_1613 : vector<16xi32>
        %gather3A_1615 = tpu.vector_load_idx %arg18[%add3A_1614] : memref<32768xf32, #tpu.memory_space<vmem>>[vector<16xi32>], vector<16xf32>,
        %mul3A_1616 = arith.constant 8 : i32
        %mul3A_1617 = vector.broadcast %mul3A_1616 : i32 to vector<16xi32>
        %mul3A_1618 = arith.muli %iota3A, %mul3A_1617 : vector<16xi32>
        %add3A_1619 = vector.broadcast %mul3A_1575 : i32 to vector<16xi32>
        %add3A_1620 = arith.addi %add3A_1619, %mul3A_1618 : vector<16xi32>
        %add3A_1621 = arith.constant 3 : i32
        %add3A_1622 = vector.broadcast %add3A_1621 : i32 to vector<16xi32>
        %add3A_1623 = arith.addi %add3A_1620, %add3A_1622 : vector<16xi32>
        tpu.vector_store_idx %arg27[%add3A_1623], %gather3A_1615 : memref<16384xf32, #tpu.memory_space<vmem>>[vector<16xi32>], vector<16xf32>,
        %add3A_1624 = arith.constant 4 : i32
        %add3A_1625 = vector.broadcast %add3A_1624 : i32 to vector<16xi32>
        %add3A_1626 = arith.addi %mul3A_1569, %add3A_1625 : vector<16xi32>
        %gather3A_1627 = tpu.vector_load_idx %arg18[%add3A_1626] : memref<32768xf32, #tpu.memory_space<vmem>>[vector<16xi32>], vector<16xf32>,
        %mul3A_1628 = arith.constant 8 : i32
        %mul3A_1629 = vector.broadcast %mul3A_1628 : i32 to vector<16xi32>
        %mul3A_1630 = arith.muli %iota3A, %mul3A_1629 : vector<16xi32>
        %add3A_1631 = vector.broadcast %mul3A_1575 : i32 to vector<16xi32>
        %add3A_1632 = arith.addi %add3A_1631, %mul3A_1630 : vector<16xi32>
        %add3A_1633 = arith.constant 4 : i32
        %add3A_1634 = vector.broadcast %add3A_1633 : i32 to vector<16xi32>
        %add3A_1635 = arith.addi %add3A_1632, %add3A_1634 : vector<16xi32>
        tpu.vector_store_idx %arg27[%add3A_1635], %gather3A_1627 : memref<16384xf32, #tpu.memory_space<vmem>>[vector<16xi32>], vector<16xf32>,
        %add3A_1636 = arith.constant 5 : i32
        %add3A_1637 = vector.broadcast %add3A_1636 : i32 to vector<16xi32>
        %add3A_1638 = arith.addi %mul3A_1569, %add3A_1637 : vector<16xi32>
        %gather3A_1639 = tpu.vector_load_idx %arg18[%add3A_1638] : memref<32768xf32, #tpu.memory_space<vmem>>[vector<16xi32>], vector<16xf32>,
        %mul3A_1640 = arith.constant 8 : i32
        %mul3A_1641 = vector.broadcast %mul3A_1640 : i32 to vector<16xi32>
        %mul3A_1642 = arith.muli %iota3A, %mul3A_1641 : vector<16xi32>
        %add3A_1643 = vector.broadcast %mul3A_1575 : i32 to vector<16xi32>
        %add3A_1644 = arith.addi %add3A_1643, %mul3A_1642 : vector<16xi32>
        %add3A_1645 = arith.constant 5 : i32
        %add3A_1646 = vector.broadcast %add3A_1645 : i32 to vector<16xi32>
        %add3A_1647 = arith.addi %add3A_1644, %add3A_1646 : vector<16xi32>
        tpu.vector_store_idx %arg27[%add3A_1647], %gather3A_1639 : memref<16384xf32, #tpu.memory_space<vmem>>[vector<16xi32>], vector<16xf32>,
        %add3A_1648 = arith.constant 6 : i32
        %add3A_1649 = vector.broadcast %add3A_1648 : i32 to vector<16xi32>
        %add3A_1650 = arith.addi %mul3A_1569, %add3A_1649 : vector<16xi32>
        %gather3A_1651 = tpu.vector_load_idx %arg18[%add3A_1650] : memref<32768xf32, #tpu.memory_space<vmem>>[vector<16xi32>], vector<16xf32>,
        %mul3A_1652 = arith.constant 8 : i32
        %mul3A_1653 = vector.broadcast %mul3A_1652 : i32 to vector<16xi32>
        %mul3A_1654 = arith.muli %iota3A, %mul3A_1653 : vector<16xi32>
        %add3A_1655 = vector.broadcast %mul3A_1575 : i32 to vector<16xi32>
        %add3A_1656 = arith.addi %add3A_1655, %mul3A_1654 : vector<16xi32>
        %add3A_1657 = arith.constant 6 : i32
        %add3A_1658 = vector.broadcast %add3A_1657 : i32 to vector<16xi32>
        %add3A_1659 = arith.addi %add3A_1656, %add3A_1658 : vector<16xi32>
        tpu.vector_store_idx %arg27[%add3A_1659], %gather3A_1651 : memref<16384xf32, #tpu.memory_space<vmem>>[vector<16xi32>], vector<16xf32>,
        %add3A_1660 = arith.constant 7 : i32
        %add3A_1661 = vector.broadcast %add3A_1660 : i32 to vector<16xi32>
        %add3A_1662 = arith.addi %mul3A_1569, %add3A_1661 : vector<16xi32>
        %gather3A_1663 = tpu.vector_load_idx %arg18[%add3A_1662] : memref<32768xf32, #tpu.memory_space<vmem>>[vector<16xi32>], vector<16xf32>,
        %mul3A_1664 = arith.constant 8 : i32
        %mul3A_1665 = vector.broadcast %mul3A_1664 : i32 to vector<16xi32>
        %mul3A_1666 = arith.muli %iota3A, %mul3A_1665 : vector<16xi32>
        %add3A_1667 = vector.broadcast %mul3A_1575 : i32 to vector<16xi32>
        %add3A_1668 = arith.addi %add3A_1667, %mul3A_1666 : vector<16xi32>
        %add3A_1669 = arith.constant 7 : i32
        %add3A_1670 = vector.broadcast %add3A_1669 : i32 to vector<16xi32>
        %add3A_1671 = arith.addi %add3A_1668, %add3A_1670 : vector<16xi32>
        tpu.vector_store_idx %arg27[%add3A_1671], %gather3A_1663 : memref<16384xf32, #tpu.memory_space<vmem>>[vector<16xi32>], vector<16xf32>,
        %scan3A_1672 = arith.constant 0 : i32
        scf.yield %scan3A_1672 : i32
      }
      %scan3A_427 = arith.constant 16 : i32
      %swap3A_428 = arith.constant 0 : index
      %swap3A_429 = tpu.vector_load %arg28[%swap3A_428] {strides = array<i32>} : memref<16xi32, #tpu.memory_space<vmem>>, vector<16xi32>,
      tpu.vector_store %arg28[%swap3A_428], %scan3A_402#0 {strides = array<i32>} : memref<16xi32, #tpu.memory_space<vmem>>, vector<16xi32>,
      %swap3A_430 = arith.constant 0 : index
      %swap3A_431 = tpu.vector_load %arg29[%swap3A_430] {strides = array<i32>} : memref<16xi32, #tpu.memory_space<vmem>>, vector<16xi32>,
      tpu.vector_store %arg29[%swap3A_430], %scan3A_402#1 {strides = array<i32>} : memref<16xi32, #tpu.memory_space<vmem>>, vector<16xi32>,
      %swap3A_432 = arith.constant 0 : index
      %swap3A_433 = tpu.vector_load %arg30[%swap3A_432] {strides = array<i32>} : memref<16xi32, #tpu.memory_space<vmem>>, vector<16xi32>,
      tpu.vector_store %arg30[%swap3A_432], %scan3A_402#2 {strides = array<i32>} : memref<16xi32, #tpu.memory_space<vmem>>, vector<16xi32>,
      %mul3A_434 = arith.constant 16 : i32
      %mul3A_435 = arith.muli %scan3A_383, %mul3A_434 : i32
      %add3A_436 = arith.addi %mul3A_18, %mul3A_435 : i32
      %mul3A_437 = arith.constant 16 : i32
      %mul3A_438 = arith.muli %add3A_436, %mul3A_437 : i32
      %mul3A_439 = arith.constant 8 : i32
      %mul3A_440 = arith.muli %mul3A_438, %mul3A_439 : i32
      "tpu.region"() ({
        %run_scoped3A = tpu.sem_alloc : memref<!tpu.dma_semaphore, #tpu.memory_space<semaphore_mem>>
        %dma_start3A = tpu.memref_slice %arg9[%mul3A_440] : memref<1048576xf32, #tpu.memory_space<hbm>> -> memref<2048xf32, #tpu.memory_space<hbm>>
        %dma_start3A_450 = tpu.memref_slice %arg9[%mul3A_440] : memref<1048576xf32, #tpu.memory_space<hbm>> -> memref<2048xf32, #tpu.memory_space<hbm>>
        tpu.enqueue_dma source(%arg25 : memref<2048xf32, #tpu.memory_space<vmem>>) target(%dma_start3A_450 : memref<2048xf32, #tpu.memory_space<hbm>>) target_semaphore(%run_scoped3A : memref<!tpu.dma_semaphore, #tpu.memory_space<semaphore_mem>>)
        %dma_wait3A = tpu.memref_slice %arg9[%mul3A_440] : memref<1048576xf32, #tpu.memory_space<hbm>> -> memref<2048xf32, #tpu.memory_space<hbm>>
        %dma_wait3A_451 = tpu.memref_slice %arg9[%mul3A_440] : memref<1048576xf32, #tpu.memory_space<hbm>> -> memref<2048xf32, #tpu.memory_space<hbm>>
        tpu.wait_dma2 semaphore(%run_scoped3A : memref<!tpu.dma_semaphore, #tpu.memory_space<semaphore_mem>>) src(%arg25 : memref<2048xf32, #tpu.memory_space<vmem>>) dst(%dma_wait3A_451 : memref<2048xf32, #tpu.memory_space<hbm>>)
        tpu.yield
      }) : () -> ()
      %mul3A_441 = arith.constant 32 : i32
      %mul3A_442 = arith.muli %add3A_436, %mul3A_441 : i32
      %mul3A_443 = arith.constant 8 : i32
      %mul3A_444 = arith.muli %mul3A_442, %mul3A_443 : i32
      "tpu.region"() ({
        %run_scoped3A = tpu.sem_alloc : memref<!tpu.dma_semaphore, #tpu.memory_space<semaphore_mem>>
        %dma_start3A = tpu.memref_slice %arg10[%mul3A_444] : memref<2097152xf32, #tpu.memory_space<hbm>> -> memref<4096xf32, #tpu.memory_space<hbm>>
        %dma_start3A_450 = tpu.memref_slice %arg10[%mul3A_444] : memref<2097152xf32, #tpu.memory_space<hbm>> -> memref<4096xf32, #tpu.memory_space<hbm>>
        tpu.enqueue_dma source(%arg26 : memref<4096xf32, #tpu.memory_space<vmem>>) target(%dma_start3A_450 : memref<4096xf32, #tpu.memory_space<hbm>>) target_semaphore(%run_scoped3A : memref<!tpu.dma_semaphore, #tpu.memory_space<semaphore_mem>>)
        %dma_wait3A = tpu.memref_slice %arg10[%mul3A_444] : memref<2097152xf32, #tpu.memory_space<hbm>> -> memref<4096xf32, #tpu.memory_space<hbm>>
        %dma_wait3A_451 = tpu.memref_slice %arg10[%mul3A_444] : memref<2097152xf32, #tpu.memory_space<hbm>> -> memref<4096xf32, #tpu.memory_space<hbm>>
        tpu.wait_dma2 semaphore(%run_scoped3A : memref<!tpu.dma_semaphore, #tpu.memory_space<semaphore_mem>>) src(%arg26 : memref<4096xf32, #tpu.memory_space<vmem>>) dst(%dma_wait3A_451 : memref<4096xf32, #tpu.memory_space<hbm>>)
        tpu.yield
      }) : () -> ()
      %mul3A_445 = arith.constant 128 : i32
      %mul3A_446 = arith.muli %add3A_436, %mul3A_445 : i32
      %mul3A_447 = arith.constant 8 : i32
      %mul3A_448 = arith.muli %mul3A_446, %mul3A_447 : i32
      "tpu.region"() ({
        %run_scoped3A = tpu.sem_alloc : memref<!tpu.dma_semaphore, #tpu.memory_space<semaphore_mem>>
        %dma_start3A = tpu.memref_slice %arg11[%mul3A_448] : memref<8388608xf32, #tpu.memory_space<hbm>> -> memref<16384xf32, #tpu.memory_space<hbm>>
        %dma_start3A_450 = tpu.memref_slice %arg11[%mul3A_448] : memref<8388608xf32, #tpu.memory_space<hbm>> -> memref<16384xf32, #tpu.memory_space<hbm>>
        tpu.enqueue_dma source(%arg27 : memref<16384xf32, #tpu.memory_space<vmem>>) target(%dma_start3A_450 : memref<16384xf32, #tpu.memory_space<hbm>>) target_semaphore(%run_scoped3A : memref<!tpu.dma_semaphore, #tpu.memory_space<semaphore_mem>>)
        %dma_wait3A = tpu.memref_slice %arg11[%mul3A_448] : memref<8388608xf32, #tpu.memory_space<hbm>> -> memref<16384xf32, #tpu.memory_space<hbm>>
        %dma_wait3A_451 = tpu.memref_slice %arg11[%mul3A_448] : memref<8388608xf32, #tpu.memory_space<hbm>> -> memref<16384xf32, #tpu.memory_space<hbm>>
        tpu.wait_dma2 semaphore(%run_scoped3A : memref<!tpu.dma_semaphore, #tpu.memory_space<semaphore_mem>>) src(%arg27 : memref<16384xf32, #tpu.memory_space<vmem>>) dst(%dma_wait3A_451 : memref<16384xf32, #tpu.memory_space<hbm>>)
        tpu.yield
      }) : () -> ()
      "tpu.region"() ({
        %run_scoped3A = tpu.sem_alloc : memref<!tpu.dma_semaphore, #tpu.memory_space<semaphore_mem>>
        %dma_start3A = tpu.memref_slice %arg12[%add3A_436] : memref<8192xi32, #tpu.memory_space<hbm>> -> memref<16xi32, #tpu.memory_space<hbm>>
        %dma_start3A_450 = tpu.memref_slice %arg12[%add3A_436] : memref<8192xi32, #tpu.memory_space<hbm>> -> memref<16xi32, #tpu.memory_space<hbm>>
        tpu.enqueue_dma source(%arg28 : memref<16xi32, #tpu.memory_space<vmem>>) target(%dma_start3A_450 : memref<16xi32, #tpu.memory_space<hbm>>) target_semaphore(%run_scoped3A : memref<!tpu.dma_semaphore, #tpu.memory_space<semaphore_mem>>)
        %dma_wait3A = tpu.memref_slice %arg12[%add3A_436] : memref<8192xi32, #tpu.memory_space<hbm>> -> memref<16xi32, #tpu.memory_space<hbm>>
        %dma_wait3A_451 = tpu.memref_slice %arg12[%add3A_436] : memref<8192xi32, #tpu.memory_space<hbm>> -> memref<16xi32, #tpu.memory_space<hbm>>
        tpu.wait_dma2 semaphore(%run_scoped3A : memref<!tpu.dma_semaphore, #tpu.memory_space<semaphore_mem>>) src(%arg28 : memref<16xi32, #tpu.memory_space<vmem>>) dst(%dma_wait3A_451 : memref<16xi32, #tpu.memory_space<hbm>>)
        tpu.yield
      }) : () -> ()
      "tpu.region"() ({
        %run_scoped3A = tpu.sem_alloc : memref<!tpu.dma_semaphore, #tpu.memory_space<semaphore_mem>>
        %dma_start3A = tpu.memref_slice %arg13[%add3A_436] : memref<8192xi32, #tpu.memory_space<hbm>> -> memref<16xi32, #tpu.memory_space<hbm>>
        %dma_start3A_450 = tpu.memref_slice %arg13[%add3A_436] : memref<8192xi32, #tpu.memory_space<hbm>> -> memref<16xi32, #tpu.memory_space<hbm>>
        tpu.enqueue_dma source(%arg29 : memref<16xi32, #tpu.memory_space<vmem>>) target(%dma_start3A_450 : memref<16xi32, #tpu.memory_space<hbm>>) target_semaphore(%run_scoped3A : memref<!tpu.dma_semaphore, #tpu.memory_space<semaphore_mem>>)
        %dma_wait3A = tpu.memref_slice %arg13[%add3A_436] : memref<8192xi32, #tpu.memory_space<hbm>> -> memref<16xi32, #tpu.memory_space<hbm>>
        %dma_wait3A_451 = tpu.memref_slice %arg13[%add3A_436] : memref<8192xi32, #tpu.memory_space<hbm>> -> memref<16xi32, #tpu.memory_space<hbm>>
        tpu.wait_dma2 semaphore(%run_scoped3A : memref<!tpu.dma_semaphore, #tpu.memory_space<semaphore_mem>>) src(%arg29 : memref<16xi32, #tpu.memory_space<vmem>>) dst(%dma_wait3A_451 : memref<16xi32, #tpu.memory_space<hbm>>)
        tpu.yield
      }) : () -> ()
      "tpu.region"() ({
        %run_scoped3A = tpu.sem_alloc : memref<!tpu.dma_semaphore, #tpu.memory_space<semaphore_mem>>
        %dma_start3A = tpu.memref_slice %arg14[%add3A_436] : memref<8192xi32, #tpu.memory_space<hbm>> -> memref<16xi32, #tpu.memory_space<hbm>>
        %dma_start3A_450 = tpu.memref_slice %arg14[%add3A_436] : memref<8192xi32, #tpu.memory_space<hbm>> -> memref<16xi32, #tpu.memory_space<hbm>>
        tpu.enqueue_dma source(%arg30 : memref<16xi32, #tpu.memory_space<vmem>>) target(%dma_start3A_450 : memref<16xi32, #tpu.memory_space<hbm>>) target_semaphore(%run_scoped3A : memref<!tpu.dma_semaphore, #tpu.memory_space<semaphore_mem>>)
        %dma_wait3A = tpu.memref_slice %arg14[%add3A_436] : memref<8192xi32, #tpu.memory_space<hbm>> -> memref<16xi32, #tpu.memory_space<hbm>>
        %dma_wait3A_451 = tpu.memref_slice %arg14[%add3A_436] : memref<8192xi32, #tpu.memory_space<hbm>> -> memref<16xi32, #tpu.memory_space<hbm>>
        tpu.wait_dma2 semaphore(%run_scoped3A : memref<!tpu.dma_semaphore, #tpu.memory_space<semaphore_mem>>) src(%arg30 : memref<16xi32, #tpu.memory_space<vmem>>) dst(%dma_wait3A_451 : memref<16xi32, #tpu.memory_space<hbm>>)
        tpu.yield
      }) : () -> ()
      %scan3A_449 = arith.constant 0 : i32
      scf.yield %scan3A_449 : i32
    }
    %scan3A_382 = arith.constant 16 : i32
    return
  }
}

module attributes {stable_mosaic.version = 14 : i64} {
  func.func @_fps_body(%arg0: memref<8x4096xf32, #tpu.memory_space<vmem>>, %arg1: memref<8x4096xf32, #tpu.memory_space<vmem>>, %arg2: memref<8x4096xf32, #tpu.memory_space<vmem>>, %arg3: memref<1024x8xf32, #tpu.memory_space<vmem>>, %arg4: memref<1024x8xf32, #tpu.memory_space<vmem>>, %arg5: memref<1024x8xf32, #tpu.memory_space<vmem>>) attributes {dimension_semantics = [], scalar_prefetch = 0 : i64, scratch_operands = 0 : i64, tpu.core_type = #tpu.core_type<tc>} {
    %get3A = arith.constant 0 : index
    %get3A_0 = arith.constant 0 : index
    %get3A_1 = vector.load %arg0[%get3A, %get3A_0] : memref<8x4096xf32, #tpu.memory_space<vmem>>, vector<8x4096xf32>
    %get3A_2 = arith.constant 0 : index
    %get3A_3 = arith.constant 0 : index
    %get3A_4 = vector.load %arg1[%get3A_2, %get3A_3] : memref<8x4096xf32, #tpu.memory_space<vmem>>, vector<8x4096xf32>
    %get3A_5 = arith.constant 0 : index
    %get3A_6 = arith.constant 0 : index
    %get3A_7 = vector.load %arg2[%get3A_5, %get3A_6] : memref<8x4096xf32, #tpu.memory_space<vmem>>, vector<8x4096xf32>
    %iota3A = tpu.iota {dimensions = array<i32: 1>} : vector<8x4096xi32>
    %iota3A_8 = tpu.iota {dimensions = array<i32: 0>} : vector<8x8xi32>
    %iota3A_9 = tpu.iota {dimensions = array<i32: 1>} : vector<8x8xi32>
    %eq3A = arith.cmpi eq, %iota3A_8, %iota3A_9 : vector<8x8xi32>
    %broadcast_in_dim3A = arith.constant 0 : i32
    %broadcast_in_dim3A_10 = vector.broadcast %broadcast_in_dim3A : i32 to vector<8x1xi32>
    %broadcast_in_dim3A_11 = arith.constant 1.000000e+10 : f32
    %broadcast_in_dim3A_12 = vector.broadcast %broadcast_in_dim3A_11 : f32 to vector<8x4096xf32>
    %scan3A = arith.constant 0 : i32
    %scan3A_13 = arith.constant 1024 : i32
    %scan3A_14 = arith.addi %scan3A, %scan3A_13 : i32
    %scan3A_15 = arith.constant 1 : i32
    %scan3A_16:2 = scf.for %scan3A_18 = %scan3A to %scan3A_14 step %scan3A_15 iter_args(%scan3A_19 = %broadcast_in_dim3A_10, %scan3A_20 = %broadcast_in_dim3A_12) -> (vector<8x1xi32>, vector<8x4096xf32>)  : i32 {
      %eq3A_21 = vector.broadcast %scan3A_19 : vector<8x1xi32> to vector<8x4096xi32>
      %eq3A_22 = arith.cmpi eq, %iota3A, %eq3A_21 : vector<8x4096xi32>
      %jit3A = arith.constant 0.000000e+00 : f32
      %broadcast_in_dim3A_23 = vector.broadcast %jit3A : f32 to vector<8x4096xf32>
      %select_n3A = arith.select %eq3A_22, %get3A_1, %broadcast_in_dim3A_23 : vector<8x4096xi1>, vector<8x4096xf32>
      %reduce_sum3A = arith.constant dense<0.000000e+00> : vector<8xf32>
      %reduce_sum3A_24 = vector.multi_reduction <add>, %select_n3A, %reduce_sum3A [1] : vector<8x4096xf32> to vector<8xf32>
      %broadcast_in_dim3A_25 = vector.shape_cast %reduce_sum3A_24 : vector<8xf32> to vector<8x1xf32>
      %jit3A_26 = arith.constant 0.000000e+00 : f32
      %broadcast_in_dim3A_27 = vector.broadcast %jit3A_26 : f32 to vector<8x4096xf32>
      %select_n3A_28 = arith.select %eq3A_22, %get3A_4, %broadcast_in_dim3A_27 : vector<8x4096xi1>, vector<8x4096xf32>
      %reduce_sum3A_29 = arith.constant dense<0.000000e+00> : vector<8xf32>
      %reduce_sum3A_30 = vector.multi_reduction <add>, %select_n3A_28, %reduce_sum3A_29 [1] : vector<8x4096xf32> to vector<8xf32>
      %broadcast_in_dim3A_31 = vector.shape_cast %reduce_sum3A_30 : vector<8xf32> to vector<8x1xf32>
      %jit3A_32 = arith.constant 0.000000e+00 : f32
      %broadcast_in_dim3A_33 = vector.broadcast %jit3A_32 : f32 to vector<8x4096xf32>
      %select_n3A_34 = arith.select %eq3A_22, %get3A_7, %broadcast_in_dim3A_33 : vector<8x4096xi1>, vector<8x4096xf32>
      %reduce_sum3A_35 = arith.constant dense<0.000000e+00> : vector<8xf32>
      %reduce_sum3A_36 = vector.multi_reduction <add>, %select_n3A_34, %reduce_sum3A_35 [1] : vector<8x4096xf32> to vector<8xf32>
      %broadcast_in_dim3A_37 = vector.shape_cast %reduce_sum3A_36 : vector<8xf32> to vector<8x1xf32>
      %jit3A_38 = arith.constant 0.000000e+00 : f32
      %broadcast_in_dim3A_39 = vector.shape_cast %broadcast_in_dim3A_25 : vector<8x1xf32> to vector<8x1xf32>
      %broadcast_in_dim3A_40 = vector.broadcast %broadcast_in_dim3A_39 : vector<8x1xf32> to vector<8x8xf32>
      %broadcast_in_dim3A_41 = vector.broadcast %jit3A_38 : f32 to vector<8x8xf32>
      %select_n3A_42 = arith.select %eq3A, %broadcast_in_dim3A_40, %broadcast_in_dim3A_41 : vector<8x8xi1>, vector<8x8xf32>
      %reduce_sum3A_43 = arith.constant dense<0.000000e+00> : vector<8xf32>
      %reduce_sum3A_44 = vector.multi_reduction <add>, %select_n3A_42, %reduce_sum3A_43 [0] : vector<8x8xf32> to vector<8xf32>
      %broadcast_in_dim3A_45 = vector.shape_cast %reduce_sum3A_44 : vector<8xf32> to vector<1x8xf32>
      %swap3A = arith.index_cast %scan3A_18 : i32 to index
      %swap3A_46 = arith.constant 0 : index
      %swap3A_47 = vector.load %arg3[%swap3A, %swap3A_46] : memref<1024x8xf32, #tpu.memory_space<vmem>>, vector<1x8xf32>
      tpu.vector_store %arg3[%swap3A, %swap3A_46], %broadcast_in_dim3A_45 {strides = array<i32>} : memref<1024x8xf32, #tpu.memory_space<vmem>>, vector<1x8xf32>,
      %jit3A_48 = arith.constant 0.000000e+00 : f32
      %broadcast_in_dim3A_49 = vector.shape_cast %broadcast_in_dim3A_31 : vector<8x1xf32> to vector<8x1xf32>
      %broadcast_in_dim3A_50 = vector.broadcast %broadcast_in_dim3A_49 : vector<8x1xf32> to vector<8x8xf32>
      %broadcast_in_dim3A_51 = vector.broadcast %jit3A_48 : f32 to vector<8x8xf32>
      %select_n3A_52 = arith.select %eq3A, %broadcast_in_dim3A_50, %broadcast_in_dim3A_51 : vector<8x8xi1>, vector<8x8xf32>
      %reduce_sum3A_53 = arith.constant dense<0.000000e+00> : vector<8xf32>
      %reduce_sum3A_54 = vector.multi_reduction <add>, %select_n3A_52, %reduce_sum3A_53 [0] : vector<8x8xf32> to vector<8xf32>
      %broadcast_in_dim3A_55 = vector.shape_cast %reduce_sum3A_54 : vector<8xf32> to vector<1x8xf32>
      %swap3A_56 = arith.index_cast %scan3A_18 : i32 to index
      %swap3A_57 = arith.constant 0 : index
      %swap3A_58 = vector.load %arg4[%swap3A_56, %swap3A_57] : memref<1024x8xf32, #tpu.memory_space<vmem>>, vector<1x8xf32>
      tpu.vector_store %arg4[%swap3A_56, %swap3A_57], %broadcast_in_dim3A_55 {strides = array<i32>} : memref<1024x8xf32, #tpu.memory_space<vmem>>, vector<1x8xf32>,
      %jit3A_59 = arith.constant 0.000000e+00 : f32
      %broadcast_in_dim3A_60 = vector.shape_cast %broadcast_in_dim3A_37 : vector<8x1xf32> to vector<8x1xf32>
      %broadcast_in_dim3A_61 = vector.broadcast %broadcast_in_dim3A_60 : vector<8x1xf32> to vector<8x8xf32>
      %broadcast_in_dim3A_62 = vector.broadcast %jit3A_59 : f32 to vector<8x8xf32>
      %select_n3A_63 = arith.select %eq3A, %broadcast_in_dim3A_61, %broadcast_in_dim3A_62 : vector<8x8xi1>, vector<8x8xf32>
      %reduce_sum3A_64 = arith.constant dense<0.000000e+00> : vector<8xf32>
      %reduce_sum3A_65 = vector.multi_reduction <add>, %select_n3A_63, %reduce_sum3A_64 [0] : vector<8x8xf32> to vector<8xf32>
      %broadcast_in_dim3A_66 = vector.shape_cast %reduce_sum3A_65 : vector<8xf32> to vector<1x8xf32>
      %swap3A_67 = arith.index_cast %scan3A_18 : i32 to index
      %swap3A_68 = arith.constant 0 : index
      %swap3A_69 = vector.load %arg5[%swap3A_67, %swap3A_68] : memref<1024x8xf32, #tpu.memory_space<vmem>>, vector<1x8xf32>
      tpu.vector_store %arg5[%swap3A_67, %swap3A_68], %broadcast_in_dim3A_66 {strides = array<i32>} : memref<1024x8xf32, #tpu.memory_space<vmem>>, vector<1x8xf32>,
      %sub3A = vector.broadcast %broadcast_in_dim3A_25 : vector<8x1xf32> to vector<8x4096xf32>
      %sub3A_70 = arith.subf %get3A_1, %sub3A : vector<8x4096xf32>
      %sub3A_71 = vector.broadcast %broadcast_in_dim3A_31 : vector<8x1xf32> to vector<8x4096xf32>
      %sub3A_72 = arith.subf %get3A_4, %sub3A_71 : vector<8x4096xf32>
      %sub3A_73 = vector.broadcast %broadcast_in_dim3A_37 : vector<8x1xf32> to vector<8x4096xf32>
      %sub3A_74 = arith.subf %get3A_7, %sub3A_73 : vector<8x4096xf32>
      %mul3A = arith.mulf %sub3A_70, %sub3A_70 : vector<8x4096xf32>
      %mul3A_75 = arith.mulf %sub3A_72, %sub3A_72 : vector<8x4096xf32>
      %add3A = arith.addf %mul3A, %mul3A_75 : vector<8x4096xf32>
      %mul3A_76 = arith.mulf %sub3A_74, %sub3A_74 : vector<8x4096xf32>
      %add3A_77 = arith.addf %add3A, %mul3A_76 : vector<8x4096xf32>
      %min3A = arith.minimumf %scan3A_20, %add3A_77 : vector<8x4096xf32>
      %argmax3A = tpu.reduce_index %min3A {axis = 1 : i32, kind = #tpu.reduction_kind<arg_max>} : vector<8x4096xf32> -> vector<8xi32>
      %broadcast_in_dim3A_78 = vector.shape_cast %argmax3A : vector<8xi32> to vector<8x1xi32>
      scf.yield %broadcast_in_dim3A_78, %min3A : vector<8x1xi32>, vector<8x4096xf32>
    }
    %scan3A_17 = arith.constant 1024 : i32
    return
  }
}

module attributes {stable_mosaic.version = 14 : i64} {
  func.func @_mlp_pool_body(%arg0: i32, %arg1: i32, %arg2: memref<16384xf32, #tpu.memory_space<vmem>>, %arg3: memref<1x16x8xf32, #tpu.memory_space<vmem>>, %arg4: memref<1x128x1xf32, #tpu.memory_space<vmem>>, %arg5: memref<128x1024xf32, #tpu.memory_space<vmem>>, %arg6: memref<64xf32, #tpu.memory_space<vmem>>, %arg7: memref<64x96xf32, #tpu.memory_space<vmem>>, %arg8: memref<96xf32, #tpu.memory_space<vmem>>, %arg9: memref<96x128xf32, #tpu.memory_space<vmem>>, %arg10: memref<128xf32, #tpu.memory_space<vmem>>, %arg11: memref<1x16x128xf32, #tpu.memory_space<vmem>>, %arg12: memref<2048x64xf32, #tpu.memory_space<vmem>>) attributes {dimension_semantics = [#tpu.dimension_semantics<arbitrary>, #tpu.dimension_semantics<arbitrary>], iteration_bounds = array<i64: 8, 64>, scalar_prefetch = 0 : i64, scratch_operands = 1 : i64, tpu.core_type = #tpu.core_type<tc>, window_params = [{transform_indices = @transform_0, window_bounds = array<i64: 16384>}, {transform_indices = @transform_1, window_bounds = array<i64: 1, 16, 8>}, {transform_indices = @transform_2, window_bounds = array<i64: 1, 128, 1>}, {pipeline_mode = #tpu.pipeline_mode<synchronous>, transform_indices = @transform_3, window_bounds = array<i64: 128, 1024>}, {pipeline_mode = #tpu.pipeline_mode<synchronous>, transform_indices = @transform_4, window_bounds = array<i64: 64>}, {pipeline_mode = #tpu.pipeline_mode<synchronous>, transform_indices = @transform_5, window_bounds = array<i64: 64, 96>}, {pipeline_mode = #tpu.pipeline_mode<synchronous>, transform_indices = @transform_6, window_bounds = array<i64: 96>}, {pipeline_mode = #tpu.pipeline_mode<synchronous>, transform_indices = @transform_7, window_bounds = array<i64: 96, 128>}, {pipeline_mode = #tpu.pipeline_mode<synchronous>, transform_indices = @transform_8, window_bounds = array<i64: 128>}, {transform_indices = @transform_9, window_bounds = array<i64: 1, 16, 128>}]} {
    %get3A = arith.constant 0 : index
    %get3A_0 = vector.load %arg2[%get3A] : memref<16384xf32, #tpu.memory_space<vmem>>, vector<16384xf32>
    %reshape3A = vector.shape_cast %get3A_0 : vector<16384xf32> to vector<128x128xf32>
    %get3A_1 = arith.constant 0 : index
    %get3A_2 = arith.constant 0 : index
    %get3A_3 = vector.load %arg5[%get3A_1, %get3A_2] : memref<128x1024xf32, #tpu.memory_space<vmem>>, vector<128x1024xf32>
    %dot_general3A = arith.constant dense<0.000000e+00> : vector<128x1024xf32>
    %dot_general3A_4 = tpu.matmul %reshape3A, %get3A_3, %dot_general3A {dimension_numbers = #tpu.dot_dimension_numbers<[1], [0], [0], [1], [0, 0, 1, 1], [], []>, transpose_lhs_hint = false} : vector<128x128xf32>, vector<128x1024xf32>, vector<128x1024xf32> -> vector<128x1024xf32>
    %get3A_5 = arith.constant 0 : index
    %get3A_6 = arith.constant 0 : index
    %get3A_7 = arith.constant 0 : index
    %get3A_8 = vector.load %arg3[%get3A_5, %get3A_6, %get3A_7] : memref<1x16x8xf32, #tpu.memory_space<vmem>>, vector<1x16x8xf32>
    %get3A_9 = vector.shape_cast %get3A_8 : vector<1x16x8xf32> to vector<16x8xf32>
    %get3A_10 = arith.constant 0 : index
    %get3A_11 = arith.constant 0 : index
    %get3A_12 = vector.load %arg5[%get3A_10, %get3A_11] : memref<128x1024xf32, #tpu.memory_space<vmem>>, vector<8x64xf32>
    %dot_general3A_13 = arith.constant dense<0.000000e+00> : vector<16x64xf32>
    %dot_general3A_14 = tpu.matmul %get3A_9, %get3A_12, %dot_general3A_13 {dimension_numbers = #tpu.dot_dimension_numbers<[1], [0], [0], [1], [0, 0, 1, 1], [], []>, transpose_lhs_hint = false} : vector<16x8xf32>, vector<8x64xf32>, vector<16x64xf32> -> vector<16x64xf32>
    %get3A_15 = arith.constant 0 : index
    %get3A_16 = vector.load %arg6[%get3A_15] : memref<64xf32, #tpu.memory_space<vmem>>, vector<64xf32>
    %broadcast_in_dim3A = vector.shape_cast %get3A_16 : vector<64xf32> to vector<1x64xf32>
    %sub3A = vector.broadcast %broadcast_in_dim3A : vector<1x64xf32> to vector<16x64xf32>
    %sub3A_17 = arith.subf %sub3A, %dot_general3A_14 : vector<16x64xf32>
    %concatenate3A = tpu.concatenate %sub3A_17, %sub3A_17, %sub3A_17, %sub3A_17, %sub3A_17, %sub3A_17, %sub3A_17, %sub3A_17, %sub3A_17, %sub3A_17, %sub3A_17, %sub3A_17, %sub3A_17, %sub3A_17, %sub3A_17, %sub3A_17 in 1 : vector<16x64xf32>, vector<16x64xf32>, vector<16x64xf32>, vector<16x64xf32>, vector<16x64xf32>, vector<16x64xf32>, vector<16x64xf32>, vector<16x64xf32>, vector<16x64xf32>, vector<16x64xf32>, vector<16x64xf32>, vector<16x64xf32>, vector<16x64xf32>, vector<16x64xf32>, vector<16x64xf32>, vector<16x64xf32> -> vector<16x1024xf32>
    %reshape3A_18 = vector.shape_cast %dot_general3A_4 : vector<128x1024xf32> to vector<16x8x1024xf32>
    %broadcast_in_dim3A_19 = vector.shape_cast %concatenate3A : vector<16x1024xf32> to vector<16x1x1024xf32>
    %add3A = vector.broadcast %broadcast_in_dim3A_19 : vector<16x1x1024xf32> to vector<16x8x1024xf32>
    %add3A_20 = arith.addf %reshape3A_18, %add3A : vector<16x8x1024xf32>
    %reshape3A_21 = vector.shape_cast %add3A_20 : vector<16x8x1024xf32> to vector<128x1024xf32>
    %max3A = arith.constant 0.000000e+00 : f32
    %max3A_22 = vector.broadcast %max3A : f32 to vector<128x1024xf32>
    %max3A_23 = arith.maximumf %reshape3A_21, %max3A_22 : vector<128x1024xf32>
    %slice3A = vector.extract_strided_slice %max3A_23 {offsets = [0, 0], sizes = [128, 64], strides = [1, 1]} : vector<128x1024xf32> to vector<128x64xf32>
    %swap3A = arith.constant 0 : index
    %swap3A_24 = arith.constant 0 : index
    %swap3A_25 = vector.load %arg12[%swap3A, %swap3A_24] : memref<2048x64xf32, #tpu.memory_space<vmem>>, vector<128x64xf32>
    tpu.vector_store %arg12[%swap3A, %swap3A_24], %slice3A {strides = array<i32>} : memref<2048x64xf32, #tpu.memory_space<vmem>>, vector<128x64xf32>,
    %slice3A_26 = vector.extract_strided_slice %max3A_23 {offsets = [0, 64], sizes = [128, 64], strides = [1, 1]} : vector<128x1024xf32> to vector<128x64xf32>
    %swap3A_27 = arith.constant 128 : index
    %swap3A_28 = arith.constant 0 : index
    %swap3A_29 = vector.load %arg12[%swap3A_27, %swap3A_28] : memref<2048x64xf32, #tpu.memory_space<vmem>>, vector<128x64xf32>
    tpu.vector_store %arg12[%swap3A_27, %swap3A_28], %slice3A_26 {strides = array<i32>} : memref<2048x64xf32, #tpu.memory_space<vmem>>, vector<128x64xf32>,
    %slice3A_30 = vector.extract_strided_slice %max3A_23 {offsets = [0, 128], sizes = [128, 64], strides = [1, 1]} : vector<128x1024xf32> to vector<128x64xf32>
    %swap3A_31 = arith.constant 256 : index
    %swap3A_32 = arith.constant 0 : index
    %swap3A_33 = vector.load %arg12[%swap3A_31, %swap3A_32] : memref<2048x64xf32, #tpu.memory_space<vmem>>, vector<128x64xf32>
    tpu.vector_store %arg12[%swap3A_31, %swap3A_32], %slice3A_30 {strides = array<i32>} : memref<2048x64xf32, #tpu.memory_space<vmem>>, vector<128x64xf32>,
    %slice3A_34 = vector.extract_strided_slice %max3A_23 {offsets = [0, 192], sizes = [128, 64], strides = [1, 1]} : vector<128x1024xf32> to vector<128x64xf32>
    %swap3A_35 = arith.constant 384 : index
    %swap3A_36 = arith.constant 0 : index
    %swap3A_37 = vector.load %arg12[%swap3A_35, %swap3A_36] : memref<2048x64xf32, #tpu.memory_space<vmem>>, vector<128x64xf32>
    tpu.vector_store %arg12[%swap3A_35, %swap3A_36], %slice3A_34 {strides = array<i32>} : memref<2048x64xf32, #tpu.memory_space<vmem>>, vector<128x64xf32>,
    %slice3A_38 = vector.extract_strided_slice %max3A_23 {offsets = [0, 256], sizes = [128, 64], strides = [1, 1]} : vector<128x1024xf32> to vector<128x64xf32>
    %swap3A_39 = arith.constant 512 : index
    %swap3A_40 = arith.constant 0 : index
    %swap3A_41 = vector.load %arg12[%swap3A_39, %swap3A_40] : memref<2048x64xf32, #tpu.memory_space<vmem>>, vector<128x64xf32>
    tpu.vector_store %arg12[%swap3A_39, %swap3A_40], %slice3A_38 {strides = array<i32>} : memref<2048x64xf32, #tpu.memory_space<vmem>>, vector<128x64xf32>,
    %slice3A_42 = vector.extract_strided_slice %max3A_23 {offsets = [0, 320], sizes = [128, 64], strides = [1, 1]} : vector<128x1024xf32> to vector<128x64xf32>
    %swap3A_43 = arith.constant 640 : index
    %swap3A_44 = arith.constant 0 : index
    %swap3A_45 = vector.load %arg12[%swap3A_43, %swap3A_44] : memref<2048x64xf32, #tpu.memory_space<vmem>>, vector<128x64xf32>
    tpu.vector_store %arg12[%swap3A_43, %swap3A_44], %slice3A_42 {strides = array<i32>} : memref<2048x64xf32, #tpu.memory_space<vmem>>, vector<128x64xf32>,
    %slice3A_46 = vector.extract_strided_slice %max3A_23 {offsets = [0, 384], sizes = [128, 64], strides = [1, 1]} : vector<128x1024xf32> to vector<128x64xf32>
    %swap3A_47 = arith.constant 768 : index
    %swap3A_48 = arith.constant 0 : index
    %swap3A_49 = vector.load %arg12[%swap3A_47, %swap3A_48] : memref<2048x64xf32, #tpu.memory_space<vmem>>, vector<128x64xf32>
    tpu.vector_store %arg12[%swap3A_47, %swap3A_48], %slice3A_46 {strides = array<i32>} : memref<2048x64xf32, #tpu.memory_space<vmem>>, vector<128x64xf32>,
    %slice3A_50 = vector.extract_strided_slice %max3A_23 {offsets = [0, 448], sizes = [128, 64], strides = [1, 1]} : vector<128x1024xf32> to vector<128x64xf32>
    %swap3A_51 = arith.constant 896 : index
    %swap3A_52 = arith.constant 0 : index
    %swap3A_53 = vector.load %arg12[%swap3A_51, %swap3A_52] : memref<2048x64xf32, #tpu.memory_space<vmem>>, vector<128x64xf32>
    tpu.vector_store %arg12[%swap3A_51, %swap3A_52], %slice3A_50 {strides = array<i32>} : memref<2048x64xf32, #tpu.memory_space<vmem>>, vector<128x64xf32>,
    %slice3A_54 = vector.extract_strided_slice %max3A_23 {offsets = [0, 512], sizes = [128, 64], strides = [1, 1]} : vector<128x1024xf32> to vector<128x64xf32>
    %swap3A_55 = arith.constant 1024 : index
    %swap3A_56 = arith.constant 0 : index
    %swap3A_57 = vector.load %arg12[%swap3A_55, %swap3A_56] : memref<2048x64xf32, #tpu.memory_space<vmem>>, vector<128x64xf32>
    tpu.vector_store %arg12[%swap3A_55, %swap3A_56], %slice3A_54 {strides = array<i32>} : memref<2048x64xf32, #tpu.memory_space<vmem>>, vector<128x64xf32>,
    %slice3A_58 = vector.extract_strided_slice %max3A_23 {offsets = [0, 576], sizes = [128, 64], strides = [1, 1]} : vector<128x1024xf32> to vector<128x64xf32>
    %swap3A_59 = arith.constant 1152 : index
    %swap3A_60 = arith.constant 0 : index
    %swap3A_61 = vector.load %arg12[%swap3A_59, %swap3A_60] : memref<2048x64xf32, #tpu.memory_space<vmem>>, vector<128x64xf32>
    tpu.vector_store %arg12[%swap3A_59, %swap3A_60], %slice3A_58 {strides = array<i32>} : memref<2048x64xf32, #tpu.memory_space<vmem>>, vector<128x64xf32>,
    %slice3A_62 = vector.extract_strided_slice %max3A_23 {offsets = [0, 640], sizes = [128, 64], strides = [1, 1]} : vector<128x1024xf32> to vector<128x64xf32>
    %swap3A_63 = arith.constant 1280 : index
    %swap3A_64 = arith.constant 0 : index
    %swap3A_65 = vector.load %arg12[%swap3A_63, %swap3A_64] : memref<2048x64xf32, #tpu.memory_space<vmem>>, vector<128x64xf32>
    tpu.vector_store %arg12[%swap3A_63, %swap3A_64], %slice3A_62 {strides = array<i32>} : memref<2048x64xf32, #tpu.memory_space<vmem>>, vector<128x64xf32>,
    %slice3A_66 = vector.extract_strided_slice %max3A_23 {offsets = [0, 704], sizes = [128, 64], strides = [1, 1]} : vector<128x1024xf32> to vector<128x64xf32>
    %swap3A_67 = arith.constant 1408 : index
    %swap3A_68 = arith.constant 0 : index
    %swap3A_69 = vector.load %arg12[%swap3A_67, %swap3A_68] : memref<2048x64xf32, #tpu.memory_space<vmem>>, vector<128x64xf32>
    tpu.vector_store %arg12[%swap3A_67, %swap3A_68], %slice3A_66 {strides = array<i32>} : memref<2048x64xf32, #tpu.memory_space<vmem>>, vector<128x64xf32>,
    %slice3A_70 = vector.extract_strided_slice %max3A_23 {offsets = [0, 768], sizes = [128, 64], strides = [1, 1]} : vector<128x1024xf32> to vector<128x64xf32>
    %swap3A_71 = arith.constant 1536 : index
    %swap3A_72 = arith.constant 0 : index
    %swap3A_73 = vector.load %arg12[%swap3A_71, %swap3A_72] : memref<2048x64xf32, #tpu.memory_space<vmem>>, vector<128x64xf32>
    tpu.vector_store %arg12[%swap3A_71, %swap3A_72], %slice3A_70 {strides = array<i32>} : memref<2048x64xf32, #tpu.memory_space<vmem>>, vector<128x64xf32>,
    %slice3A_74 = vector.extract_strided_slice %max3A_23 {offsets = [0, 832], sizes = [128, 64], strides = [1, 1]} : vector<128x1024xf32> to vector<128x64xf32>
    %swap3A_75 = arith.constant 1664 : index
    %swap3A_76 = arith.constant 0 : index
    %swap3A_77 = vector.load %arg12[%swap3A_75, %swap3A_76] : memref<2048x64xf32, #tpu.memory_space<vmem>>, vector<128x64xf32>
    tpu.vector_store %arg12[%swap3A_75, %swap3A_76], %slice3A_74 {strides = array<i32>} : memref<2048x64xf32, #tpu.memory_space<vmem>>, vector<128x64xf32>,
    %slice3A_78 = vector.extract_strided_slice %max3A_23 {offsets = [0, 896], sizes = [128, 64], strides = [1, 1]} : vector<128x1024xf32> to vector<128x64xf32>
    %swap3A_79 = arith.constant 1792 : index
    %swap3A_80 = arith.constant 0 : index
    %swap3A_81 = vector.load %arg12[%swap3A_79, %swap3A_80] : memref<2048x64xf32, #tpu.memory_space<vmem>>, vector<128x64xf32>
    tpu.vector_store %arg12[%swap3A_79, %swap3A_80], %slice3A_78 {strides = array<i32>} : memref<2048x64xf32, #tpu.memory_space<vmem>>, vector<128x64xf32>,
    %slice3A_82 = vector.extract_strided_slice %max3A_23 {offsets = [0, 960], sizes = [128, 64], strides = [1, 1]} : vector<128x1024xf32> to vector<128x64xf32>
    %swap3A_83 = arith.constant 1920 : index
    %swap3A_84 = arith.constant 0 : index
    %swap3A_85 = vector.load %arg12[%swap3A_83, %swap3A_84] : memref<2048x64xf32, #tpu.memory_space<vmem>>, vector<128x64xf32>
    tpu.vector_store %arg12[%swap3A_83, %swap3A_84], %slice3A_82 {strides = array<i32>} : memref<2048x64xf32, #tpu.memory_space<vmem>>, vector<128x64xf32>,
    %get3A_86 = arith.constant 0 : index
    %get3A_87 = arith.constant 0 : index
    %get3A_88 = vector.load %arg12[%get3A_86, %get3A_87] : memref<2048x64xf32, #tpu.memory_space<vmem>>, vector<2048x64xf32>
    %get3A_89 = arith.constant 0 : index
    %get3A_90 = arith.constant 0 : index
    %get3A_91 = vector.load %arg7[%get3A_89, %get3A_90] : memref<64x96xf32, #tpu.memory_space<vmem>>, vector<64x96xf32>
    %dot_general3A_92 = arith.constant dense<0.000000e+00> : vector<2048x96xf32>
    %dot_general3A_93 = tpu.matmul %get3A_88, %get3A_91, %dot_general3A_92 {dimension_numbers = #tpu.dot_dimension_numbers<[1], [0], [0], [1], [0, 0, 1, 1], [], []>, transpose_lhs_hint = false} : vector<2048x64xf32>, vector<64x96xf32>, vector<2048x96xf32> -> vector<2048x96xf32>
    %get3A_94 = arith.constant 0 : index
    %get3A_95 = vector.load %arg8[%get3A_94] : memref<96xf32, #tpu.memory_space<vmem>>, vector<96xf32>
    %broadcast_in_dim3A_96 = vector.shape_cast %get3A_95 : vector<96xf32> to vector<1x96xf32>
    %add3A_97 = vector.broadcast %broadcast_in_dim3A_96 : vector<1x96xf32> to vector<2048x96xf32>
    %add3A_98 = arith.addf %dot_general3A_93, %add3A_97 : vector<2048x96xf32>
    %max3A_99 = arith.constant 0.000000e+00 : f32
    %max3A_100 = vector.broadcast %max3A_99 : f32 to vector<2048x96xf32>
    %max3A_101 = arith.maximumf %add3A_98, %max3A_100 : vector<2048x96xf32>
    %get3A_102 = arith.constant 0 : index
    %get3A_103 = arith.constant 0 : index
    %get3A_104 = vector.load %arg9[%get3A_102, %get3A_103] : memref<96x128xf32, #tpu.memory_space<vmem>>, vector<96x128xf32>
    %dot_general3A_105 = arith.constant dense<0.000000e+00> : vector<2048x128xf32>
    %dot_general3A_106 = tpu.matmul %max3A_101, %get3A_104, %dot_general3A_105 {dimension_numbers = #tpu.dot_dimension_numbers<[1], [0], [0], [1], [0, 0, 1, 1], [], []>, transpose_lhs_hint = false} : vector<2048x96xf32>, vector<96x128xf32>, vector<2048x128xf32> -> vector<2048x128xf32>
    %get3A_107 = arith.constant 0 : index
    %get3A_108 = vector.load %arg10[%get3A_107] : memref<128xf32, #tpu.memory_space<vmem>>, vector<128xf32>
    %broadcast_in_dim3A_109 = vector.shape_cast %get3A_108 : vector<128xf32> to vector<1x128xf32>
    %add3A_110 = vector.broadcast %broadcast_in_dim3A_109 : vector<1x128xf32> to vector<2048x128xf32>
    %add3A_111 = arith.addf %dot_general3A_106, %add3A_110 : vector<2048x128xf32>
    %max3A_112 = arith.constant 0.000000e+00 : f32
    %max3A_113 = vector.broadcast %max3A_112 : f32 to vector<2048x128xf32>
    %max3A_114 = arith.maximumf %add3A_111, %max3A_113 : vector<2048x128xf32>
    %iota3A = tpu.iota {dimensions = array<i32: 0>} : vector<128x1xi32>
    %jit3A = arith.constant 8 : i32
    %eq3A = arith.constant 0 : i32
    %eq3A_115 = arith.cmpi eq, %jit3A, %eq3A : i32
    %jit3A_116 = arith.constant 1 : i32
    %select_n3A = arith.select %eq3A_115, %jit3A_116, %jit3A : i32
    %rem3A = vector.broadcast %select_n3A : i32 to vector<128x1xi32>
    %rem3A_117 = arith.remsi %iota3A, %rem3A : vector<128x1xi32>
    %ne3A = arith.constant 0 : i32
    %ne3A_118 = vector.broadcast %ne3A : i32 to vector<128x1xi32>
    %ne3A_119 = arith.cmpi ne, %rem3A_117, %ne3A_118 : vector<128x1xi32>
    %lt3A = arith.constant 0 : i32
    %lt3A_120 = vector.broadcast %lt3A : i32 to vector<128x1xi32>
    %lt3A_121 = arith.cmpi slt, %rem3A_117, %lt3A_120 : vector<128x1xi32>
    %lt3A_122 = arith.constant 0 : i32
    %lt3A_123 = arith.cmpi slt, %select_n3A, %lt3A_122 : i32
    %ne3A_124 = vector.broadcast %lt3A_123 : i1 to vector<128x1xi1>
    %ne3A_125 = vector.broadcast %ne3A_124 : vector<128x1xi1> to vector<128x1xi1>
    %ne3A_126 = arith.xori %lt3A_121, %ne3A_125 : vector<128x1xi1>
    %and3A = arith.andi %ne3A_126, %ne3A_119 : vector<128x1xi1>
    %add3A_127 = vector.broadcast %select_n3A : i32 to vector<128x1xi32>
    %add3A_128 = arith.addi %rem3A_117, %add3A_127 : vector<128x1xi32>
    %select_n3A_129 = arith.select %and3A, %add3A_128, %rem3A_117 : vector<128x1xi1>, vector<128x1xi32>
    %mul3A = arith.constant 16 : i32
    %mul3A_130 = vector.broadcast %mul3A : i32 to vector<128x1xi32>
    %mul3A_131 = arith.muli %select_n3A_129, %mul3A_130 : vector<128x1xi32>
    %get3A_132 = arith.constant 0 : index
    %get3A_133 = arith.constant 0 : index
    %get3A_134 = arith.constant 0 : index
    %get3A_135 = vector.load %arg4[%get3A_132, %get3A_133, %get3A_134] : memref<1x128x1xf32, #tpu.memory_space<vmem>>, vector<1x128x1xf32>
    %get3A_136 = vector.shape_cast %get3A_135 : vector<1x128x1xf32> to vector<128x1xf32>
    %max3A_137 = arith.constant 1.000000e+00 : f32
    %max3A_138 = vector.broadcast %max3A_137 : f32 to vector<128x1xf32>
    %max3A_139 = arith.maximumf %get3A_136, %max3A_138 : vector<128x1xf32>
    %add3A_140 = arith.constant 0 : i32
    %add3A_141 = vector.broadcast %add3A_140 : i32 to vector<128x1xi32>
    %add3A_142 = arith.addi %mul3A_131, %add3A_141 : vector<128x1xi32>
    %convert_element_type3A = arith.sitofp %add3A_142 : vector<128x1xi32> to vector<128x1xf32>
    %lt3A_143 = arith.cmpf olt, %convert_element_type3A, %max3A_139 : vector<128x1xf32>
    %jit3A_144 = arith.constant 1.000000e+00 : f32
    %jit3A_145 = arith.constant 0.000000e+00 : f32
    %broadcast_in_dim3A_146 = vector.broadcast %jit3A_144 : f32 to vector<128x1xf32>
    %broadcast_in_dim3A_147 = vector.broadcast %jit3A_145 : f32 to vector<128x1xf32>
    %select_n3A_148 = arith.select %lt3A_143, %broadcast_in_dim3A_146, %broadcast_in_dim3A_147 : vector<128x1xi1>, vector<128x1xf32>
    %slice3A_149 = vector.extract_strided_slice %max3A_114 {offsets = [0, 0], sizes = [128, 128], strides = [1, 1]} : vector<2048x128xf32> to vector<128x128xf32>
    %mul3A_150 = vector.broadcast %select_n3A_148 : vector<128x1xf32> to vector<128x128xf32>
    %mul3A_151 = arith.mulf %slice3A_149, %mul3A_150 : vector<128x128xf32>
    %add3A_152 = arith.constant 1 : i32
    %add3A_153 = vector.broadcast %add3A_152 : i32 to vector<128x1xi32>
    %add3A_154 = arith.addi %mul3A_131, %add3A_153 : vector<128x1xi32>
    %convert_element_type3A_155 = arith.sitofp %add3A_154 : vector<128x1xi32> to vector<128x1xf32>
    %lt3A_156 = arith.cmpf olt, %convert_element_type3A_155, %max3A_139 : vector<128x1xf32>
    %jit3A_157 = arith.constant 1.000000e+00 : f32
    %jit3A_158 = arith.constant 0.000000e+00 : f32
    %broadcast_in_dim3A_159 = vector.broadcast %jit3A_157 : f32 to vector<128x1xf32>
    %broadcast_in_dim3A_160 = vector.broadcast %jit3A_158 : f32 to vector<128x1xf32>
    %select_n3A_161 = arith.select %lt3A_156, %broadcast_in_dim3A_159, %broadcast_in_dim3A_160 : vector<128x1xi1>, vector<128x1xf32>
    %slice3A_162 = vector.extract_strided_slice %max3A_114 {offsets = [128, 0], sizes = [128, 128], strides = [1, 1]} : vector<2048x128xf32> to vector<128x128xf32>
    %mul3A_163 = vector.broadcast %select_n3A_161 : vector<128x1xf32> to vector<128x128xf32>
    %mul3A_164 = arith.mulf %slice3A_162, %mul3A_163 : vector<128x128xf32>
    %max3A_165 = arith.maximumf %mul3A_151, %mul3A_164 : vector<128x128xf32>
    %add3A_166 = arith.constant 2 : i32
    %add3A_167 = vector.broadcast %add3A_166 : i32 to vector<128x1xi32>
    %add3A_168 = arith.addi %mul3A_131, %add3A_167 : vector<128x1xi32>
    %convert_element_type3A_169 = arith.sitofp %add3A_168 : vector<128x1xi32> to vector<128x1xf32>
    %lt3A_170 = arith.cmpf olt, %convert_element_type3A_169, %max3A_139 : vector<128x1xf32>
    %jit3A_171 = arith.constant 1.000000e+00 : f32
    %jit3A_172 = arith.constant 0.000000e+00 : f32
    %broadcast_in_dim3A_173 = vector.broadcast %jit3A_171 : f32 to vector<128x1xf32>
    %broadcast_in_dim3A_174 = vector.broadcast %jit3A_172 : f32 to vector<128x1xf32>
    %select_n3A_175 = arith.select %lt3A_170, %broadcast_in_dim3A_173, %broadcast_in_dim3A_174 : vector<128x1xi1>, vector<128x1xf32>
    %slice3A_176 = vector.extract_strided_slice %max3A_114 {offsets = [256, 0], sizes = [128, 128], strides = [1, 1]} : vector<2048x128xf32> to vector<128x128xf32>
    %mul3A_177 = vector.broadcast %select_n3A_175 : vector<128x1xf32> to vector<128x128xf32>
    %mul3A_178 = arith.mulf %slice3A_176, %mul3A_177 : vector<128x128xf32>
    %max3A_179 = arith.maximumf %max3A_165, %mul3A_178 : vector<128x128xf32>
    %add3A_180 = arith.constant 3 : i32
    %add3A_181 = vector.broadcast %add3A_180 : i32 to vector<128x1xi32>
    %add3A_182 = arith.addi %mul3A_131, %add3A_181 : vector<128x1xi32>
    %convert_element_type3A_183 = arith.sitofp %add3A_182 : vector<128x1xi32> to vector<128x1xf32>
    %lt3A_184 = arith.cmpf olt, %convert_element_type3A_183, %max3A_139 : vector<128x1xf32>
    %jit3A_185 = arith.constant 1.000000e+00 : f32
    %jit3A_186 = arith.constant 0.000000e+00 : f32
    %broadcast_in_dim3A_187 = vector.broadcast %jit3A_185 : f32 to vector<128x1xf32>
    %broadcast_in_dim3A_188 = vector.broadcast %jit3A_186 : f32 to vector<128x1xf32>
    %select_n3A_189 = arith.select %lt3A_184, %broadcast_in_dim3A_187, %broadcast_in_dim3A_188 : vector<128x1xi1>, vector<128x1xf32>
    %slice3A_190 = vector.extract_strided_slice %max3A_114 {offsets = [384, 0], sizes = [128, 128], strides = [1, 1]} : vector<2048x128xf32> to vector<128x128xf32>
    %mul3A_191 = vector.broadcast %select_n3A_189 : vector<128x1xf32> to vector<128x128xf32>
    %mul3A_192 = arith.mulf %slice3A_190, %mul3A_191 : vector<128x128xf32>
    %max3A_193 = arith.maximumf %max3A_179, %mul3A_192 : vector<128x128xf32>
    %add3A_194 = arith.constant 4 : i32
    %add3A_195 = vector.broadcast %add3A_194 : i32 to vector<128x1xi32>
    %add3A_196 = arith.addi %mul3A_131, %add3A_195 : vector<128x1xi32>
    %convert_element_type3A_197 = arith.sitofp %add3A_196 : vector<128x1xi32> to vector<128x1xf32>
    %lt3A_198 = arith.cmpf olt, %convert_element_type3A_197, %max3A_139 : vector<128x1xf32>
    %jit3A_199 = arith.constant 1.000000e+00 : f32
    %jit3A_200 = arith.constant 0.000000e+00 : f32
    %broadcast_in_dim3A_201 = vector.broadcast %jit3A_199 : f32 to vector<128x1xf32>
    %broadcast_in_dim3A_202 = vector.broadcast %jit3A_200 : f32 to vector<128x1xf32>
    %select_n3A_203 = arith.select %lt3A_198, %broadcast_in_dim3A_201, %broadcast_in_dim3A_202 : vector<128x1xi1>, vector<128x1xf32>
    %slice3A_204 = vector.extract_strided_slice %max3A_114 {offsets = [512, 0], sizes = [128, 128], strides = [1, 1]} : vector<2048x128xf32> to vector<128x128xf32>
    %mul3A_205 = vector.broadcast %select_n3A_203 : vector<128x1xf32> to vector<128x128xf32>
    %mul3A_206 = arith.mulf %slice3A_204, %mul3A_205 : vector<128x128xf32>
    %max3A_207 = arith.maximumf %max3A_193, %mul3A_206 : vector<128x128xf32>
    %add3A_208 = arith.constant 5 : i32
    %add3A_209 = vector.broadcast %add3A_208 : i32 to vector<128x1xi32>
    %add3A_210 = arith.addi %mul3A_131, %add3A_209 : vector<128x1xi32>
    %convert_element_type3A_211 = arith.sitofp %add3A_210 : vector<128x1xi32> to vector<128x1xf32>
    %lt3A_212 = arith.cmpf olt, %convert_element_type3A_211, %max3A_139 : vector<128x1xf32>
    %jit3A_213 = arith.constant 1.000000e+00 : f32
    %jit3A_214 = arith.constant 0.000000e+00 : f32
    %broadcast_in_dim3A_215 = vector.broadcast %jit3A_213 : f32 to vector<128x1xf32>
    %broadcast_in_dim3A_216 = vector.broadcast %jit3A_214 : f32 to vector<128x1xf32>
    %select_n3A_217 = arith.select %lt3A_212, %broadcast_in_dim3A_215, %broadcast_in_dim3A_216 : vector<128x1xi1>, vector<128x1xf32>
    %slice3A_218 = vector.extract_strided_slice %max3A_114 {offsets = [640, 0], sizes = [128, 128], strides = [1, 1]} : vector<2048x128xf32> to vector<128x128xf32>
    %mul3A_219 = vector.broadcast %select_n3A_217 : vector<128x1xf32> to vector<128x128xf32>
    %mul3A_220 = arith.mulf %slice3A_218, %mul3A_219 : vector<128x128xf32>
    %max3A_221 = arith.maximumf %max3A_207, %mul3A_220 : vector<128x128xf32>
    %add3A_222 = arith.constant 6 : i32
    %add3A_223 = vector.broadcast %add3A_222 : i32 to vector<128x1xi32>
    %add3A_224 = arith.addi %mul3A_131, %add3A_223 : vector<128x1xi32>
    %convert_element_type3A_225 = arith.sitofp %add3A_224 : vector<128x1xi32> to vector<128x1xf32>
    %lt3A_226 = arith.cmpf olt, %convert_element_type3A_225, %max3A_139 : vector<128x1xf32>
    %jit3A_227 = arith.constant 1.000000e+00 : f32
    %jit3A_228 = arith.constant 0.000000e+00 : f32
    %broadcast_in_dim3A_229 = vector.broadcast %jit3A_227 : f32 to vector<128x1xf32>
    %broadcast_in_dim3A_230 = vector.broadcast %jit3A_228 : f32 to vector<128x1xf32>
    %select_n3A_231 = arith.select %lt3A_226, %broadcast_in_dim3A_229, %broadcast_in_dim3A_230 : vector<128x1xi1>, vector<128x1xf32>
    %slice3A_232 = vector.extract_strided_slice %max3A_114 {offsets = [768, 0], sizes = [128, 128], strides = [1, 1]} : vector<2048x128xf32> to vector<128x128xf32>
    %mul3A_233 = vector.broadcast %select_n3A_231 : vector<128x1xf32> to vector<128x128xf32>
    %mul3A_234 = arith.mulf %slice3A_232, %mul3A_233 : vector<128x128xf32>
    %max3A_235 = arith.maximumf %max3A_221, %mul3A_234 : vector<128x128xf32>
    %add3A_236 = arith.constant 7 : i32
    %add3A_237 = vector.broadcast %add3A_236 : i32 to vector<128x1xi32>
    %add3A_238 = arith.addi %mul3A_131, %add3A_237 : vector<128x1xi32>
    %convert_element_type3A_239 = arith.sitofp %add3A_238 : vector<128x1xi32> to vector<128x1xf32>
    %lt3A_240 = arith.cmpf olt, %convert_element_type3A_239, %max3A_139 : vector<128x1xf32>
    %jit3A_241 = arith.constant 1.000000e+00 : f32
    %jit3A_242 = arith.constant 0.000000e+00 : f32
    %broadcast_in_dim3A_243 = vector.broadcast %jit3A_241 : f32 to vector<128x1xf32>
    %broadcast_in_dim3A_244 = vector.broadcast %jit3A_242 : f32 to vector<128x1xf32>
    %select_n3A_245 = arith.select %lt3A_240, %broadcast_in_dim3A_243, %broadcast_in_dim3A_244 : vector<128x1xi1>, vector<128x1xf32>
    %slice3A_246 = vector.extract_strided_slice %max3A_114 {offsets = [896, 0], sizes = [128, 128], strides = [1, 1]} : vector<2048x128xf32> to vector<128x128xf32>
    %mul3A_247 = vector.broadcast %select_n3A_245 : vector<128x1xf32> to vector<128x128xf32>
    %mul3A_248 = arith.mulf %slice3A_246, %mul3A_247 : vector<128x128xf32>
    %max3A_249 = arith.maximumf %max3A_235, %mul3A_248 : vector<128x128xf32>
    %add3A_250 = arith.constant 8 : i32
    %add3A_251 = vector.broadcast %add3A_250 : i32 to vector<128x1xi32>
    %add3A_252 = arith.addi %mul3A_131, %add3A_251 : vector<128x1xi32>
    %convert_element_type3A_253 = arith.sitofp %add3A_252 : vector<128x1xi32> to vector<128x1xf32>
    %lt3A_254 = arith.cmpf olt, %convert_element_type3A_253, %max3A_139 : vector<128x1xf32>
    %jit3A_255 = arith.constant 1.000000e+00 : f32
    %jit3A_256 = arith.constant 0.000000e+00 : f32
    %broadcast_in_dim3A_257 = vector.broadcast %jit3A_255 : f32 to vector<128x1xf32>
    %broadcast_in_dim3A_258 = vector.broadcast %jit3A_256 : f32 to vector<128x1xf32>
    %select_n3A_259 = arith.select %lt3A_254, %broadcast_in_dim3A_257, %broadcast_in_dim3A_258 : vector<128x1xi1>, vector<128x1xf32>
    %slice3A_260 = vector.extract_strided_slice %max3A_114 {offsets = [1024, 0], sizes = [128, 128], strides = [1, 1]} : vector<2048x128xf32> to vector<128x128xf32>
    %mul3A_261 = vector.broadcast %select_n3A_259 : vector<128x1xf32> to vector<128x128xf32>
    %mul3A_262 = arith.mulf %slice3A_260, %mul3A_261 : vector<128x128xf32>
    %max3A_263 = arith.maximumf %max3A_249, %mul3A_262 : vector<128x128xf32>
    %add3A_264 = arith.constant 9 : i32
    %add3A_265 = vector.broadcast %add3A_264 : i32 to vector<128x1xi32>
    %add3A_266 = arith.addi %mul3A_131, %add3A_265 : vector<128x1xi32>
    %convert_element_type3A_267 = arith.sitofp %add3A_266 : vector<128x1xi32> to vector<128x1xf32>
    %lt3A_268 = arith.cmpf olt, %convert_element_type3A_267, %max3A_139 : vector<128x1xf32>
    %jit3A_269 = arith.constant 1.000000e+00 : f32
    %jit3A_270 = arith.constant 0.000000e+00 : f32
    %broadcast_in_dim3A_271 = vector.broadcast %jit3A_269 : f32 to vector<128x1xf32>
    %broadcast_in_dim3A_272 = vector.broadcast %jit3A_270 : f32 to vector<128x1xf32>
    %select_n3A_273 = arith.select %lt3A_268, %broadcast_in_dim3A_271, %broadcast_in_dim3A_272 : vector<128x1xi1>, vector<128x1xf32>
    %slice3A_274 = vector.extract_strided_slice %max3A_114 {offsets = [1152, 0], sizes = [128, 128], strides = [1, 1]} : vector<2048x128xf32> to vector<128x128xf32>
    %mul3A_275 = vector.broadcast %select_n3A_273 : vector<128x1xf32> to vector<128x128xf32>
    %mul3A_276 = arith.mulf %slice3A_274, %mul3A_275 : vector<128x128xf32>
    %max3A_277 = arith.maximumf %max3A_263, %mul3A_276 : vector<128x128xf32>
    %add3A_278 = arith.constant 10 : i32
    %add3A_279 = vector.broadcast %add3A_278 : i32 to vector<128x1xi32>
    %add3A_280 = arith.addi %mul3A_131, %add3A_279 : vector<128x1xi32>
    %convert_element_type3A_281 = arith.sitofp %add3A_280 : vector<128x1xi32> to vector<128x1xf32>
    %lt3A_282 = arith.cmpf olt, %convert_element_type3A_281, %max3A_139 : vector<128x1xf32>
    %jit3A_283 = arith.constant 1.000000e+00 : f32
    %jit3A_284 = arith.constant 0.000000e+00 : f32
    %broadcast_in_dim3A_285 = vector.broadcast %jit3A_283 : f32 to vector<128x1xf32>
    %broadcast_in_dim3A_286 = vector.broadcast %jit3A_284 : f32 to vector<128x1xf32>
    %select_n3A_287 = arith.select %lt3A_282, %broadcast_in_dim3A_285, %broadcast_in_dim3A_286 : vector<128x1xi1>, vector<128x1xf32>
    %slice3A_288 = vector.extract_strided_slice %max3A_114 {offsets = [1280, 0], sizes = [128, 128], strides = [1, 1]} : vector<2048x128xf32> to vector<128x128xf32>
    %mul3A_289 = vector.broadcast %select_n3A_287 : vector<128x1xf32> to vector<128x128xf32>
    %mul3A_290 = arith.mulf %slice3A_288, %mul3A_289 : vector<128x128xf32>
    %max3A_291 = arith.maximumf %max3A_277, %mul3A_290 : vector<128x128xf32>
    %add3A_292 = arith.constant 11 : i32
    %add3A_293 = vector.broadcast %add3A_292 : i32 to vector<128x1xi32>
    %add3A_294 = arith.addi %mul3A_131, %add3A_293 : vector<128x1xi32>
    %convert_element_type3A_295 = arith.sitofp %add3A_294 : vector<128x1xi32> to vector<128x1xf32>
    %lt3A_296 = arith.cmpf olt, %convert_element_type3A_295, %max3A_139 : vector<128x1xf32>
    %jit3A_297 = arith.constant 1.000000e+00 : f32
    %jit3A_298 = arith.constant 0.000000e+00 : f32
    %broadcast_in_dim3A_299 = vector.broadcast %jit3A_297 : f32 to vector<128x1xf32>
    %broadcast_in_dim3A_300 = vector.broadcast %jit3A_298 : f32 to vector<128x1xf32>
    %select_n3A_301 = arith.select %lt3A_296, %broadcast_in_dim3A_299, %broadcast_in_dim3A_300 : vector<128x1xi1>, vector<128x1xf32>
    %slice3A_302 = vector.extract_strided_slice %max3A_114 {offsets = [1408, 0], sizes = [128, 128], strides = [1, 1]} : vector<2048x128xf32> to vector<128x128xf32>
    %mul3A_303 = vector.broadcast %select_n3A_301 : vector<128x1xf32> to vector<128x128xf32>
    %mul3A_304 = arith.mulf %slice3A_302, %mul3A_303 : vector<128x128xf32>
    %max3A_305 = arith.maximumf %max3A_291, %mul3A_304 : vector<128x128xf32>
    %add3A_306 = arith.constant 12 : i32
    %add3A_307 = vector.broadcast %add3A_306 : i32 to vector<128x1xi32>
    %add3A_308 = arith.addi %mul3A_131, %add3A_307 : vector<128x1xi32>
    %convert_element_type3A_309 = arith.sitofp %add3A_308 : vector<128x1xi32> to vector<128x1xf32>
    %lt3A_310 = arith.cmpf olt, %convert_element_type3A_309, %max3A_139 : vector<128x1xf32>
    %jit3A_311 = arith.constant 1.000000e+00 : f32
    %jit3A_312 = arith.constant 0.000000e+00 : f32
    %broadcast_in_dim3A_313 = vector.broadcast %jit3A_311 : f32 to vector<128x1xf32>
    %broadcast_in_dim3A_314 = vector.broadcast %jit3A_312 : f32 to vector<128x1xf32>
    %select_n3A_315 = arith.select %lt3A_310, %broadcast_in_dim3A_313, %broadcast_in_dim3A_314 : vector<128x1xi1>, vector<128x1xf32>
    %slice3A_316 = vector.extract_strided_slice %max3A_114 {offsets = [1536, 0], sizes = [128, 128], strides = [1, 1]} : vector<2048x128xf32> to vector<128x128xf32>
    %mul3A_317 = vector.broadcast %select_n3A_315 : vector<128x1xf32> to vector<128x128xf32>
    %mul3A_318 = arith.mulf %slice3A_316, %mul3A_317 : vector<128x128xf32>
    %max3A_319 = arith.maximumf %max3A_305, %mul3A_318 : vector<128x128xf32>
    %add3A_320 = arith.constant 13 : i32
    %add3A_321 = vector.broadcast %add3A_320 : i32 to vector<128x1xi32>
    %add3A_322 = arith.addi %mul3A_131, %add3A_321 : vector<128x1xi32>
    %convert_element_type3A_323 = arith.sitofp %add3A_322 : vector<128x1xi32> to vector<128x1xf32>
    %lt3A_324 = arith.cmpf olt, %convert_element_type3A_323, %max3A_139 : vector<128x1xf32>
    %jit3A_325 = arith.constant 1.000000e+00 : f32
    %jit3A_326 = arith.constant 0.000000e+00 : f32
    %broadcast_in_dim3A_327 = vector.broadcast %jit3A_325 : f32 to vector<128x1xf32>
    %broadcast_in_dim3A_328 = vector.broadcast %jit3A_326 : f32 to vector<128x1xf32>
    %select_n3A_329 = arith.select %lt3A_324, %broadcast_in_dim3A_327, %broadcast_in_dim3A_328 : vector<128x1xi1>, vector<128x1xf32>
    %slice3A_330 = vector.extract_strided_slice %max3A_114 {offsets = [1664, 0], sizes = [128, 128], strides = [1, 1]} : vector<2048x128xf32> to vector<128x128xf32>
    %mul3A_331 = vector.broadcast %select_n3A_329 : vector<128x1xf32> to vector<128x128xf32>
    %mul3A_332 = arith.mulf %slice3A_330, %mul3A_331 : vector<128x128xf32>
    %max3A_333 = arith.maximumf %max3A_319, %mul3A_332 : vector<128x128xf32>
    %add3A_334 = arith.constant 14 : i32
    %add3A_335 = vector.broadcast %add3A_334 : i32 to vector<128x1xi32>
    %add3A_336 = arith.addi %mul3A_131, %add3A_335 : vector<128x1xi32>
    %convert_element_type3A_337 = arith.sitofp %add3A_336 : vector<128x1xi32> to vector<128x1xf32>
    %lt3A_338 = arith.cmpf olt, %convert_element_type3A_337, %max3A_139 : vector<128x1xf32>
    %jit3A_339 = arith.constant 1.000000e+00 : f32
    %jit3A_340 = arith.constant 0.000000e+00 : f32
    %broadcast_in_dim3A_341 = vector.broadcast %jit3A_339 : f32 to vector<128x1xf32>
    %broadcast_in_dim3A_342 = vector.broadcast %jit3A_340 : f32 to vector<128x1xf32>
    %select_n3A_343 = arith.select %lt3A_338, %broadcast_in_dim3A_341, %broadcast_in_dim3A_342 : vector<128x1xi1>, vector<128x1xf32>
    %slice3A_344 = vector.extract_strided_slice %max3A_114 {offsets = [1792, 0], sizes = [128, 128], strides = [1, 1]} : vector<2048x128xf32> to vector<128x128xf32>
    %mul3A_345 = vector.broadcast %select_n3A_343 : vector<128x1xf32> to vector<128x128xf32>
    %mul3A_346 = arith.mulf %slice3A_344, %mul3A_345 : vector<128x128xf32>
    %max3A_347 = arith.maximumf %max3A_333, %mul3A_346 : vector<128x128xf32>
    %add3A_348 = arith.constant 15 : i32
    %add3A_349 = vector.broadcast %add3A_348 : i32 to vector<128x1xi32>
    %add3A_350 = arith.addi %mul3A_131, %add3A_349 : vector<128x1xi32>
    %convert_element_type3A_351 = arith.sitofp %add3A_350 : vector<128x1xi32> to vector<128x1xf32>
    %lt3A_352 = arith.cmpf olt, %convert_element_type3A_351, %max3A_139 : vector<128x1xf32>
    %jit3A_353 = arith.constant 1.000000e+00 : f32
    %jit3A_354 = arith.constant 0.000000e+00 : f32
    %broadcast_in_dim3A_355 = vector.broadcast %jit3A_353 : f32 to vector<128x1xf32>
    %broadcast_in_dim3A_356 = vector.broadcast %jit3A_354 : f32 to vector<128x1xf32>
    %select_n3A_357 = arith.select %lt3A_352, %broadcast_in_dim3A_355, %broadcast_in_dim3A_356 : vector<128x1xi1>, vector<128x1xf32>
    %slice3A_358 = vector.extract_strided_slice %max3A_114 {offsets = [1920, 0], sizes = [128, 128], strides = [1, 1]} : vector<2048x128xf32> to vector<128x128xf32>
    %mul3A_359 = vector.broadcast %select_n3A_357 : vector<128x1xf32> to vector<128x128xf32>
    %mul3A_360 = arith.mulf %slice3A_358, %mul3A_359 : vector<128x128xf32>
    %max3A_361 = arith.maximumf %max3A_347, %mul3A_360 : vector<128x128xf32>
    %reshape3A_362 = vector.shape_cast %max3A_361 : vector<128x128xf32> to vector<16x8x128xf32>
    %reduce_max3A = arith.constant dense<0xFF800000> : vector<16x128xf32>
    %reduce_max3A_363 = vector.multi_reduction <maximumf>, %reshape3A_362, %reduce_max3A [1] : vector<16x8x128xf32> to vector<16x128xf32>
    %swap3A_364 = arith.constant 0 : index
    %swap3A_365 = arith.constant 0 : index
    %swap3A_366 = arith.constant 0 : index
    %swap3A_367 = vector.load %arg11[%swap3A_364, %swap3A_365, %swap3A_366] : memref<1x16x128xf32, #tpu.memory_space<vmem>>, vector<1x16x128xf32>
    %swap3A_368 = vector.shape_cast %swap3A_367 : vector<1x16x128xf32> to vector<16x128xf32>
    %swap3A_369 = vector.shape_cast %reduce_max3A_363 : vector<16x128xf32> to vector<1x16x128xf32>
    tpu.vector_store %arg11[%swap3A_364, %swap3A_365, %swap3A_366], %swap3A_369 {strides = array<i32>} : memref<1x16x128xf32, #tpu.memory_space<vmem>>, vector<1x16x128xf32>,
    return
  }
  func.func @transform_0(%arg0: i32, %arg1: i32) -> i32 {
    %mul3A = arith.constant 64 : i32
    %mul3A_0 = arith.muli %arg0, %mul3A : i32
    %add3A = arith.addi %mul3A_0, %arg1 : i32
    %c0_i32 = arith.constant 0 : i32
    return %add3A : i32
  }
  func.func @transform_1(%arg0: i32, %arg1: i32) -> (i32, i32, i32) {
    %c0_i32 = arith.constant 0 : i32
    %c0_i32_0 = arith.constant 0 : i32
    return %arg0, %arg1, %c0_i32 : i32, i32, i32
  }
  func.func @transform_2(%arg0: i32, %arg1: i32) -> (i32, i32, i32) {
    %c0_i32 = arith.constant 0 : i32
    %c0_i32_0 = arith.constant 0 : i32
    return %arg0, %arg1, %c0_i32 : i32, i32, i32
  }
  func.func @transform_3(%arg0: i32, %arg1: i32) -> (i32, i32) {
    %c0_i32 = arith.constant 0 : i32
    %c0_i32_0 = arith.constant 0 : i32
    %c0_i32_1 = arith.constant 0 : i32
    return %c0_i32, %c0_i32_0 : i32, i32
  }
  func.func @transform_4(%arg0: i32, %arg1: i32) -> i32 {
    %c0_i32 = arith.constant 0 : i32
    %c0_i32_0 = arith.constant 0 : i32
    return %c0_i32 : i32
  }
  func.func @transform_5(%arg0: i32, %arg1: i32) -> (i32, i32) {
    %c0_i32 = arith.constant 0 : i32
    %c0_i32_0 = arith.constant 0 : i32
    %c0_i32_1 = arith.constant 0 : i32
    return %c0_i32, %c0_i32_0 : i32, i32
  }
  func.func @transform_6(%arg0: i32, %arg1: i32) -> i32 {
    %c0_i32 = arith.constant 0 : i32
    %c0_i32_0 = arith.constant 0 : i32
    return %c0_i32 : i32
  }
  func.func @transform_7(%arg0: i32, %arg1: i32) -> (i32, i32) {
    %c0_i32 = arith.constant 0 : i32
    %c0_i32_0 = arith.constant 0 : i32
    %c0_i32_1 = arith.constant 0 : i32
    return %c0_i32, %c0_i32_0 : i32, i32
  }
  func.func @transform_8(%arg0: i32, %arg1: i32) -> i32 {
    %c0_i32 = arith.constant 0 : i32
    %c0_i32_0 = arith.constant 0 : i32
    return %c0_i32 : i32
  }
  func.func @transform_9(%arg0: i32, %arg1: i32) -> (i32, i32, i32) {
    %c0_i32 = arith.constant 0 : i32
    %c0_i32_0 = arith.constant 0 : i32
    return %arg0, %arg1, %c0_i32 : i32, i32, i32
  }
}

module attributes {stable_mosaic.version = 14 : i64} {
  func.func @_mlp_pool_body(%arg0: i32, %arg1: i32, %arg2: memref<16384xf32, #tpu.memory_space<vmem>>, %arg3: memref<1x64x8xf32, #tpu.memory_space<vmem>>, %arg4: memref<1x128x1xf32, #tpu.memory_space<vmem>>, %arg5: memref<128x1024xf32, #tpu.memory_space<vmem>>, %arg6: memref<64xf32, #tpu.memory_space<vmem>>, %arg7: memref<64x64xf32, #tpu.memory_space<vmem>>, %arg8: memref<64xf32, #tpu.memory_space<vmem>>, %arg9: memref<64x128xf32, #tpu.memory_space<vmem>>, %arg10: memref<128xf32, #tpu.memory_space<vmem>>, %arg11: memref<1x64x128xf32, #tpu.memory_space<vmem>>, %arg12: memref<2048x64xf32, #tpu.memory_space<vmem>>) attributes {dimension_semantics = [#tpu.dimension_semantics<arbitrary>, #tpu.dimension_semantics<arbitrary>], iteration_bounds = array<i64: 8, 16>, scalar_prefetch = 0 : i64, scratch_operands = 1 : i64, tpu.core_type = #tpu.core_type<tc>, window_params = [{transform_indices = @transform_0, window_bounds = array<i64: 16384>}, {transform_indices = @transform_1, window_bounds = array<i64: 1, 64, 8>}, {transform_indices = @transform_2, window_bounds = array<i64: 1, 128, 1>}, {pipeline_mode = #tpu.pipeline_mode<synchronous>, transform_indices = @transform_3, window_bounds = array<i64: 128, 1024>}, {pipeline_mode = #tpu.pipeline_mode<synchronous>, transform_indices = @transform_4, window_bounds = array<i64: 64>}, {pipeline_mode = #tpu.pipeline_mode<synchronous>, transform_indices = @transform_5, window_bounds = array<i64: 64, 64>}, {pipeline_mode = #tpu.pipeline_mode<synchronous>, transform_indices = @transform_6, window_bounds = array<i64: 64>}, {pipeline_mode = #tpu.pipeline_mode<synchronous>, transform_indices = @transform_7, window_bounds = array<i64: 64, 128>}, {pipeline_mode = #tpu.pipeline_mode<synchronous>, transform_indices = @transform_8, window_bounds = array<i64: 128>}, {transform_indices = @transform_9, window_bounds = array<i64: 1, 64, 128>}]} {
    %get3A = arith.constant 0 : index
    %get3A_0 = vector.load %arg2[%get3A] : memref<16384xf32, #tpu.memory_space<vmem>>, vector<16384xf32>
    %reshape3A = vector.shape_cast %get3A_0 : vector<16384xf32> to vector<128x128xf32>
    %get3A_1 = arith.constant 0 : index
    %get3A_2 = arith.constant 0 : index
    %get3A_3 = vector.load %arg5[%get3A_1, %get3A_2] : memref<128x1024xf32, #tpu.memory_space<vmem>>, vector<128x1024xf32>
    %dot_general3A = arith.constant dense<0.000000e+00> : vector<128x1024xf32>
    %dot_general3A_4 = tpu.matmul %reshape3A, %get3A_3, %dot_general3A {dimension_numbers = #tpu.dot_dimension_numbers<[1], [0], [0], [1], [0, 0, 1, 1], [], []>, transpose_lhs_hint = false} : vector<128x128xf32>, vector<128x1024xf32>, vector<128x1024xf32> -> vector<128x1024xf32>
    %get3A_5 = arith.constant 0 : index
    %get3A_6 = arith.constant 0 : index
    %get3A_7 = arith.constant 0 : index
    %get3A_8 = vector.load %arg3[%get3A_5, %get3A_6, %get3A_7] : memref<1x64x8xf32, #tpu.memory_space<vmem>>, vector<1x64x8xf32>
    %get3A_9 = vector.shape_cast %get3A_8 : vector<1x64x8xf32> to vector<64x8xf32>
    %get3A_10 = arith.constant 0 : index
    %get3A_11 = arith.constant 0 : index
    %get3A_12 = vector.load %arg5[%get3A_10, %get3A_11] : memref<128x1024xf32, #tpu.memory_space<vmem>>, vector<8x64xf32>
    %dot_general3A_13 = arith.constant dense<0.000000e+00> : vector<64x64xf32>
    %dot_general3A_14 = tpu.matmul %get3A_9, %get3A_12, %dot_general3A_13 {dimension_numbers = #tpu.dot_dimension_numbers<[1], [0], [0], [1], [0, 0, 1, 1], [], []>, transpose_lhs_hint = false} : vector<64x8xf32>, vector<8x64xf32>, vector<64x64xf32> -> vector<64x64xf32>
    %get3A_15 = arith.constant 0 : index
    %get3A_16 = vector.load %arg6[%get3A_15] : memref<64xf32, #tpu.memory_space<vmem>>, vector<64xf32>
    %broadcast_in_dim3A = vector.shape_cast %get3A_16 : vector<64xf32> to vector<1x64xf32>
    %sub3A = vector.broadcast %broadcast_in_dim3A : vector<1x64xf32> to vector<64x64xf32>
    %sub3A_17 = arith.subf %sub3A, %dot_general3A_14 : vector<64x64xf32>
    %concatenate3A = tpu.concatenate %sub3A_17, %sub3A_17, %sub3A_17, %sub3A_17, %sub3A_17, %sub3A_17, %sub3A_17, %sub3A_17, %sub3A_17, %sub3A_17, %sub3A_17, %sub3A_17, %sub3A_17, %sub3A_17, %sub3A_17, %sub3A_17 in 1 : vector<64x64xf32>, vector<64x64xf32>, vector<64x64xf32>, vector<64x64xf32>, vector<64x64xf32>, vector<64x64xf32>, vector<64x64xf32>, vector<64x64xf32>, vector<64x64xf32>, vector<64x64xf32>, vector<64x64xf32>, vector<64x64xf32>, vector<64x64xf32>, vector<64x64xf32>, vector<64x64xf32>, vector<64x64xf32> -> vector<64x1024xf32>
    %reshape3A_18 = vector.shape_cast %dot_general3A_4 : vector<128x1024xf32> to vector<64x2x1024xf32>
    %broadcast_in_dim3A_19 = vector.shape_cast %concatenate3A : vector<64x1024xf32> to vector<64x1x1024xf32>
    %add3A = vector.broadcast %broadcast_in_dim3A_19 : vector<64x1x1024xf32> to vector<64x2x1024xf32>
    %add3A_20 = arith.addf %reshape3A_18, %add3A : vector<64x2x1024xf32>
    %reshape3A_21 = vector.shape_cast %add3A_20 : vector<64x2x1024xf32> to vector<128x1024xf32>
    %max3A = arith.constant 0.000000e+00 : f32
    %max3A_22 = vector.broadcast %max3A : f32 to vector<128x1024xf32>
    %max3A_23 = arith.maximumf %reshape3A_21, %max3A_22 : vector<128x1024xf32>
    %slice3A = vector.extract_strided_slice %max3A_23 {offsets = [0, 0], sizes = [128, 64], strides = [1, 1]} : vector<128x1024xf32> to vector<128x64xf32>
    %swap3A = arith.constant 0 : index
    %swap3A_24 = arith.constant 0 : index
    %swap3A_25 = vector.load %arg12[%swap3A, %swap3A_24] : memref<2048x64xf32, #tpu.memory_space<vmem>>, vector<128x64xf32>
    tpu.vector_store %arg12[%swap3A, %swap3A_24], %slice3A {strides = array<i32>} : memref<2048x64xf32, #tpu.memory_space<vmem>>, vector<128x64xf32>,
    %slice3A_26 = vector.extract_strided_slice %max3A_23 {offsets = [0, 64], sizes = [128, 64], strides = [1, 1]} : vector<128x1024xf32> to vector<128x64xf32>
    %swap3A_27 = arith.constant 128 : index
    %swap3A_28 = arith.constant 0 : index
    %swap3A_29 = vector.load %arg12[%swap3A_27, %swap3A_28] : memref<2048x64xf32, #tpu.memory_space<vmem>>, vector<128x64xf32>
    tpu.vector_store %arg12[%swap3A_27, %swap3A_28], %slice3A_26 {strides = array<i32>} : memref<2048x64xf32, #tpu.memory_space<vmem>>, vector<128x64xf32>,
    %slice3A_30 = vector.extract_strided_slice %max3A_23 {offsets = [0, 128], sizes = [128, 64], strides = [1, 1]} : vector<128x1024xf32> to vector<128x64xf32>
    %swap3A_31 = arith.constant 256 : index
    %swap3A_32 = arith.constant 0 : index
    %swap3A_33 = vector.load %arg12[%swap3A_31, %swap3A_32] : memref<2048x64xf32, #tpu.memory_space<vmem>>, vector<128x64xf32>
    tpu.vector_store %arg12[%swap3A_31, %swap3A_32], %slice3A_30 {strides = array<i32>} : memref<2048x64xf32, #tpu.memory_space<vmem>>, vector<128x64xf32>,
    %slice3A_34 = vector.extract_strided_slice %max3A_23 {offsets = [0, 192], sizes = [128, 64], strides = [1, 1]} : vector<128x1024xf32> to vector<128x64xf32>
    %swap3A_35 = arith.constant 384 : index
    %swap3A_36 = arith.constant 0 : index
    %swap3A_37 = vector.load %arg12[%swap3A_35, %swap3A_36] : memref<2048x64xf32, #tpu.memory_space<vmem>>, vector<128x64xf32>
    tpu.vector_store %arg12[%swap3A_35, %swap3A_36], %slice3A_34 {strides = array<i32>} : memref<2048x64xf32, #tpu.memory_space<vmem>>, vector<128x64xf32>,
    %slice3A_38 = vector.extract_strided_slice %max3A_23 {offsets = [0, 256], sizes = [128, 64], strides = [1, 1]} : vector<128x1024xf32> to vector<128x64xf32>
    %swap3A_39 = arith.constant 512 : index
    %swap3A_40 = arith.constant 0 : index
    %swap3A_41 = vector.load %arg12[%swap3A_39, %swap3A_40] : memref<2048x64xf32, #tpu.memory_space<vmem>>, vector<128x64xf32>
    tpu.vector_store %arg12[%swap3A_39, %swap3A_40], %slice3A_38 {strides = array<i32>} : memref<2048x64xf32, #tpu.memory_space<vmem>>, vector<128x64xf32>,
    %slice3A_42 = vector.extract_strided_slice %max3A_23 {offsets = [0, 320], sizes = [128, 64], strides = [1, 1]} : vector<128x1024xf32> to vector<128x64xf32>
    %swap3A_43 = arith.constant 640 : index
    %swap3A_44 = arith.constant 0 : index
    %swap3A_45 = vector.load %arg12[%swap3A_43, %swap3A_44] : memref<2048x64xf32, #tpu.memory_space<vmem>>, vector<128x64xf32>
    tpu.vector_store %arg12[%swap3A_43, %swap3A_44], %slice3A_42 {strides = array<i32>} : memref<2048x64xf32, #tpu.memory_space<vmem>>, vector<128x64xf32>,
    %slice3A_46 = vector.extract_strided_slice %max3A_23 {offsets = [0, 384], sizes = [128, 64], strides = [1, 1]} : vector<128x1024xf32> to vector<128x64xf32>
    %swap3A_47 = arith.constant 768 : index
    %swap3A_48 = arith.constant 0 : index
    %swap3A_49 = vector.load %arg12[%swap3A_47, %swap3A_48] : memref<2048x64xf32, #tpu.memory_space<vmem>>, vector<128x64xf32>
    tpu.vector_store %arg12[%swap3A_47, %swap3A_48], %slice3A_46 {strides = array<i32>} : memref<2048x64xf32, #tpu.memory_space<vmem>>, vector<128x64xf32>,
    %slice3A_50 = vector.extract_strided_slice %max3A_23 {offsets = [0, 448], sizes = [128, 64], strides = [1, 1]} : vector<128x1024xf32> to vector<128x64xf32>
    %swap3A_51 = arith.constant 896 : index
    %swap3A_52 = arith.constant 0 : index
    %swap3A_53 = vector.load %arg12[%swap3A_51, %swap3A_52] : memref<2048x64xf32, #tpu.memory_space<vmem>>, vector<128x64xf32>
    tpu.vector_store %arg12[%swap3A_51, %swap3A_52], %slice3A_50 {strides = array<i32>} : memref<2048x64xf32, #tpu.memory_space<vmem>>, vector<128x64xf32>,
    %slice3A_54 = vector.extract_strided_slice %max3A_23 {offsets = [0, 512], sizes = [128, 64], strides = [1, 1]} : vector<128x1024xf32> to vector<128x64xf32>
    %swap3A_55 = arith.constant 1024 : index
    %swap3A_56 = arith.constant 0 : index
    %swap3A_57 = vector.load %arg12[%swap3A_55, %swap3A_56] : memref<2048x64xf32, #tpu.memory_space<vmem>>, vector<128x64xf32>
    tpu.vector_store %arg12[%swap3A_55, %swap3A_56], %slice3A_54 {strides = array<i32>} : memref<2048x64xf32, #tpu.memory_space<vmem>>, vector<128x64xf32>,
    %slice3A_58 = vector.extract_strided_slice %max3A_23 {offsets = [0, 576], sizes = [128, 64], strides = [1, 1]} : vector<128x1024xf32> to vector<128x64xf32>
    %swap3A_59 = arith.constant 1152 : index
    %swap3A_60 = arith.constant 0 : index
    %swap3A_61 = vector.load %arg12[%swap3A_59, %swap3A_60] : memref<2048x64xf32, #tpu.memory_space<vmem>>, vector<128x64xf32>
    tpu.vector_store %arg12[%swap3A_59, %swap3A_60], %slice3A_58 {strides = array<i32>} : memref<2048x64xf32, #tpu.memory_space<vmem>>, vector<128x64xf32>,
    %slice3A_62 = vector.extract_strided_slice %max3A_23 {offsets = [0, 640], sizes = [128, 64], strides = [1, 1]} : vector<128x1024xf32> to vector<128x64xf32>
    %swap3A_63 = arith.constant 1280 : index
    %swap3A_64 = arith.constant 0 : index
    %swap3A_65 = vector.load %arg12[%swap3A_63, %swap3A_64] : memref<2048x64xf32, #tpu.memory_space<vmem>>, vector<128x64xf32>
    tpu.vector_store %arg12[%swap3A_63, %swap3A_64], %slice3A_62 {strides = array<i32>} : memref<2048x64xf32, #tpu.memory_space<vmem>>, vector<128x64xf32>,
    %slice3A_66 = vector.extract_strided_slice %max3A_23 {offsets = [0, 704], sizes = [128, 64], strides = [1, 1]} : vector<128x1024xf32> to vector<128x64xf32>
    %swap3A_67 = arith.constant 1408 : index
    %swap3A_68 = arith.constant 0 : index
    %swap3A_69 = vector.load %arg12[%swap3A_67, %swap3A_68] : memref<2048x64xf32, #tpu.memory_space<vmem>>, vector<128x64xf32>
    tpu.vector_store %arg12[%swap3A_67, %swap3A_68], %slice3A_66 {strides = array<i32>} : memref<2048x64xf32, #tpu.memory_space<vmem>>, vector<128x64xf32>,
    %slice3A_70 = vector.extract_strided_slice %max3A_23 {offsets = [0, 768], sizes = [128, 64], strides = [1, 1]} : vector<128x1024xf32> to vector<128x64xf32>
    %swap3A_71 = arith.constant 1536 : index
    %swap3A_72 = arith.constant 0 : index
    %swap3A_73 = vector.load %arg12[%swap3A_71, %swap3A_72] : memref<2048x64xf32, #tpu.memory_space<vmem>>, vector<128x64xf32>
    tpu.vector_store %arg12[%swap3A_71, %swap3A_72], %slice3A_70 {strides = array<i32>} : memref<2048x64xf32, #tpu.memory_space<vmem>>, vector<128x64xf32>,
    %slice3A_74 = vector.extract_strided_slice %max3A_23 {offsets = [0, 832], sizes = [128, 64], strides = [1, 1]} : vector<128x1024xf32> to vector<128x64xf32>
    %swap3A_75 = arith.constant 1664 : index
    %swap3A_76 = arith.constant 0 : index
    %swap3A_77 = vector.load %arg12[%swap3A_75, %swap3A_76] : memref<2048x64xf32, #tpu.memory_space<vmem>>, vector<128x64xf32>
    tpu.vector_store %arg12[%swap3A_75, %swap3A_76], %slice3A_74 {strides = array<i32>} : memref<2048x64xf32, #tpu.memory_space<vmem>>, vector<128x64xf32>,
    %slice3A_78 = vector.extract_strided_slice %max3A_23 {offsets = [0, 896], sizes = [128, 64], strides = [1, 1]} : vector<128x1024xf32> to vector<128x64xf32>
    %swap3A_79 = arith.constant 1792 : index
    %swap3A_80 = arith.constant 0 : index
    %swap3A_81 = vector.load %arg12[%swap3A_79, %swap3A_80] : memref<2048x64xf32, #tpu.memory_space<vmem>>, vector<128x64xf32>
    tpu.vector_store %arg12[%swap3A_79, %swap3A_80], %slice3A_78 {strides = array<i32>} : memref<2048x64xf32, #tpu.memory_space<vmem>>, vector<128x64xf32>,
    %slice3A_82 = vector.extract_strided_slice %max3A_23 {offsets = [0, 960], sizes = [128, 64], strides = [1, 1]} : vector<128x1024xf32> to vector<128x64xf32>
    %swap3A_83 = arith.constant 1920 : index
    %swap3A_84 = arith.constant 0 : index
    %swap3A_85 = vector.load %arg12[%swap3A_83, %swap3A_84] : memref<2048x64xf32, #tpu.memory_space<vmem>>, vector<128x64xf32>
    tpu.vector_store %arg12[%swap3A_83, %swap3A_84], %slice3A_82 {strides = array<i32>} : memref<2048x64xf32, #tpu.memory_space<vmem>>, vector<128x64xf32>,
    %get3A_86 = arith.constant 0 : index
    %get3A_87 = arith.constant 0 : index
    %get3A_88 = vector.load %arg12[%get3A_86, %get3A_87] : memref<2048x64xf32, #tpu.memory_space<vmem>>, vector<2048x64xf32>
    %get3A_89 = arith.constant 0 : index
    %get3A_90 = arith.constant 0 : index
    %get3A_91 = vector.load %arg7[%get3A_89, %get3A_90] : memref<64x64xf32, #tpu.memory_space<vmem>>, vector<64x64xf32>
    %dot_general3A_92 = arith.constant dense<0.000000e+00> : vector<2048x64xf32>
    %dot_general3A_93 = tpu.matmul %get3A_88, %get3A_91, %dot_general3A_92 {dimension_numbers = #tpu.dot_dimension_numbers<[1], [0], [0], [1], [0, 0, 1, 1], [], []>, transpose_lhs_hint = false} : vector<2048x64xf32>, vector<64x64xf32>, vector<2048x64xf32> -> vector<2048x64xf32>
    %get3A_94 = arith.constant 0 : index
    %get3A_95 = vector.load %arg8[%get3A_94] : memref<64xf32, #tpu.memory_space<vmem>>, vector<64xf32>
    %broadcast_in_dim3A_96 = vector.shape_cast %get3A_95 : vector<64xf32> to vector<1x64xf32>
    %add3A_97 = vector.broadcast %broadcast_in_dim3A_96 : vector<1x64xf32> to vector<2048x64xf32>
    %add3A_98 = arith.addf %dot_general3A_93, %add3A_97 : vector<2048x64xf32>
    %max3A_99 = arith.constant 0.000000e+00 : f32
    %max3A_100 = vector.broadcast %max3A_99 : f32 to vector<2048x64xf32>
    %max3A_101 = arith.maximumf %add3A_98, %max3A_100 : vector<2048x64xf32>
    %get3A_102 = arith.constant 0 : index
    %get3A_103 = arith.constant 0 : index
    %get3A_104 = vector.load %arg9[%get3A_102, %get3A_103] : memref<64x128xf32, #tpu.memory_space<vmem>>, vector<64x128xf32>
    %dot_general3A_105 = arith.constant dense<0.000000e+00> : vector<2048x128xf32>
    %dot_general3A_106 = tpu.matmul %max3A_101, %get3A_104, %dot_general3A_105 {dimension_numbers = #tpu.dot_dimension_numbers<[1], [0], [0], [1], [0, 0, 1, 1], [], []>, transpose_lhs_hint = false} : vector<2048x64xf32>, vector<64x128xf32>, vector<2048x128xf32> -> vector<2048x128xf32>
    %get3A_107 = arith.constant 0 : index
    %get3A_108 = vector.load %arg10[%get3A_107] : memref<128xf32, #tpu.memory_space<vmem>>, vector<128xf32>
    %broadcast_in_dim3A_109 = vector.shape_cast %get3A_108 : vector<128xf32> to vector<1x128xf32>
    %add3A_110 = vector.broadcast %broadcast_in_dim3A_109 : vector<1x128xf32> to vector<2048x128xf32>
    %add3A_111 = arith.addf %dot_general3A_106, %add3A_110 : vector<2048x128xf32>
    %max3A_112 = arith.constant 0.000000e+00 : f32
    %max3A_113 = vector.broadcast %max3A_112 : f32 to vector<2048x128xf32>
    %max3A_114 = arith.maximumf %add3A_111, %max3A_113 : vector<2048x128xf32>
    %iota3A = tpu.iota {dimensions = array<i32: 0>} : vector<128x1xi32>
    %jit3A = arith.constant 2 : i32
    %eq3A = arith.constant 0 : i32
    %eq3A_115 = arith.cmpi eq, %jit3A, %eq3A : i32
    %jit3A_116 = arith.constant 1 : i32
    %select_n3A = arith.select %eq3A_115, %jit3A_116, %jit3A : i32
    %rem3A = vector.broadcast %select_n3A : i32 to vector<128x1xi32>
    %rem3A_117 = arith.remsi %iota3A, %rem3A : vector<128x1xi32>
    %ne3A = arith.constant 0 : i32
    %ne3A_118 = vector.broadcast %ne3A : i32 to vector<128x1xi32>
    %ne3A_119 = arith.cmpi ne, %rem3A_117, %ne3A_118 : vector<128x1xi32>
    %lt3A = arith.constant 0 : i32
    %lt3A_120 = vector.broadcast %lt3A : i32 to vector<128x1xi32>
    %lt3A_121 = arith.cmpi slt, %rem3A_117, %lt3A_120 : vector<128x1xi32>
    %lt3A_122 = arith.constant 0 : i32
    %lt3A_123 = arith.cmpi slt, %select_n3A, %lt3A_122 : i32
    %ne3A_124 = vector.broadcast %lt3A_123 : i1 to vector<128x1xi1>
    %ne3A_125 = vector.broadcast %ne3A_124 : vector<128x1xi1> to vector<128x1xi1>
    %ne3A_126 = arith.xori %lt3A_121, %ne3A_125 : vector<128x1xi1>
    %and3A = arith.andi %ne3A_126, %ne3A_119 : vector<128x1xi1>
    %add3A_127 = vector.broadcast %select_n3A : i32 to vector<128x1xi32>
    %add3A_128 = arith.addi %rem3A_117, %add3A_127 : vector<128x1xi32>
    %select_n3A_129 = arith.select %and3A, %add3A_128, %rem3A_117 : vector<128x1xi1>, vector<128x1xi32>
    %mul3A = arith.constant 16 : i32
    %mul3A_130 = vector.broadcast %mul3A : i32 to vector<128x1xi32>
    %mul3A_131 = arith.muli %select_n3A_129, %mul3A_130 : vector<128x1xi32>
    %get3A_132 = arith.constant 0 : index
    %get3A_133 = arith.constant 0 : index
    %get3A_134 = arith.constant 0 : index
    %get3A_135 = vector.load %arg4[%get3A_132, %get3A_133, %get3A_134] : memref<1x128x1xf32, #tpu.memory_space<vmem>>, vector<1x128x1xf32>
    %get3A_136 = vector.shape_cast %get3A_135 : vector<1x128x1xf32> to vector<128x1xf32>
    %max3A_137 = arith.constant 1.000000e+00 : f32
    %max3A_138 = vector.broadcast %max3A_137 : f32 to vector<128x1xf32>
    %max3A_139 = arith.maximumf %get3A_136, %max3A_138 : vector<128x1xf32>
    %add3A_140 = arith.constant 0 : i32
    %add3A_141 = vector.broadcast %add3A_140 : i32 to vector<128x1xi32>
    %add3A_142 = arith.addi %mul3A_131, %add3A_141 : vector<128x1xi32>
    %convert_element_type3A = arith.sitofp %add3A_142 : vector<128x1xi32> to vector<128x1xf32>
    %lt3A_143 = arith.cmpf olt, %convert_element_type3A, %max3A_139 : vector<128x1xf32>
    %jit3A_144 = arith.constant 1.000000e+00 : f32
    %jit3A_145 = arith.constant 0.000000e+00 : f32
    %broadcast_in_dim3A_146 = vector.broadcast %jit3A_144 : f32 to vector<128x1xf32>
    %broadcast_in_dim3A_147 = vector.broadcast %jit3A_145 : f32 to vector<128x1xf32>
    %select_n3A_148 = arith.select %lt3A_143, %broadcast_in_dim3A_146, %broadcast_in_dim3A_147 : vector<128x1xi1>, vector<128x1xf32>
    %slice3A_149 = vector.extract_strided_slice %max3A_114 {offsets = [0, 0], sizes = [128, 128], strides = [1, 1]} : vector<2048x128xf32> to vector<128x128xf32>
    %mul3A_150 = vector.broadcast %select_n3A_148 : vector<128x1xf32> to vector<128x128xf32>
    %mul3A_151 = arith.mulf %slice3A_149, %mul3A_150 : vector<128x128xf32>
    %add3A_152 = arith.constant 1 : i32
    %add3A_153 = vector.broadcast %add3A_152 : i32 to vector<128x1xi32>
    %add3A_154 = arith.addi %mul3A_131, %add3A_153 : vector<128x1xi32>
    %convert_element_type3A_155 = arith.sitofp %add3A_154 : vector<128x1xi32> to vector<128x1xf32>
    %lt3A_156 = arith.cmpf olt, %convert_element_type3A_155, %max3A_139 : vector<128x1xf32>
    %jit3A_157 = arith.constant 1.000000e+00 : f32
    %jit3A_158 = arith.constant 0.000000e+00 : f32
    %broadcast_in_dim3A_159 = vector.broadcast %jit3A_157 : f32 to vector<128x1xf32>
    %broadcast_in_dim3A_160 = vector.broadcast %jit3A_158 : f32 to vector<128x1xf32>
    %select_n3A_161 = arith.select %lt3A_156, %broadcast_in_dim3A_159, %broadcast_in_dim3A_160 : vector<128x1xi1>, vector<128x1xf32>
    %slice3A_162 = vector.extract_strided_slice %max3A_114 {offsets = [128, 0], sizes = [128, 128], strides = [1, 1]} : vector<2048x128xf32> to vector<128x128xf32>
    %mul3A_163 = vector.broadcast %select_n3A_161 : vector<128x1xf32> to vector<128x128xf32>
    %mul3A_164 = arith.mulf %slice3A_162, %mul3A_163 : vector<128x128xf32>
    %max3A_165 = arith.maximumf %mul3A_151, %mul3A_164 : vector<128x128xf32>
    %add3A_166 = arith.constant 2 : i32
    %add3A_167 = vector.broadcast %add3A_166 : i32 to vector<128x1xi32>
    %add3A_168 = arith.addi %mul3A_131, %add3A_167 : vector<128x1xi32>
    %convert_element_type3A_169 = arith.sitofp %add3A_168 : vector<128x1xi32> to vector<128x1xf32>
    %lt3A_170 = arith.cmpf olt, %convert_element_type3A_169, %max3A_139 : vector<128x1xf32>
    %jit3A_171 = arith.constant 1.000000e+00 : f32
    %jit3A_172 = arith.constant 0.000000e+00 : f32
    %broadcast_in_dim3A_173 = vector.broadcast %jit3A_171 : f32 to vector<128x1xf32>
    %broadcast_in_dim3A_174 = vector.broadcast %jit3A_172 : f32 to vector<128x1xf32>
    %select_n3A_175 = arith.select %lt3A_170, %broadcast_in_dim3A_173, %broadcast_in_dim3A_174 : vector<128x1xi1>, vector<128x1xf32>
    %slice3A_176 = vector.extract_strided_slice %max3A_114 {offsets = [256, 0], sizes = [128, 128], strides = [1, 1]} : vector<2048x128xf32> to vector<128x128xf32>
    %mul3A_177 = vector.broadcast %select_n3A_175 : vector<128x1xf32> to vector<128x128xf32>
    %mul3A_178 = arith.mulf %slice3A_176, %mul3A_177 : vector<128x128xf32>
    %max3A_179 = arith.maximumf %max3A_165, %mul3A_178 : vector<128x128xf32>
    %add3A_180 = arith.constant 3 : i32
    %add3A_181 = vector.broadcast %add3A_180 : i32 to vector<128x1xi32>
    %add3A_182 = arith.addi %mul3A_131, %add3A_181 : vector<128x1xi32>
    %convert_element_type3A_183 = arith.sitofp %add3A_182 : vector<128x1xi32> to vector<128x1xf32>
    %lt3A_184 = arith.cmpf olt, %convert_element_type3A_183, %max3A_139 : vector<128x1xf32>
    %jit3A_185 = arith.constant 1.000000e+00 : f32
    %jit3A_186 = arith.constant 0.000000e+00 : f32
    %broadcast_in_dim3A_187 = vector.broadcast %jit3A_185 : f32 to vector<128x1xf32>
    %broadcast_in_dim3A_188 = vector.broadcast %jit3A_186 : f32 to vector<128x1xf32>
    %select_n3A_189 = arith.select %lt3A_184, %broadcast_in_dim3A_187, %broadcast_in_dim3A_188 : vector<128x1xi1>, vector<128x1xf32>
    %slice3A_190 = vector.extract_strided_slice %max3A_114 {offsets = [384, 0], sizes = [128, 128], strides = [1, 1]} : vector<2048x128xf32> to vector<128x128xf32>
    %mul3A_191 = vector.broadcast %select_n3A_189 : vector<128x1xf32> to vector<128x128xf32>
    %mul3A_192 = arith.mulf %slice3A_190, %mul3A_191 : vector<128x128xf32>
    %max3A_193 = arith.maximumf %max3A_179, %mul3A_192 : vector<128x128xf32>
    %add3A_194 = arith.constant 4 : i32
    %add3A_195 = vector.broadcast %add3A_194 : i32 to vector<128x1xi32>
    %add3A_196 = arith.addi %mul3A_131, %add3A_195 : vector<128x1xi32>
    %convert_element_type3A_197 = arith.sitofp %add3A_196 : vector<128x1xi32> to vector<128x1xf32>
    %lt3A_198 = arith.cmpf olt, %convert_element_type3A_197, %max3A_139 : vector<128x1xf32>
    %jit3A_199 = arith.constant 1.000000e+00 : f32
    %jit3A_200 = arith.constant 0.000000e+00 : f32
    %broadcast_in_dim3A_201 = vector.broadcast %jit3A_199 : f32 to vector<128x1xf32>
    %broadcast_in_dim3A_202 = vector.broadcast %jit3A_200 : f32 to vector<128x1xf32>
    %select_n3A_203 = arith.select %lt3A_198, %broadcast_in_dim3A_201, %broadcast_in_dim3A_202 : vector<128x1xi1>, vector<128x1xf32>
    %slice3A_204 = vector.extract_strided_slice %max3A_114 {offsets = [512, 0], sizes = [128, 128], strides = [1, 1]} : vector<2048x128xf32> to vector<128x128xf32>
    %mul3A_205 = vector.broadcast %select_n3A_203 : vector<128x1xf32> to vector<128x128xf32>
    %mul3A_206 = arith.mulf %slice3A_204, %mul3A_205 : vector<128x128xf32>
    %max3A_207 = arith.maximumf %max3A_193, %mul3A_206 : vector<128x128xf32>
    %add3A_208 = arith.constant 5 : i32
    %add3A_209 = vector.broadcast %add3A_208 : i32 to vector<128x1xi32>
    %add3A_210 = arith.addi %mul3A_131, %add3A_209 : vector<128x1xi32>
    %convert_element_type3A_211 = arith.sitofp %add3A_210 : vector<128x1xi32> to vector<128x1xf32>
    %lt3A_212 = arith.cmpf olt, %convert_element_type3A_211, %max3A_139 : vector<128x1xf32>
    %jit3A_213 = arith.constant 1.000000e+00 : f32
    %jit3A_214 = arith.constant 0.000000e+00 : f32
    %broadcast_in_dim3A_215 = vector.broadcast %jit3A_213 : f32 to vector<128x1xf32>
    %broadcast_in_dim3A_216 = vector.broadcast %jit3A_214 : f32 to vector<128x1xf32>
    %select_n3A_217 = arith.select %lt3A_212, %broadcast_in_dim3A_215, %broadcast_in_dim3A_216 : vector<128x1xi1>, vector<128x1xf32>
    %slice3A_218 = vector.extract_strided_slice %max3A_114 {offsets = [640, 0], sizes = [128, 128], strides = [1, 1]} : vector<2048x128xf32> to vector<128x128xf32>
    %mul3A_219 = vector.broadcast %select_n3A_217 : vector<128x1xf32> to vector<128x128xf32>
    %mul3A_220 = arith.mulf %slice3A_218, %mul3A_219 : vector<128x128xf32>
    %max3A_221 = arith.maximumf %max3A_207, %mul3A_220 : vector<128x128xf32>
    %add3A_222 = arith.constant 6 : i32
    %add3A_223 = vector.broadcast %add3A_222 : i32 to vector<128x1xi32>
    %add3A_224 = arith.addi %mul3A_131, %add3A_223 : vector<128x1xi32>
    %convert_element_type3A_225 = arith.sitofp %add3A_224 : vector<128x1xi32> to vector<128x1xf32>
    %lt3A_226 = arith.cmpf olt, %convert_element_type3A_225, %max3A_139 : vector<128x1xf32>
    %jit3A_227 = arith.constant 1.000000e+00 : f32
    %jit3A_228 = arith.constant 0.000000e+00 : f32
    %broadcast_in_dim3A_229 = vector.broadcast %jit3A_227 : f32 to vector<128x1xf32>
    %broadcast_in_dim3A_230 = vector.broadcast %jit3A_228 : f32 to vector<128x1xf32>
    %select_n3A_231 = arith.select %lt3A_226, %broadcast_in_dim3A_229, %broadcast_in_dim3A_230 : vector<128x1xi1>, vector<128x1xf32>
    %slice3A_232 = vector.extract_strided_slice %max3A_114 {offsets = [768, 0], sizes = [128, 128], strides = [1, 1]} : vector<2048x128xf32> to vector<128x128xf32>
    %mul3A_233 = vector.broadcast %select_n3A_231 : vector<128x1xf32> to vector<128x128xf32>
    %mul3A_234 = arith.mulf %slice3A_232, %mul3A_233 : vector<128x128xf32>
    %max3A_235 = arith.maximumf %max3A_221, %mul3A_234 : vector<128x128xf32>
    %add3A_236 = arith.constant 7 : i32
    %add3A_237 = vector.broadcast %add3A_236 : i32 to vector<128x1xi32>
    %add3A_238 = arith.addi %mul3A_131, %add3A_237 : vector<128x1xi32>
    %convert_element_type3A_239 = arith.sitofp %add3A_238 : vector<128x1xi32> to vector<128x1xf32>
    %lt3A_240 = arith.cmpf olt, %convert_element_type3A_239, %max3A_139 : vector<128x1xf32>
    %jit3A_241 = arith.constant 1.000000e+00 : f32
    %jit3A_242 = arith.constant 0.000000e+00 : f32
    %broadcast_in_dim3A_243 = vector.broadcast %jit3A_241 : f32 to vector<128x1xf32>
    %broadcast_in_dim3A_244 = vector.broadcast %jit3A_242 : f32 to vector<128x1xf32>
    %select_n3A_245 = arith.select %lt3A_240, %broadcast_in_dim3A_243, %broadcast_in_dim3A_244 : vector<128x1xi1>, vector<128x1xf32>
    %slice3A_246 = vector.extract_strided_slice %max3A_114 {offsets = [896, 0], sizes = [128, 128], strides = [1, 1]} : vector<2048x128xf32> to vector<128x128xf32>
    %mul3A_247 = vector.broadcast %select_n3A_245 : vector<128x1xf32> to vector<128x128xf32>
    %mul3A_248 = arith.mulf %slice3A_246, %mul3A_247 : vector<128x128xf32>
    %max3A_249 = arith.maximumf %max3A_235, %mul3A_248 : vector<128x128xf32>
    %add3A_250 = arith.constant 8 : i32
    %add3A_251 = vector.broadcast %add3A_250 : i32 to vector<128x1xi32>
    %add3A_252 = arith.addi %mul3A_131, %add3A_251 : vector<128x1xi32>
    %convert_element_type3A_253 = arith.sitofp %add3A_252 : vector<128x1xi32> to vector<128x1xf32>
    %lt3A_254 = arith.cmpf olt, %convert_element_type3A_253, %max3A_139 : vector<128x1xf32>
    %jit3A_255 = arith.constant 1.000000e+00 : f32
    %jit3A_256 = arith.constant 0.000000e+00 : f32
    %broadcast_in_dim3A_257 = vector.broadcast %jit3A_255 : f32 to vector<128x1xf32>
    %broadcast_in_dim3A_258 = vector.broadcast %jit3A_256 : f32 to vector<128x1xf32>
    %select_n3A_259 = arith.select %lt3A_254, %broadcast_in_dim3A_257, %broadcast_in_dim3A_258 : vector<128x1xi1>, vector<128x1xf32>
    %slice3A_260 = vector.extract_strided_slice %max3A_114 {offsets = [1024, 0], sizes = [128, 128], strides = [1, 1]} : vector<2048x128xf32> to vector<128x128xf32>
    %mul3A_261 = vector.broadcast %select_n3A_259 : vector<128x1xf32> to vector<128x128xf32>
    %mul3A_262 = arith.mulf %slice3A_260, %mul3A_261 : vector<128x128xf32>
    %max3A_263 = arith.maximumf %max3A_249, %mul3A_262 : vector<128x128xf32>
    %add3A_264 = arith.constant 9 : i32
    %add3A_265 = vector.broadcast %add3A_264 : i32 to vector<128x1xi32>
    %add3A_266 = arith.addi %mul3A_131, %add3A_265 : vector<128x1xi32>
    %convert_element_type3A_267 = arith.sitofp %add3A_266 : vector<128x1xi32> to vector<128x1xf32>
    %lt3A_268 = arith.cmpf olt, %convert_element_type3A_267, %max3A_139 : vector<128x1xf32>
    %jit3A_269 = arith.constant 1.000000e+00 : f32
    %jit3A_270 = arith.constant 0.000000e+00 : f32
    %broadcast_in_dim3A_271 = vector.broadcast %jit3A_269 : f32 to vector<128x1xf32>
    %broadcast_in_dim3A_272 = vector.broadcast %jit3A_270 : f32 to vector<128x1xf32>
    %select_n3A_273 = arith.select %lt3A_268, %broadcast_in_dim3A_271, %broadcast_in_dim3A_272 : vector<128x1xi1>, vector<128x1xf32>
    %slice3A_274 = vector.extract_strided_slice %max3A_114 {offsets = [1152, 0], sizes = [128, 128], strides = [1, 1]} : vector<2048x128xf32> to vector<128x128xf32>
    %mul3A_275 = vector.broadcast %select_n3A_273 : vector<128x1xf32> to vector<128x128xf32>
    %mul3A_276 = arith.mulf %slice3A_274, %mul3A_275 : vector<128x128xf32>
    %max3A_277 = arith.maximumf %max3A_263, %mul3A_276 : vector<128x128xf32>
    %add3A_278 = arith.constant 10 : i32
    %add3A_279 = vector.broadcast %add3A_278 : i32 to vector<128x1xi32>
    %add3A_280 = arith.addi %mul3A_131, %add3A_279 : vector<128x1xi32>
    %convert_element_type3A_281 = arith.sitofp %add3A_280 : vector<128x1xi32> to vector<128x1xf32>
    %lt3A_282 = arith.cmpf olt, %convert_element_type3A_281, %max3A_139 : vector<128x1xf32>
    %jit3A_283 = arith.constant 1.000000e+00 : f32
    %jit3A_284 = arith.constant 0.000000e+00 : f32
    %broadcast_in_dim3A_285 = vector.broadcast %jit3A_283 : f32 to vector<128x1xf32>
    %broadcast_in_dim3A_286 = vector.broadcast %jit3A_284 : f32 to vector<128x1xf32>
    %select_n3A_287 = arith.select %lt3A_282, %broadcast_in_dim3A_285, %broadcast_in_dim3A_286 : vector<128x1xi1>, vector<128x1xf32>
    %slice3A_288 = vector.extract_strided_slice %max3A_114 {offsets = [1280, 0], sizes = [128, 128], strides = [1, 1]} : vector<2048x128xf32> to vector<128x128xf32>
    %mul3A_289 = vector.broadcast %select_n3A_287 : vector<128x1xf32> to vector<128x128xf32>
    %mul3A_290 = arith.mulf %slice3A_288, %mul3A_289 : vector<128x128xf32>
    %max3A_291 = arith.maximumf %max3A_277, %mul3A_290 : vector<128x128xf32>
    %add3A_292 = arith.constant 11 : i32
    %add3A_293 = vector.broadcast %add3A_292 : i32 to vector<128x1xi32>
    %add3A_294 = arith.addi %mul3A_131, %add3A_293 : vector<128x1xi32>
    %convert_element_type3A_295 = arith.sitofp %add3A_294 : vector<128x1xi32> to vector<128x1xf32>
    %lt3A_296 = arith.cmpf olt, %convert_element_type3A_295, %max3A_139 : vector<128x1xf32>
    %jit3A_297 = arith.constant 1.000000e+00 : f32
    %jit3A_298 = arith.constant 0.000000e+00 : f32
    %broadcast_in_dim3A_299 = vector.broadcast %jit3A_297 : f32 to vector<128x1xf32>
    %broadcast_in_dim3A_300 = vector.broadcast %jit3A_298 : f32 to vector<128x1xf32>
    %select_n3A_301 = arith.select %lt3A_296, %broadcast_in_dim3A_299, %broadcast_in_dim3A_300 : vector<128x1xi1>, vector<128x1xf32>
    %slice3A_302 = vector.extract_strided_slice %max3A_114 {offsets = [1408, 0], sizes = [128, 128], strides = [1, 1]} : vector<2048x128xf32> to vector<128x128xf32>
    %mul3A_303 = vector.broadcast %select_n3A_301 : vector<128x1xf32> to vector<128x128xf32>
    %mul3A_304 = arith.mulf %slice3A_302, %mul3A_303 : vector<128x128xf32>
    %max3A_305 = arith.maximumf %max3A_291, %mul3A_304 : vector<128x128xf32>
    %add3A_306 = arith.constant 12 : i32
    %add3A_307 = vector.broadcast %add3A_306 : i32 to vector<128x1xi32>
    %add3A_308 = arith.addi %mul3A_131, %add3A_307 : vector<128x1xi32>
    %convert_element_type3A_309 = arith.sitofp %add3A_308 : vector<128x1xi32> to vector<128x1xf32>
    %lt3A_310 = arith.cmpf olt, %convert_element_type3A_309, %max3A_139 : vector<128x1xf32>
    %jit3A_311 = arith.constant 1.000000e+00 : f32
    %jit3A_312 = arith.constant 0.000000e+00 : f32
    %broadcast_in_dim3A_313 = vector.broadcast %jit3A_311 : f32 to vector<128x1xf32>
    %broadcast_in_dim3A_314 = vector.broadcast %jit3A_312 : f32 to vector<128x1xf32>
    %select_n3A_315 = arith.select %lt3A_310, %broadcast_in_dim3A_313, %broadcast_in_dim3A_314 : vector<128x1xi1>, vector<128x1xf32>
    %slice3A_316 = vector.extract_strided_slice %max3A_114 {offsets = [1536, 0], sizes = [128, 128], strides = [1, 1]} : vector<2048x128xf32> to vector<128x128xf32>
    %mul3A_317 = vector.broadcast %select_n3A_315 : vector<128x1xf32> to vector<128x128xf32>
    %mul3A_318 = arith.mulf %slice3A_316, %mul3A_317 : vector<128x128xf32>
    %max3A_319 = arith.maximumf %max3A_305, %mul3A_318 : vector<128x128xf32>
    %add3A_320 = arith.constant 13 : i32
    %add3A_321 = vector.broadcast %add3A_320 : i32 to vector<128x1xi32>
    %add3A_322 = arith.addi %mul3A_131, %add3A_321 : vector<128x1xi32>
    %convert_element_type3A_323 = arith.sitofp %add3A_322 : vector<128x1xi32> to vector<128x1xf32>
    %lt3A_324 = arith.cmpf olt, %convert_element_type3A_323, %max3A_139 : vector<128x1xf32>
    %jit3A_325 = arith.constant 1.000000e+00 : f32
    %jit3A_326 = arith.constant 0.000000e+00 : f32
    %broadcast_in_dim3A_327 = vector.broadcast %jit3A_325 : f32 to vector<128x1xf32>
    %broadcast_in_dim3A_328 = vector.broadcast %jit3A_326 : f32 to vector<128x1xf32>
    %select_n3A_329 = arith.select %lt3A_324, %broadcast_in_dim3A_327, %broadcast_in_dim3A_328 : vector<128x1xi1>, vector<128x1xf32>
    %slice3A_330 = vector.extract_strided_slice %max3A_114 {offsets = [1664, 0], sizes = [128, 128], strides = [1, 1]} : vector<2048x128xf32> to vector<128x128xf32>
    %mul3A_331 = vector.broadcast %select_n3A_329 : vector<128x1xf32> to vector<128x128xf32>
    %mul3A_332 = arith.mulf %slice3A_330, %mul3A_331 : vector<128x128xf32>
    %max3A_333 = arith.maximumf %max3A_319, %mul3A_332 : vector<128x128xf32>
    %add3A_334 = arith.constant 14 : i32
    %add3A_335 = vector.broadcast %add3A_334 : i32 to vector<128x1xi32>
    %add3A_336 = arith.addi %mul3A_131, %add3A_335 : vector<128x1xi32>
    %convert_element_type3A_337 = arith.sitofp %add3A_336 : vector<128x1xi32> to vector<128x1xf32>
    %lt3A_338 = arith.cmpf olt, %convert_element_type3A_337, %max3A_139 : vector<128x1xf32>
    %jit3A_339 = arith.constant 1.000000e+00 : f32
    %jit3A_340 = arith.constant 0.000000e+00 : f32
    %broadcast_in_dim3A_341 = vector.broadcast %jit3A_339 : f32 to vector<128x1xf32>
    %broadcast_in_dim3A_342 = vector.broadcast %jit3A_340 : f32 to vector<128x1xf32>
    %select_n3A_343 = arith.select %lt3A_338, %broadcast_in_dim3A_341, %broadcast_in_dim3A_342 : vector<128x1xi1>, vector<128x1xf32>
    %slice3A_344 = vector.extract_strided_slice %max3A_114 {offsets = [1792, 0], sizes = [128, 128], strides = [1, 1]} : vector<2048x128xf32> to vector<128x128xf32>
    %mul3A_345 = vector.broadcast %select_n3A_343 : vector<128x1xf32> to vector<128x128xf32>
    %mul3A_346 = arith.mulf %slice3A_344, %mul3A_345 : vector<128x128xf32>
    %max3A_347 = arith.maximumf %max3A_333, %mul3A_346 : vector<128x128xf32>
    %add3A_348 = arith.constant 15 : i32
    %add3A_349 = vector.broadcast %add3A_348 : i32 to vector<128x1xi32>
    %add3A_350 = arith.addi %mul3A_131, %add3A_349 : vector<128x1xi32>
    %convert_element_type3A_351 = arith.sitofp %add3A_350 : vector<128x1xi32> to vector<128x1xf32>
    %lt3A_352 = arith.cmpf olt, %convert_element_type3A_351, %max3A_139 : vector<128x1xf32>
    %jit3A_353 = arith.constant 1.000000e+00 : f32
    %jit3A_354 = arith.constant 0.000000e+00 : f32
    %broadcast_in_dim3A_355 = vector.broadcast %jit3A_353 : f32 to vector<128x1xf32>
    %broadcast_in_dim3A_356 = vector.broadcast %jit3A_354 : f32 to vector<128x1xf32>
    %select_n3A_357 = arith.select %lt3A_352, %broadcast_in_dim3A_355, %broadcast_in_dim3A_356 : vector<128x1xi1>, vector<128x1xf32>
    %slice3A_358 = vector.extract_strided_slice %max3A_114 {offsets = [1920, 0], sizes = [128, 128], strides = [1, 1]} : vector<2048x128xf32> to vector<128x128xf32>
    %mul3A_359 = vector.broadcast %select_n3A_357 : vector<128x1xf32> to vector<128x128xf32>
    %mul3A_360 = arith.mulf %slice3A_358, %mul3A_359 : vector<128x128xf32>
    %max3A_361 = arith.maximumf %max3A_347, %mul3A_360 : vector<128x128xf32>
    %reshape3A_362 = vector.shape_cast %max3A_361 : vector<128x128xf32> to vector<64x2x128xf32>
    %reduce_max3A = arith.constant dense<0xFF800000> : vector<64x128xf32>
    %reduce_max3A_363 = vector.multi_reduction <maximumf>, %reshape3A_362, %reduce_max3A [1] : vector<64x2x128xf32> to vector<64x128xf32>
    %swap3A_364 = arith.constant 0 : index
    %swap3A_365 = arith.constant 0 : index
    %swap3A_366 = arith.constant 0 : index
    %swap3A_367 = vector.load %arg11[%swap3A_364, %swap3A_365, %swap3A_366] : memref<1x64x128xf32, #tpu.memory_space<vmem>>, vector<1x64x128xf32>
    %swap3A_368 = vector.shape_cast %swap3A_367 : vector<1x64x128xf32> to vector<64x128xf32>
    %swap3A_369 = vector.shape_cast %reduce_max3A_363 : vector<64x128xf32> to vector<1x64x128xf32>
    tpu.vector_store %arg11[%swap3A_364, %swap3A_365, %swap3A_366], %swap3A_369 {strides = array<i32>} : memref<1x64x128xf32, #tpu.memory_space<vmem>>, vector<1x64x128xf32>,
    return
  }
  func.func @transform_0(%arg0: i32, %arg1: i32) -> i32 {
    %mul3A = arith.constant 16 : i32
    %mul3A_0 = arith.muli %arg0, %mul3A : i32
    %add3A = arith.addi %mul3A_0, %arg1 : i32
    %c0_i32 = arith.constant 0 : i32
    return %add3A : i32
  }
  func.func @transform_1(%arg0: i32, %arg1: i32) -> (i32, i32, i32) {
    %c0_i32 = arith.constant 0 : i32
    %c0_i32_0 = arith.constant 0 : i32
    return %arg0, %arg1, %c0_i32 : i32, i32, i32
  }
  func.func @transform_2(%arg0: i32, %arg1: i32) -> (i32, i32, i32) {
    %c0_i32 = arith.constant 0 : i32
    %c0_i32_0 = arith.constant 0 : i32
    return %arg0, %arg1, %c0_i32 : i32, i32, i32
  }
  func.func @transform_3(%arg0: i32, %arg1: i32) -> (i32, i32) {
    %c0_i32 = arith.constant 0 : i32
    %c0_i32_0 = arith.constant 0 : i32
    %c0_i32_1 = arith.constant 0 : i32
    return %c0_i32, %c0_i32_0 : i32, i32
  }
  func.func @transform_4(%arg0: i32, %arg1: i32) -> i32 {
    %c0_i32 = arith.constant 0 : i32
    %c0_i32_0 = arith.constant 0 : i32
    return %c0_i32 : i32
  }
  func.func @transform_5(%arg0: i32, %arg1: i32) -> (i32, i32) {
    %c0_i32 = arith.constant 0 : i32
    %c0_i32_0 = arith.constant 0 : i32
    %c0_i32_1 = arith.constant 0 : i32
    return %c0_i32, %c0_i32_0 : i32, i32
  }
  func.func @transform_6(%arg0: i32, %arg1: i32) -> i32 {
    %c0_i32 = arith.constant 0 : i32
    %c0_i32_0 = arith.constant 0 : i32
    return %c0_i32 : i32
  }
  func.func @transform_7(%arg0: i32, %arg1: i32) -> (i32, i32) {
    %c0_i32 = arith.constant 0 : i32
    %c0_i32_0 = arith.constant 0 : i32
    %c0_i32_1 = arith.constant 0 : i32
    return %c0_i32, %c0_i32_0 : i32, i32
  }
  func.func @transform_8(%arg0: i32, %arg1: i32) -> i32 {
    %c0_i32 = arith.constant 0 : i32
    %c0_i32_0 = arith.constant 0 : i32
    return %c0_i32 : i32
  }
  func.func @transform_9(%arg0: i32, %arg1: i32) -> (i32, i32, i32) {
    %c0_i32 = arith.constant 0 : i32
    %c0_i32_0 = arith.constant 0 : i32
    return %arg0, %arg1, %c0_i32 : i32, i32, i32
  }
}

module attributes {stable_mosaic.version = 14 : i64} {
  func.func @_mlp_pool_body(%arg0: i32, %arg1: i32, %arg2: memref<16384xf32, #tpu.memory_space<vmem>>, %arg3: memref<1x128x8xf32, #tpu.memory_space<vmem>>, %arg4: memref<1x128x1xf32, #tpu.memory_space<vmem>>, %arg5: memref<128x512xf32, #tpu.memory_space<vmem>>, %arg6: memref<32xf32, #tpu.memory_space<vmem>>, %arg7: memref<32x32xf32, #tpu.memory_space<vmem>>, %arg8: memref<32xf32, #tpu.memory_space<vmem>>, %arg9: memref<32x64xf32, #tpu.memory_space<vmem>>, %arg10: memref<64xf32, #tpu.memory_space<vmem>>, %arg11: memref<1x128x64xf32, #tpu.memory_space<vmem>>, %arg12: memref<2048x32xf32, #tpu.memory_space<vmem>>) attributes {dimension_semantics = [#tpu.dimension_semantics<arbitrary>, #tpu.dimension_semantics<arbitrary>], iteration_bounds = array<i64: 8, 8>, scalar_prefetch = 0 : i64, scratch_operands = 1 : i64, tpu.core_type = #tpu.core_type<tc>, window_params = [{transform_indices = @transform_0, window_bounds = array<i64: 16384>}, {transform_indices = @transform_1, window_bounds = array<i64: 1, 128, 8>}, {transform_indices = @transform_2, window_bounds = array<i64: 1, 128, 1>}, {pipeline_mode = #tpu.pipeline_mode<synchronous>, transform_indices = @transform_3, window_bounds = array<i64: 128, 512>}, {pipeline_mode = #tpu.pipeline_mode<synchronous>, transform_indices = @transform_4, window_bounds = array<i64: 32>}, {pipeline_mode = #tpu.pipeline_mode<synchronous>, transform_indices = @transform_5, window_bounds = array<i64: 32, 32>}, {pipeline_mode = #tpu.pipeline_mode<synchronous>, transform_indices = @transform_6, window_bounds = array<i64: 32>}, {pipeline_mode = #tpu.pipeline_mode<synchronous>, transform_indices = @transform_7, window_bounds = array<i64: 32, 64>}, {pipeline_mode = #tpu.pipeline_mode<synchronous>, transform_indices = @transform_8, window_bounds = array<i64: 64>}, {transform_indices = @transform_9, window_bounds = array<i64: 1, 128, 64>}]} {
    %get3A = arith.constant 0 : index
    %get3A_0 = vector.load %arg2[%get3A] : memref<16384xf32, #tpu.memory_space<vmem>>, vector<16384xf32>
    %reshape3A = vector.shape_cast %get3A_0 : vector<16384xf32> to vector<128x128xf32>
    %get3A_1 = arith.constant 0 : index
    %get3A_2 = arith.constant 0 : index
    %get3A_3 = vector.load %arg5[%get3A_1, %get3A_2] : memref<128x512xf32, #tpu.memory_space<vmem>>, vector<128x512xf32>
    %dot_general3A = arith.constant dense<0.000000e+00> : vector<128x512xf32>
    %dot_general3A_4 = tpu.matmul %reshape3A, %get3A_3, %dot_general3A {dimension_numbers = #tpu.dot_dimension_numbers<[1], [0], [0], [1], [0, 0, 1, 1], [], []>, transpose_lhs_hint = false} : vector<128x128xf32>, vector<128x512xf32>, vector<128x512xf32> -> vector<128x512xf32>
    %get3A_5 = arith.constant 0 : index
    %get3A_6 = arith.constant 0 : index
    %get3A_7 = arith.constant 0 : index
    %get3A_8 = vector.load %arg3[%get3A_5, %get3A_6, %get3A_7] : memref<1x128x8xf32, #tpu.memory_space<vmem>>, vector<1x128x8xf32>
    %get3A_9 = vector.shape_cast %get3A_8 : vector<1x128x8xf32> to vector<128x8xf32>
    %get3A_10 = arith.constant 0 : index
    %get3A_11 = arith.constant 0 : index
    %get3A_12 = vector.load %arg5[%get3A_10, %get3A_11] : memref<128x512xf32, #tpu.memory_space<vmem>>, vector<8x32xf32>
    %dot_general3A_13 = arith.constant dense<0.000000e+00> : vector<128x32xf32>
    %dot_general3A_14 = tpu.matmul %get3A_9, %get3A_12, %dot_general3A_13 {dimension_numbers = #tpu.dot_dimension_numbers<[1], [0], [0], [1], [0, 0, 1, 1], [], []>, transpose_lhs_hint = false} : vector<128x8xf32>, vector<8x32xf32>, vector<128x32xf32> -> vector<128x32xf32>
    %get3A_15 = arith.constant 0 : index
    %get3A_16 = vector.load %arg6[%get3A_15] : memref<32xf32, #tpu.memory_space<vmem>>, vector<32xf32>
    %broadcast_in_dim3A = vector.shape_cast %get3A_16 : vector<32xf32> to vector<1x32xf32>
    %sub3A = vector.broadcast %broadcast_in_dim3A : vector<1x32xf32> to vector<128x32xf32>
    %sub3A_17 = arith.subf %sub3A, %dot_general3A_14 : vector<128x32xf32>
    %concatenate3A = tpu.concatenate %sub3A_17, %sub3A_17, %sub3A_17, %sub3A_17, %sub3A_17, %sub3A_17, %sub3A_17, %sub3A_17, %sub3A_17, %sub3A_17, %sub3A_17, %sub3A_17, %sub3A_17, %sub3A_17, %sub3A_17, %sub3A_17 in 1 : vector<128x32xf32>, vector<128x32xf32>, vector<128x32xf32>, vector<128x32xf32>, vector<128x32xf32>, vector<128x32xf32>, vector<128x32xf32>, vector<128x32xf32>, vector<128x32xf32>, vector<128x32xf32>, vector<128x32xf32>, vector<128x32xf32>, vector<128x32xf32>, vector<128x32xf32>, vector<128x32xf32>, vector<128x32xf32> -> vector<128x512xf32>
    %reshape3A_18 = vector.shape_cast %dot_general3A_4 : vector<128x512xf32> to vector<128x1x512xf32>
    %broadcast_in_dim3A_19 = vector.shape_cast %concatenate3A : vector<128x512xf32> to vector<128x1x512xf32>
    %add3A = arith.addf %reshape3A_18, %broadcast_in_dim3A_19 : vector<128x1x512xf32>
    %reshape3A_20 = vector.shape_cast %add3A : vector<128x1x512xf32> to vector<128x512xf32>
    %max3A = arith.constant 0.000000e+00 : f32
    %max3A_21 = vector.broadcast %max3A : f32 to vector<128x512xf32>
    %max3A_22 = arith.maximumf %reshape3A_20, %max3A_21 : vector<128x512xf32>
    %slice3A = vector.extract_strided_slice %max3A_22 {offsets = [0, 0], sizes = [128, 32], strides = [1, 1]} : vector<128x512xf32> to vector<128x32xf32>
    %swap3A = arith.constant 0 : index
    %swap3A_23 = arith.constant 0 : index
    %swap3A_24 = vector.load %arg12[%swap3A, %swap3A_23] : memref<2048x32xf32, #tpu.memory_space<vmem>>, vector<128x32xf32>
    tpu.vector_store %arg12[%swap3A, %swap3A_23], %slice3A {strides = array<i32>} : memref<2048x32xf32, #tpu.memory_space<vmem>>, vector<128x32xf32>,
    %slice3A_25 = vector.extract_strided_slice %max3A_22 {offsets = [0, 32], sizes = [128, 32], strides = [1, 1]} : vector<128x512xf32> to vector<128x32xf32>
    %swap3A_26 = arith.constant 128 : index
    %swap3A_27 = arith.constant 0 : index
    %swap3A_28 = vector.load %arg12[%swap3A_26, %swap3A_27] : memref<2048x32xf32, #tpu.memory_space<vmem>>, vector<128x32xf32>
    tpu.vector_store %arg12[%swap3A_26, %swap3A_27], %slice3A_25 {strides = array<i32>} : memref<2048x32xf32, #tpu.memory_space<vmem>>, vector<128x32xf32>,
    %slice3A_29 = vector.extract_strided_slice %max3A_22 {offsets = [0, 64], sizes = [128, 32], strides = [1, 1]} : vector<128x512xf32> to vector<128x32xf32>
    %swap3A_30 = arith.constant 256 : index
    %swap3A_31 = arith.constant 0 : index
    %swap3A_32 = vector.load %arg12[%swap3A_30, %swap3A_31] : memref<2048x32xf32, #tpu.memory_space<vmem>>, vector<128x32xf32>
    tpu.vector_store %arg12[%swap3A_30, %swap3A_31], %slice3A_29 {strides = array<i32>} : memref<2048x32xf32, #tpu.memory_space<vmem>>, vector<128x32xf32>,
    %slice3A_33 = vector.extract_strided_slice %max3A_22 {offsets = [0, 96], sizes = [128, 32], strides = [1, 1]} : vector<128x512xf32> to vector<128x32xf32>
    %swap3A_34 = arith.constant 384 : index
    %swap3A_35 = arith.constant 0 : index
    %swap3A_36 = vector.load %arg12[%swap3A_34, %swap3A_35] : memref<2048x32xf32, #tpu.memory_space<vmem>>, vector<128x32xf32>
    tpu.vector_store %arg12[%swap3A_34, %swap3A_35], %slice3A_33 {strides = array<i32>} : memref<2048x32xf32, #tpu.memory_space<vmem>>, vector<128x32xf32>,
    %slice3A_37 = vector.extract_strided_slice %max3A_22 {offsets = [0, 128], sizes = [128, 32], strides = [1, 1]} : vector<128x512xf32> to vector<128x32xf32>
    %swap3A_38 = arith.constant 512 : index
    %swap3A_39 = arith.constant 0 : index
    %swap3A_40 = vector.load %arg12[%swap3A_38, %swap3A_39] : memref<2048x32xf32, #tpu.memory_space<vmem>>, vector<128x32xf32>
    tpu.vector_store %arg12[%swap3A_38, %swap3A_39], %slice3A_37 {strides = array<i32>} : memref<2048x32xf32, #tpu.memory_space<vmem>>, vector<128x32xf32>,
    %slice3A_41 = vector.extract_strided_slice %max3A_22 {offsets = [0, 160], sizes = [128, 32], strides = [1, 1]} : vector<128x512xf32> to vector<128x32xf32>
    %swap3A_42 = arith.constant 640 : index
    %swap3A_43 = arith.constant 0 : index
    %swap3A_44 = vector.load %arg12[%swap3A_42, %swap3A_43] : memref<2048x32xf32, #tpu.memory_space<vmem>>, vector<128x32xf32>
    tpu.vector_store %arg12[%swap3A_42, %swap3A_43], %slice3A_41 {strides = array<i32>} : memref<2048x32xf32, #tpu.memory_space<vmem>>, vector<128x32xf32>,
    %slice3A_45 = vector.extract_strided_slice %max3A_22 {offsets = [0, 192], sizes = [128, 32], strides = [1, 1]} : vector<128x512xf32> to vector<128x32xf32>
    %swap3A_46 = arith.constant 768 : index
    %swap3A_47 = arith.constant 0 : index
    %swap3A_48 = vector.load %arg12[%swap3A_46, %swap3A_47] : memref<2048x32xf32, #tpu.memory_space<vmem>>, vector<128x32xf32>
    tpu.vector_store %arg12[%swap3A_46, %swap3A_47], %slice3A_45 {strides = array<i32>} : memref<2048x32xf32, #tpu.memory_space<vmem>>, vector<128x32xf32>,
    %slice3A_49 = vector.extract_strided_slice %max3A_22 {offsets = [0, 224], sizes = [128, 32], strides = [1, 1]} : vector<128x512xf32> to vector<128x32xf32>
    %swap3A_50 = arith.constant 896 : index
    %swap3A_51 = arith.constant 0 : index
    %swap3A_52 = vector.load %arg12[%swap3A_50, %swap3A_51] : memref<2048x32xf32, #tpu.memory_space<vmem>>, vector<128x32xf32>
    tpu.vector_store %arg12[%swap3A_50, %swap3A_51], %slice3A_49 {strides = array<i32>} : memref<2048x32xf32, #tpu.memory_space<vmem>>, vector<128x32xf32>,
    %slice3A_53 = vector.extract_strided_slice %max3A_22 {offsets = [0, 256], sizes = [128, 32], strides = [1, 1]} : vector<128x512xf32> to vector<128x32xf32>
    %swap3A_54 = arith.constant 1024 : index
    %swap3A_55 = arith.constant 0 : index
    %swap3A_56 = vector.load %arg12[%swap3A_54, %swap3A_55] : memref<2048x32xf32, #tpu.memory_space<vmem>>, vector<128x32xf32>
    tpu.vector_store %arg12[%swap3A_54, %swap3A_55], %slice3A_53 {strides = array<i32>} : memref<2048x32xf32, #tpu.memory_space<vmem>>, vector<128x32xf32>,
    %slice3A_57 = vector.extract_strided_slice %max3A_22 {offsets = [0, 288], sizes = [128, 32], strides = [1, 1]} : vector<128x512xf32> to vector<128x32xf32>
    %swap3A_58 = arith.constant 1152 : index
    %swap3A_59 = arith.constant 0 : index
    %swap3A_60 = vector.load %arg12[%swap3A_58, %swap3A_59] : memref<2048x32xf32, #tpu.memory_space<vmem>>, vector<128x32xf32>
    tpu.vector_store %arg12[%swap3A_58, %swap3A_59], %slice3A_57 {strides = array<i32>} : memref<2048x32xf32, #tpu.memory_space<vmem>>, vector<128x32xf32>,
    %slice3A_61 = vector.extract_strided_slice %max3A_22 {offsets = [0, 320], sizes = [128, 32], strides = [1, 1]} : vector<128x512xf32> to vector<128x32xf32>
    %swap3A_62 = arith.constant 1280 : index
    %swap3A_63 = arith.constant 0 : index
    %swap3A_64 = vector.load %arg12[%swap3A_62, %swap3A_63] : memref<2048x32xf32, #tpu.memory_space<vmem>>, vector<128x32xf32>
    tpu.vector_store %arg12[%swap3A_62, %swap3A_63], %slice3A_61 {strides = array<i32>} : memref<2048x32xf32, #tpu.memory_space<vmem>>, vector<128x32xf32>,
    %slice3A_65 = vector.extract_strided_slice %max3A_22 {offsets = [0, 352], sizes = [128, 32], strides = [1, 1]} : vector<128x512xf32> to vector<128x32xf32>
    %swap3A_66 = arith.constant 1408 : index
    %swap3A_67 = arith.constant 0 : index
    %swap3A_68 = vector.load %arg12[%swap3A_66, %swap3A_67] : memref<2048x32xf32, #tpu.memory_space<vmem>>, vector<128x32xf32>
    tpu.vector_store %arg12[%swap3A_66, %swap3A_67], %slice3A_65 {strides = array<i32>} : memref<2048x32xf32, #tpu.memory_space<vmem>>, vector<128x32xf32>,
    %slice3A_69 = vector.extract_strided_slice %max3A_22 {offsets = [0, 384], sizes = [128, 32], strides = [1, 1]} : vector<128x512xf32> to vector<128x32xf32>
    %swap3A_70 = arith.constant 1536 : index
    %swap3A_71 = arith.constant 0 : index
    %swap3A_72 = vector.load %arg12[%swap3A_70, %swap3A_71] : memref<2048x32xf32, #tpu.memory_space<vmem>>, vector<128x32xf32>
    tpu.vector_store %arg12[%swap3A_70, %swap3A_71], %slice3A_69 {strides = array<i32>} : memref<2048x32xf32, #tpu.memory_space<vmem>>, vector<128x32xf32>,
    %slice3A_73 = vector.extract_strided_slice %max3A_22 {offsets = [0, 416], sizes = [128, 32], strides = [1, 1]} : vector<128x512xf32> to vector<128x32xf32>
    %swap3A_74 = arith.constant 1664 : index
    %swap3A_75 = arith.constant 0 : index
    %swap3A_76 = vector.load %arg12[%swap3A_74, %swap3A_75] : memref<2048x32xf32, #tpu.memory_space<vmem>>, vector<128x32xf32>
    tpu.vector_store %arg12[%swap3A_74, %swap3A_75], %slice3A_73 {strides = array<i32>} : memref<2048x32xf32, #tpu.memory_space<vmem>>, vector<128x32xf32>,
    %slice3A_77 = vector.extract_strided_slice %max3A_22 {offsets = [0, 448], sizes = [128, 32], strides = [1, 1]} : vector<128x512xf32> to vector<128x32xf32>
    %swap3A_78 = arith.constant 1792 : index
    %swap3A_79 = arith.constant 0 : index
    %swap3A_80 = vector.load %arg12[%swap3A_78, %swap3A_79] : memref<2048x32xf32, #tpu.memory_space<vmem>>, vector<128x32xf32>
    tpu.vector_store %arg12[%swap3A_78, %swap3A_79], %slice3A_77 {strides = array<i32>} : memref<2048x32xf32, #tpu.memory_space<vmem>>, vector<128x32xf32>,
    %slice3A_81 = vector.extract_strided_slice %max3A_22 {offsets = [0, 480], sizes = [128, 32], strides = [1, 1]} : vector<128x512xf32> to vector<128x32xf32>
    %swap3A_82 = arith.constant 1920 : index
    %swap3A_83 = arith.constant 0 : index
    %swap3A_84 = vector.load %arg12[%swap3A_82, %swap3A_83] : memref<2048x32xf32, #tpu.memory_space<vmem>>, vector<128x32xf32>
    tpu.vector_store %arg12[%swap3A_82, %swap3A_83], %slice3A_81 {strides = array<i32>} : memref<2048x32xf32, #tpu.memory_space<vmem>>, vector<128x32xf32>,
    %get3A_85 = arith.constant 0 : index
    %get3A_86 = arith.constant 0 : index
    %get3A_87 = vector.load %arg12[%get3A_85, %get3A_86] : memref<2048x32xf32, #tpu.memory_space<vmem>>, vector<2048x32xf32>
    %get3A_88 = arith.constant 0 : index
    %get3A_89 = arith.constant 0 : index
    %get3A_90 = vector.load %arg7[%get3A_88, %get3A_89] : memref<32x32xf32, #tpu.memory_space<vmem>>, vector<32x32xf32>
    %dot_general3A_91 = arith.constant dense<0.000000e+00> : vector<2048x32xf32>
    %dot_general3A_92 = tpu.matmul %get3A_87, %get3A_90, %dot_general3A_91 {dimension_numbers = #tpu.dot_dimension_numbers<[1], [0], [0], [1], [0, 0, 1, 1], [], []>, transpose_lhs_hint = false} : vector<2048x32xf32>, vector<32x32xf32>, vector<2048x32xf32> -> vector<2048x32xf32>
    %get3A_93 = arith.constant 0 : index
    %get3A_94 = vector.load %arg8[%get3A_93] : memref<32xf32, #tpu.memory_space<vmem>>, vector<32xf32>
    %broadcast_in_dim3A_95 = vector.shape_cast %get3A_94 : vector<32xf32> to vector<1x32xf32>
    %add3A_96 = vector.broadcast %broadcast_in_dim3A_95 : vector<1x32xf32> to vector<2048x32xf32>
    %add3A_97 = arith.addf %dot_general3A_92, %add3A_96 : vector<2048x32xf32>
    %max3A_98 = arith.constant 0.000000e+00 : f32
    %max3A_99 = vector.broadcast %max3A_98 : f32 to vector<2048x32xf32>
    %max3A_100 = arith.maximumf %add3A_97, %max3A_99 : vector<2048x32xf32>
    %get3A_101 = arith.constant 0 : index
    %get3A_102 = arith.constant 0 : index
    %get3A_103 = vector.load %arg9[%get3A_101, %get3A_102] : memref<32x64xf32, #tpu.memory_space<vmem>>, vector<32x64xf32>
    %dot_general3A_104 = arith.constant dense<0.000000e+00> : vector<2048x64xf32>
    %dot_general3A_105 = tpu.matmul %max3A_100, %get3A_103, %dot_general3A_104 {dimension_numbers = #tpu.dot_dimension_numbers<[1], [0], [0], [1], [0, 0, 1, 1], [], []>, transpose_lhs_hint = false} : vector<2048x32xf32>, vector<32x64xf32>, vector<2048x64xf32> -> vector<2048x64xf32>
    %get3A_106 = arith.constant 0 : index
    %get3A_107 = vector.load %arg10[%get3A_106] : memref<64xf32, #tpu.memory_space<vmem>>, vector<64xf32>
    %broadcast_in_dim3A_108 = vector.shape_cast %get3A_107 : vector<64xf32> to vector<1x64xf32>
    %add3A_109 = vector.broadcast %broadcast_in_dim3A_108 : vector<1x64xf32> to vector<2048x64xf32>
    %add3A_110 = arith.addf %dot_general3A_105, %add3A_109 : vector<2048x64xf32>
    %max3A_111 = arith.constant 0.000000e+00 : f32
    %max3A_112 = vector.broadcast %max3A_111 : f32 to vector<2048x64xf32>
    %max3A_113 = arith.maximumf %add3A_110, %max3A_112 : vector<2048x64xf32>
    %iota3A = tpu.iota {dimensions = array<i32: 0>} : vector<128x1xi32>
    %jit3A = arith.constant 1 : i32
    %eq3A = arith.constant 0 : i32
    %eq3A_114 = arith.cmpi eq, %jit3A, %eq3A : i32
    %jit3A_115 = arith.constant 1 : i32
    %select_n3A = arith.select %eq3A_114, %jit3A_115, %jit3A : i32
    %rem3A = vector.broadcast %select_n3A : i32 to vector<128x1xi32>
    %rem3A_116 = arith.remsi %iota3A, %rem3A : vector<128x1xi32>
    %ne3A = arith.constant 0 : i32
    %ne3A_117 = vector.broadcast %ne3A : i32 to vector<128x1xi32>
    %ne3A_118 = arith.cmpi ne, %rem3A_116, %ne3A_117 : vector<128x1xi32>
    %lt3A = arith.constant 0 : i32
    %lt3A_119 = vector.broadcast %lt3A : i32 to vector<128x1xi32>
    %lt3A_120 = arith.cmpi slt, %rem3A_116, %lt3A_119 : vector<128x1xi32>
    %lt3A_121 = arith.constant 0 : i32
    %lt3A_122 = arith.cmpi slt, %select_n3A, %lt3A_121 : i32
    %ne3A_123 = vector.broadcast %lt3A_122 : i1 to vector<128x1xi1>
    %ne3A_124 = vector.broadcast %ne3A_123 : vector<128x1xi1> to vector<128x1xi1>
    %ne3A_125 = arith.xori %lt3A_120, %ne3A_124 : vector<128x1xi1>
    %and3A = arith.andi %ne3A_125, %ne3A_118 : vector<128x1xi1>
    %add3A_126 = vector.broadcast %select_n3A : i32 to vector<128x1xi32>
    %add3A_127 = arith.addi %rem3A_116, %add3A_126 : vector<128x1xi32>
    %select_n3A_128 = arith.select %and3A, %add3A_127, %rem3A_116 : vector<128x1xi1>, vector<128x1xi32>
    %mul3A = arith.constant 16 : i32
    %mul3A_129 = vector.broadcast %mul3A : i32 to vector<128x1xi32>
    %mul3A_130 = arith.muli %select_n3A_128, %mul3A_129 : vector<128x1xi32>
    %get3A_131 = arith.constant 0 : index
    %get3A_132 = arith.constant 0 : index
    %get3A_133 = arith.constant 0 : index
    %get3A_134 = vector.load %arg4[%get3A_131, %get3A_132, %get3A_133] : memref<1x128x1xf32, #tpu.memory_space<vmem>>, vector<1x128x1xf32>
    %get3A_135 = vector.shape_cast %get3A_134 : vector<1x128x1xf32> to vector<128x1xf32>
    %max3A_136 = arith.constant 1.000000e+00 : f32
    %max3A_137 = vector.broadcast %max3A_136 : f32 to vector<128x1xf32>
    %max3A_138 = arith.maximumf %get3A_135, %max3A_137 : vector<128x1xf32>
    %add3A_139 = arith.constant 0 : i32
    %add3A_140 = vector.broadcast %add3A_139 : i32 to vector<128x1xi32>
    %add3A_141 = arith.addi %mul3A_130, %add3A_140 : vector<128x1xi32>
    %convert_element_type3A = arith.sitofp %add3A_141 : vector<128x1xi32> to vector<128x1xf32>
    %lt3A_142 = arith.cmpf olt, %convert_element_type3A, %max3A_138 : vector<128x1xf32>
    %jit3A_143 = arith.constant 1.000000e+00 : f32
    %jit3A_144 = arith.constant 0.000000e+00 : f32
    %broadcast_in_dim3A_145 = vector.broadcast %jit3A_143 : f32 to vector<128x1xf32>
    %broadcast_in_dim3A_146 = vector.broadcast %jit3A_144 : f32 to vector<128x1xf32>
    %select_n3A_147 = arith.select %lt3A_142, %broadcast_in_dim3A_145, %broadcast_in_dim3A_146 : vector<128x1xi1>, vector<128x1xf32>
    %slice3A_148 = vector.extract_strided_slice %max3A_113 {offsets = [0, 0], sizes = [128, 64], strides = [1, 1]} : vector<2048x64xf32> to vector<128x64xf32>
    %mul3A_149 = vector.broadcast %select_n3A_147 : vector<128x1xf32> to vector<128x64xf32>
    %mul3A_150 = arith.mulf %slice3A_148, %mul3A_149 : vector<128x64xf32>
    %add3A_151 = arith.constant 1 : i32
    %add3A_152 = vector.broadcast %add3A_151 : i32 to vector<128x1xi32>
    %add3A_153 = arith.addi %mul3A_130, %add3A_152 : vector<128x1xi32>
    %convert_element_type3A_154 = arith.sitofp %add3A_153 : vector<128x1xi32> to vector<128x1xf32>
    %lt3A_155 = arith.cmpf olt, %convert_element_type3A_154, %max3A_138 : vector<128x1xf32>
    %jit3A_156 = arith.constant 1.000000e+00 : f32
    %jit3A_157 = arith.constant 0.000000e+00 : f32
    %broadcast_in_dim3A_158 = vector.broadcast %jit3A_156 : f32 to vector<128x1xf32>
    %broadcast_in_dim3A_159 = vector.broadcast %jit3A_157 : f32 to vector<128x1xf32>
    %select_n3A_160 = arith.select %lt3A_155, %broadcast_in_dim3A_158, %broadcast_in_dim3A_159 : vector<128x1xi1>, vector<128x1xf32>
    %slice3A_161 = vector.extract_strided_slice %max3A_113 {offsets = [128, 0], sizes = [128, 64], strides = [1, 1]} : vector<2048x64xf32> to vector<128x64xf32>
    %mul3A_162 = vector.broadcast %select_n3A_160 : vector<128x1xf32> to vector<128x64xf32>
    %mul3A_163 = arith.mulf %slice3A_161, %mul3A_162 : vector<128x64xf32>
    %max3A_164 = arith.maximumf %mul3A_150, %mul3A_163 : vector<128x64xf32>
    %add3A_165 = arith.constant 2 : i32
    %add3A_166 = vector.broadcast %add3A_165 : i32 to vector<128x1xi32>
    %add3A_167 = arith.addi %mul3A_130, %add3A_166 : vector<128x1xi32>
    %convert_element_type3A_168 = arith.sitofp %add3A_167 : vector<128x1xi32> to vector<128x1xf32>
    %lt3A_169 = arith.cmpf olt, %convert_element_type3A_168, %max3A_138 : vector<128x1xf32>
    %jit3A_170 = arith.constant 1.000000e+00 : f32
    %jit3A_171 = arith.constant 0.000000e+00 : f32
    %broadcast_in_dim3A_172 = vector.broadcast %jit3A_170 : f32 to vector<128x1xf32>
    %broadcast_in_dim3A_173 = vector.broadcast %jit3A_171 : f32 to vector<128x1xf32>
    %select_n3A_174 = arith.select %lt3A_169, %broadcast_in_dim3A_172, %broadcast_in_dim3A_173 : vector<128x1xi1>, vector<128x1xf32>
    %slice3A_175 = vector.extract_strided_slice %max3A_113 {offsets = [256, 0], sizes = [128, 64], strides = [1, 1]} : vector<2048x64xf32> to vector<128x64xf32>
    %mul3A_176 = vector.broadcast %select_n3A_174 : vector<128x1xf32> to vector<128x64xf32>
    %mul3A_177 = arith.mulf %slice3A_175, %mul3A_176 : vector<128x64xf32>
    %max3A_178 = arith.maximumf %max3A_164, %mul3A_177 : vector<128x64xf32>
    %add3A_179 = arith.constant 3 : i32
    %add3A_180 = vector.broadcast %add3A_179 : i32 to vector<128x1xi32>
    %add3A_181 = arith.addi %mul3A_130, %add3A_180 : vector<128x1xi32>
    %convert_element_type3A_182 = arith.sitofp %add3A_181 : vector<128x1xi32> to vector<128x1xf32>
    %lt3A_183 = arith.cmpf olt, %convert_element_type3A_182, %max3A_138 : vector<128x1xf32>
    %jit3A_184 = arith.constant 1.000000e+00 : f32
    %jit3A_185 = arith.constant 0.000000e+00 : f32
    %broadcast_in_dim3A_186 = vector.broadcast %jit3A_184 : f32 to vector<128x1xf32>
    %broadcast_in_dim3A_187 = vector.broadcast %jit3A_185 : f32 to vector<128x1xf32>
    %select_n3A_188 = arith.select %lt3A_183, %broadcast_in_dim3A_186, %broadcast_in_dim3A_187 : vector<128x1xi1>, vector<128x1xf32>
    %slice3A_189 = vector.extract_strided_slice %max3A_113 {offsets = [384, 0], sizes = [128, 64], strides = [1, 1]} : vector<2048x64xf32> to vector<128x64xf32>
    %mul3A_190 = vector.broadcast %select_n3A_188 : vector<128x1xf32> to vector<128x64xf32>
    %mul3A_191 = arith.mulf %slice3A_189, %mul3A_190 : vector<128x64xf32>
    %max3A_192 = arith.maximumf %max3A_178, %mul3A_191 : vector<128x64xf32>
    %add3A_193 = arith.constant 4 : i32
    %add3A_194 = vector.broadcast %add3A_193 : i32 to vector<128x1xi32>
    %add3A_195 = arith.addi %mul3A_130, %add3A_194 : vector<128x1xi32>
    %convert_element_type3A_196 = arith.sitofp %add3A_195 : vector<128x1xi32> to vector<128x1xf32>
    %lt3A_197 = arith.cmpf olt, %convert_element_type3A_196, %max3A_138 : vector<128x1xf32>
    %jit3A_198 = arith.constant 1.000000e+00 : f32
    %jit3A_199 = arith.constant 0.000000e+00 : f32
    %broadcast_in_dim3A_200 = vector.broadcast %jit3A_198 : f32 to vector<128x1xf32>
    %broadcast_in_dim3A_201 = vector.broadcast %jit3A_199 : f32 to vector<128x1xf32>
    %select_n3A_202 = arith.select %lt3A_197, %broadcast_in_dim3A_200, %broadcast_in_dim3A_201 : vector<128x1xi1>, vector<128x1xf32>
    %slice3A_203 = vector.extract_strided_slice %max3A_113 {offsets = [512, 0], sizes = [128, 64], strides = [1, 1]} : vector<2048x64xf32> to vector<128x64xf32>
    %mul3A_204 = vector.broadcast %select_n3A_202 : vector<128x1xf32> to vector<128x64xf32>
    %mul3A_205 = arith.mulf %slice3A_203, %mul3A_204 : vector<128x64xf32>
    %max3A_206 = arith.maximumf %max3A_192, %mul3A_205 : vector<128x64xf32>
    %add3A_207 = arith.constant 5 : i32
    %add3A_208 = vector.broadcast %add3A_207 : i32 to vector<128x1xi32>
    %add3A_209 = arith.addi %mul3A_130, %add3A_208 : vector<128x1xi32>
    %convert_element_type3A_210 = arith.sitofp %add3A_209 : vector<128x1xi32> to vector<128x1xf32>
    %lt3A_211 = arith.cmpf olt, %convert_element_type3A_210, %max3A_138 : vector<128x1xf32>
    %jit3A_212 = arith.constant 1.000000e+00 : f32
    %jit3A_213 = arith.constant 0.000000e+00 : f32
    %broadcast_in_dim3A_214 = vector.broadcast %jit3A_212 : f32 to vector<128x1xf32>
    %broadcast_in_dim3A_215 = vector.broadcast %jit3A_213 : f32 to vector<128x1xf32>
    %select_n3A_216 = arith.select %lt3A_211, %broadcast_in_dim3A_214, %broadcast_in_dim3A_215 : vector<128x1xi1>, vector<128x1xf32>
    %slice3A_217 = vector.extract_strided_slice %max3A_113 {offsets = [640, 0], sizes = [128, 64], strides = [1, 1]} : vector<2048x64xf32> to vector<128x64xf32>
    %mul3A_218 = vector.broadcast %select_n3A_216 : vector<128x1xf32> to vector<128x64xf32>
    %mul3A_219 = arith.mulf %slice3A_217, %mul3A_218 : vector<128x64xf32>
    %max3A_220 = arith.maximumf %max3A_206, %mul3A_219 : vector<128x64xf32>
    %add3A_221 = arith.constant 6 : i32
    %add3A_222 = vector.broadcast %add3A_221 : i32 to vector<128x1xi32>
    %add3A_223 = arith.addi %mul3A_130, %add3A_222 : vector<128x1xi32>
    %convert_element_type3A_224 = arith.sitofp %add3A_223 : vector<128x1xi32> to vector<128x1xf32>
    %lt3A_225 = arith.cmpf olt, %convert_element_type3A_224, %max3A_138 : vector<128x1xf32>
    %jit3A_226 = arith.constant 1.000000e+00 : f32
    %jit3A_227 = arith.constant 0.000000e+00 : f32
    %broadcast_in_dim3A_228 = vector.broadcast %jit3A_226 : f32 to vector<128x1xf32>
    %broadcast_in_dim3A_229 = vector.broadcast %jit3A_227 : f32 to vector<128x1xf32>
    %select_n3A_230 = arith.select %lt3A_225, %broadcast_in_dim3A_228, %broadcast_in_dim3A_229 : vector<128x1xi1>, vector<128x1xf32>
    %slice3A_231 = vector.extract_strided_slice %max3A_113 {offsets = [768, 0], sizes = [128, 64], strides = [1, 1]} : vector<2048x64xf32> to vector<128x64xf32>
    %mul3A_232 = vector.broadcast %select_n3A_230 : vector<128x1xf32> to vector<128x64xf32>
    %mul3A_233 = arith.mulf %slice3A_231, %mul3A_232 : vector<128x64xf32>
    %max3A_234 = arith.maximumf %max3A_220, %mul3A_233 : vector<128x64xf32>
    %add3A_235 = arith.constant 7 : i32
    %add3A_236 = vector.broadcast %add3A_235 : i32 to vector<128x1xi32>
    %add3A_237 = arith.addi %mul3A_130, %add3A_236 : vector<128x1xi32>
    %convert_element_type3A_238 = arith.sitofp %add3A_237 : vector<128x1xi32> to vector<128x1xf32>
    %lt3A_239 = arith.cmpf olt, %convert_element_type3A_238, %max3A_138 : vector<128x1xf32>
    %jit3A_240 = arith.constant 1.000000e+00 : f32
    %jit3A_241 = arith.constant 0.000000e+00 : f32
    %broadcast_in_dim3A_242 = vector.broadcast %jit3A_240 : f32 to vector<128x1xf32>
    %broadcast_in_dim3A_243 = vector.broadcast %jit3A_241 : f32 to vector<128x1xf32>
    %select_n3A_244 = arith.select %lt3A_239, %broadcast_in_dim3A_242, %broadcast_in_dim3A_243 : vector<128x1xi1>, vector<128x1xf32>
    %slice3A_245 = vector.extract_strided_slice %max3A_113 {offsets = [896, 0], sizes = [128, 64], strides = [1, 1]} : vector<2048x64xf32> to vector<128x64xf32>
    %mul3A_246 = vector.broadcast %select_n3A_244 : vector<128x1xf32> to vector<128x64xf32>
    %mul3A_247 = arith.mulf %slice3A_245, %mul3A_246 : vector<128x64xf32>
    %max3A_248 = arith.maximumf %max3A_234, %mul3A_247 : vector<128x64xf32>
    %add3A_249 = arith.constant 8 : i32
    %add3A_250 = vector.broadcast %add3A_249 : i32 to vector<128x1xi32>
    %add3A_251 = arith.addi %mul3A_130, %add3A_250 : vector<128x1xi32>
    %convert_element_type3A_252 = arith.sitofp %add3A_251 : vector<128x1xi32> to vector<128x1xf32>
    %lt3A_253 = arith.cmpf olt, %convert_element_type3A_252, %max3A_138 : vector<128x1xf32>
    %jit3A_254 = arith.constant 1.000000e+00 : f32
    %jit3A_255 = arith.constant 0.000000e+00 : f32
    %broadcast_in_dim3A_256 = vector.broadcast %jit3A_254 : f32 to vector<128x1xf32>
    %broadcast_in_dim3A_257 = vector.broadcast %jit3A_255 : f32 to vector<128x1xf32>
    %select_n3A_258 = arith.select %lt3A_253, %broadcast_in_dim3A_256, %broadcast_in_dim3A_257 : vector<128x1xi1>, vector<128x1xf32>
    %slice3A_259 = vector.extract_strided_slice %max3A_113 {offsets = [1024, 0], sizes = [128, 64], strides = [1, 1]} : vector<2048x64xf32> to vector<128x64xf32>
    %mul3A_260 = vector.broadcast %select_n3A_258 : vector<128x1xf32> to vector<128x64xf32>
    %mul3A_261 = arith.mulf %slice3A_259, %mul3A_260 : vector<128x64xf32>
    %max3A_262 = arith.maximumf %max3A_248, %mul3A_261 : vector<128x64xf32>
    %add3A_263 = arith.constant 9 : i32
    %add3A_264 = vector.broadcast %add3A_263 : i32 to vector<128x1xi32>
    %add3A_265 = arith.addi %mul3A_130, %add3A_264 : vector<128x1xi32>
    %convert_element_type3A_266 = arith.sitofp %add3A_265 : vector<128x1xi32> to vector<128x1xf32>
    %lt3A_267 = arith.cmpf olt, %convert_element_type3A_266, %max3A_138 : vector<128x1xf32>
    %jit3A_268 = arith.constant 1.000000e+00 : f32
    %jit3A_269 = arith.constant 0.000000e+00 : f32
    %broadcast_in_dim3A_270 = vector.broadcast %jit3A_268 : f32 to vector<128x1xf32>
    %broadcast_in_dim3A_271 = vector.broadcast %jit3A_269 : f32 to vector<128x1xf32>
    %select_n3A_272 = arith.select %lt3A_267, %broadcast_in_dim3A_270, %broadcast_in_dim3A_271 : vector<128x1xi1>, vector<128x1xf32>
    %slice3A_273 = vector.extract_strided_slice %max3A_113 {offsets = [1152, 0], sizes = [128, 64], strides = [1, 1]} : vector<2048x64xf32> to vector<128x64xf32>
    %mul3A_274 = vector.broadcast %select_n3A_272 : vector<128x1xf32> to vector<128x64xf32>
    %mul3A_275 = arith.mulf %slice3A_273, %mul3A_274 : vector<128x64xf32>
    %max3A_276 = arith.maximumf %max3A_262, %mul3A_275 : vector<128x64xf32>
    %add3A_277 = arith.constant 10 : i32
    %add3A_278 = vector.broadcast %add3A_277 : i32 to vector<128x1xi32>
    %add3A_279 = arith.addi %mul3A_130, %add3A_278 : vector<128x1xi32>
    %convert_element_type3A_280 = arith.sitofp %add3A_279 : vector<128x1xi32> to vector<128x1xf32>
    %lt3A_281 = arith.cmpf olt, %convert_element_type3A_280, %max3A_138 : vector<128x1xf32>
    %jit3A_282 = arith.constant 1.000000e+00 : f32
    %jit3A_283 = arith.constant 0.000000e+00 : f32
    %broadcast_in_dim3A_284 = vector.broadcast %jit3A_282 : f32 to vector<128x1xf32>
    %broadcast_in_dim3A_285 = vector.broadcast %jit3A_283 : f32 to vector<128x1xf32>
    %select_n3A_286 = arith.select %lt3A_281, %broadcast_in_dim3A_284, %broadcast_in_dim3A_285 : vector<128x1xi1>, vector<128x1xf32>
    %slice3A_287 = vector.extract_strided_slice %max3A_113 {offsets = [1280, 0], sizes = [128, 64], strides = [1, 1]} : vector<2048x64xf32> to vector<128x64xf32>
    %mul3A_288 = vector.broadcast %select_n3A_286 : vector<128x1xf32> to vector<128x64xf32>
    %mul3A_289 = arith.mulf %slice3A_287, %mul3A_288 : vector<128x64xf32>
    %max3A_290 = arith.maximumf %max3A_276, %mul3A_289 : vector<128x64xf32>
    %add3A_291 = arith.constant 11 : i32
    %add3A_292 = vector.broadcast %add3A_291 : i32 to vector<128x1xi32>
    %add3A_293 = arith.addi %mul3A_130, %add3A_292 : vector<128x1xi32>
    %convert_element_type3A_294 = arith.sitofp %add3A_293 : vector<128x1xi32> to vector<128x1xf32>
    %lt3A_295 = arith.cmpf olt, %convert_element_type3A_294, %max3A_138 : vector<128x1xf32>
    %jit3A_296 = arith.constant 1.000000e+00 : f32
    %jit3A_297 = arith.constant 0.000000e+00 : f32
    %broadcast_in_dim3A_298 = vector.broadcast %jit3A_296 : f32 to vector<128x1xf32>
    %broadcast_in_dim3A_299 = vector.broadcast %jit3A_297 : f32 to vector<128x1xf32>
    %select_n3A_300 = arith.select %lt3A_295, %broadcast_in_dim3A_298, %broadcast_in_dim3A_299 : vector<128x1xi1>, vector<128x1xf32>
    %slice3A_301 = vector.extract_strided_slice %max3A_113 {offsets = [1408, 0], sizes = [128, 64], strides = [1, 1]} : vector<2048x64xf32> to vector<128x64xf32>
    %mul3A_302 = vector.broadcast %select_n3A_300 : vector<128x1xf32> to vector<128x64xf32>
    %mul3A_303 = arith.mulf %slice3A_301, %mul3A_302 : vector<128x64xf32>
    %max3A_304 = arith.maximumf %max3A_290, %mul3A_303 : vector<128x64xf32>
    %add3A_305 = arith.constant 12 : i32
    %add3A_306 = vector.broadcast %add3A_305 : i32 to vector<128x1xi32>
    %add3A_307 = arith.addi %mul3A_130, %add3A_306 : vector<128x1xi32>
    %convert_element_type3A_308 = arith.sitofp %add3A_307 : vector<128x1xi32> to vector<128x1xf32>
    %lt3A_309 = arith.cmpf olt, %convert_element_type3A_308, %max3A_138 : vector<128x1xf32>
    %jit3A_310 = arith.constant 1.000000e+00 : f32
    %jit3A_311 = arith.constant 0.000000e+00 : f32
    %broadcast_in_dim3A_312 = vector.broadcast %jit3A_310 : f32 to vector<128x1xf32>
    %broadcast_in_dim3A_313 = vector.broadcast %jit3A_311 : f32 to vector<128x1xf32>
    %select_n3A_314 = arith.select %lt3A_309, %broadcast_in_dim3A_312, %broadcast_in_dim3A_313 : vector<128x1xi1>, vector<128x1xf32>
    %slice3A_315 = vector.extract_strided_slice %max3A_113 {offsets = [1536, 0], sizes = [128, 64], strides = [1, 1]} : vector<2048x64xf32> to vector<128x64xf32>
    %mul3A_316 = vector.broadcast %select_n3A_314 : vector<128x1xf32> to vector<128x64xf32>
    %mul3A_317 = arith.mulf %slice3A_315, %mul3A_316 : vector<128x64xf32>
    %max3A_318 = arith.maximumf %max3A_304, %mul3A_317 : vector<128x64xf32>
    %add3A_319 = arith.constant 13 : i32
    %add3A_320 = vector.broadcast %add3A_319 : i32 to vector<128x1xi32>
    %add3A_321 = arith.addi %mul3A_130, %add3A_320 : vector<128x1xi32>
    %convert_element_type3A_322 = arith.sitofp %add3A_321 : vector<128x1xi32> to vector<128x1xf32>
    %lt3A_323 = arith.cmpf olt, %convert_element_type3A_322, %max3A_138 : vector<128x1xf32>
    %jit3A_324 = arith.constant 1.000000e+00 : f32
    %jit3A_325 = arith.constant 0.000000e+00 : f32
    %broadcast_in_dim3A_326 = vector.broadcast %jit3A_324 : f32 to vector<128x1xf32>
    %broadcast_in_dim3A_327 = vector.broadcast %jit3A_325 : f32 to vector<128x1xf32>
    %select_n3A_328 = arith.select %lt3A_323, %broadcast_in_dim3A_326, %broadcast_in_dim3A_327 : vector<128x1xi1>, vector<128x1xf32>
    %slice3A_329 = vector.extract_strided_slice %max3A_113 {offsets = [1664, 0], sizes = [128, 64], strides = [1, 1]} : vector<2048x64xf32> to vector<128x64xf32>
    %mul3A_330 = vector.broadcast %select_n3A_328 : vector<128x1xf32> to vector<128x64xf32>
    %mul3A_331 = arith.mulf %slice3A_329, %mul3A_330 : vector<128x64xf32>
    %max3A_332 = arith.maximumf %max3A_318, %mul3A_331 : vector<128x64xf32>
    %add3A_333 = arith.constant 14 : i32
    %add3A_334 = vector.broadcast %add3A_333 : i32 to vector<128x1xi32>
    %add3A_335 = arith.addi %mul3A_130, %add3A_334 : vector<128x1xi32>
    %convert_element_type3A_336 = arith.sitofp %add3A_335 : vector<128x1xi32> to vector<128x1xf32>
    %lt3A_337 = arith.cmpf olt, %convert_element_type3A_336, %max3A_138 : vector<128x1xf32>
    %jit3A_338 = arith.constant 1.000000e+00 : f32
    %jit3A_339 = arith.constant 0.000000e+00 : f32
    %broadcast_in_dim3A_340 = vector.broadcast %jit3A_338 : f32 to vector<128x1xf32>
    %broadcast_in_dim3A_341 = vector.broadcast %jit3A_339 : f32 to vector<128x1xf32>
    %select_n3A_342 = arith.select %lt3A_337, %broadcast_in_dim3A_340, %broadcast_in_dim3A_341 : vector<128x1xi1>, vector<128x1xf32>
    %slice3A_343 = vector.extract_strided_slice %max3A_113 {offsets = [1792, 0], sizes = [128, 64], strides = [1, 1]} : vector<2048x64xf32> to vector<128x64xf32>
    %mul3A_344 = vector.broadcast %select_n3A_342 : vector<128x1xf32> to vector<128x64xf32>
    %mul3A_345 = arith.mulf %slice3A_343, %mul3A_344 : vector<128x64xf32>
    %max3A_346 = arith.maximumf %max3A_332, %mul3A_345 : vector<128x64xf32>
    %add3A_347 = arith.constant 15 : i32
    %add3A_348 = vector.broadcast %add3A_347 : i32 to vector<128x1xi32>
    %add3A_349 = arith.addi %mul3A_130, %add3A_348 : vector<128x1xi32>
    %convert_element_type3A_350 = arith.sitofp %add3A_349 : vector<128x1xi32> to vector<128x1xf32>
    %lt3A_351 = arith.cmpf olt, %convert_element_type3A_350, %max3A_138 : vector<128x1xf32>
    %jit3A_352 = arith.constant 1.000000e+00 : f32
    %jit3A_353 = arith.constant 0.000000e+00 : f32
    %broadcast_in_dim3A_354 = vector.broadcast %jit3A_352 : f32 to vector<128x1xf32>
    %broadcast_in_dim3A_355 = vector.broadcast %jit3A_353 : f32 to vector<128x1xf32>
    %select_n3A_356 = arith.select %lt3A_351, %broadcast_in_dim3A_354, %broadcast_in_dim3A_355 : vector<128x1xi1>, vector<128x1xf32>
    %slice3A_357 = vector.extract_strided_slice %max3A_113 {offsets = [1920, 0], sizes = [128, 64], strides = [1, 1]} : vector<2048x64xf32> to vector<128x64xf32>
    %mul3A_358 = vector.broadcast %select_n3A_356 : vector<128x1xf32> to vector<128x64xf32>
    %mul3A_359 = arith.mulf %slice3A_357, %mul3A_358 : vector<128x64xf32>
    %max3A_360 = arith.maximumf %max3A_346, %mul3A_359 : vector<128x64xf32>
    %reshape3A_361 = vector.shape_cast %max3A_360 : vector<128x64xf32> to vector<128x1x64xf32>
    %reduce_max3A = arith.constant dense<0xFF800000> : vector<128x64xf32>
    %reduce_max3A_362 = vector.multi_reduction <maximumf>, %reshape3A_361, %reduce_max3A [1] : vector<128x1x64xf32> to vector<128x64xf32>
    %swap3A_363 = arith.constant 0 : index
    %swap3A_364 = arith.constant 0 : index
    %swap3A_365 = arith.constant 0 : index
    %swap3A_366 = vector.load %arg11[%swap3A_363, %swap3A_364, %swap3A_365] : memref<1x128x64xf32, #tpu.memory_space<vmem>>, vector<1x128x64xf32>
    %swap3A_367 = vector.shape_cast %swap3A_366 : vector<1x128x64xf32> to vector<128x64xf32>
    %swap3A_368 = vector.shape_cast %reduce_max3A_362 : vector<128x64xf32> to vector<1x128x64xf32>
    tpu.vector_store %arg11[%swap3A_363, %swap3A_364, %swap3A_365], %swap3A_368 {strides = array<i32>} : memref<1x128x64xf32, #tpu.memory_space<vmem>>, vector<1x128x64xf32>,
    return
  }
  func.func @transform_0(%arg0: i32, %arg1: i32) -> i32 {
    %mul3A = arith.constant 8 : i32
    %mul3A_0 = arith.muli %arg0, %mul3A : i32
    %add3A = arith.addi %mul3A_0, %arg1 : i32
    %c0_i32 = arith.constant 0 : i32
    return %add3A : i32
  }
  func.func @transform_1(%arg0: i32, %arg1: i32) -> (i32, i32, i32) {
    %c0_i32 = arith.constant 0 : i32
    %c0_i32_0 = arith.constant 0 : i32
    return %arg0, %arg1, %c0_i32 : i32, i32, i32
  }
  func.func @transform_2(%arg0: i32, %arg1: i32) -> (i32, i32, i32) {
    %c0_i32 = arith.constant 0 : i32
    %c0_i32_0 = arith.constant 0 : i32
    return %arg0, %arg1, %c0_i32 : i32, i32, i32
  }
  func.func @transform_3(%arg0: i32, %arg1: i32) -> (i32, i32) {
    %c0_i32 = arith.constant 0 : i32
    %c0_i32_0 = arith.constant 0 : i32
    %c0_i32_1 = arith.constant 0 : i32
    return %c0_i32, %c0_i32_0 : i32, i32
  }
  func.func @transform_4(%arg0: i32, %arg1: i32) -> i32 {
    %c0_i32 = arith.constant 0 : i32
    %c0_i32_0 = arith.constant 0 : i32
    return %c0_i32 : i32
  }
  func.func @transform_5(%arg0: i32, %arg1: i32) -> (i32, i32) {
    %c0_i32 = arith.constant 0 : i32
    %c0_i32_0 = arith.constant 0 : i32
    %c0_i32_1 = arith.constant 0 : i32
    return %c0_i32, %c0_i32_0 : i32, i32
  }
  func.func @transform_6(%arg0: i32, %arg1: i32) -> i32 {
    %c0_i32 = arith.constant 0 : i32
    %c0_i32_0 = arith.constant 0 : i32
    return %c0_i32 : i32
  }
  func.func @transform_7(%arg0: i32, %arg1: i32) -> (i32, i32) {
    %c0_i32 = arith.constant 0 : i32
    %c0_i32_0 = arith.constant 0 : i32
    %c0_i32_1 = arith.constant 0 : i32
    return %c0_i32, %c0_i32_0 : i32, i32
  }
  func.func @transform_8(%arg0: i32, %arg1: i32) -> i32 {
    %c0_i32 = arith.constant 0 : i32
    %c0_i32_0 = arith.constant 0 : i32
    return %c0_i32 : i32
  }
  func.func @transform_9(%arg0: i32, %arg1: i32) -> (i32, i32, i32) {
    %c0_i32 = arith.constant 0 : i32
    %c0_i32_0 = arith.constant 0 : i32
    return %arg0, %arg1, %c0_i32 : i32, i32, i32
  }
}

</mosaic_0001>

<sc_bundles>
// kernel: kernel.7.cloned.1.call-start
scs
__scs_entry_jumppad:
0x0: {  	(pc) =	sbr.rel $0x88, $3  }
0x1: {  	(tag) =	ssettag $0x0;
	lr =	simm.s32 $0x1  }
0x2: {  	[smem:$0x3F8E] =	sst lr;
	_ =	strace $0xD0000000  }
0x3: {  	_ = 	snop  }
0x4: {  	_ = 	snop  }
0x5: {  	_ = 	snop  }
0x6: {  	_ = 	snop  }
0x7: {  	_ = 	snop  }
__scs_overlays_trampoline_lowered:
0x8: {  	[smem:$0x3F9D] =	sst s0  }
0x9: {  	[smem:$0x3F9E] =	sst s1  }
0xa: {  	[smem:$0x3F9F] =	sst s2  }
0xb: {  	[smem:$0x3FA0] =	sst s3  }
0xc: {  	[smem:$0x3FA1] =	sst s4  }
0xd: {  	[smem:$0x3FA2] =	sst s5  }
0xe: {  	[smem:$0x3FA3] =	sst s6  }
0xf: {  	[smem:$0x3FA4] =	sst s7  }
0x10: {  	[smem:$0x3FA5] =	sst s8  }
0x11: {  	[smem:$0x3FA6] =	sst s9;
	s0 =	simm.s32 @!p0 $0x0  }
0x12: {  	s1 =	sld [smem:$0x3F8C];
	s0 =	simm.s32 @p0 $0x1  }
0x13: {  	[smem:$0x3FA7] =	sst s0;
	s0 =	simm.s32 @!p1 $0x0  }
0x14: {  	s2 =	sld [smem:$0x3F8B];
	s0 =	simm.s32 @p1 $0x1  }
0x15: {  	[smem:$0x3FA8] =	sst s0;
	s0 =	simm.s32 @!p2 $0x0  }
0x16: {  	s3 =	sld [smem:$0x3FDB];
	s0 =	simm.s32 @p2 $0x1  }
0x17: {  	s4 =	simm.s32 $0x1BF5;
	[smem:$0x3FAA] =	sst s0  }
0x18: {  	s0 =	sld [smem:$0x3F8D];
	_ =	swait.ge [sflag:s4], $0x0  }
0x19: {  	s7 =	sld [smem:$0x3F8E]  }
0x1a: {  	s8 =	sadd.s32 $0xFFFFE003, lr  }
0x1b: {  	s9 =	sadd.s32 $0xFFFFFEF7, lr;
	s5 =	simm.s32 $0xFFFFFFFF;
	p2 =	slt.u32 s8, $0xFFFFF086  }
0x1c: {  	p1 =	slt.u32 s9, $0xF7A;
	s5 =	simm.s32 @!p2 $0x0  }
0x1d: {  	s5 =	simm.s32 @p1 $0x1;
	p0 =	seq.s32 s7, s2  }
0x1e: {  	s7 =	smul.u32 @!p0 $0xF7A, s2;
	p2 =	seq.s32 @!p0 s5, $0x0  }
0x1f: {  	s9 =	smul.u32 $0xF7A, s1;
	s8 =	simm.s32 @!p0 $0x1BF5;
	p2 =	por !p2, p0  }
0x20: {  	[sflag:s8] =	ssyncset.s32 @!p0 $0xFFFFF086;
	s6 =	sadd.s32 @!p0 s3, s7;
	s7 =	simm.s32 @!p0 $0x108  }
0x21: {  	s3 =	sadd.s32 s3, s9;
	s6 =	sadd.s32 @!p0 $0x88, s6;
	s7 =	simm.s32 @p2 $0x1082  }
0x22: {  	[simem:s7], [sflag:s8] =	dma.local @!p0 [hbm:s6], $0xF7A  }
0x23: {  	s9 =	sor.u32 $0xD0000000, s2;
	s6 =	simm.s32 $0x108;
	_ =	swait.ge @!p0 [sflag:s8], $0x0  }
0x24: {  	s3 =	sadd.s32 $0x88, s3;
	s6 =	simm.s32 @!p1 $0x1082;
	[sflag:s4] =	ssyncset.s32 $0xFFFFF086  }
0x25: {  	[simem:s6], [sflag:s4] =	dma.local [hbm:s3], $0xF7A  }
0x26: {  	[smem:$0x3F8E] =	sst s1;
	(tag) =	ssettag s2;
	_ =	strace s9  }
0x27: {  	s1 =	sld [smem:$0x3F9E]  }
0x28: {  	s2 =	sld [smem:$0x3F9F]  }
0x29: {  	s4 =	sld [smem:$0x3FA1]  }
0x2a: {  	p0 =	seq.s32 s5, $0x0;
	s5 =	sld [smem:$0x3FA2]  }
0x2b: {  	s6 =	sld [smem:$0x3FA3]  }
0x2c: {  	s7 =	sld [smem:$0x3FA4]  }
0x2d: {  	s3 =	simm.s32 $0x108;
	s8 =	sld [smem:$0x3FA5]  }
0x2e: {  	s3 =	simm.s32 @!p0 $0x1082;
	s9 =	sld [smem:$0x3FA6]  }
0x2f: {  	lr =	sadd.s32 s0, s3;
	s0 =	sld [smem:$0x3F9D]  }
0x30: {  	s3 =	sld [smem:$0x3FA0]  }
0x31: {  	[smem:$0x3FA9] =	sst s10  }
0x32: {  	s10 =	sld [smem:$0x3FA7];
	_ =	sdelay $0x3  }
0x33: {  	p0 =	seq.s32 s10, $0x1;
	s10 =	sld [smem:$0x3FA9];
	_ =	sdelay $0x3  }
0x34: {  	[smem:$0x3FA9] =	sst s10  }
0x35: {  	s10 =	sld [smem:$0x3FA8];
	_ =	sdelay $0x3  }
0x36: {  	p1 =	seq.s32 s10, $0x1;
	s10 =	sld [smem:$0x3FA9];
	_ =	sdelay $0x3  }
0x37: {  	[smem:$0x3FA9] =	sst s10  }
0x38: {  	s10 =	sld [smem:$0x3FAA]  }
0x39: {  	_ = 	snop;
	(pc) =	sbr.ind lr, $3  }
0x3a: {  	_ = 	snop  }
0x3b: {  	_ = 	snop  }
0x3c: {  	p2 =	seq.s32 s10, $0x1;
	s10 =	sld [smem:$0x3FA9]  }
0x3d: {  	_ =	shalt  }
0x3e: {  	_ =	shalt  }
0x3f: {  	_ =	shalt  }
0x40: {  	_ =	shalt  }
0x41: {  	_ =	shalt  }
0x42: {  	_ =	shalt  }
0x43: {  	_ =	shalt  }
0x44: {  	_ =	shalt  }
0x45: {  	_ =	shalt  }
0x46: {  	_ =	shalt  }
0x47: {  	_ =	shalt  }
0x48: {  	_ =	shalt  }
0x49: {  	_ =	shalt  }
0x4a: {  	_ =	shalt  }
0x4b: {  	_ =	shalt  }
0x4c: {  	_ =	shalt  }
0x4d: {  	_ =	shalt  }
0x4e: {  	_ =	shalt  }
0x4f: {  	_ =	shalt  }
0x50: {  	_ =	shalt  }
0x51: {  	_ =	shalt  }
0x52: {  	_ =	shalt  }
0x53: {  	_ =	shalt  }
0x54: {  	_ =	shalt  }
0x55: {  	_ =	shalt  }
0x56: {  	_ =	shalt  }
0x57: {  	_ =	shalt  }
0x58: {  	_ =	shalt  }
0x59: {  	_ =	shalt  }
0x5a: {  	_ =	shalt  }
0x5b: {  	_ =	shalt  }
0x5c: {  	_ =	shalt  }
0x5d: {  	_ =	shalt  }
0x5e: {  	_ =	shalt  }
0x5f: {  	_ =	shalt  }
0x60: {  	_ =	shalt  }
0x61: {  	_ =	shalt  }
0x62: {  	_ =	shalt  }
0x63: {  	_ =	shalt  }
0x64: {  	_ =	shalt  }
0x65: {  	_ =	shalt  }
0x66: {  	_ =	shalt  }
0x67: {  	_ =	shalt  }
0x68: {  	_ =	shalt  }
0x69: {  	_ =	shalt  }
0x6a: {  	_ =	shalt  }
0x6b: {  	_ =	shalt  }
0x6c: {  	_ =	shalt  }
0x6d: {  	_ =	shalt  }
0x6e: {  	_ =	shalt  }
0x6f: {  	_ =	shalt  }
0x70: {  	_ =	shalt  }
0x71: {  	_ =	shalt  }
0x72: {  	_ =	shalt  }
0x73: {  	_ =	shalt  }
0x74: {  	_ =	shalt  }
0x75: {  	_ =	shalt  }
0x76: {  	_ =	shalt  }
0x77: {  	_ =	shalt  }
0x78: {  	_ =	shalt  }
0x79: {  	_ =	shalt  }
0x7a: {  	_ =	shalt  }
0x7b: {  	_ =	shalt  }
0x7c: {  	_ =	shalt  }
0x7d: {  	_ =	shalt  }
0x7e: {  	_ =	shalt  }
0x7f: {  	_ =	shalt  }
0x80: {  	_ =	shalt  }
0x81: {  	_ =	shalt  }
0x82: {  	_ =	shalt  }
0x83: {  	_ =	shalt  }
0x84: {  	_ =	shalt  }
0x85: {  	_ =	shalt  }
0x86: {  	_ =	shalt  }
0x87: {  	_ =	shalt  }
.Lfunc_end0:
.L_simem_size_0:
called_computation_lowered:
.L_overlay_start_0:
0x88: {  	s2 =	sld [smem:$0x3FD9]  }
0x89: {  	s3 =	sld [smem:$0x3FFE];
	_ =	sdelay $0x1  }
0x8a: {  	s1 =	srdreg.scid  }
0x8b: {  	s0 =	sand.u32 $0x1, s1  }
0x8c: {  	s17 =	sshll.u32 s0, $0xA;
	s2 =	sadd.s32 s3, s2  }
0x8d: {  	s2 =	sadd.s32 s2, s17  }
0x8e: {  	[smem:$0x3FB5] =	sst s2  }
0x8f: {  	_ = 	snop  }
0x90: {  	s2 =	sld [smem:$0x3FD0];
	(tm) =	ssettm $0x1  }
0x91: {  	s18 =	sld [smem:$0x3FFB];
	_ =	sdelay $0x3  }
0x92: {  	_ =	strace s18  }
0x93: {  	s3 =	sld [smem:$0x3FFC];
	_ =	sdelay $0x3  }
0x94: {  	_ =	strace s3  }
0x95: {  	s3 =	sld [smem:$0x3FFD];
	_ =	sdelay $0x3  }
0x96: {  	_ =	strace s3  }
0x97: {  	_ =	strace $0x8FFFFFFF  }
0x98: {  	s19 =	sld [smem:$0x3FDB];
	_ =	sdelay $0x1  }
0x99: {  	s4 =	simm.s32 $_scs_section_size  }
0x9a: {  	s5 =	simm.s32 $_size__tile_overlayer_lowered;
	s6 =	simm.s32 $_tile_overlayer_lowered  }
0x9b: {  	s22 =	simm.s32 $0x1BFF;
	s21 =	sshll.u32 s6, $0x1;
	s3 =	sadd.s32 s4, s19  }
0x9c: {  	s7 =	simm.s32 $0x0;
	s20 =	sshll.u32 s5, $0x1;
	s5 =	sadd.s32 s21, s3  }
0x9d: {  	[timem:s7], [sflag:s22] =	dma.local [hbm:s5], s20  }
0x9e: {  	_ =	swait.ge [sflag:s22], s20  }
0x9f: {  	s4 =	ssub.s32 $0x0, s20;
	[sflag:s22] =	ssyncset.done $0x0  }
0xa0: {  	[sflag:s22] =	ssyncadd.s32 s4;
	_ =	sdelay $0x1  }
0xa1: {  	s23 =	simm.s32 $0x1B8B  }
0xa2: {  	_ =	swait.ge [sflag:s23], $0x1  }
0xa3: {  	[sflag:s23] =	ssyncset.done $0x0  }
0xa4: {  	s25 =	simm.s32 $0x1B8E;
	s24 =	sld [smem:$0x3FFE];
	[sflag:s23] =	ssyncadd.s32 $0xFFFFFFFF  }
0xa5: {  	s26 =	simm.s32 $execute0_lowered;
	[smem:$0x3FD2] =	sst s25  }
0xa6: {  	s5 =	sshll.u32 s26, $0x1;
	_ =	strace $0x80000046;
	[dreg:$0x1] =	wrdreg $0xFFFFFFFF  }
0xa7: {  	s28 =	simm.s32 $_size_execute0_lowered;
	s3 =	sadd.s32 s3, s5;
	[dreg:$0x0] =	wrdreg $0x0  }
0xa8: {  	s5 =	sshll.u32 s28, $0x1;
	[dreg:$0x2] =	wrdreg s3  }
0xa9: {  	[dreg:$0x3] =	wrdreg s5  }
0xaa: {  	[dreg:$0x4] =	wrdreg $0xC0  }
0xab: {  	_ =	task [dreg:s7], $0x5FFFF  }
0xac: {  	[dreg:$0x1] =	wrdreg $0xFFFFFFFF  }
0xad: {  	[dreg:$0x0] =	wrdreg $0x60  }
0xae: {  	[dreg:$0x2] =	wrdreg s24  }
0xaf: {  	[dreg:$0x3] =	wrdreg s2  }
0xb0: {  	[dreg:$0x4] =	wrdreg $0x9  }
0xb1: {  	_ =	task.clear_ibuf [dreg:s7], $0x5FFFF;
	_ =	strace $0x90000046  }
0xb2: {  	s29 =	simm.s32 $0x9;
	_ =	strace $0x80000048  }
0xb3: {  	_ =	swait.ge [sflag:s29], $0x1  }
0xb4: {  	[sflag:s29] =	ssyncadd.s32 $0xFFFFFFFF  }
0xb5: {  	_ =	strace $0x90000048  }
0xb6: {  	_ =	sfence  }
0xb7: {  	s30 =	sld [smem:$0x0];
	_ =	sdelay $0x2  }
0xb8: {  	s31 =	sshll.u32 s1, $0xD;
	s1 =	sshrl.u32 s1, $0x2  }
0xb9: {  	s3 =	sand.u32 $0x4000, s31;
	s1 =	sadd.s32 s1, s30  }
0xba: {  	s0 =	sor.u32 s3, s0;
	s1 =	sshll.u32 s1, $0x11  }
0xbb: {  	s0 =	sor.u32 s1, s0  }
0xbc: {  	s0 =	sadd.s32 $0x8F2B, s0  }
0xbd: {  	[sflag:s0] =	ssyncadd.remote.s32 $0x1  }
0xbe: {  	_ =	sfence.sel $0xFFFF  }
0xbf: {  	[dreg:$0x0] =	wrdreg $0xFFFFFFFF;
	(pc) =	sbr.abs _section_cstart, $3  }
0xc0: {  	[dreg:$0x1] =	wrdreg $0xFFFFFFFF  }
0xc1: {  	_ =	task.clear_ibuf [dreg:s7], $0x2FFFF;
	_ =	strace $0x9FFFFFFF  }
0xc2: {  	(tm) =	ssettm $0x7FFFFFFF  }
0xc3: {  	_ =	shalt  }
tec
execute0_lowered:
.L_overlay_start_1:
0x0: {  	(tag) =	ssettag $0x1  }
0x1: {  	s0 =	rddreg [dreg:$0x0];
	s1 =	srdreg.scid  }
0x2: {  	s4 =	stileid.u32;
	s10 =	rddreg [dreg:$0x1];
	s2 =	simm.s32 $0x0  }
0x3: {  	s28 =	simm.s32 $0xB300;
	s29 =	simm.s32 $0xB400;
	s30 =	simm.s32 $0xB600  }
0x4: {  	s31 =	simm.s32 $0xBE00;
	s1 =	sand.u32 $0x1, s1;
	s3 =	sshll.u32 s4, $0x1  }
0x5: {  	[smem:$0x7FF] =	sst s2;
	s11 =	sshrl.u32 s4, $0x1;
	s4 =	sadd.s32 $0x108C00, s0  }
0x6: {  	s5 =	sadd.s32 $0x8C00, s0;
	s6 =	sadd.s32 $0x8800, s0;
	s7 =	sadd.s32 $0x8400, s0  }
0x7: {  	s8 =	sadd.s32 $0x8000, s0;
	s9 =	sor.u32 s1, s3;
	_ =	strace $0x80000047  }
0x8: {  	s18 =	sshll.u32 s11, $0x4;
	s1 =	ssub.s32 $0x2, s1;
	s23 =	sshll.u32 s11, $0xC  }
0x9: {  	s3 =	sshll.u32 s9, $0x5;
	s13 =	sadd.s32 s18, s0;
	s19 =	sshrl.u32 s1, $0x1  }
0xa: {  	s9 =	sshll.u32 s9, $0x8;
	s12 =	sadd.s32 s3, s0;
	s20 =	sadd.s32 $0x6400, s13  }
0xb: {  	s3 =	sadd.s32 $0x148C00, s0;
	s21 =	sadd.s32 $0x5400, s13;
	[dreg:$0x3] =	wrdreg s20  }
0xc: {  	s0 =	ssub.s32 s1, s19;
	s22 =	sadd.s32 $0x4400, s13;
	[dreg:$0x4] =	wrdreg s21  }
0xd: {  	s1 =	sadd.s32 s10, s23;
	s23 =	simm.s32 $0x3000;
	[dreg:$0x5] =	wrdreg s22  }
0xe: {  	v4 =	vlaneseq.u32;
	s10 =	simm.s32 $0x0;
	[dreg:$0x6] =	wrdreg s1;
	s24 =	sadd.s32 $0x7400, s12  }
0xf: {  	v0 =	vmul.u32 $0x8, v4;
	s25 =	sadd.s32 $0x7C00, s12;
	s26 =	sadd.s32 $0x7800, s12;
	[dreg:$0x7] =	wrdreg s24  }
0x10: {  	v1 =	vimm.s32 $0x0;
	v2 =	vmul.u32 $0x10, v4;
	s0 =	smax.u32 s0, $0x1;
	s20 =	simm.s32 $0x1;
	[dreg:$0x8] =	wrdreg s25  }
0x11: {  	v3 =	vmul.u32 $0x20, v4;
	v4 =	vmul.u32 $0x80, v4;
	v5 =	vor.u32 $0x1, v0;
	s21 =	simm.s32 $0x1000;
	s22 =	simm.s32 $0x2000;
	[dreg:$0x9] =	wrdreg s26  }
0x12: {  	v6 =	vor.u32 $0x2, v0;
	v7 =	vor.u32 $0x3, v0;
	v8 =	vor.u32 $0x4, v0;
	s1 =	simm.s32 $0xC600;
	[dreg:$0xa] =	wrdreg s0;
	s0 =	simm.s32 $0xD600  }
0x13: {  	v9 =	vor.u32 $0x5, v0;
	v10 =	vor.u32 $0x6, v0;
	v11 =	vor.u32 $0x7, v0;
	s24 =	simm.s32 $0x11600;
	s25 =	simm.s32 $0x11680;
	s26 =	simm.s32 $0x11700  }
.LBB2_1:
0x14: {  	s11 =	rddreg [dreg:$0x3];
	s12 =	simm.s32 $0x80;
	s13 =	simm.s32 $0x400  }
0x15: {  	[tilespmem:s2], [sflag:$0x1] =	stream.strided.gather [hbm4b:s11+s12], $0x1000, s13, s12, $0x38;
	[tilespmem:$0x11780] =	vst v63  }
0x16: {  	_ =	swait.ge [sflag:s20], $0x1000  }
0x17: {  	[sflag:s20] =	ssyncset.done $0x0  }
0x18: {  	s18 =	rddreg [dreg:$0x4];
	[sflag:s20] =	ssyncadd.s32 $0xFFFFF000  }
0x19: {  	[tilespmem:s21], [sflag:$0x1] =	stream.strided.gather [hbm4b:s18+s12], $0x1000, s13, s12, $0x38;
	[tilespmem:$0x11780] =	vst v63  }
0x1a: {  	_ =	swait.ge [sflag:s20], $0x1000  }
0x1b: {  	[sflag:s20] =	ssyncset.done $0x0  }
0x1c: {  	s19 =	rddreg [dreg:$0x5];
	[sflag:s20] =	ssyncadd.s32 $0xFFFFF000  }
0x1d: {  	[tilespmem:s22], [sflag:$0x1] =	stream.strided.gather [hbm4b:s19+s12], $0x1000, s13, s12, $0x38;
	[tilespmem:$0x11780] =	vst v63  }
0x1e: {  	_ =	swait.ge [sflag:s20], $0x1000  }
0x1f: {  	[sflag:s20] =	ssyncset.done $0x0  }
0x20: {  	s13 =	rddreg [dreg:$0x6];
	[sflag:s20] =	ssyncadd.s32 $0xFFFFF000  }
0x21: {  	[tilespmem:s23], [sflag:$0x1] =	stream.linear.gather [hbm4b:s13+s2], $0x8000, $0x38;
	[tilespmem:$0x11780] =	vst v63  }
0x22: {  	_ =	swait.ge [sflag:s20], $0x8000  }
0x23: {  	[sflag:s20] =	ssyncset.done $0x0  }
0x24: {  	s15 =	simm.s32 $0xB000;
	s14 =	rddreg [dreg:$0x7];
	[sflag:s20] =	ssyncadd.s32 $0xFFFF8000  }
0x25: {  	[tilespmem:s15], [sflag:$0x1] =	stream.linear.gather [hbm4b:s14+s2], $0x100, $0x38;
	[tilespmem:$0x11780] =	vst v63  }
0x26: {  	_ =	swait.ge [sflag:s20], $0x100  }
0x27: {  	[sflag:s20] =	ssyncset.done $0x0  }
0x28: {  	s17 =	simm.s32 $0xB100;
	s16 =	rddreg [dreg:$0x8];
	[sflag:s20] =	ssyncadd.s32 $0xFFFFFF00  }
0x29: {  	[tilespmem:s17], [sflag:$0x1] =	stream.linear.gather [hbm4b:s16+s2], $0x100, $0x38;
	[tilespmem:$0x11780] =	vst v63  }
0x2a: {  	_ =	swait.ge [sflag:s20], $0x100  }
0x2b: {  	[sflag:s20] =	ssyncset.done $0x0  }
0x2c: {  	s19 =	simm.s32 $0xB200;
	s18 =	rddreg [dreg:$0x9];
	[sflag:s20] =	ssyncadd.s32 $0xFFFFFF00  }
0x2d: {  	[tilespmem:s19], [sflag:$0x1] =	stream.linear.gather [hbm4b:s18+s2], $0x100, $0x38;
	[tilespmem:$0x11780] =	vst v63  }
0x2e: {  	_ =	swait.ge [sflag:s20], $0x100  }
0x2f: {  	[sflag:s20] =	ssyncset.done $0x0  }
0x30: {  	[sflag:s20] =	ssyncadd.s32 $0xFFFFFF00  }
0x31: {  	[tilespmem:$0xB300] =	vst v1  }
0x32: {  	[tilespmem:$0xB310] =	vst v1  }
0x33: {  	[tilespmem:$0xB320] =	vst v1  }
0x34: {  	[tilespmem:$0xB330] =	vst v1  }
0x35: {  	[tilespmem:$0xB340] =	vst v1  }
0x36: {  	[tilespmem:$0xB350] =	vst v1  }
0x37: {  	[tilespmem:$0xB360] =	vst v1  }
0x38: {  	[tilespmem:$0xB370] =	vst v1  }
0x39: {  	[tilespmem:$0xB380] =	vst v1  }
0x3a: {  	[tilespmem:$0xB390] =	vst v1  }
0x3b: {  	[tilespmem:$0xB3A0] =	vst v1  }
0x3c: {  	[tilespmem:$0xB3B0] =	vst v1  }
0x3d: {  	[tilespmem:$0xB3C0] =	vst v1  }
0x3e: {  	[tilespmem:$0xB3D0] =	vst v1  }
0x3f: {  	[tilespmem:$0xB3E0] =	vst v1  }
0x40: {  	[tilespmem:$0xB3F0] =	vst v1  }
0x41: {  	[tilespmem:$0xB400] =	vst v1  }
0x42: {  	[tilespmem:$0xB410] =	vst v1  }
0x43: {  	[tilespmem:$0xB420] =	vst v1  }
0x44: {  	[tilespmem:$0xB430] =	vst v1  }
0x45: {  	[tilespmem:$0xB440] =	vst v1  }
0x46: {  	[tilespmem:$0xB450] =	vst v1  }
0x47: {  	[tilespmem:$0xB460] =	vst v1  }
0x48: {  	[tilespmem:$0xB470] =	vst v1  }
0x49: {  	[tilespmem:$0xB480] =	vst v1  }
0x4a: {  	[tilespmem:$0xB490] =	vst v1  }
0x4b: {  	[tilespmem:$0xB4A0] =	vst v1  }
0x4c: {  	[tilespmem:$0xB4B0] =	vst v1  }
0x4d: {  	[tilespmem:$0xB4C0] =	vst v1  }
0x4e: {  	[tilespmem:$0xB4D0] =	vst v1  }
0x4f: {  	[tilespmem:$0xB4E0] =	vst v1  }
0x50: {  	[tilespmem:$0xB4F0] =	vst v1  }
0x51: {  	[tilespmem:$0xB500] =	vst v1  }
0x52: {  	[tilespmem:$0xB510] =	vst v1  }
0x53: {  	[tilespmem:$0xB520] =	vst v1  }
0x54: {  	[tilespmem:$0xB530] =	vst v1  }
0x55: {  	[tilespmem:$0xB540] =	vst v1  }
0x56: {  	[tilespmem:$0xB550] =	vst v1  }
0x57: {  	[tilespmem:$0xB560] =	vst v1  }
0x58: {  	[tilespmem:$0xB570] =	vst v1  }
0x59: {  	[tilespmem:$0xB580] =	vst v1  }
0x5a: {  	[tilespmem:$0xB590] =	vst v1  }
0x5b: {  	[tilespmem:$0xB5A0] =	vst v1  }
0x5c: {  	[tilespmem:$0xB5B0] =	vst v1  }
0x5d: {  	[tilespmem:$0xB5C0] =	vst v1  }
0x5e: {  	[tilespmem:$0xB5D0] =	vst v1  }
0x5f: {  	[tilespmem:$0xB5E0] =	vst v1  }
0x60: {  	[tilespmem:$0xB5F0] =	vst v1  }
0x61: {  	[tilespmem:$0xB600] =	vst v1  }
0x62: {  	[tilespmem:$0xB610] =	vst v1  }
0x63: {  	[tilespmem:$0xB620] =	vst v1  }
0x64: {  	[tilespmem:$0xB630] =	vst v1  }
0x65: {  	[tilespmem:$0xB640] =	vst v1  }
0x66: {  	[tilespmem:$0xB650] =	vst v1  }
0x67: {  	[tilespmem:$0xB660] =	vst v1  }
0x68: {  	[tilespmem:$0xB670] =	vst v1  }
0x69: {  	[tilespmem:$0xB680] =	vst v1  }
0x6a: {  	[tilespmem:$0xB690] =	vst v1  }
0x6b: {  	[tilespmem:$0xB6A0] =	vst v1  }
0x6c: {  	[tilespmem:$0xB6B0] =	vst v1  }
0x6d: {  	[tilespmem:$0xB6C0] =	vst v1  }
0x6e: {  	[tilespmem:$0xB6D0] =	vst v1  }
0x6f: {  	[tilespmem:$0xB6E0] =	vst v1  }
0x70: {  	[tilespmem:$0xB6F0] =	vst v1  }
0x71: {  	[tilespmem:$0xB700] =	vst v1  }
0x72: {  	[tilespmem:$0xB710] =	vst v1  }
0x73: {  	[tilespmem:$0xB720] =	vst v1  }
0x74: {  	[tilespmem:$0xB730] =	vst v1  }
0x75: {  	[tilespmem:$0xB740] =	vst v1  }
0x76: {  	[tilespmem:$0xB750] =	vst v1  }
0x77: {  	[tilespmem:$0xB760] =	vst v1  }
0x78: {  	[tilespmem:$0xB770] =	vst v1  }
0x79: {  	[tilespmem:$0xB780] =	vst v1  }
0x7a: {  	[tilespmem:$0xB790] =	vst v1  }
0x7b: {  	[tilespmem:$0xB7A0] =	vst v1  }
0x7c: {  	[tilespmem:$0xB7B0] =	vst v1  }
0x7d: {  	[tilespmem:$0xB7C0] =	vst v1  }
0x7e: {  	[tilespmem:$0xB7D0] =	vst v1  }
0x7f: {  	[tilespmem:$0xB7E0] =	vst v1  }
0x80: {  	[tilespmem:$0xB7F0] =	vst v1  }
0x81: {  	[tilespmem:$0xB800] =	vst v1  }
0x82: {  	[tilespmem:$0xB810] =	vst v1  }
0x83: {  	[tilespmem:$0xB820] =	vst v1  }
0x84: {  	[tilespmem:$0xB830] =	vst v1  }
0x85: {  	[tilespmem:$0xB840] =	vst v1  }
0x86: {  	[tilespmem:$0xB850] =	vst v1  }
0x87: {  	[tilespmem:$0xB860] =	vst v1  }
0x88: {  	[tilespmem:$0xB870] =	vst v1  }
0x89: {  	[tilespmem:$0xB880] =	vst v1  }
0x8a: {  	[tilespmem:$0xB890] =	vst v1  }
0x8b: {  	[tilespmem:$0xB8A0] =	vst v1  }
0x8c: {  	[tilespmem:$0xB8B0] =	vst v1  }
0x8d: {  	[tilespmem:$0xB8C0] =	vst v1  }
0x8e: {  	[tilespmem:$0xB8D0] =	vst v1  }
0x8f: {  	[tilespmem:$0xB8E0] =	vst v1  }
0x90: {  	[tilespmem:$0xB8F0] =	vst v1  }
0x91: {  	[tilespmem:$0xB900] =	vst v1  }
0x92: {  	[tilespmem:$0xB910] =	vst v1  }
0x93: {  	[tilespmem:$0xB920] =	vst v1  }
0x94: {  	[tilespmem:$0xB930] =	vst v1  }
0x95: {  	[tilespmem:$0xB940] =	vst v1  }
0x96: {  	[tilespmem:$0xB950] =	vst v1  }
0x97: {  	[tilespmem:$0xB960] =	vst v1  }
0x98: {  	[tilespmem:$0xB970] =	vst v1  }
0x99: {  	[tilespmem:$0xB980] =	vst v1  }
0x9a: {  	[tilespmem:$0xB990] =	vst v1  }
0x9b: {  	[tilespmem:$0xB9A0] =	vst v1  }
0x9c: {  	[tilespmem:$0xB9B0] =	vst v1  }
0x9d: {  	[tilespmem:$0xB9C0] =	vst v1  }
0x9e: {  	[tilespmem:$0xB9D0] =	vst v1  }
0x9f: {  	[tilespmem:$0xB9E0] =	vst v1  }
0xa0: {  	[tilespmem:$0xB9F0] =	vst v1  }
0xa1: {  	[tilespmem:$0xBA00] =	vst v1  }
0xa2: {  	[tilespmem:$0xBA10] =	vst v1  }
0xa3: {  	[tilespmem:$0xBA20] =	vst v1  }
0xa4: {  	[tilespmem:$0xBA30] =	vst v1  }
0xa5: {  	[tilespmem:$0xBA40] =	vst v1  }
0xa6: {  	[tilespmem:$0xBA50] =	vst v1  }
0xa7: {  	[tilespmem:$0xBA60] =	vst v1  }
0xa8: {  	[tilespmem:$0xBA70] =	vst v1  }
0xa9: {  	[tilespmem:$0xBA80] =	vst v1  }
0xaa: {  	[tilespmem:$0xBA90] =	vst v1  }
0xab: {  	[tilespmem:$0xBAA0] =	vst v1  }
0xac: {  	[tilespmem:$0xBAB0] =	vst v1  }
0xad: {  	[tilespmem:$0xBAC0] =	vst v1  }
0xae: {  	[tilespmem:$0xBAD0] =	vst v1  }
0xaf: {  	[tilespmem:$0xBAE0] =	vst v1  }
0xb0: {  	[tilespmem:$0xBAF0] =	vst v1  }
0xb1: {  	[tilespmem:$0xBB00] =	vst v1  }
0xb2: {  	[tilespmem:$0xBB10] =	vst v1  }
0xb3: {  	[tilespmem:$0xBB20] =	vst v1  }
0xb4: {  	[tilespmem:$0xBB30] =	vst v1  }
0xb5: {  	[tilespmem:$0xBB40] =	vst v1  }
0xb6: {  	[tilespmem:$0xBB50] =	vst v1  }
0xb7: {  	[tilespmem:$0xBB60] =	vst v1  }
0xb8: {  	[tilespmem:$0xBB70] =	vst v1  }
0xb9: {  	[tilespmem:$0xBB80] =	vst v1  }
0xba: {  	[tilespmem:$0xBB90] =	vst v1  }
0xbb: {  	[tilespmem:$0xBBA0] =	vst v1  }
0xbc: {  	[tilespmem:$0xBBB0] =	vst v1  }
0xbd: {  	[tilespmem:$0xBBC0] =	vst v1  }
0xbe: {  	[tilespmem:$0xBBD0] =	vst v1  }
0xbf: {  	[tilespmem:$0xBBE0] =	vst v1  }
0xc0: {  	[tilespmem:$0xBBF0] =	vst v1  }
0xc1: {  	[tilespmem:$0xBC00] =	vst v1  }
0xc2: {  	[tilespmem:$0xBC10] =	vst v1  }
0xc3: {  	[tilespmem:$0xBC20] =	vst v1  }
0xc4: {  	[tilespmem:$0xBC30] =	vst v1  }
0xc5: {  	[tilespmem:$0xBC40] =	vst v1  }
0xc6: {  	[tilespmem:$0xBC50] =	vst v1  }
0xc7: {  	[tilespmem:$0xBC60] =	vst v1  }
0xc8: {  	[tilespmem:$0xBC70] =	vst v1  }
0xc9: {  	[tilespmem:$0xBC80] =	vst v1  }
0xca: {  	[tilespmem:$0xBC90] =	vst v1  }
0xcb: {  	[tilespmem:$0xBCA0] =	vst v1  }
0xcc: {  	[tilespmem:$0xBCB0] =	vst v1  }
0xcd: {  	[tilespmem:$0xBCC0] =	vst v1  }
0xce: {  	[tilespmem:$0xBCD0] =	vst v1  }
0xcf: {  	[tilespmem:$0xBCE0] =	vst v1  }
0xd0: {  	[tilespmem:$0xBCF0] =	vst v1  }
0xd1: {  	[tilespmem:$0xBD00] =	vst v1  }
0xd2: {  	[tilespmem:$0xBD10] =	vst v1  }
0xd3: {  	[tilespmem:$0xBD20] =	vst v1  }
0xd4: {  	[tilespmem:$0xBD30] =	vst v1  }
0xd5: {  	[tilespmem:$0xBD40] =	vst v1  }
0xd6: {  	[tilespmem:$0xBD50] =	vst v1  }
0xd7: {  	[tilespmem:$0xBD60] =	vst v1  }
0xd8: {  	[tilespmem:$0xBD70] =	vst v1  }
0xd9: {  	[tilespmem:$0xBD80] =	vst v1  }
0xda: {  	[tilespmem:$0xBD90] =	vst v1  }
0xdb: {  	[tilespmem:$0xBDA0] =	vst v1  }
0xdc: {  	[tilespmem:$0xBDB0] =	vst v1  }
0xdd: {  	[tilespmem:$0xBDC0] =	vst v1  }
0xde: {  	[tilespmem:$0xBDD0] =	vst v1  }
0xdf: {  	[tilespmem:$0xBDE0] =	vst v1  }
0xe0: {  	s11 =	simm.s32 $0x0;
	[tilespmem:$0xBDF0] =	vst v1  }
.LBB2_2:
0xe1: {  	s12 =	simm.s32 $0x0  }
0xe2: {  	v15 =	vmov s12;
	_ =	sdelay $0x1  }
0xe3: {  	s12 =	sshll.u32 s11, $0x4  }
0xe4: {  	v12 =	vld [tilespmem:s12+$0xB000]  }
0xe5: {  	v13 =	vld [tilespmem:s12+$0xB100]  }
0xe6: {  	v16 =	vld.idx.msk [tilespmem:v15+s2+$0x0], $0xffff  }
0xe7: {  	v17 =	vld.idx.msk [tilespmem:v15+s21+$0x0], $0xffff  }
0xe8: {  	v14 =	vld [tilespmem:s12+$0xB200]  }
0xe9: {  	v18 =	vld.idx.msk [tilespmem:v15+s22+$0x0], $0xffff;
	_ =	sdelay $0x2  }
0xea: {  	v16 =	vsub.f32 v12, v16;
	v17 =	vsub.f32 v13, v17;
	_ =	sdelay $0x1  }
0xeb: {  	v18 =	vsub.f32 v14, v18;
	v16 =	vmul.f32 v16, v16;
	v17 =	vmul.f32 v17, v17;
	_ =	sdelay $0x1  }
0xec: {  	v19 =	vimm.s32 $0x0;
	v18 =	vmul.f32 v18, v18;
	v16 =	vadd.f32 v17, v16  }
0xed: {  	vm0 =	vlt.s32 v19, $0xF;
	vm1 =	vlt.s32 v19, $0x1F  }
0xee: {  	v17 =	vnsel vm1, $0x1F, v19;
	vm1 =	vlt.s32 v19, $0x7F;
	v16 =	vadd.f32 v18, v16  }
0xef: {  	vm2 =	vlt.s32 v19, $0x20;
	vm3 =	vlt.s32 v19, $0x80;
	v20 =	vnsel vm1, $0x7F, v19  }
0xf0: {  	v18 =	vnsel vm0, $0xF, v19;
	vm0 =	vlt.s32 v19, $0x10;
	vm1 =	vle.f32 v16, $9.999999770e-03  }
0xf1: {  	v21 =	vadd.s32 v3, v17;
	vm4 =	vmand vm0, vm1;
	vm0 =	vle.f32 v16, $3.999999910e-02  }
0xf2: {  	v25 =	vadd.s32 v2, v18;
	vm5 =	vle.f32 v16, $1.599999960e-01;
	vm1 =	vmand vm2, vm0  }
0xf3: {  	v20 =	vadd.s32 v4, v20;
	vm0 =	vmand vm3, vm5;
	v16 =	vsel vm4, $0x1, v1  }
0xf4: {  	v17 =	vsel vm1, $0x1, v1;
	v16 =	vadd.s32 v16, v19;
	v22 =	vsel vm0, $0x1, v1  }
0xf5: {  	s13 =	simm.s32 $0x1;
	v18 =	vadd.s32 v17, v19;
	vm2 =	vlt.s32 v16, $0xF;
	v17 =	vadd.s32 v22, v19  }
0xf6: {  	v22 =	vmov s13;
	vm3 =	vlt.s32 v18, $0x1F;
	vm15 =	vlt.s32 v17, $0x7F  }
0xf7: {  	s13 =	simm.s32 $0x2;
	v19 =	vnsel vm2, $0xF, v16;
	v23 =	vnsel vm3, $0x1F, v18;
	v24 =	vnsel vm15, $0x7F, v17;
	[tilespmem:v25+s28+$0x0] =	vst.idx.msk vm4, v15  }
.LBB2_3:
0xf8: {  	p0 =	sne.s32 s13, $0xFFF;
	[tilespmem:v21+s29+$0x0] =	vst.idx.msk vm1, v15;
	s14 =	smov.u32 s13;
	s13 =	sadd.s32 $0x1, s13  }
0xf9: {  	[tilespmem:v20+s30+$0x0] =	vst.idx.msk vm0, v15;
	v15 =	vmov v22  }
0xfa: {  	v20 =	vld.idx.msk [tilespmem:v22+s2+$0x0], $0xffff  }
0xfb: {  	v21 =	vld.idx.msk [tilespmem:v22+s21+$0x0], $0xffff  }
0xfc: {  	v22 =	vld.idx.msk [tilespmem:v22+s22+$0x0], $0xffff;
	_ =	sdelay $0x3  }
0xfd: {  	v20 =	vsub.f32 v12, v20  }
0xfe: {  	v21 =	vsub.f32 v13, v21  }
0xff: {  	v22 =	vsub.f32 v14, v22;
	v20 =	vmul.f32 v20, v20  }
0x100: {  	v21 =	vmul.f32 v21, v21  }
0x101: {  	v22 =	vmul.f32 v22, v22  }
0x102: {  	v20 =	vadd.f32 v21, v20;
	_ =	sdelay $0x1  }
0x103: {  	v21 =	vadd.s32 v3, v23;
	v22 =	vadd.f32 v22, v20;
	v20 =	vadd.s32 v4, v24  }
0x104: {  	vm1 =	vlt.s32 v18, $0x20;
	vm2 =	vlt.s32 v17, $0x80;
	vm0 =	vlt.s32 v16, $0x10  }
0x105: {  	vm3 =	vle.f32 v22, $9.999999770e-03;
	vm4 =	vle.f32 v22, $3.999999910e-02;
	vm5 =	vle.f32 v22, $1.599999960e-01  }
0x106: {  	v25 =	vadd.s32 v2, v19;
	vm3 =	vmand vm0, vm3;
	vm1 =	vmand vm1, vm4  }
0x107: {  	vm0 =	vmand vm2, vm5;
	v19 =	vsel vm3, $0x1, v1;
	v22 =	vsel vm1, $0x1, v1  }
.Ltmp0:
0x108: {  	v16 =	vadd.s32 v19, v16;
	v18 =	vadd.s32 v22, v18;
	v19 =	vsel vm0, $0x1, v1;
	(pc) =	sbr.rel @p0 .LBB2_3-.Ltmp0, $4  }
0x109: {  	vm2 =	vlt.s32 v16, $0xF;
	vm4 =	vlt.s32 v18, $0x1F;
	v17 =	vadd.s32 v19, v17  }
0x10a: {  	v22 =	vmov s14;
	v19 =	vnsel vm2, $0xF, v16;
	v23 =	vnsel vm4, $0x1F, v18  }
0x10b: {  	vm2 =	vlt.s32 v17, $0x7F  }
0x10c: {  	v24 =	vnsel vm2, $0x7F, v17;
	[tilespmem:v25+s28+$0x0] =	vst.idx.msk vm3, v15  }
0x10d: {  	_ =	sdelay $0x4  }
0x10e: {  	[tilespmem:v21+s29+$0x0] =	vst.idx.msk vm1, v15  }
0x10f: {  	[tilespmem:v20+s30+$0x0] =	vst.idx.msk vm0, v15  }
0x110: {  	v15 =	vld.idx.msk [tilespmem:v22+s2+$0x0], $0xffff  }
0x111: {  	v20 =	vld.idx.msk [tilespmem:v22+s21+$0x0], $0xffff;
	_ =	sdelay $0x1  }
0x112: {  	v21 =	vld.idx.msk [tilespmem:v22+s22+$0x0], $0xffff;
	_ =	sdelay $0x2  }
0x113: {  	v12 =	vsub.f32 v12, v15;
	v13 =	vsub.f32 v13, v20;
	_ =	sdelay $0x1  }
0x114: {  	v14 =	vsub.f32 v14, v21;
	v12 =	vmul.f32 v12, v12;
	v13 =	vmul.f32 v13, v13;
	_ =	sdelay $0x1  }
0x115: {  	v14 =	vmul.f32 v14, v14;
	v12 =	vadd.f32 v13, v12;
	_ =	sdelay $0x1  }
0x116: {  	v12 =	vadd.f32 v14, v12  }
0x117: {  	v63 =	vadd.s32 v4, v24;
	vm11 =	vlt.s32 v16, $0x10;
	vm12 =	vlt.s32 v18, $0x20  }
0x118: {  	vm2 =	vlt.s32 v17, $0x80;
	v19 =	vadd.s32 v2, v19;
	vm3 =	vle.f32 v12, $9.999999770e-03  }
0x119: {  	v15 =	vadd.s32 v3, v23;
	vm4 =	vle.f32 v12, $3.999999910e-02;
	vm0 =	vmand vm11, vm3  }
0x11a: {  	vm5 =	vle.f32 v12, $1.599999960e-01;
	vm1 =	vmand vm12, vm4;
	v12 =	vsel vm0, $0x1, v1  }
0x11b: {  	vm2 =	vmand vm2, vm5;
	v14 =	vsel vm1, $0x1, v1;
	v13 =	vadd.s32 v12, v16  }
0x11c: {  	v12 =	vadd.s32 v14, v18;
	v14 =	vsel vm2, $0x1, v1;
	vm13 =	veq.s32 v13, $0x0  }
0x11d: {  	v14 =	vadd.s32 v14, v17;
	vm14 =	veq.s32 v12, $0x0  }
0x11e: {  	vm15 =	veq.s32 v14, $0x0  }
0x11f: {  	[tilespmem:v19+s28+$0x0] =	vst.idx.msk vm0, v22  }
0x120: {  	[tilespmem:v15+s29+$0x0] =	vst.idx.msk vm1, v22  }
0x121: {  	s13 =	simm.s32 $0xB300;
	[tilespmem:v63+s30+$0x0] =	vst.idx.msk vm2, v22  }
0x122: {  	[tilespmem:v2+s13+$0x0] =	vst.idx.msk vm13, v1  }
0x123: {  	s14 =	simm.s32 $0x380;
	[tilespmem:v3+s29+$0x0] =	vst.idx.msk vm14, v1  }
0x124: {  	s15 =	simm.s32 $0x0;
	s16 =	simm.s32 $0x80;
	s17 =	simm.s32 $0xB640;
	[tilespmem:v4+s30+$0x0] =	vst.idx.msk vm15, v1  }
.LBB2_5:
0x125: {  	v15 =	vld [tilespmem:s13+$0x0];
	_ =	sdelay $0x4  }
0x126: {  	v15 =	vshll.u32 v15, $0x3;
	_ =	sdelay $0x4  }
0x127: {  	v17 =	vor.u32 s15, v0;
	v16 =	vld.idx.msk [tilespmem:v15+s23+$0x0], $0xffff  }
0x128: {  	v18 =	vor.u32 $0x1, v15;
	_ =	sdelay $0x3  }
0x129: {  	[tilespmem:v17+s31+$0x0] =	vst.idx.msk $0xffff, v16  }
0x12a: {  	v42 =	vor.u32 s15, v5;
	v16 =	vld.idx.msk [tilespmem:v18+s23+$0x0], $0xffff  }
0x12b: {  	v43 =	vor.u32 $0x2, v15;
	_ =	sdelay $0x3  }
0x12c: {  	[tilespmem:v42+s31+$0x0] =	vst.idx.msk $0xffff, v16  }
0x12d: {  	v44 =	vor.u32 s15, v6;
	v16 =	vld.idx.msk [tilespmem:v43+s23+$0x0], $0xffff  }
0x12e: {  	v45 =	vor.u32 $0x3, v15;
	_ =	sdelay $0x3  }
0x12f: {  	[tilespmem:v44+s31+$0x0] =	vst.idx.msk $0xffff, v16  }
0x130: {  	v46 =	vor.u32 s15, v7;
	v16 =	vld.idx.msk [tilespmem:v45+s23+$0x0], $0xffff  }
0x131: {  	v47 =	vor.u32 $0x4, v15;
	_ =	sdelay $0x3  }
0x132: {  	[tilespmem:v46+s31+$0x0] =	vst.idx.msk $0xffff, v16  }
0x133: {  	v48 =	vor.u32 s15, v8;
	v16 =	vld.idx.msk [tilespmem:v47+s23+$0x0], $0xffff  }
0x134: {  	v49 =	vor.u32 $0x5, v15;
	_ =	sdelay $0x3  }
0x135: {  	[tilespmem:v48+s31+$0x0] =	vst.idx.msk $0xffff, v16  }
0x136: {  	v50 =	vor.u32 s15, v9;
	v16 =	vld.idx.msk [tilespmem:v49+s23+$0x0], $0xffff  }
0x137: {  	v51 =	vor.u32 $0x6, v15;
	_ =	sdelay $0x3  }
0x138: {  	[tilespmem:v50+s31+$0x0] =	vst.idx.msk $0xffff, v16  }
0x139: {  	v52 =	vor.u32 s15, v10;
	v16 =	vld.idx.msk [tilespmem:v51+s23+$0x0], $0xffff  }
0x13a: {  	v15 =	vor.u32 $0x7, v15;
	_ =	sdelay $0x3  }
0x13b: {  	[tilespmem:v52+s31+$0x0] =	vst.idx.msk $0xffff, v16  }
0x13c: {  	v53 =	vor.u32 s15, v11;
	v15 =	vld.idx.msk [tilespmem:v15+s23+$0x0], $0xffff;
	_ =	sdelay $0x4  }
0x13d: {  	s18 =	sshra.s32 s15, $0x2;
	[tilespmem:v53+s31+$0x0] =	vst.idx.msk $0xffff, v15  }
0x13e: {  	v15 =	vld [tilespmem:s18+$0xB400];
	_ =	sdelay $0x4  }
0x13f: {  	v15 =	vshll.u32 v15, $0x3;
	_ =	sdelay $0x3  }
0x140: {  	s19 =	sadd.s32 $0xFFFFFF80, s16  }
0x141: {  	v54 =	vor.u32 s19, v0;
	v16 =	vld.idx.msk [tilespmem:v15+s23+$0x0], $0xffff  }
0x142: {  	v55 =	vor.u32 $0x1, v15;
	_ =	sdelay $0x3  }
0x143: {  	[tilespmem:v54+s1+$0x0] =	vst.idx.msk $0xffff, v16  }
0x144: {  	v56 =	vor.u32 s19, v5;
	v16 =	vld.idx.msk [tilespmem:v55+s23+$0x0], $0xffff  }
0x145: {  	v57 =	vor.u32 $0x2, v15;
	_ =	sdelay $0x3  }
0x146: {  	[tilespmem:v56+s1+$0x0] =	vst.idx.msk $0xffff, v16  }
0x147: {  	v58 =	vor.u32 s19, v6;
	v16 =	vld.idx.msk [tilespmem:v57+s23+$0x0], $0xffff  }
0x148: {  	v59 =	vor.u32 $0x3, v15;
	_ =	sdelay $0x3  }
0x149: {  	[tilespmem:v58+s1+$0x0] =	vst.idx.msk $0xffff, v16  }
0x14a: {  	v60 =	vor.u32 s19, v7;
	v16 =	vld.idx.msk [tilespmem:v59+s23+$0x0], $0xffff  }
0x14b: {  	v61 =	vor.u32 $0x4, v15;
	_ =	sdelay $0x3  }
0x14c: {  	[tilespmem:v60+s1+$0x0] =	vst.idx.msk $0xffff, v16  }
0x14d: {  	v62 =	vor.u32 s19, v8;
	v16 =	vld.idx.msk [tilespmem:v61+s23+$0x0], $0xffff  }
0x14e: {  	v63 =	vor.u32 $0x5, v15;
	_ =	sdelay $0x3  }
0x14f: {  	[tilespmem:v62+s1+$0x0] =	vst.idx.msk $0xffff, v16  }
0x150: {  	v21 =	vor.u32 s19, v9;
	v16 =	vld.idx.msk [tilespmem:v63+s23+$0x0], $0xffff  }
0x151: {  	v22 =	vor.u32 $0x6, v15;
	_ =	sdelay $0x3  }
0x152: {  	[tilespmem:v21+s1+$0x0] =	vst.idx.msk $0xffff, v16  }
0x153: {  	v23 =	vor.u32 s19, v10;
	v16 =	vld.idx.msk [tilespmem:v22+s23+$0x0], $0xffff  }
0x154: {  	v15 =	vor.u32 $0x7, v15;
	_ =	sdelay $0x3  }
0x155: {  	[tilespmem:v23+s1+$0x0] =	vst.idx.msk $0xffff, v16  }
0x156: {  	v24 =	vor.u32 s19, v11;
	v15 =	vld.idx.msk [tilespmem:v15+s23+$0x0], $0xffff;
	_ =	sdelay $0x4  }
0x157: {  	[tilespmem:v24+s1+$0x0] =	vst.idx.msk $0xffff, v15  }
0x158: {  	v15 =	vld [tilespmem:s18+$0xB410];
	_ =	sdelay $0x4  }
0x159: {  	v15 =	vshll.u32 v15, $0x3;
	_ =	sdelay $0x4  }
0x15a: {  	v25 =	vor.u32 s16, v0;
	v16 =	vld.idx.msk [tilespmem:v15+s23+$0x0], $0xffff  }
0x15b: {  	v26 =	vor.u32 $0x1, v15;
	_ =	sdelay $0x3  }
0x15c: {  	[tilespmem:v25+s1+$0x0] =	vst.idx.msk $0xffff, v16  }
0x15d: {  	v27 =	vor.u32 s16, v5;
	v16 =	vld.idx.msk [tilespmem:v26+s23+$0x0], $0xffff  }
0x15e: {  	v28 =	vor.u32 $0x2, v15;
	_ =	sdelay $0x3  }
0x15f: {  	[tilespmem:v27+s1+$0x0] =	vst.idx.msk $0xffff, v16  }
0x160: {  	v29 =	vor.u32 s16, v6;
	v16 =	vld.idx.msk [tilespmem:v28+s23+$0x0], $0xffff  }
0x161: {  	v30 =	vor.u32 $0x3, v15;
	_ =	sdelay $0x3  }
0x162: {  	[tilespmem:v29+s1+$0x0] =	vst.idx.msk $0xffff, v16  }
0x163: {  	v31 =	vor.u32 s16, v7;
	v16 =	vld.idx.msk [tilespmem:v30+s23+$0x0], $0xffff  }
0x164: {  	v32 =	vor.u32 $0x4, v15;
	_ =	sdelay $0x3  }
0x165: {  	[tilespmem:v31+s1+$0x0] =	vst.idx.msk $0xffff, v16  }
0x166: {  	v33 =	vor.u32 s16, v8;
	v16 =	vld.idx.msk [tilespmem:v32+s23+$0x0], $0xffff  }
0x167: {  	v34 =	vor.u32 $0x5, v15;
	_ =	sdelay $0x3  }
0x168: {  	[tilespmem:v33+s1+$0x0] =	vst.idx.msk $0xffff, v16  }
0x169: {  	v35 =	vor.u32 s16, v9;
	v16 =	vld.idx.msk [tilespmem:v34+s23+$0x0], $0xffff  }
0x16a: {  	v36 =	vor.u32 $0x6, v15;
	_ =	sdelay $0x3  }
0x16b: {  	[tilespmem:v35+s1+$0x0] =	vst.idx.msk $0xffff, v16  }
0x16c: {  	v37 =	vor.u32 s16, v10;
	v16 =	vld.idx.msk [tilespmem:v36+s23+$0x0], $0xffff  }
0x16d: {  	v15 =	vor.u32 $0x7, v15;
	_ =	sdelay $0x3  }
0x16e: {  	[tilespmem:v37+s1+$0x0] =	vst.idx.msk $0xffff, v16  }
0x16f: {  	v38 =	vor.u32 s16, v11;
	v15 =	vld.idx.msk [tilespmem:v15+s23+$0x0], $0xffff;
	_ =	sdelay $0x4  }
0x170: {  	[tilespmem:v38+s1+$0x0] =	vst.idx.msk $0xffff, v15  }
0x171: {  	v15 =	vld [tilespmem:s17+$0xFFFFFFC0];
	_ =	sdelay $0x4  }
0x172: {  	v15 =	vshll.u32 v15, $0x3;
	_ =	sdelay $0x3  }
0x173: {  	s19 =	sadd.s32 $0xFFFFFC80, s14  }
0x174: {  	v39 =	vor.u32 s19, v0;
	v16 =	vld.idx.msk [tilespmem:v15+s23+$0x0], $0xffff  }
0x175: {  	v40 =	vor.u32 $0x1, v15;
	_ =	sdelay $0x3  }
0x176: {  	[tilespmem:v39+s0+$0x0] =	vst.idx.msk $0xffff, v16  }
0x177: {  	v41 =	vor.u32 s19, v5;
	v16 =	vld.idx.msk [tilespmem:v40+s23+$0x0], $0xffff  }
0x178: {  	v42 =	vor.u32 $0x2, v15;
	_ =	sdelay $0x3  }
0x179: {  	[tilespmem:v41+s0+$0x0] =	vst.idx.msk $0xffff, v16  }
0x17a: {  	v43 =	vor.u32 s19, v6;
	v16 =	vld.idx.msk [tilespmem:v42+s23+$0x0], $0xffff  }
0x17b: {  	v44 =	vor.u32 $0x3, v15;
	_ =	sdelay $0x3  }
0x17c: {  	[tilespmem:v43+s0+$0x0] =	vst.idx.msk $0xffff, v16  }
0x17d: {  	v45 =	vor.u32 s19, v7;
	v16 =	vld.idx.msk [tilespmem:v44+s23+$0x0], $0xffff  }
0x17e: {  	v46 =	vor.u32 $0x4, v15;
	_ =	sdelay $0x3  }
0x17f: {  	[tilespmem:v45+s0+$0x0] =	vst.idx.msk $0xffff, v16  }
0x180: {  	v47 =	vor.u32 s19, v8;
	v16 =	vld.idx.msk [tilespmem:v46+s23+$0x0], $0xffff  }
0x181: {  	v48 =	vor.u32 $0x5, v15;
	_ =	sdelay $0x3  }
0x182: {  	[tilespmem:v47+s0+$0x0] =	vst.idx.msk $0xffff, v16  }
0x183: {  	v49 =	vor.u32 s19, v9;
	v16 =	vld.idx.msk [tilespmem:v48+s23+$0x0], $0xffff  }
0x184: {  	v50 =	vor.u32 $0x6, v15;
	_ =	sdelay $0x3  }
0x185: {  	[tilespmem:v49+s0+$0x0] =	vst.idx.msk $0xffff, v16  }
0x186: {  	v51 =	vor.u32 s19, v10;
	v16 =	vld.idx.msk [tilespmem:v50+s23+$0x0], $0xffff  }
0x187: {  	v15 =	vor.u32 $0x7, v15;
	_ =	sdelay $0x3  }
0x188: {  	[tilespmem:v51+s0+$0x0] =	vst.idx.msk $0xffff, v16  }
0x189: {  	v52 =	vor.u32 s19, v11;
	v15 =	vld.idx.msk [tilespmem:v15+s23+$0x0], $0xffff;
	_ =	sdelay $0x4  }
0x18a: {  	[tilespmem:v52+s0+$0x0] =	vst.idx.msk $0xffff, v15  }
0x18b: {  	v15 =	vld [tilespmem:s17+$0xFFFFFFD0];
	_ =	sdelay $0x4  }
0x18c: {  	v15 =	vshll.u32 v15, $0x3;
	_ =	sdelay $0x3  }
0x18d: {  	s19 =	sadd.s32 $0xFFFFFD00, s14  }
0x18e: {  	v53 =	vor.u32 s19, v0;
	v16 =	vld.idx.msk [tilespmem:v15+s23+$0x0], $0xffff  }
0x18f: {  	v54 =	vor.u32 $0x1, v15;
	_ =	sdelay $0x3  }
0x190: {  	[tilespmem:v53+s0+$0x0] =	vst.idx.msk $0xffff, v16  }
0x191: {  	v55 =	vor.u32 s19, v5;
	v16 =	vld.idx.msk [tilespmem:v54+s23+$0x0], $0xffff  }
0x192: {  	v56 =	vor.u32 $0x2, v15;
	_ =	sdelay $0x3  }
0x193: {  	[tilespmem:v55+s0+$0x0] =	vst.idx.msk $0xffff, v16  }
0x194: {  	v57 =	vor.u32 s19, v6;
	v16 =	vld.idx.msk [tilespmem:v56+s23+$0x0], $0xffff  }
0x195: {  	v58 =	vor.u32 $0x3, v15;
	_ =	sdelay $0x3  }
0x196: {  	[tilespmem:v57+s0+$0x0] =	vst.idx.msk $0xffff, v16  }
0x197: {  	v59 =	vor.u32 s19, v7;
	v16 =	vld.idx.msk [tilespmem:v58+s23+$0x0], $0xffff  }
0x198: {  	v60 =	vor.u32 $0x4, v15;
	_ =	sdelay $0x3  }
0x199: {  	[tilespmem:v59+s0+$0x0] =	vst.idx.msk $0xffff, v16  }
0x19a: {  	v61 =	vor.u32 s19, v8;
	v16 =	vld.idx.msk [tilespmem:v60+s23+$0x0], $0xffff  }
0x19b: {  	v62 =	vor.u32 $0x5, v15;
	_ =	sdelay $0x3  }
0x19c: {  	[tilespmem:v61+s0+$0x0] =	vst.idx.msk $0xffff, v16  }
0x19d: {  	v63 =	vor.u32 s19, v9;
	v16 =	vld.idx.msk [tilespmem:v62+s23+$0x0], $0xffff  }
0x19e: {  	v21 =	vor.u32 $0x6, v15;
	_ =	sdelay $0x3  }
0x19f: {  	[tilespmem:v63+s0+$0x0] =	vst.idx.msk $0xffff, v16  }
0x1a0: {  	v22 =	vor.u32 s19, v10;
	v16 =	vld.idx.msk [tilespmem:v21+s23+$0x0], $0xffff  }
0x1a1: {  	v15 =	vor.u32 $0x7, v15;
	_ =	sdelay $0x3  }
0x1a2: {  	[tilespmem:v22+s0+$0x0] =	vst.idx.msk $0xffff, v16  }
0x1a3: {  	v23 =	vor.u32 s19, v11;
	v15 =	vld.idx.msk [tilespmem:v15+s23+$0x0], $0xffff;
	_ =	sdelay $0x4  }
0x1a4: {  	[tilespmem:v23+s0+$0x0] =	vst.idx.msk $0xffff, v15  }
0x1a5: {  	v15 =	vld [tilespmem:s17+$0xFFFFFFE0];
	_ =	sdelay $0x4  }
0x1a6: {  	v15 =	vshll.u32 v15, $0x3;
	_ =	sdelay $0x3  }
0x1a7: {  	s19 =	sadd.s32 $0xFFFFFD80, s14  }
0x1a8: {  	v24 =	vor.u32 s19, v0;
	v16 =	vld.idx.msk [tilespmem:v15+s23+$0x0], $0xffff  }
0x1a9: {  	v25 =	vor.u32 $0x1, v15;
	_ =	sdelay $0x3  }
0x1aa: {  	[tilespmem:v24+s0+$0x0] =	vst.idx.msk $0xffff, v16  }
0x1ab: {  	v26 =	vor.u32 s19, v5;
	v16 =	vld.idx.msk [tilespmem:v25+s23+$0x0], $0xffff  }
0x1ac: {  	v27 =	vor.u32 $0x2, v15;
	_ =	sdelay $0x3  }
0x1ad: {  	[tilespmem:v26+s0+$0x0] =	vst.idx.msk $0xffff, v16  }
0x1ae: {  	v28 =	vor.u32 s19, v6;
	v16 =	vld.idx.msk [tilespmem:v27+s23+$0x0], $0xffff  }
0x1af: {  	v29 =	vor.u32 $0x3, v15;
	_ =	sdelay $0x3  }
0x1b0: {  	[tilespmem:v28+s0+$0x0] =	vst.idx.msk $0xffff, v16  }
0x1b1: {  	v30 =	vor.u32 s19, v7;
	v16 =	vld.idx.msk [tilespmem:v29+s23+$0x0], $0xffff  }
0x1b2: {  	v31 =	vor.u32 $0x4, v15;
	_ =	sdelay $0x3  }
0x1b3: {  	[tilespmem:v30+s0+$0x0] =	vst.idx.msk $0xffff, v16  }
0x1b4: {  	v32 =	vor.u32 s19, v8;
	v16 =	vld.idx.msk [tilespmem:v31+s23+$0x0], $0xffff  }
0x1b5: {  	v33 =	vor.u32 $0x5, v15;
	_ =	sdelay $0x3  }
0x1b6: {  	[tilespmem:v32+s0+$0x0] =	vst.idx.msk $0xffff, v16  }
0x1b7: {  	v34 =	vor.u32 s19, v9;
	v16 =	vld.idx.msk [tilespmem:v33+s23+$0x0], $0xffff  }
0x1b8: {  	v35 =	vor.u32 $0x6, v15;
	_ =	sdelay $0x3  }
0x1b9: {  	[tilespmem:v34+s0+$0x0] =	vst.idx.msk $0xffff, v16  }
0x1ba: {  	v36 =	vor.u32 s19, v10;
	v16 =	vld.idx.msk [tilespmem:v35+s23+$0x0], $0xffff  }
0x1bb: {  	v15 =	vor.u32 $0x7, v15;
	_ =	sdelay $0x3  }
0x1bc: {  	[tilespmem:v36+s0+$0x0] =	vst.idx.msk $0xffff, v16  }
0x1bd: {  	v37 =	vor.u32 s19, v11;
	v15 =	vld.idx.msk [tilespmem:v15+s23+$0x0], $0xffff;
	_ =	sdelay $0x4  }
0x1be: {  	[tilespmem:v37+s0+$0x0] =	vst.idx.msk $0xffff, v15  }
0x1bf: {  	v15 =	vld [tilespmem:s17+$0xFFFFFFF0];
	_ =	sdelay $0x4  }
0x1c0: {  	v15 =	vshll.u32 v15, $0x3;
	_ =	sdelay $0x3  }
0x1c1: {  	s19 =	sadd.s32 $0xFFFFFE00, s14  }
0x1c2: {  	v38 =	vor.u32 s19, v0;
	v16 =	vld.idx.msk [tilespmem:v15+s23+$0x0], $0xffff  }
0x1c3: {  	v39 =	vor.u32 $0x1, v15;
	_ =	sdelay $0x3  }
0x1c4: {  	[tilespmem:v38+s0+$0x0] =	vst.idx.msk $0xffff, v16  }
0x1c5: {  	v40 =	vor.u32 s19, v5;
	v16 =	vld.idx.msk [tilespmem:v39+s23+$0x0], $0xffff  }
0x1c6: {  	v41 =	vor.u32 $0x2, v15;
	_ =	sdelay $0x3  }
0x1c7: {  	[tilespmem:v40+s0+$0x0] =	vst.idx.msk $0xffff, v16  }
0x1c8: {  	v42 =	vor.u32 s19, v6;
	v16 =	vld.idx.msk [tilespmem:v41+s23+$0x0], $0xffff  }
0x1c9: {  	v43 =	vor.u32 $0x3, v15;
	_ =	sdelay $0x3  }
0x1ca: {  	[tilespmem:v42+s0+$0x0] =	vst.idx.msk $0xffff, v16  }
0x1cb: {  	v44 =	vor.u32 s19, v7;
	v16 =	vld.idx.msk [tilespmem:v43+s23+$0x0], $0xffff  }
0x1cc: {  	v45 =	vor.u32 $0x4, v15;
	_ =	sdelay $0x3  }
0x1cd: {  	[tilespmem:v44+s0+$0x0] =	vst.idx.msk $0xffff, v16  }
0x1ce: {  	v46 =	vor.u32 s19, v8;
	v16 =	vld.idx.msk [tilespmem:v45+s23+$0x0], $0xffff  }
0x1cf: {  	v47 =	vor.u32 $0x5, v15;
	_ =	sdelay $0x3  }
0x1d0: {  	[tilespmem:v46+s0+$0x0] =	vst.idx.msk $0xffff, v16  }
0x1d1: {  	v48 =	vor.u32 s19, v9;
	v16 =	vld.idx.msk [tilespmem:v47+s23+$0x0], $0xffff  }
0x1d2: {  	v49 =	vor.u32 $0x6, v15;
	_ =	sdelay $0x3  }
0x1d3: {  	[tilespmem:v48+s0+$0x0] =	vst.idx.msk $0xffff, v16  }
0x1d4: {  	v50 =	vor.u32 s19, v10;
	v16 =	vld.idx.msk [tilespmem:v49+s23+$0x0], $0xffff  }
0x1d5: {  	v15 =	vor.u32 $0x7, v15;
	_ =	sdelay $0x3  }
0x1d6: {  	[tilespmem:v50+s0+$0x0] =	vst.idx.msk $0xffff, v16  }
0x1d7: {  	v51 =	vor.u32 s19, v11;
	v15 =	vld.idx.msk [tilespmem:v15+s23+$0x0], $0xffff;
	_ =	sdelay $0x4  }
0x1d8: {  	[tilespmem:v51+s0+$0x0] =	vst.idx.msk $0xffff, v15  }
0x1d9: {  	v15 =	vld [tilespmem:s17+$0x0];
	_ =	sdelay $0x4  }
0x1da: {  	v15 =	vshll.u32 v15, $0x3;
	_ =	sdelay $0x3  }
0x1db: {  	s19 =	sadd.s32 $0xFFFFFE80, s14  }
0x1dc: {  	v52 =	vor.u32 s19, v0;
	v16 =	vld.idx.msk [tilespmem:v15+s23+$0x0], $0xffff  }
0x1dd: {  	v53 =	vor.u32 $0x1, v15;
	_ =	sdelay $0x3  }
0x1de: {  	[tilespmem:v52+s0+$0x0] =	vst.idx.msk $0xffff, v16  }
0x1df: {  	v54 =	vor.u32 s19, v5;
	v16 =	vld.idx.msk [tilespmem:v53+s23+$0x0], $0xffff  }
0x1e0: {  	v55 =	vor.u32 $0x2, v15;
	_ =	sdelay $0x3  }
0x1e1: {  	[tilespmem:v54+s0+$0x0] =	vst.idx.msk $0xffff, v16  }
0x1e2: {  	v56 =	vor.u32 s19, v6;
	v16 =	vld.idx.msk [tilespmem:v55+s23+$0x0], $0xffff  }
0x1e3: {  	v57 =	vor.u32 $0x3, v15;
	_ =	sdelay $0x3  }
0x1e4: {  	[tilespmem:v56+s0+$0x0] =	vst.idx.msk $0xffff, v16  }
0x1e5: {  	v58 =	vor.u32 s19, v7;
	v16 =	vld.idx.msk [tilespmem:v57+s23+$0x0], $0xffff  }
0x1e6: {  	v59 =	vor.u32 $0x4, v15;
	_ =	sdelay $0x3  }
0x1e7: {  	[tilespmem:v58+s0+$0x0] =	vst.idx.msk $0xffff, v16  }
0x1e8: {  	v60 =	vor.u32 s19, v8;
	v16 =	vld.idx.msk [tilespmem:v59+s23+$0x0], $0xffff  }
0x1e9: {  	v61 =	vor.u32 $0x5, v15;
	_ =	sdelay $0x3  }
0x1ea: {  	[tilespmem:v60+s0+$0x0] =	vst.idx.msk $0xffff, v16  }
0x1eb: {  	v62 =	vor.u32 s19, v9;
	v16 =	vld.idx.msk [tilespmem:v61+s23+$0x0], $0xffff  }
0x1ec: {  	v63 =	vor.u32 $0x6, v15;
	_ =	sdelay $0x3  }
0x1ed: {  	[tilespmem:v62+s0+$0x0] =	vst.idx.msk $0xffff, v16  }
0x1ee: {  	v20 =	vor.u32 s19, v10;
	v16 =	vld.idx.msk [tilespmem:v63+s23+$0x0], $0xffff  }
0x1ef: {  	v15 =	vor.u32 $0x7, v15;
	_ =	sdelay $0x3  }
0x1f0: {  	[tilespmem:v20+s0+$0x0] =	vst.idx.msk $0xffff, v16  }
0x1f1: {  	v21 =	vor.u32 s19, v11;
	v15 =	vld.idx.msk [tilespmem:v15+s23+$0x0], $0xffff;
	_ =	sdelay $0x4  }
0x1f2: {  	[tilespmem:v21+s0+$0x0] =	vst.idx.msk $0xffff, v15  }
0x1f3: {  	v15 =	vld [tilespmem:s17+$0x10];
	_ =	sdelay $0x4  }
0x1f4: {  	v15 =	vshll.u32 v15, $0x3;
	_ =	sdelay $0x3  }
0x1f5: {  	s19 =	sadd.s32 $0xFFFFFF00, s14  }
0x1f6: {  	v22 =	vor.u32 s19, v0;
	v16 =	vld.idx.msk [tilespmem:v15+s23+$0x0], $0xffff  }
0x1f7: {  	v23 =	vor.u32 $0x1, v15;
	_ =	sdelay $0x3  }
0x1f8: {  	[tilespmem:v22+s0+$0x0] =	vst.idx.msk $0xffff, v16  }
0x1f9: {  	v24 =	vor.u32 s19, v5;
	v16 =	vld.idx.msk [tilespmem:v23+s23+$0x0], $0xffff  }
0x1fa: {  	v25 =	vor.u32 $0x2, v15;
	_ =	sdelay $0x3  }
0x1fb: {  	[tilespmem:v24+s0+$0x0] =	vst.idx.msk $0xffff, v16  }
0x1fc: {  	v26 =	vor.u32 s19, v6;
	v16 =	vld.idx.msk [tilespmem:v25+s23+$0x0], $0xffff  }
0x1fd: {  	v27 =	vor.u32 $0x3, v15;
	_ =	sdelay $0x3  }
0x1fe: {  	[tilespmem:v26+s0+$0x0] =	vst.idx.msk $0xffff, v16  }
0x1ff: {  	v28 =	vor.u32 s19, v7;
	v16 =	vld.idx.msk [tilespmem:v27+s23+$0x0], $0xffff  }
0x200: {  	v29 =	vor.u32 $0x4, v15;
	_ =	sdelay $0x3  }
0x201: {  	[tilespmem:v28+s0+$0x0] =	vst.idx.msk $0xffff, v16  }
0x202: {  	v30 =	vor.u32 s19, v8;
	v16 =	vld.idx.msk [tilespmem:v29+s23+$0x0], $0xffff  }
0x203: {  	v31 =	vor.u32 $0x5, v15;
	_ =	sdelay $0x3  }
0x204: {  	[tilespmem:v30+s0+$0x0] =	vst.idx.msk $0xffff, v16  }
0x205: {  	v32 =	vor.u32 s19, v9;
	v16 =	vld.idx.msk [tilespmem:v31+s23+$0x0], $0xffff  }
0x206: {  	v33 =	vor.u32 $0x6, v15;
	_ =	sdelay $0x3  }
0x207: {  	[tilespmem:v32+s0+$0x0] =	vst.idx.msk $0xffff, v16  }
0x208: {  	v34 =	vor.u32 s19, v10;
	v16 =	vld.idx.msk [tilespmem:v33+s23+$0x0], $0xffff  }
0x209: {  	v15 =	vor.u32 $0x7, v15;
	_ =	sdelay $0x3  }
0x20a: {  	[tilespmem:v34+s0+$0x0] =	vst.idx.msk $0xffff, v16  }
0x20b: {  	v35 =	vor.u32 s19, v11;
	v15 =	vld.idx.msk [tilespmem:v15+s23+$0x0], $0xffff;
	_ =	sdelay $0x4  }
0x20c: {  	[tilespmem:v35+s0+$0x0] =	vst.idx.msk $0xffff, v15  }
0x20d: {  	v15 =	vld [tilespmem:s17+$0x20];
	_ =	sdelay $0x4  }
0x20e: {  	v15 =	vshll.u32 v15, $0x3;
	_ =	sdelay $0x3  }
0x20f: {  	s19 =	sadd.s32 $0xFFFFFF80, s14  }
0x210: {  	v36 =	vor.u32 s19, v0;
	v16 =	vld.idx.msk [tilespmem:v15+s23+$0x0], $0xffff  }
0x211: {  	v37 =	vor.u32 $0x1, v15;
	_ =	sdelay $0x3  }
0x212: {  	[tilespmem:v36+s0+$0x0] =	vst.idx.msk $0xffff, v16  }
0x213: {  	v38 =	vor.u32 s19, v5;
	v16 =	vld.idx.msk [tilespmem:v37+s23+$0x0], $0xffff  }
0x214: {  	v39 =	vor.u32 $0x2, v15;
	_ =	sdelay $0x3  }
0x215: {  	[tilespmem:v38+s0+$0x0] =	vst.idx.msk $0xffff, v16  }
0x216: {  	v40 =	vor.u32 s19, v6;
	v16 =	vld.idx.msk [tilespmem:v39+s23+$0x0], $0xffff  }
0x217: {  	v41 =	vor.u32 $0x3, v15;
	_ =	sdelay $0x3  }
0x218: {  	[tilespmem:v40+s0+$0x0] =	vst.idx.msk $0xffff, v16  }
0x219: {  	v42 =	vor.u32 s19, v7;
	v16 =	vld.idx.msk [tilespmem:v41+s23+$0x0], $0xffff  }
0x21a: {  	v43 =	vor.u32 $0x4, v15;
	_ =	sdelay $0x3  }
0x21b: {  	[tilespmem:v42+s0+$0x0] =	vst.idx.msk $0xffff, v16  }
0x21c: {  	v44 =	vor.u32 s19, v8;
	v16 =	vld.idx.msk [tilespmem:v43+s23+$0x0], $0xffff  }
0x21d: {  	v45 =	vor.u32 $0x5, v15;
	_ =	sdelay $0x3  }
0x21e: {  	[tilespmem:v44+s0+$0x0] =	vst.idx.msk $0xffff, v16  }
0x21f: {  	v46 =	vor.u32 s19, v9;
	v16 =	vld.idx.msk [tilespmem:v45+s23+$0x0], $0xffff  }
0x220: {  	v47 =	vor.u32 $0x6, v15;
	_ =	sdelay $0x3  }
0x221: {  	[tilespmem:v46+s0+$0x0] =	vst.idx.msk $0xffff, v16  }
0x222: {  	v48 =	vor.u32 s19, v10;
	v16 =	vld.idx.msk [tilespmem:v47+s23+$0x0], $0xffff  }
0x223: {  	v15 =	vor.u32 $0x7, v15;
	_ =	sdelay $0x3  }
0x224: {  	[tilespmem:v48+s0+$0x0] =	vst.idx.msk $0xffff, v16  }
0x225: {  	v49 =	vor.u32 s19, v11;
	v15 =	vld.idx.msk [tilespmem:v15+s23+$0x0], $0xffff;
	_ =	sdelay $0x4  }
0x226: {  	[tilespmem:v49+s0+$0x0] =	vst.idx.msk $0xffff, v15  }
0x227: {  	v15 =	vld [tilespmem:s17+$0x30];
	_ =	sdelay $0x4  }
0x228: {  	v15 =	vshll.u32 v15, $0x3;
	_ =	sdelay $0x4  }
0x229: {  	v50 =	vor.u32 s14, v0;
	v16 =	vld.idx.msk [tilespmem:v15+s23+$0x0], $0xffff  }
0x22a: {  	v51 =	vor.u32 $0x1, v15;
	_ =	sdelay $0x3  }
0x22b: {  	[tilespmem:v50+s0+$0x0] =	vst.idx.msk $0xffff, v16  }
0x22c: {  	v52 =	vor.u32 s14, v5;
	v16 =	vld.idx.msk [tilespmem:v51+s23+$0x0], $0xffff  }
0x22d: {  	v53 =	vor.u32 $0x2, v15;
	_ =	sdelay $0x3  }
0x22e: {  	[tilespmem:v52+s0+$0x0] =	vst.idx.msk $0xffff, v16  }
0x22f: {  	v54 =	vor.u32 s14, v6;
	v16 =	vld.idx.msk [tilespmem:v53+s23+$0x0], $0xffff  }
0x230: {  	v55 =	vor.u32 $0x3, v15;
	_ =	sdelay $0x3  }
0x231: {  	[tilespmem:v54+s0+$0x0] =	vst.idx.msk $0xffff, v16  }
0x232: {  	v56 =	vor.u32 s14, v7;
	v16 =	vld.idx.msk [tilespmem:v55+s23+$0x0], $0xffff  }
0x233: {  	v57 =	vor.u32 $0x4, v15;
	_ =	sdelay $0x3  }
0x234: {  	[tilespmem:v56+s0+$0x0] =	vst.idx.msk $0xffff, v16  }
0x235: {  	v58 =	vor.u32 s14, v8;
	v16 =	vld.idx.msk [tilespmem:v57+s23+$0x0], $0xffff  }
0x236: {  	v59 =	vor.u32 $0x5, v15;
	_ =	sdelay $0x3  }
0x237: {  	[tilespmem:v58+s0+$0x0] =	vst.idx.msk $0xffff, v16  }
0x238: {  	v60 =	vor.u32 s14, v9;
	v16 =	vld.idx.msk [tilespmem:v59+s23+$0x0], $0xffff  }
0x239: {  	v61 =	vor.u32 $0x6, v15;
	_ =	sdelay $0x3  }
0x23a: {  	[tilespmem:v60+s0+$0x0] =	vst.idx.msk $0xffff, v16  }
0x23b: {  	v62 =	vor.u32 s14, v10;
	v16 =	vld.idx.msk [tilespmem:v61+s23+$0x0], $0xffff  }
0x23c: {  	v15 =	vor.u32 $0x7, v15;
	_ =	sdelay $0x3  }
0x23d: {  	[tilespmem:v62+s0+$0x0] =	vst.idx.msk $0xffff, v16  }
0x23e: {  	p0 =	sne.s32 s14, $0x3F80;
	v63 =	vor.u32 s14, v11;
	v15 =	vld.idx.msk [tilespmem:v15+s23+$0x0], $0xffff  }
.Ltmp1:
0x23f: {  	_ = 	snop;
	(pc) =	sbr.rel @p0 .LBB2_5-.Ltmp1, $3  }
0x240: {  	_ =	sdelay $0x1  }
0x241: {  	s13 =	sadd.s32 $0x10, s13;
	s15 =	sadd.s32 $0x80, s15  }
0x242: {  	s16 =	sadd.s32 $0x100, s16;
	s14 =	sadd.s32 $0x400, s14;
	s17 =	sadd.s32 $0x80, s17;
	[tilespmem:v63+s0+$0x0] =	vst.idx.msk $0xffff, v15  }
0x243: {  	[tilespmem:$0x11600] =	vst v13;
	s12 =	sadd.s32 s9, s12  }
0x244: {  	[tilespmem:$0x11680] =	vst v12;
	s13 =	sshll.u32 s12, $0x4  }
0x245: {  	[tilespmem:$0x11700] =	vst v14;
	s13 =	sadd.s32 s3, s13  }
0x246: {  	[hbm4b:s13+s2] =	stream.linear.scatter [tilespmem:s31], [sflag:$0x1], $0x800, $0x38;
	[tilespmem:$0x11780] =	vst v63  }
0x247: {  	_ =	swait.ge [sflag:s20], $0x800  }
0x248: {  	s16 =	sshll.u32 s12, $0x5;
	[sflag:s20] =	ssyncset.done $0x0  }
0x249: {  	s13 =	sadd.s32 s4, s16;
	[sflag:s20] =	ssyncadd.s32 $0xFFFFF800  }
0x24a: {  	[hbm4b:s13+s2] =	stream.linear.scatter [tilespmem:s1], [sflag:$0x1], $0x1000, $0x38;
	[tilespmem:$0x11780] =	vst v63  }
0x24b: {  	_ =	swait.ge [sflag:s20], $0x1000  }
0x24c: {  	s17 =	sshll.u32 s12, $0x7;
	[sflag:s20] =	ssyncset.done $0x0  }
0x24d: {  	s13 =	sadd.s32 s5, s17;
	[sflag:s20] =	ssyncadd.s32 $0xFFFFF000  }
0x24e: {  	[hbm4b:s13+s2] =	stream.linear.scatter [tilespmem:s0], [sflag:$0x1], $0x4000, $0x38;
	[tilespmem:$0x11780] =	vst v63  }
0x24f: {  	_ =	swait.ge [sflag:s20], $0x4000  }
0x250: {  	s12 =	sshrl.u32 s12, $0x3;
	[sflag:s20] =	ssyncset.done $0x0  }
0x251: {  	s18 =	sadd.s32 s6, s12;
	[sflag:s20] =	ssyncadd.s32 $0xFFFFC000  }
0x252: {  	[hbm4b:s18+s2] =	stream.linear.scatter [tilespmem:s24], [sflag:$0x1], $0x10, $0x38;
	[tilespmem:$0x11780] =	vst v63  }
0x253: {  	_ =	swait.ge [sflag:s20], $0x10  }
0x254: {  	[sflag:s20] =	ssyncset.done $0x0  }
0x255: {  	s19 =	sadd.s32 s7, s12;
	[sflag:s20] =	ssyncadd.s32 $0xFFFFFFF0  }
0x256: {  	[hbm4b:s19+s2] =	stream.linear.scatter [tilespmem:s25], [sflag:$0x1], $0x10, $0x38;
	[tilespmem:$0x11780] =	vst v63  }
0x257: {  	s11 =	sadd.s32 $0x1, s11;
	_ =	swait.ge [sflag:s20], $0x10  }
0x258: {  	p0 =	sne.s32 s11, $0x10;
	[sflag:s20] =	ssyncset.done $0x0  }
.Ltmp2:
0x259: {  	s12 =	sadd.s32 s8, s12;
	[sflag:s20] =	ssyncadd.s32 $0xFFFFFFF0;
	(pc) =	sbr.rel @p0 .LBB2_2-.Ltmp2, $4  }
0x25a: {  	[hbm4b:s12+s2] =	stream.linear.scatter [tilespmem:s26], [sflag:$0x1], $0x10, $0x38;
	[tilespmem:$0x11780] =	vst v63  }
0x25b: {  	_ =	swait.ge [sflag:s20], $0x10  }
0x25c: {  	[sflag:s20] =	ssyncset.done $0x0  }
0x25d: {  	[sflag:s20] =	ssyncadd.s32 $0xFFFFFFF0  }
0x25e: {  	s10 =	sadd.s32 $0x1, s10;
	s11 =	rddreg [dreg:$0xa]  }
0x25f: {  	p0 =	sne.s32 s10, s11  }
.Ltmp3:
0x260: {  	_ = 	snop;
	(pc) =	sbr.rel @p0 .LBB2_1-.Ltmp3, $1  }
0x261: {  	_ =	sdelay $0x3  }
0x262: {  	_ =	sfence.sel $0x180000  }
0x263: {  	[bflag:$0x0] =	sbarrier.arrive $0xFFFF  }
0x264: {  	_ =	strace $0x90000047  }
0x265: {  	s0 =	stileid.u32;
	[bflag:$0x2] =	sbarrier.arrive $0xFFFF  }
0x266: {  	p0 =	sne.s32 s0, $0x0;
	s0 =	rddreg [dreg:$0x2]  }
0x267: {  	s0 =	sadd.s32 @!p0 $0x100000, s0  }
0x268: {  	[sflag:s0] =	ssyncadd.tile.s32 @!p0 $0x1;
	_ =	shalt  }
.Lfunc_end2:
_tile_overlayer_lowered:
.L_overlay_start_2:
0x269: {  	(tag) =	ssettag $0x2  }
0x26a: {  	s0 =	rddreg [dreg:$0x0];
	s2 =	stileid.u32  }
0x26b: {  	s1 =	rddreg [dreg:$0x1];
	p0 =	sne.s32 s2, $0x0  }
0x26c: {  	s3 =	rddreg [dreg:$0x2];
	[bflag:$0x3] =	sbarrier.arrive $0xFFFF;
	s2 =	simm.s32 @!p0 $0x1C01  }
0x26d: {  	[timem:s3], [sflag:s2] =	dma.local @!p0 [hbm:s0], s1  }
0x26e: {  	s0 =	simm.s32 @!p0 $0x1  }
0x26f: {  	_ =	swait.ge @!p0 [sflag:s0], s1  }
0x270: {  	s1 =	ssub.s32 @!p0 $0x0, s1;
	[sflag:s0] =	ssyncset.done @!p0 $0x0  }
0x271: {  	[sflag:s0] =	ssyncadd.s32 @!p0 s1  }
0x272: {  	[bflag:$0x3] =	sbarrier.arrive $0xFFFF  }
0x273: {  	_ =	shalt  }

</sc_bundles>
